<compile_context>
chip_gen: v7x
topology: tpu7x:2x2x1
jax: 0.10.2.dev20260603
libtpu: 0.0.44.dev20260713+nightly
codegen_flags: <defaults>
</compile_context>

<pallas_src>
import functools

import jax
import jax.numpy as jnp
from jax import lax
from jax.experimental import pallas as pl
from jax.experimental.pallas import tpu as pltpu
from jax.experimental.pallas import tpu_sc as plsc

_BATCH = 1024
_SEQ = 200
_PQ_M = 8
_VALS = 256
_SUB = 16

_N = _BATCH * _SEQ
_NC, _NS = 2, 16
_NW = _NC * _NS
_TOK_W = _N // _NW
_C = 128
_NCHUNK = _TOK_W // _C
_F = _C * _PQ_M

_ITEMS = 1000002
_ITEMS_PAD = 1000064


def _body(ids_hbm, codes_hbm, cent_hbm, out_hbm, ids_v, gidx_v, codes_v,
          fidx_v, out_v, sem_c, sem_g, sem_w):
    wid = lax.axis_index("s") * _NC + lax.axis_index("c")
    base_tok = wid * _TOK_W
    lane = jnp.arange(16, dtype=jnp.int32)
    row_pat = lane >> 3
    dim_pat = lane & 7
    off_pat = dim_pat << 8

    dim7_pat = (lane & 7) << 7

    def prefetch(c, buf):
        tok0 = base_tok + c * _C
        pltpu.sync_copy(ids_hbm.at[pl.ds(tok0, _C)], ids_v.at[buf])

        def widx_row(g, _):
            t16 = 2 * g + row_pat
            ids16 = plsc.load_gather(ids_v.at[buf], [t16])
            gidx_v[buf, pl.ds(g * 16, 16)] = (
                ((ids16 >> 7) << 10) | dim7_pat | (ids16 & 127))
            return _

        lax.fori_loop(0, _F // 16, widx_row, None, unroll=True)
        pltpu.async_copy(codes_hbm.at[gidx_v.at[buf]], codes_v.at[buf],
                         sem_c)

    def wait_codes():
        pltpu.make_async_copy(codes_hbm.at[gidx_v.at[0]], codes_v.at[0],
                              sem_c).wait()

    prefetch(0, 0)

    def chunk(c, _):
        buf = c & 1
        tok0 = base_tok + c * _C
        orow0 = tok0 * _PQ_M

        wait_codes()

        @pl.when(c + 1 < _NCHUNK)
        def _():
            prefetch(c + 1, 1 - buf)

        @pl.when(c >= 2)
        def _():
            pltpu.make_async_copy(
                out_v.at[buf], out_hbm.at[pl.ds(0, _F)],
                sem_w.at[buf],
            ).wait()

        def fidx_row(g, _):
            code16 = codes_v[buf, pl.ds(g * 16, 16)]
            fidx_v[pl.ds(g * 16, 16)] = code16 + off_pat
            return _

        lax.fori_loop(0, _F // 16, fidx_row, None, unroll=True)

        pltpu.async_copy(cent_hbm.at[fidx_v], out_v.at[buf], sem_g)
        pltpu.make_async_copy(cent_hbm.at[fidx_v], out_v.at[buf],
                              sem_g).wait()

        pltpu.async_copy(out_v.at[buf], out_hbm.at[pl.ds(orow0, _F)],
                         sem_w.at[buf])
        return _

    lax.fori_loop(0, _NCHUNK, chunk, None)

    for b in range(2):
        pltpu.make_async_copy(out_v.at[b], out_hbm.at[pl.ds(0, _F)],
                              sem_w.at[b]).wait()


@functools.partial(jax.jit, static_argnames=())
def kernel(input_ids, item_codes, centroids):
    ids1 = input_ids.reshape(_N)
    icp = jnp.pad(item_codes, ((0, _ITEMS_PAD - _ITEMS), (0, 0)))
    codes_tiles = (
        icp.reshape(_ITEMS_PAD // 128, 128, _PQ_M)
        .transpose(0, 2, 1)
        .reshape(-1)
    )
    cent = centroids.reshape(_PQ_M * _VALS, _SUB)
    run = pl.kernel(
        _body,
        out_type=jax.ShapeDtypeStruct((_N * _PQ_M, _SUB), jnp.float32),
        mesh=plsc.VectorSubcoreMesh(
            core_axis_name="c", subcore_axis_name="s",
            num_cores=_NC, num_subcores=_NS,
        ),
        scratch_types=[
            pltpu.VMEM((2, _C), jnp.int32),
            pltpu.VMEM((2, _F), jnp.int32),
            pltpu.VMEM((2, _F), jnp.int32),
            pltpu.VMEM((_F,), jnp.int32),
            pltpu.VMEM((2, _F, _SUB), jnp.float32),
            pltpu.SemaphoreType.DMA,
            pltpu.SemaphoreType.DMA,
            pltpu.SemaphoreType.DMA((2,)),
        ],
        compiler_params=pltpu.CompilerParams(use_tc_tiling_on_sc=False,
                                             needs_layout_passes=False),
    )
    out = run(ids1, codes_tiles, cent)
    return out.reshape(_BATCH, _SEQ, _PQ_M * _SUB)

# --- scband reference (transcript-rebuilt; emitter-appended) ---
"""Pipeline reference for scband-item-code-layer-54339926229573 (READ-ONLY COPY).

The authoritative reference and input builder live on the scoring server;
editing this copy changes nothing except your own understanding.
"""

import jax, jax.numpy as jnp
import numpy as np

BATCH = 1024
SEQ_LEN = 200
NUM_ITEMS = 1000000
PQ_M = 8
VALS_PER_DIM = 256
SUB_EMB = 16  # embedding_size (128) // pq_m (8)


def setup_inputs(seed: int = 0) -> dict:
    key = jax.random.key(seed)
    k1, k2, k3 = jax.random.split(key, 3)
    # forward arg: item ids (values must be < num_items + 2 rows of item_codes)
    input_ids = jax.random.randint(k1, (BATCH, SEQ_LEN), 0, NUM_ITEMS, dtype=jnp.int32)
    # quantized code buffer: (num_items + 2, pq_m), uint8 codes stored as int32 for indexing
    item_codes = jax.random.randint(k2, (NUM_ITEMS + 2, PQ_M), 0, VALS_PER_DIM, dtype=jnp.int32)
    # learned centroids: (pq_m, vals_per_dim, sub_embedding_size), uniform(-0.05, 0.05)
    centroids = jax.random.uniform(
        k3, (PQ_M, VALS_PER_DIM, SUB_EMB), minval=-0.05, maxval=0.05, dtype=jnp.float32
    )
    return {"input_ids": input_ids, "item_codes": item_codes, "centroids": centroids}


def reference(input_ids, item_codes, centroids):
    # input_codes = self.item_codes[input_ids.long()].long().detach()
    input_codes = jnp.take(item_codes, input_ids, axis=0)  # (B, S, PQ_M)
    # per-byte sub-embedding lookup into the corresponding centroid table, then concat
    sub_embeddings = []
    for dim_idx in range(PQ_M):
        sub_emb = jnp.take(centroids[dim_idx], input_codes[..., dim_idx], axis=0)  # (B, S, SUB_EMB)
        sub_embeddings.append(sub_emb)
    return jnp.concatenate(sub_embeddings, axis=-1)  # (B, S, PQ_M * SUB_EMB)

if __name__ == "__main__":
    import jax
    _d = setup_inputs()
    print(jax.jit(kernel)(*tuple(_d.values())))

</pallas_src>

<mosaic_0001>
#map = affine_map<(d0, d1) -> (0)>
#map1 = affine_map<(d0, d1) -> (0, 0)>
module attributes {stable_mosaic.version = 14 : i64} {
  func.func @_body(%arg0: i32, %arg1: i32, %arg2: memref<204800xi32, #tpu.memory_space<hbm>>, %arg3: memref<8000512xi32, #tpu.memory_space<hbm>>, %arg4: memref<2048x16xf32, #tpu.memory_space<hbm>>, %arg5: memref<1638400x16xf32, #tpu.memory_space<hbm>>, %arg6: memref<2x128xi32, #tpu.memory_space<vmem>>, %arg7: memref<2x1024xi32, #tpu.memory_space<vmem>>, %arg8: memref<2x1024xi32, #tpu.memory_space<vmem>>, %arg9: memref<1024xi32, #tpu.memory_space<vmem>>, %arg10: memref<2x1024x16xf32, #tpu.memory_space<vmem>>, %arg11: memref<!tpu.dma_semaphore, #tpu.memory_space<semaphore_mem>>, %arg12: memref<!tpu.dma_semaphore, #tpu.memory_space<semaphore_mem>>, %arg13: memref<2x!tpu.dma_semaphore, #tpu.memory_space<semaphore_mem>>) attributes {dimension_semantics = [#tpu.dimension_semantics<core_parallel>, #tpu.dimension_semantics<subcore_parallel>], iteration_bounds = array<i64: 2, 16>, scalar_prefetch = 0 : i64, scratch_operands = 8 : i64, tpu.core_type = #tpu.core_type<sc_vector_subcore>, window_params = [{transform_indices = #map}, {transform_indices = #map}, {transform_indices = #map1}, {transform_indices = #map1}]} {
    %mul3A = arith.constant 2 : i32
    %mul3A_0 = arith.muli %arg1, %mul3A : i32
    %add3A = arith.addi %mul3A_0, %arg0 : i32
    %mul3A_1 = arith.constant 6400 : i32
    %mul3A_2 = arith.muli %add3A, %mul3A_1 : i32
    %iota3A = tpu.iota {dimensions = array<i32: 0>} : vector<16xi32>
    %shift_right_arithmetic3A = arith.constant 3 : i32
    %shift_right_arithmetic3A_3 = vector.broadcast %shift_right_arithmetic3A : i32 to vector<16xi32>
    %shift_right_arithmetic3A_4 = arith.shrsi %iota3A, %shift_right_arithmetic3A_3 : vector<16xi32>
    %and3A = arith.constant 7 : i32
    %and3A_5 = vector.broadcast %and3A : i32 to vector<16xi32>
    %and3A_6 = arith.andi %iota3A, %and3A_5 : vector<16xi32>
    %shift_left3A = arith.constant 8 : i32
    %shift_left3A_7 = vector.broadcast %shift_left3A : i32 to vector<16xi32>
    %shift_left3A_8 = arith.shli %and3A_6, %shift_left3A_7 : vector<16xi32>
    %and3A_9 = arith.constant 7 : i32
    %and3A_10 = vector.broadcast %and3A_9 : i32 to vector<16xi32>
    %and3A_11 = arith.andi %iota3A, %and3A_10 : vector<16xi32>
    %shift_left3A_12 = arith.constant 7 : i32
    %shift_left3A_13 = vector.broadcast %shift_left3A_12 : i32 to vector<16xi32>
    %shift_left3A_14 = arith.shli %and3A_11, %shift_left3A_13 : vector<16xi32>
    %add3A_15 = arith.constant 0 : i32
    %add3A_16 = arith.addi %mul3A_2, %add3A_15 : i32
    %run_scoped3A = arith.constant 0 : i32
    "tpu.region"() ({
      %run_scoped3A_1791 = tpu.sem_alloc : memref<!tpu.dma_semaphore, #tpu.memory_space<semaphore_mem>>
      %dma_start3A_1792 = arith.constant 0 : i32
      %dma_start3A_1793 = tpu.memref_slice %arg6[%run_scoped3A, %dma_start3A_1792] : memref<2x128xi32, #tpu.memory_space<vmem>> -> memref<1x128xi32, #tpu.memory_space<vmem>>
      %dma_start3A_1794 = tpu.memref_squeeze %dma_start3A_1793 : memref<1x128xi32, #tpu.memory_space<vmem>> -> memref<128xi32, #tpu.memory_space<vmem>>
      %dma_start3A_1795 = tpu.memref_slice %arg2[%add3A_16] : memref<204800xi32, #tpu.memory_space<hbm>> -> memref<128xi32, #tpu.memory_space<hbm>>
      %dma_start3A_1796 = arith.constant 0 : i32
      %dma_start3A_1797 = tpu.memref_slice %arg6[%run_scoped3A, %dma_start3A_1796] : memref<2x128xi32, #tpu.memory_space<vmem>> -> memref<1x128xi32, #tpu.memory_space<vmem>>
      %dma_start3A_1798 = tpu.memref_squeeze %dma_start3A_1797 : memref<1x128xi32, #tpu.memory_space<vmem>> -> memref<128xi32, #tpu.memory_space<vmem>>
      %dma_start3A_1799 = tpu.memref_slice %arg2[%add3A_16] : memref<204800xi32, #tpu.memory_space<hbm>> -> memref<128xi32, #tpu.memory_space<hbm>>
      tpu.enqueue_dma source(%dma_start3A_1799 : memref<128xi32, #tpu.memory_space<hbm>>) target(%dma_start3A_1798 : memref<128xi32, #tpu.memory_space<vmem>>) target_semaphore(%run_scoped3A_1791 : memref<!tpu.dma_semaphore, #tpu.memory_space<semaphore_mem>>)
      %dma_wait3A_1800 = arith.constant 0 : i32
      %dma_wait3A_1801 = tpu.memref_slice %arg6[%run_scoped3A, %dma_wait3A_1800] : memref<2x128xi32, #tpu.memory_space<vmem>> -> memref<1x128xi32, #tpu.memory_space<vmem>>
      %dma_wait3A_1802 = tpu.memref_squeeze %dma_wait3A_1801 : memref<1x128xi32, #tpu.memory_space<vmem>> -> memref<128xi32, #tpu.memory_space<vmem>>
      %dma_wait3A_1803 = tpu.memref_slice %arg2[%add3A_16] : memref<204800xi32, #tpu.memory_space<hbm>> -> memref<128xi32, #tpu.memory_space<hbm>>
      %dma_wait3A_1804 = arith.constant 0 : i32
      %dma_wait3A_1805 = tpu.memref_slice %arg6[%run_scoped3A, %dma_wait3A_1804] : memref<2x128xi32, #tpu.memory_space<vmem>> -> memref<1x128xi32, #tpu.memory_space<vmem>>
      %dma_wait3A_1806 = tpu.memref_squeeze %dma_wait3A_1805 : memref<1x128xi32, #tpu.memory_space<vmem>> -> memref<128xi32, #tpu.memory_space<vmem>>
      %dma_wait3A_1807 = tpu.memref_slice %arg2[%add3A_16] : memref<204800xi32, #tpu.memory_space<hbm>> -> memref<128xi32, #tpu.memory_space<hbm>>
      tpu.wait_dma2 semaphore(%run_scoped3A_1791 : memref<!tpu.dma_semaphore, #tpu.memory_space<semaphore_mem>>) src(%dma_wait3A_1807 : memref<128xi32, #tpu.memory_space<hbm>>) dst(%dma_wait3A_1806 : memref<128xi32, #tpu.memory_space<vmem>>)
      tpu.yield
    }) : () -> ()
    %scan3A = arith.constant 0 : i32
    %mul3A_17 = arith.constant 2 : i32
    %mul3A_18 = arith.muli %mul3A_17, %scan3A : i32
    %add3A_19 = vector.broadcast %mul3A_18 : i32 to vector<16xi32>
    %add3A_20 = arith.addi %add3A_19, %shift_right_arithmetic3A_4 : vector<16xi32>
    %gather3A = arith.constant 0 : i32
    %gather3A_21 = arith.constant 0 : i32
    %gather3A_22 = tpu.memref_slice %arg6[%gather3A, %gather3A_21] : memref<2x128xi32, #tpu.memory_space<vmem>> -> memref<1x128xi32, #tpu.memory_space<vmem>>
    %gather3A_23 = tpu.memref_squeeze %gather3A_22 : memref<1x128xi32, #tpu.memory_space<vmem>> -> memref<128xi32, #tpu.memory_space<vmem>>
    %gather3A_24 = tpu.vector_load_idx %gather3A_23[%add3A_20] : memref<128xi32, #tpu.memory_space<vmem>>[vector<16xi32>], vector<16xi32>,
    %shift_right_arithmetic3A_25 = arith.constant 7 : i32
    %shift_right_arithmetic3A_26 = vector.broadcast %shift_right_arithmetic3A_25 : i32 to vector<16xi32>
    %shift_right_arithmetic3A_27 = arith.shrsi %gather3A_24, %shift_right_arithmetic3A_26 : vector<16xi32>
    %shift_left3A_28 = arith.constant 10 : i32
    %shift_left3A_29 = vector.broadcast %shift_left3A_28 : i32 to vector<16xi32>
    %shift_left3A_30 = arith.shli %shift_right_arithmetic3A_27, %shift_left3A_29 : vector<16xi32>
    %or3A = arith.ori %shift_left3A_30, %shift_left3A_14 : vector<16xi32>
    %and3A_31 = arith.constant 127 : i32
    %and3A_32 = vector.broadcast %and3A_31 : i32 to vector<16xi32>
    %and3A_33 = arith.andi %gather3A_24, %and3A_32 : vector<16xi32>
    %or3A_34 = arith.ori %or3A, %and3A_33 : vector<16xi32>
    %mul3A_35 = arith.constant 16 : i32
    %mul3A_36 = arith.muli %scan3A, %mul3A_35 : i32
    %swap3A = arith.constant 0 : i32
    %swap3A_37 = arith.index_cast %swap3A : i32 to index
    %swap3A_38 = arith.index_cast %mul3A_36 : i32 to index
    %swap3A_39 = tpu.vector_load %arg7[%swap3A_37, %swap3A_38] {strides = array<i32>} : memref<2x1024xi32, #tpu.memory_space<vmem>>, vector<16xi32>,
    tpu.vector_store %arg7[%swap3A_37, %swap3A_38], %or3A_34 {strides = array<i32>} : memref<2x1024xi32, #tpu.memory_space<vmem>>, vector<16xi32>,
    %scan3A_40 = arith.constant 1 : i32
    %mul3A_41 = arith.constant 2 : i32
    %mul3A_42 = arith.muli %mul3A_41, %scan3A_40 : i32
    %add3A_43 = vector.broadcast %mul3A_42 : i32 to vector<16xi32>
    %add3A_44 = arith.addi %add3A_43, %shift_right_arithmetic3A_4 : vector<16xi32>
    %gather3A_45 = arith.constant 0 : i32
    %gather3A_46 = arith.constant 0 : i32
    %gather3A_47 = tpu.memref_slice %arg6[%gather3A_45, %gather3A_46] : memref<2x128xi32, #tpu.memory_space<vmem>> -> memref<1x128xi32, #tpu.memory_space<vmem>>
    %gather3A_48 = tpu.memref_squeeze %gather3A_47 : memref<1x128xi32, #tpu.memory_space<vmem>> -> memref<128xi32, #tpu.memory_space<vmem>>
    %gather3A_49 = tpu.vector_load_idx %gather3A_48[%add3A_44] : memref<128xi32, #tpu.memory_space<vmem>>[vector<16xi32>], vector<16xi32>,
    %shift_right_arithmetic3A_50 = arith.constant 7 : i32
    %shift_right_arithmetic3A_51 = vector.broadcast %shift_right_arithmetic3A_50 : i32 to vector<16xi32>
    %shift_right_arithmetic3A_52 = arith.shrsi %gather3A_49, %shift_right_arithmetic3A_51 : vector<16xi32>
    %shift_left3A_53 = arith.constant 10 : i32
    %shift_left3A_54 = vector.broadcast %shift_left3A_53 : i32 to vector<16xi32>
    %shift_left3A_55 = arith.shli %shift_right_arithmetic3A_52, %shift_left3A_54 : vector<16xi32>
    %or3A_56 = arith.ori %shift_left3A_55, %shift_left3A_14 : vector<16xi32>
    %and3A_57 = arith.constant 127 : i32
    %and3A_58 = vector.broadcast %and3A_57 : i32 to vector<16xi32>
    %and3A_59 = arith.andi %gather3A_49, %and3A_58 : vector<16xi32>
    %or3A_60 = arith.ori %or3A_56, %and3A_59 : vector<16xi32>
    %mul3A_61 = arith.constant 16 : i32
    %mul3A_62 = arith.muli %scan3A_40, %mul3A_61 : i32
    %swap3A_63 = arith.constant 0 : i32
    %swap3A_64 = arith.index_cast %swap3A_63 : i32 to index
    %swap3A_65 = arith.index_cast %mul3A_62 : i32 to index
    %swap3A_66 = tpu.vector_load %arg7[%swap3A_64, %swap3A_65] {strides = array<i32>} : memref<2x1024xi32, #tpu.memory_space<vmem>>, vector<16xi32>,
    tpu.vector_store %arg7[%swap3A_64, %swap3A_65], %or3A_60 {strides = array<i32>} : memref<2x1024xi32, #tpu.memory_space<vmem>>, vector<16xi32>,
    %scan3A_67 = arith.constant 2 : i32
    %mul3A_68 = arith.constant 2 : i32
    %mul3A_69 = arith.muli %mul3A_68, %scan3A_67 : i32
    %add3A_70 = vector.broadcast %mul3A_69 : i32 to vector<16xi32>
    %add3A_71 = arith.addi %add3A_70, %shift_right_arithmetic3A_4 : vector<16xi32>
    %gather3A_72 = arith.constant 0 : i32
    %gather3A_73 = arith.constant 0 : i32
    %gather3A_74 = tpu.memref_slice %arg6[%gather3A_72, %gather3A_73] : memref<2x128xi32, #tpu.memory_space<vmem>> -> memref<1x128xi32, #tpu.memory_space<vmem>>
    %gather3A_75 = tpu.memref_squeeze %gather3A_74 : memref<1x128xi32, #tpu.memory_space<vmem>> -> memref<128xi32, #tpu.memory_space<vmem>>
    %gather3A_76 = tpu.vector_load_idx %gather3A_75[%add3A_71] : memref<128xi32, #tpu.memory_space<vmem>>[vector<16xi32>], vector<16xi32>,
    %shift_right_arithmetic3A_77 = arith.constant 7 : i32
    %shift_right_arithmetic3A_78 = vector.broadcast %shift_right_arithmetic3A_77 : i32 to vector<16xi32>
    %shift_right_arithmetic3A_79 = arith.shrsi %gather3A_76, %shift_right_arithmetic3A_78 : vector<16xi32>
    %shift_left3A_80 = arith.constant 10 : i32
    %shift_left3A_81 = vector.broadcast %shift_left3A_80 : i32 to vector<16xi32>
    %shift_left3A_82 = arith.shli %shift_right_arithmetic3A_79, %shift_left3A_81 : vector<16xi32>
    %or3A_83 = arith.ori %shift_left3A_82, %shift_left3A_14 : vector<16xi32>
    %and3A_84 = arith.constant 127 : i32
    %and3A_85 = vector.broadcast %and3A_84 : i32 to vector<16xi32>
    %and3A_86 = arith.andi %gather3A_76, %and3A_85 : vector<16xi32>
    %or3A_87 = arith.ori %or3A_83, %and3A_86 : vector<16xi32>
    %mul3A_88 = arith.constant 16 : i32
    %mul3A_89 = arith.muli %scan3A_67, %mul3A_88 : i32
    %swap3A_90 = arith.constant 0 : i32
    %swap3A_91 = arith.index_cast %swap3A_90 : i32 to index
    %swap3A_92 = arith.index_cast %mul3A_89 : i32 to index
    %swap3A_93 = tpu.vector_load %arg7[%swap3A_91, %swap3A_92] {strides = array<i32>} : memref<2x1024xi32, #tpu.memory_space<vmem>>, vector<16xi32>,
    tpu.vector_store %arg7[%swap3A_91, %swap3A_92], %or3A_87 {strides = array<i32>} : memref<2x1024xi32, #tpu.memory_space<vmem>>, vector<16xi32>,
    %scan3A_94 = arith.constant 3 : i32
    %mul3A_95 = arith.constant 2 : i32
    %mul3A_96 = arith.muli %mul3A_95, %scan3A_94 : i32
    %add3A_97 = vector.broadcast %mul3A_96 : i32 to vector<16xi32>
    %add3A_98 = arith.addi %add3A_97, %shift_right_arithmetic3A_4 : vector<16xi32>
    %gather3A_99 = arith.constant 0 : i32
    %gather3A_100 = arith.constant 0 : i32
    %gather3A_101 = tpu.memref_slice %arg6[%gather3A_99, %gather3A_100] : memref<2x128xi32, #tpu.memory_space<vmem>> -> memref<1x128xi32, #tpu.memory_space<vmem>>
    %gather3A_102 = tpu.memref_squeeze %gather3A_101 : memref<1x128xi32, #tpu.memory_space<vmem>> -> memref<128xi32, #tpu.memory_space<vmem>>
    %gather3A_103 = tpu.vector_load_idx %gather3A_102[%add3A_98] : memref<128xi32, #tpu.memory_space<vmem>>[vector<16xi32>], vector<16xi32>,
    %shift_right_arithmetic3A_104 = arith.constant 7 : i32
    %shift_right_arithmetic3A_105 = vector.broadcast %shift_right_arithmetic3A_104 : i32 to vector<16xi32>
    %shift_right_arithmetic3A_106 = arith.shrsi %gather3A_103, %shift_right_arithmetic3A_105 : vector<16xi32>
    %shift_left3A_107 = arith.constant 10 : i32
    %shift_left3A_108 = vector.broadcast %shift_left3A_107 : i32 to vector<16xi32>
    %shift_left3A_109 = arith.shli %shift_right_arithmetic3A_106, %shift_left3A_108 : vector<16xi32>
    %or3A_110 = arith.ori %shift_left3A_109, %shift_left3A_14 : vector<16xi32>
    %and3A_111 = arith.constant 127 : i32
    %and3A_112 = vector.broadcast %and3A_111 : i32 to vector<16xi32>
    %and3A_113 = arith.andi %gather3A_103, %and3A_112 : vector<16xi32>
    %or3A_114 = arith.ori %or3A_110, %and3A_113 : vector<16xi32>
    %mul3A_115 = arith.constant 16 : i32
    %mul3A_116 = arith.muli %scan3A_94, %mul3A_115 : i32
    %swap3A_117 = arith.constant 0 : i32
    %swap3A_118 = arith.index_cast %swap3A_117 : i32 to index
    %swap3A_119 = arith.index_cast %mul3A_116 : i32 to index
    %swap3A_120 = tpu.vector_load %arg7[%swap3A_118, %swap3A_119] {strides = array<i32>} : memref<2x1024xi32, #tpu.memory_space<vmem>>, vector<16xi32>,
    tpu.vector_store %arg7[%swap3A_118, %swap3A_119], %or3A_114 {strides = array<i32>} : memref<2x1024xi32, #tpu.memory_space<vmem>>, vector<16xi32>,
    %scan3A_121 = arith.constant 4 : i32
    %mul3A_122 = arith.constant 2 : i32
    %mul3A_123 = arith.muli %mul3A_122, %scan3A_121 : i32
    %add3A_124 = vector.broadcast %mul3A_123 : i32 to vector<16xi32>
    %add3A_125 = arith.addi %add3A_124, %shift_right_arithmetic3A_4 : vector<16xi32>
    %gather3A_126 = arith.constant 0 : i32
    %gather3A_127 = arith.constant 0 : i32
    %gather3A_128 = tpu.memref_slice %arg6[%gather3A_126, %gather3A_127] : memref<2x128xi32, #tpu.memory_space<vmem>> -> memref<1x128xi32, #tpu.memory_space<vmem>>
    %gather3A_129 = tpu.memref_squeeze %gather3A_128 : memref<1x128xi32, #tpu.memory_space<vmem>> -> memref<128xi32, #tpu.memory_space<vmem>>
    %gather3A_130 = tpu.vector_load_idx %gather3A_129[%add3A_125] : memref<128xi32, #tpu.memory_space<vmem>>[vector<16xi32>], vector<16xi32>,
    %shift_right_arithmetic3A_131 = arith.constant 7 : i32
    %shift_right_arithmetic3A_132 = vector.broadcast %shift_right_arithmetic3A_131 : i32 to vector<16xi32>
    %shift_right_arithmetic3A_133 = arith.shrsi %gather3A_130, %shift_right_arithmetic3A_132 : vector<16xi32>
    %shift_left3A_134 = arith.constant 10 : i32
    %shift_left3A_135 = vector.broadcast %shift_left3A_134 : i32 to vector<16xi32>
    %shift_left3A_136 = arith.shli %shift_right_arithmetic3A_133, %shift_left3A_135 : vector<16xi32>
    %or3A_137 = arith.ori %shift_left3A_136, %shift_left3A_14 : vector<16xi32>
    %and3A_138 = arith.constant 127 : i32
    %and3A_139 = vector.broadcast %and3A_138 : i32 to vector<16xi32>
    %and3A_140 = arith.andi %gather3A_130, %and3A_139 : vector<16xi32>
    %or3A_141 = arith.ori %or3A_137, %and3A_140 : vector<16xi32>
    %mul3A_142 = arith.constant 16 : i32
    %mul3A_143 = arith.muli %scan3A_121, %mul3A_142 : i32
    %swap3A_144 = arith.constant 0 : i32
    %swap3A_145 = arith.index_cast %swap3A_144 : i32 to index
    %swap3A_146 = arith.index_cast %mul3A_143 : i32 to index
    %swap3A_147 = tpu.vector_load %arg7[%swap3A_145, %swap3A_146] {strides = array<i32>} : memref<2x1024xi32, #tpu.memory_space<vmem>>, vector<16xi32>,
    tpu.vector_store %arg7[%swap3A_145, %swap3A_146], %or3A_141 {strides = array<i32>} : memref<2x1024xi32, #tpu.memory_space<vmem>>, vector<16xi32>,
    %scan3A_148 = arith.constant 5 : i32
    %mul3A_149 = arith.constant 2 : i32
    %mul3A_150 = arith.muli %mul3A_149, %scan3A_148 : i32
    %add3A_151 = vector.broadcast %mul3A_150 : i32 to vector<16xi32>
    %add3A_152 = arith.addi %add3A_151, %shift_right_arithmetic3A_4 : vector<16xi32>
    %gather3A_153 = arith.constant 0 : i32
    %gather3A_154 = arith.constant 0 : i32
    %gather3A_155 = tpu.memref_slice %arg6[%gather3A_153, %gather3A_154] : memref<2x128xi32, #tpu.memory_space<vmem>> -> memref<1x128xi32, #tpu.memory_space<vmem>>
    %gather3A_156 = tpu.memref_squeeze %gather3A_155 : memref<1x128xi32, #tpu.memory_space<vmem>> -> memref<128xi32, #tpu.memory_space<vmem>>
    %gather3A_157 = tpu.vector_load_idx %gather3A_156[%add3A_152] : memref<128xi32, #tpu.memory_space<vmem>>[vector<16xi32>], vector<16xi32>,
    %shift_right_arithmetic3A_158 = arith.constant 7 : i32
    %shift_right_arithmetic3A_159 = vector.broadcast %shift_right_arithmetic3A_158 : i32 to vector<16xi32>
    %shift_right_arithmetic3A_160 = arith.shrsi %gather3A_157, %shift_right_arithmetic3A_159 : vector<16xi32>
    %shift_left3A_161 = arith.constant 10 : i32
    %shift_left3A_162 = vector.broadcast %shift_left3A_161 : i32 to vector<16xi32>
    %shift_left3A_163 = arith.shli %shift_right_arithmetic3A_160, %shift_left3A_162 : vector<16xi32>
    %or3A_164 = arith.ori %shift_left3A_163, %shift_left3A_14 : vector<16xi32>
    %and3A_165 = arith.constant 127 : i32
    %and3A_166 = vector.broadcast %and3A_165 : i32 to vector<16xi32>
    %and3A_167 = arith.andi %gather3A_157, %and3A_166 : vector<16xi32>
    %or3A_168 = arith.ori %or3A_164, %and3A_167 : vector<16xi32>
    %mul3A_169 = arith.constant 16 : i32
    %mul3A_170 = arith.muli %scan3A_148, %mul3A_169 : i32
    %swap3A_171 = arith.constant 0 : i32
    %swap3A_172 = arith.index_cast %swap3A_171 : i32 to index
    %swap3A_173 = arith.index_cast %mul3A_170 : i32 to index
    %swap3A_174 = tpu.vector_load %arg7[%swap3A_172, %swap3A_173] {strides = array<i32>} : memref<2x1024xi32, #tpu.memory_space<vmem>>, vector<16xi32>,
    tpu.vector_store %arg7[%swap3A_172, %swap3A_173], %or3A_168 {strides = array<i32>} : memref<2x1024xi32, #tpu.memory_space<vmem>>, vector<16xi32>,
    %scan3A_175 = arith.constant 6 : i32
    %mul3A_176 = arith.constant 2 : i32
    %mul3A_177 = arith.muli %mul3A_176, %scan3A_175 : i32
    %add3A_178 = vector.broadcast %mul3A_177 : i32 to vector<16xi32>
    %add3A_179 = arith.addi %add3A_178, %shift_right_arithmetic3A_4 : vector<16xi32>
    %gather3A_180 = arith.constant 0 : i32
    %gather3A_181 = arith.constant 0 : i32
    %gather3A_182 = tpu.memref_slice %arg6[%gather3A_180, %gather3A_181] : memref<2x128xi32, #tpu.memory_space<vmem>> -> memref<1x128xi32, #tpu.memory_space<vmem>>
    %gather3A_183 = tpu.memref_squeeze %gather3A_182 : memref<1x128xi32, #tpu.memory_space<vmem>> -> memref<128xi32, #tpu.memory_space<vmem>>
    %gather3A_184 = tpu.vector_load_idx %gather3A_183[%add3A_179] : memref<128xi32, #tpu.memory_space<vmem>>[vector<16xi32>], vector<16xi32>,
    %shift_right_arithmetic3A_185 = arith.constant 7 : i32
    %shift_right_arithmetic3A_186 = vector.broadcast %shift_right_arithmetic3A_185 : i32 to vector<16xi32>
    %shift_right_arithmetic3A_187 = arith.shrsi %gather3A_184, %shift_right_arithmetic3A_186 : vector<16xi32>
    %shift_left3A_188 = arith.constant 10 : i32
    %shift_left3A_189 = vector.broadcast %shift_left3A_188 : i32 to vector<16xi32>
    %shift_left3A_190 = arith.shli %shift_right_arithmetic3A_187, %shift_left3A_189 : vector<16xi32>
    %or3A_191 = arith.ori %shift_left3A_190, %shift_left3A_14 : vector<16xi32>
    %and3A_192 = arith.constant 127 : i32
    %and3A_193 = vector.broadcast %and3A_192 : i32 to vector<16xi32>
    %and3A_194 = arith.andi %gather3A_184, %and3A_193 : vector<16xi32>
    %or3A_195 = arith.ori %or3A_191, %and3A_194 : vector<16xi32>
    %mul3A_196 = arith.constant 16 : i32
    %mul3A_197 = arith.muli %scan3A_175, %mul3A_196 : i32
    %swap3A_198 = arith.constant 0 : i32
    %swap3A_199 = arith.index_cast %swap3A_198 : i32 to index
    %swap3A_200 = arith.index_cast %mul3A_197 : i32 to index
    %swap3A_201 = tpu.vector_load %arg7[%swap3A_199, %swap3A_200] {strides = array<i32>} : memref<2x1024xi32, #tpu.memory_space<vmem>>, vector<16xi32>,
    tpu.vector_store %arg7[%swap3A_199, %swap3A_200], %or3A_195 {strides = array<i32>} : memref<2x1024xi32, #tpu.memory_space<vmem>>, vector<16xi32>,
    %scan3A_202 = arith.constant 7 : i32
    %mul3A_203 = arith.constant 2 : i32
    %mul3A_204 = arith.muli %mul3A_203, %scan3A_202 : i32
    %add3A_205 = vector.broadcast %mul3A_204 : i32 to vector<16xi32>
    %add3A_206 = arith.addi %add3A_205, %shift_right_arithmetic3A_4 : vector<16xi32>
    %gather3A_207 = arith.constant 0 : i32
    %gather3A_208 = arith.constant 0 : i32
    %gather3A_209 = tpu.memref_slice %arg6[%gather3A_207, %gather3A_208] : memref<2x128xi32, #tpu.memory_space<vmem>> -> memref<1x128xi32, #tpu.memory_space<vmem>>
    %gather3A_210 = tpu.memref_squeeze %gather3A_209 : memref<1x128xi32, #tpu.memory_space<vmem>> -> memref<128xi32, #tpu.memory_space<vmem>>
    %gather3A_211 = tpu.vector_load_idx %gather3A_210[%add3A_206] : memref<128xi32, #tpu.memory_space<vmem>>[vector<16xi32>], vector<16xi32>,
    %shift_right_arithmetic3A_212 = arith.constant 7 : i32
    %shift_right_arithmetic3A_213 = vector.broadcast %shift_right_arithmetic3A_212 : i32 to vector<16xi32>
    %shift_right_arithmetic3A_214 = arith.shrsi %gather3A_211, %shift_right_arithmetic3A_213 : vector<16xi32>
    %shift_left3A_215 = arith.constant 10 : i32
    %shift_left3A_216 = vector.broadcast %shift_left3A_215 : i32 to vector<16xi32>
    %shift_left3A_217 = arith.shli %shift_right_arithmetic3A_214, %shift_left3A_216 : vector<16xi32>
    %or3A_218 = arith.ori %shift_left3A_217, %shift_left3A_14 : vector<16xi32>
    %and3A_219 = arith.constant 127 : i32
    %and3A_220 = vector.broadcast %and3A_219 : i32 to vector<16xi32>
    %and3A_221 = arith.andi %gather3A_211, %and3A_220 : vector<16xi32>
    %or3A_222 = arith.ori %or3A_218, %and3A_221 : vector<16xi32>
    %mul3A_223 = arith.constant 16 : i32
    %mul3A_224 = arith.muli %scan3A_202, %mul3A_223 : i32
    %swap3A_225 = arith.constant 0 : i32
    %swap3A_226 = arith.index_cast %swap3A_225 : i32 to index
    %swap3A_227 = arith.index_cast %mul3A_224 : i32 to index
    %swap3A_228 = tpu.vector_load %arg7[%swap3A_226, %swap3A_227] {strides = array<i32>} : memref<2x1024xi32, #tpu.memory_space<vmem>>, vector<16xi32>,
    tpu.vector_store %arg7[%swap3A_226, %swap3A_227], %or3A_222 {strides = array<i32>} : memref<2x1024xi32, #tpu.memory_space<vmem>>, vector<16xi32>,
    %scan3A_229 = arith.constant 8 : i32
    %mul3A_230 = arith.constant 2 : i32
    %mul3A_231 = arith.muli %mul3A_230, %scan3A_229 : i32
    %add3A_232 = vector.broadcast %mul3A_231 : i32 to vector<16xi32>
    %add3A_233 = arith.addi %add3A_232, %shift_right_arithmetic3A_4 : vector<16xi32>
    %gather3A_234 = arith.constant 0 : i32
    %gather3A_235 = arith.constant 0 : i32
    %gather3A_236 = tpu.memref_slice %arg6[%gather3A_234, %gather3A_235] : memref<2x128xi32, #tpu.memory_space<vmem>> -> memref<1x128xi32, #tpu.memory_space<vmem>>
    %gather3A_237 = tpu.memref_squeeze %gather3A_236 : memref<1x128xi32, #tpu.memory_space<vmem>> -> memref<128xi32, #tpu.memory_space<vmem>>
    %gather3A_238 = tpu.vector_load_idx %gather3A_237[%add3A_233] : memref<128xi32, #tpu.memory_space<vmem>>[vector<16xi32>], vector<16xi32>,
    %shift_right_arithmetic3A_239 = arith.constant 7 : i32
    %shift_right_arithmetic3A_240 = vector.broadcast %shift_right_arithmetic3A_239 : i32 to vector<16xi32>
    %shift_right_arithmetic3A_241 = arith.shrsi %gather3A_238, %shift_right_arithmetic3A_240 : vector<16xi32>
    %shift_left3A_242 = arith.constant 10 : i32
    %shift_left3A_243 = vector.broadcast %shift_left3A_242 : i32 to vector<16xi32>
    %shift_left3A_244 = arith.shli %shift_right_arithmetic3A_241, %shift_left3A_243 : vector<16xi32>
    %or3A_245 = arith.ori %shift_left3A_244, %shift_left3A_14 : vector<16xi32>
    %and3A_246 = arith.constant 127 : i32
    %and3A_247 = vector.broadcast %and3A_246 : i32 to vector<16xi32>
    %and3A_248 = arith.andi %gather3A_238, %and3A_247 : vector<16xi32>
    %or3A_249 = arith.ori %or3A_245, %and3A_248 : vector<16xi32>
    %mul3A_250 = arith.constant 16 : i32
    %mul3A_251 = arith.muli %scan3A_229, %mul3A_250 : i32
    %swap3A_252 = arith.constant 0 : i32
    %swap3A_253 = arith.index_cast %swap3A_252 : i32 to index
    %swap3A_254 = arith.index_cast %mul3A_251 : i32 to index
    %swap3A_255 = tpu.vector_load %arg7[%swap3A_253, %swap3A_254] {strides = array<i32>} : memref<2x1024xi32, #tpu.memory_space<vmem>>, vector<16xi32>,
    tpu.vector_store %arg7[%swap3A_253, %swap3A_254], %or3A_249 {strides = array<i32>} : memref<2x1024xi32, #tpu.memory_space<vmem>>, vector<16xi32>,
    %scan3A_256 = arith.constant 9 : i32
    %mul3A_257 = arith.constant 2 : i32
    %mul3A_258 = arith.muli %mul3A_257, %scan3A_256 : i32
    %add3A_259 = vector.broadcast %mul3A_258 : i32 to vector<16xi32>
    %add3A_260 = arith.addi %add3A_259, %shift_right_arithmetic3A_4 : vector<16xi32>
    %gather3A_261 = arith.constant 0 : i32
    %gather3A_262 = arith.constant 0 : i32
    %gather3A_263 = tpu.memref_slice %arg6[%gather3A_261, %gather3A_262] : memref<2x128xi32, #tpu.memory_space<vmem>> -> memref<1x128xi32, #tpu.memory_space<vmem>>
    %gather3A_264 = tpu.memref_squeeze %gather3A_263 : memref<1x128xi32, #tpu.memory_space<vmem>> -> memref<128xi32, #tpu.memory_space<vmem>>
    %gather3A_265 = tpu.vector_load_idx %gather3A_264[%add3A_260] : memref<128xi32, #tpu.memory_space<vmem>>[vector<16xi32>], vector<16xi32>,
    %shift_right_arithmetic3A_266 = arith.constant 7 : i32
    %shift_right_arithmetic3A_267 = vector.broadcast %shift_right_arithmetic3A_266 : i32 to vector<16xi32>
    %shift_right_arithmetic3A_268 = arith.shrsi %gather3A_265, %shift_right_arithmetic3A_267 : vector<16xi32>
    %shift_left3A_269 = arith.constant 10 : i32
    %shift_left3A_270 = vector.broadcast %shift_left3A_269 : i32 to vector<16xi32>
    %shift_left3A_271 = arith.shli %shift_right_arithmetic3A_268, %shift_left3A_270 : vector<16xi32>
    %or3A_272 = arith.ori %shift_left3A_271, %shift_left3A_14 : vector<16xi32>
    %and3A_273 = arith.constant 127 : i32
    %and3A_274 = vector.broadcast %and3A_273 : i32 to vector<16xi32>
    %and3A_275 = arith.andi %gather3A_265, %and3A_274 : vector<16xi32>
    %or3A_276 = arith.ori %or3A_272, %and3A_275 : vector<16xi32>
    %mul3A_277 = arith.constant 16 : i32
    %mul3A_278 = arith.muli %scan3A_256, %mul3A_277 : i32
    %swap3A_279 = arith.constant 0 : i32
    %swap3A_280 = arith.index_cast %swap3A_279 : i32 to index
    %swap3A_281 = arith.index_cast %mul3A_278 : i32 to index
    %swap3A_282 = tpu.vector_load %arg7[%swap3A_280, %swap3A_281] {strides = array<i32>} : memref<2x1024xi32, #tpu.memory_space<vmem>>, vector<16xi32>,
    tpu.vector_store %arg7[%swap3A_280, %swap3A_281], %or3A_276 {strides = array<i32>} : memref<2x1024xi32, #tpu.memory_space<vmem>>, vector<16xi32>,
    %scan3A_283 = arith.constant 10 : i32
    %mul3A_284 = arith.constant 2 : i32
    %mul3A_285 = arith.muli %mul3A_284, %scan3A_283 : i32
    %add3A_286 = vector.broadcast %mul3A_285 : i32 to vector<16xi32>
    %add3A_287 = arith.addi %add3A_286, %shift_right_arithmetic3A_4 : vector<16xi32>
    %gather3A_288 = arith.constant 0 : i32
    %gather3A_289 = arith.constant 0 : i32
    %gather3A_290 = tpu.memref_slice %arg6[%gather3A_288, %gather3A_289] : memref<2x128xi32, #tpu.memory_space<vmem>> -> memref<1x128xi32, #tpu.memory_space<vmem>>
    %gather3A_291 = tpu.memref_squeeze %gather3A_290 : memref<1x128xi32, #tpu.memory_space<vmem>> -> memref<128xi32, #tpu.memory_space<vmem>>
    %gather3A_292 = tpu.vector_load_idx %gather3A_291[%add3A_287] : memref<128xi32, #tpu.memory_space<vmem>>[vector<16xi32>], vector<16xi32>,
    %shift_right_arithmetic3A_293 = arith.constant 7 : i32
    %shift_right_arithmetic3A_294 = vector.broadcast %shift_right_arithmetic3A_293 : i32 to vector<16xi32>
    %shift_right_arithmetic3A_295 = arith.shrsi %gather3A_292, %shift_right_arithmetic3A_294 : vector<16xi32>
    %shift_left3A_296 = arith.constant 10 : i32
    %shift_left3A_297 = vector.broadcast %shift_left3A_296 : i32 to vector<16xi32>
    %shift_left3A_298 = arith.shli %shift_right_arithmetic3A_295, %shift_left3A_297 : vector<16xi32>
    %or3A_299 = arith.ori %shift_left3A_298, %shift_left3A_14 : vector<16xi32>
    %and3A_300 = arith.constant 127 : i32
    %and3A_301 = vector.broadcast %and3A_300 : i32 to vector<16xi32>
    %and3A_302 = arith.andi %gather3A_292, %and3A_301 : vector<16xi32>
    %or3A_303 = arith.ori %or3A_299, %and3A_302 : vector<16xi32>
    %mul3A_304 = arith.constant 16 : i32
    %mul3A_305 = arith.muli %scan3A_283, %mul3A_304 : i32
    %swap3A_306 = arith.constant 0 : i32
    %swap3A_307 = arith.index_cast %swap3A_306 : i32 to index
    %swap3A_308 = arith.index_cast %mul3A_305 : i32 to index
    %swap3A_309 = tpu.vector_load %arg7[%swap3A_307, %swap3A_308] {strides = array<i32>} : memref<2x1024xi32, #tpu.memory_space<vmem>>, vector<16xi32>,
    tpu.vector_store %arg7[%swap3A_307, %swap3A_308], %or3A_303 {strides = array<i32>} : memref<2x1024xi32, #tpu.memory_space<vmem>>, vector<16xi32>,
    %scan3A_310 = arith.constant 11 : i32
    %mul3A_311 = arith.constant 2 : i32
    %mul3A_312 = arith.muli %mul3A_311, %scan3A_310 : i32
    %add3A_313 = vector.broadcast %mul3A_312 : i32 to vector<16xi32>
    %add3A_314 = arith.addi %add3A_313, %shift_right_arithmetic3A_4 : vector<16xi32>
    %gather3A_315 = arith.constant 0 : i32
    %gather3A_316 = arith.constant 0 : i32
    %gather3A_317 = tpu.memref_slice %arg6[%gather3A_315, %gather3A_316] : memref<2x128xi32, #tpu.memory_space<vmem>> -> memref<1x128xi32, #tpu.memory_space<vmem>>
    %gather3A_318 = tpu.memref_squeeze %gather3A_317 : memref<1x128xi32, #tpu.memory_space<vmem>> -> memref<128xi32, #tpu.memory_space<vmem>>
    %gather3A_319 = tpu.vector_load_idx %gather3A_318[%add3A_314] : memref<128xi32, #tpu.memory_space<vmem>>[vector<16xi32>], vector<16xi32>,
    %shift_right_arithmetic3A_320 = arith.constant 7 : i32
    %shift_right_arithmetic3A_321 = vector.broadcast %shift_right_arithmetic3A_320 : i32 to vector<16xi32>
    %shift_right_arithmetic3A_322 = arith.shrsi %gather3A_319, %shift_right_arithmetic3A_321 : vector<16xi32>
    %shift_left3A_323 = arith.constant 10 : i32
    %shift_left3A_324 = vector.broadcast %shift_left3A_323 : i32 to vector<16xi32>
    %shift_left3A_325 = arith.shli %shift_right_arithmetic3A_322, %shift_left3A_324 : vector<16xi32>
    %or3A_326 = arith.ori %shift_left3A_325, %shift_left3A_14 : vector<16xi32>
    %and3A_327 = arith.constant 127 : i32
    %and3A_328 = vector.broadcast %and3A_327 : i32 to vector<16xi32>
    %and3A_329 = arith.andi %gather3A_319, %and3A_328 : vector<16xi32>
    %or3A_330 = arith.ori %or3A_326, %and3A_329 : vector<16xi32>
    %mul3A_331 = arith.constant 16 : i32
    %mul3A_332 = arith.muli %scan3A_310, %mul3A_331 : i32
    %swap3A_333 = arith.constant 0 : i32
    %swap3A_334 = arith.index_cast %swap3A_333 : i32 to index
    %swap3A_335 = arith.index_cast %mul3A_332 : i32 to index
    %swap3A_336 = tpu.vector_load %arg7[%swap3A_334, %swap3A_335] {strides = array<i32>} : memref<2x1024xi32, #tpu.memory_space<vmem>>, vector<16xi32>,
    tpu.vector_store %arg7[%swap3A_334, %swap3A_335], %or3A_330 {strides = array<i32>} : memref<2x1024xi32, #tpu.memory_space<vmem>>, vector<16xi32>,
    %scan3A_337 = arith.constant 12 : i32
    %mul3A_338 = arith.constant 2 : i32
    %mul3A_339 = arith.muli %mul3A_338, %scan3A_337 : i32
    %add3A_340 = vector.broadcast %mul3A_339 : i32 to vector<16xi32>
    %add3A_341 = arith.addi %add3A_340, %shift_right_arithmetic3A_4 : vector<16xi32>
    %gather3A_342 = arith.constant 0 : i32
    %gather3A_343 = arith.constant 0 : i32
    %gather3A_344 = tpu.memref_slice %arg6[%gather3A_342, %gather3A_343] : memref<2x128xi32, #tpu.memory_space<vmem>> -> memref<1x128xi32, #tpu.memory_space<vmem>>
    %gather3A_345 = tpu.memref_squeeze %gather3A_344 : memref<1x128xi32, #tpu.memory_space<vmem>> -> memref<128xi32, #tpu.memory_space<vmem>>
    %gather3A_346 = tpu.vector_load_idx %gather3A_345[%add3A_341] : memref<128xi32, #tpu.memory_space<vmem>>[vector<16xi32>], vector<16xi32>,
    %shift_right_arithmetic3A_347 = arith.constant 7 : i32
    %shift_right_arithmetic3A_348 = vector.broadcast %shift_right_arithmetic3A_347 : i32 to vector<16xi32>
    %shift_right_arithmetic3A_349 = arith.shrsi %gather3A_346, %shift_right_arithmetic3A_348 : vector<16xi32>
    %shift_left3A_350 = arith.constant 10 : i32
    %shift_left3A_351 = vector.broadcast %shift_left3A_350 : i32 to vector<16xi32>
    %shift_left3A_352 = arith.shli %shift_right_arithmetic3A_349, %shift_left3A_351 : vector<16xi32>
    %or3A_353 = arith.ori %shift_left3A_352, %shift_left3A_14 : vector<16xi32>
    %and3A_354 = arith.constant 127 : i32
    %and3A_355 = vector.broadcast %and3A_354 : i32 to vector<16xi32>
    %and3A_356 = arith.andi %gather3A_346, %and3A_355 : vector<16xi32>
    %or3A_357 = arith.ori %or3A_353, %and3A_356 : vector<16xi32>
    %mul3A_358 = arith.constant 16 : i32
    %mul3A_359 = arith.muli %scan3A_337, %mul3A_358 : i32
    %swap3A_360 = arith.constant 0 : i32
    %swap3A_361 = arith.index_cast %swap3A_360 : i32 to index
    %swap3A_362 = arith.index_cast %mul3A_359 : i32 to index
    %swap3A_363 = tpu.vector_load %arg7[%swap3A_361, %swap3A_362] {strides = array<i32>} : memref<2x1024xi32, #tpu.memory_space<vmem>>, vector<16xi32>,
    tpu.vector_store %arg7[%swap3A_361, %swap3A_362], %or3A_357 {strides = array<i32>} : memref<2x1024xi32, #tpu.memory_space<vmem>>, vector<16xi32>,
    %scan3A_364 = arith.constant 13 : i32
    %mul3A_365 = arith.constant 2 : i32
    %mul3A_366 = arith.muli %mul3A_365, %scan3A_364 : i32
    %add3A_367 = vector.broadcast %mul3A_366 : i32 to vector<16xi32>
    %add3A_368 = arith.addi %add3A_367, %shift_right_arithmetic3A_4 : vector<16xi32>
    %gather3A_369 = arith.constant 0 : i32
    %gather3A_370 = arith.constant 0 : i32
    %gather3A_371 = tpu.memref_slice %arg6[%gather3A_369, %gather3A_370] : memref<2x128xi32, #tpu.memory_space<vmem>> -> memref<1x128xi32, #tpu.memory_space<vmem>>
    %gather3A_372 = tpu.memref_squeeze %gather3A_371 : memref<1x128xi32, #tpu.memory_space<vmem>> -> memref<128xi32, #tpu.memory_space<vmem>>
    %gather3A_373 = tpu.vector_load_idx %gather3A_372[%add3A_368] : memref<128xi32, #tpu.memory_space<vmem>>[vector<16xi32>], vector<16xi32>,
    %shift_right_arithmetic3A_374 = arith.constant 7 : i32
    %shift_right_arithmetic3A_375 = vector.broadcast %shift_right_arithmetic3A_374 : i32 to vector<16xi32>
    %shift_right_arithmetic3A_376 = arith.shrsi %gather3A_373, %shift_right_arithmetic3A_375 : vector<16xi32>
    %shift_left3A_377 = arith.constant 10 : i32
    %shift_left3A_378 = vector.broadcast %shift_left3A_377 : i32 to vector<16xi32>
    %shift_left3A_379 = arith.shli %shift_right_arithmetic3A_376, %shift_left3A_378 : vector<16xi32>
    %or3A_380 = arith.ori %shift_left3A_379, %shift_left3A_14 : vector<16xi32>
    %and3A_381 = arith.constant 127 : i32
    %and3A_382 = vector.broadcast %and3A_381 : i32 to vector<16xi32>
    %and3A_383 = arith.andi %gather3A_373, %and3A_382 : vector<16xi32>
    %or3A_384 = arith.ori %or3A_380, %and3A_383 : vector<16xi32>
    %mul3A_385 = arith.constant 16 : i32
    %mul3A_386 = arith.muli %scan3A_364, %mul3A_385 : i32
    %swap3A_387 = arith.constant 0 : i32
    %swap3A_388 = arith.index_cast %swap3A_387 : i32 to index
    %swap3A_389 = arith.index_cast %mul3A_386 : i32 to index
    %swap3A_390 = tpu.vector_load %arg7[%swap3A_388, %swap3A_389] {strides = array<i32>} : memref<2x1024xi32, #tpu.memory_space<vmem>>, vector<16xi32>,
    tpu.vector_store %arg7[%swap3A_388, %swap3A_389], %or3A_384 {strides = array<i32>} : memref<2x1024xi32, #tpu.memory_space<vmem>>, vector<16xi32>,
    %scan3A_391 = arith.constant 14 : i32
    %mul3A_392 = arith.constant 2 : i32
    %mul3A_393 = arith.muli %mul3A_392, %scan3A_391 : i32
    %add3A_394 = vector.broadcast %mul3A_393 : i32 to vector<16xi32>
    %add3A_395 = arith.addi %add3A_394, %shift_right_arithmetic3A_4 : vector<16xi32>
    %gather3A_396 = arith.constant 0 : i32
    %gather3A_397 = arith.constant 0 : i32
    %gather3A_398 = tpu.memref_slice %arg6[%gather3A_396, %gather3A_397] : memref<2x128xi32, #tpu.memory_space<vmem>> -> memref<1x128xi32, #tpu.memory_space<vmem>>
    %gather3A_399 = tpu.memref_squeeze %gather3A_398 : memref<1x128xi32, #tpu.memory_space<vmem>> -> memref<128xi32, #tpu.memory_space<vmem>>
    %gather3A_400 = tpu.vector_load_idx %gather3A_399[%add3A_395] : memref<128xi32, #tpu.memory_space<vmem>>[vector<16xi32>], vector<16xi32>,
    %shift_right_arithmetic3A_401 = arith.constant 7 : i32
    %shift_right_arithmetic3A_402 = vector.broadcast %shift_right_arithmetic3A_401 : i32 to vector<16xi32>
    %shift_right_arithmetic3A_403 = arith.shrsi %gather3A_400, %shift_right_arithmetic3A_402 : vector<16xi32>
    %shift_left3A_404 = arith.constant 10 : i32
    %shift_left3A_405 = vector.broadcast %shift_left3A_404 : i32 to vector<16xi32>
    %shift_left3A_406 = arith.shli %shift_right_arithmetic3A_403, %shift_left3A_405 : vector<16xi32>
    %or3A_407 = arith.ori %shift_left3A_406, %shift_left3A_14 : vector<16xi32>
    %and3A_408 = arith.constant 127 : i32
    %and3A_409 = vector.broadcast %and3A_408 : i32 to vector<16xi32>
    %and3A_410 = arith.andi %gather3A_400, %and3A_409 : vector<16xi32>
    %or3A_411 = arith.ori %or3A_407, %and3A_410 : vector<16xi32>
    %mul3A_412 = arith.constant 16 : i32
    %mul3A_413 = arith.muli %scan3A_391, %mul3A_412 : i32
    %swap3A_414 = arith.constant 0 : i32
    %swap3A_415 = arith.index_cast %swap3A_414 : i32 to index
    %swap3A_416 = arith.index_cast %mul3A_413 : i32 to index
    %swap3A_417 = tpu.vector_load %arg7[%swap3A_415, %swap3A_416] {strides = array<i32>} : memref<2x1024xi32, #tpu.memory_space<vmem>>, vector<16xi32>,
    tpu.vector_store %arg7[%swap3A_415, %swap3A_416], %or3A_411 {strides = array<i32>} : memref<2x1024xi32, #tpu.memory_space<vmem>>, vector<16xi32>,
    %scan3A_418 = arith.constant 15 : i32
    %mul3A_419 = arith.constant 2 : i32
    %mul3A_420 = arith.muli %mul3A_419, %scan3A_418 : i32
    %add3A_421 = vector.broadcast %mul3A_420 : i32 to vector<16xi32>
    %add3A_422 = arith.addi %add3A_421, %shift_right_arithmetic3A_4 : vector<16xi32>
    %gather3A_423 = arith.constant 0 : i32
    %gather3A_424 = arith.constant 0 : i32
    %gather3A_425 = tpu.memref_slice %arg6[%gather3A_423, %gather3A_424] : memref<2x128xi32, #tpu.memory_space<vmem>> -> memref<1x128xi32, #tpu.memory_space<vmem>>
    %gather3A_426 = tpu.memref_squeeze %gather3A_425 : memref<1x128xi32, #tpu.memory_space<vmem>> -> memref<128xi32, #tpu.memory_space<vmem>>
    %gather3A_427 = tpu.vector_load_idx %gather3A_426[%add3A_422] : memref<128xi32, #tpu.memory_space<vmem>>[vector<16xi32>], vector<16xi32>,
    %shift_right_arithmetic3A_428 = arith.constant 7 : i32
    %shift_right_arithmetic3A_429 = vector.broadcast %shift_right_arithmetic3A_428 : i32 to vector<16xi32>
    %shift_right_arithmetic3A_430 = arith.shrsi %gather3A_427, %shift_right_arithmetic3A_429 : vector<16xi32>
    %shift_left3A_431 = arith.constant 10 : i32
    %shift_left3A_432 = vector.broadcast %shift_left3A_431 : i32 to vector<16xi32>
    %shift_left3A_433 = arith.shli %shift_right_arithmetic3A_430, %shift_left3A_432 : vector<16xi32>
    %or3A_434 = arith.ori %shift_left3A_433, %shift_left3A_14 : vector<16xi32>
    %and3A_435 = arith.constant 127 : i32
    %and3A_436 = vector.broadcast %and3A_435 : i32 to vector<16xi32>
    %and3A_437 = arith.andi %gather3A_427, %and3A_436 : vector<16xi32>
    %or3A_438 = arith.ori %or3A_434, %and3A_437 : vector<16xi32>
    %mul3A_439 = arith.constant 16 : i32
    %mul3A_440 = arith.muli %scan3A_418, %mul3A_439 : i32
    %swap3A_441 = arith.constant 0 : i32
    %swap3A_442 = arith.index_cast %swap3A_441 : i32 to index
    %swap3A_443 = arith.index_cast %mul3A_440 : i32 to index
    %swap3A_444 = tpu.vector_load %arg7[%swap3A_442, %swap3A_443] {strides = array<i32>} : memref<2x1024xi32, #tpu.memory_space<vmem>>, vector<16xi32>,
    tpu.vector_store %arg7[%swap3A_442, %swap3A_443], %or3A_438 {strides = array<i32>} : memref<2x1024xi32, #tpu.memory_space<vmem>>, vector<16xi32>,
    %scan3A_445 = arith.constant 16 : i32
    %mul3A_446 = arith.constant 2 : i32
    %mul3A_447 = arith.muli %mul3A_446, %scan3A_445 : i32
    %add3A_448 = vector.broadcast %mul3A_447 : i32 to vector<16xi32>
    %add3A_449 = arith.addi %add3A_448, %shift_right_arithmetic3A_4 : vector<16xi32>
    %gather3A_450 = arith.constant 0 : i32
    %gather3A_451 = arith.constant 0 : i32
    %gather3A_452 = tpu.memref_slice %arg6[%gather3A_450, %gather3A_451] : memref<2x128xi32, #tpu.memory_space<vmem>> -> memref<1x128xi32, #tpu.memory_space<vmem>>
    %gather3A_453 = tpu.memref_squeeze %gather3A_452 : memref<1x128xi32, #tpu.memory_space<vmem>> -> memref<128xi32, #tpu.memory_space<vmem>>
    %gather3A_454 = tpu.vector_load_idx %gather3A_453[%add3A_449] : memref<128xi32, #tpu.memory_space<vmem>>[vector<16xi32>], vector<16xi32>,
    %shift_right_arithmetic3A_455 = arith.constant 7 : i32
    %shift_right_arithmetic3A_456 = vector.broadcast %shift_right_arithmetic3A_455 : i32 to vector<16xi32>
    %shift_right_arithmetic3A_457 = arith.shrsi %gather3A_454, %shift_right_arithmetic3A_456 : vector<16xi32>
    %shift_left3A_458 = arith.constant 10 : i32
    %shift_left3A_459 = vector.broadcast %shift_left3A_458 : i32 to vector<16xi32>
    %shift_left3A_460 = arith.shli %shift_right_arithmetic3A_457, %shift_left3A_459 : vector<16xi32>
    %or3A_461 = arith.ori %shift_left3A_460, %shift_left3A_14 : vector<16xi32>
    %and3A_462 = arith.constant 127 : i32
    %and3A_463 = vector.broadcast %and3A_462 : i32 to vector<16xi32>
    %and3A_464 = arith.andi %gather3A_454, %and3A_463 : vector<16xi32>
    %or3A_465 = arith.ori %or3A_461, %and3A_464 : vector<16xi32>
    %mul3A_466 = arith.constant 16 : i32
    %mul3A_467 = arith.muli %scan3A_445, %mul3A_466 : i32
    %swap3A_468 = arith.constant 0 : i32
    %swap3A_469 = arith.index_cast %swap3A_468 : i32 to index
    %swap3A_470 = arith.index_cast %mul3A_467 : i32 to index
    %swap3A_471 = tpu.vector_load %arg7[%swap3A_469, %swap3A_470] {strides = array<i32>} : memref<2x1024xi32, #tpu.memory_space<vmem>>, vector<16xi32>,
    tpu.vector_store %arg7[%swap3A_469, %swap3A_470], %or3A_465 {strides = array<i32>} : memref<2x1024xi32, #tpu.memory_space<vmem>>, vector<16xi32>,
    %scan3A_472 = arith.constant 17 : i32
    %mul3A_473 = arith.constant 2 : i32
    %mul3A_474 = arith.muli %mul3A_473, %scan3A_472 : i32
    %add3A_475 = vector.broadcast %mul3A_474 : i32 to vector<16xi32>
    %add3A_476 = arith.addi %add3A_475, %shift_right_arithmetic3A_4 : vector<16xi32>
    %gather3A_477 = arith.constant 0 : i32
    %gather3A_478 = arith.constant 0 : i32
    %gather3A_479 = tpu.memref_slice %arg6[%gather3A_477, %gather3A_478] : memref<2x128xi32, #tpu.memory_space<vmem>> -> memref<1x128xi32, #tpu.memory_space<vmem>>
    %gather3A_480 = tpu.memref_squeeze %gather3A_479 : memref<1x128xi32, #tpu.memory_space<vmem>> -> memref<128xi32, #tpu.memory_space<vmem>>
    %gather3A_481 = tpu.vector_load_idx %gather3A_480[%add3A_476] : memref<128xi32, #tpu.memory_space<vmem>>[vector<16xi32>], vector<16xi32>,
    %shift_right_arithmetic3A_482 = arith.constant 7 : i32
    %shift_right_arithmetic3A_483 = vector.broadcast %shift_right_arithmetic3A_482 : i32 to vector<16xi32>
    %shift_right_arithmetic3A_484 = arith.shrsi %gather3A_481, %shift_right_arithmetic3A_483 : vector<16xi32>
    %shift_left3A_485 = arith.constant 10 : i32
    %shift_left3A_486 = vector.broadcast %shift_left3A_485 : i32 to vector<16xi32>
    %shift_left3A_487 = arith.shli %shift_right_arithmetic3A_484, %shift_left3A_486 : vector<16xi32>
    %or3A_488 = arith.ori %shift_left3A_487, %shift_left3A_14 : vector<16xi32>
    %and3A_489 = arith.constant 127 : i32
    %and3A_490 = vector.broadcast %and3A_489 : i32 to vector<16xi32>
    %and3A_491 = arith.andi %gather3A_481, %and3A_490 : vector<16xi32>
    %or3A_492 = arith.ori %or3A_488, %and3A_491 : vector<16xi32>
    %mul3A_493 = arith.constant 16 : i32
    %mul3A_494 = arith.muli %scan3A_472, %mul3A_493 : i32
    %swap3A_495 = arith.constant 0 : i32
    %swap3A_496 = arith.index_cast %swap3A_495 : i32 to index
    %swap3A_497 = arith.index_cast %mul3A_494 : i32 to index
    %swap3A_498 = tpu.vector_load %arg7[%swap3A_496, %swap3A_497] {strides = array<i32>} : memref<2x1024xi32, #tpu.memory_space<vmem>>, vector<16xi32>,
    tpu.vector_store %arg7[%swap3A_496, %swap3A_497], %or3A_492 {strides = array<i32>} : memref<2x1024xi32, #tpu.memory_space<vmem>>, vector<16xi32>,
    %scan3A_499 = arith.constant 18 : i32
    %mul3A_500 = arith.constant 2 : i32
    %mul3A_501 = arith.muli %mul3A_500, %scan3A_499 : i32
    %add3A_502 = vector.broadcast %mul3A_501 : i32 to vector<16xi32>
    %add3A_503 = arith.addi %add3A_502, %shift_right_arithmetic3A_4 : vector<16xi32>
    %gather3A_504 = arith.constant 0 : i32
    %gather3A_505 = arith.constant 0 : i32
    %gather3A_506 = tpu.memref_slice %arg6[%gather3A_504, %gather3A_505] : memref<2x128xi32, #tpu.memory_space<vmem>> -> memref<1x128xi32, #tpu.memory_space<vmem>>
    %gather3A_507 = tpu.memref_squeeze %gather3A_506 : memref<1x128xi32, #tpu.memory_space<vmem>> -> memref<128xi32, #tpu.memory_space<vmem>>
    %gather3A_508 = tpu.vector_load_idx %gather3A_507[%add3A_503] : memref<128xi32, #tpu.memory_space<vmem>>[vector<16xi32>], vector<16xi32>,
    %shift_right_arithmetic3A_509 = arith.constant 7 : i32
    %shift_right_arithmetic3A_510 = vector.broadcast %shift_right_arithmetic3A_509 : i32 to vector<16xi32>
    %shift_right_arithmetic3A_511 = arith.shrsi %gather3A_508, %shift_right_arithmetic3A_510 : vector<16xi32>
    %shift_left3A_512 = arith.constant 10 : i32
    %shift_left3A_513 = vector.broadcast %shift_left3A_512 : i32 to vector<16xi32>
    %shift_left3A_514 = arith.shli %shift_right_arithmetic3A_511, %shift_left3A_513 : vector<16xi32>
    %or3A_515 = arith.ori %shift_left3A_514, %shift_left3A_14 : vector<16xi32>
    %and3A_516 = arith.constant 127 : i32
    %and3A_517 = vector.broadcast %and3A_516 : i32 to vector<16xi32>
    %and3A_518 = arith.andi %gather3A_508, %and3A_517 : vector<16xi32>
    %or3A_519 = arith.ori %or3A_515, %and3A_518 : vector<16xi32>
    %mul3A_520 = arith.constant 16 : i32
    %mul3A_521 = arith.muli %scan3A_499, %mul3A_520 : i32
    %swap3A_522 = arith.constant 0 : i32
    %swap3A_523 = arith.index_cast %swap3A_522 : i32 to index
    %swap3A_524 = arith.index_cast %mul3A_521 : i32 to index
    %swap3A_525 = tpu.vector_load %arg7[%swap3A_523, %swap3A_524] {strides = array<i32>} : memref<2x1024xi32, #tpu.memory_space<vmem>>, vector<16xi32>,
    tpu.vector_store %arg7[%swap3A_523, %swap3A_524], %or3A_519 {strides = array<i32>} : memref<2x1024xi32, #tpu.memory_space<vmem>>, vector<16xi32>,
    %scan3A_526 = arith.constant 19 : i32
    %mul3A_527 = arith.constant 2 : i32
    %mul3A_528 = arith.muli %mul3A_527, %scan3A_526 : i32
    %add3A_529 = vector.broadcast %mul3A_528 : i32 to vector<16xi32>
    %add3A_530 = arith.addi %add3A_529, %shift_right_arithmetic3A_4 : vector<16xi32>
    %gather3A_531 = arith.constant 0 : i32
    %gather3A_532 = arith.constant 0 : i32
    %gather3A_533 = tpu.memref_slice %arg6[%gather3A_531, %gather3A_532] : memref<2x128xi32, #tpu.memory_space<vmem>> -> memref<1x128xi32, #tpu.memory_space<vmem>>
    %gather3A_534 = tpu.memref_squeeze %gather3A_533 : memref<1x128xi32, #tpu.memory_space<vmem>> -> memref<128xi32, #tpu.memory_space<vmem>>
    %gather3A_535 = tpu.vector_load_idx %gather3A_534[%add3A_530] : memref<128xi32, #tpu.memory_space<vmem>>[vector<16xi32>], vector<16xi32>,
    %shift_right_arithmetic3A_536 = arith.constant 7 : i32
    %shift_right_arithmetic3A_537 = vector.broadcast %shift_right_arithmetic3A_536 : i32 to vector<16xi32>
    %shift_right_arithmetic3A_538 = arith.shrsi %gather3A_535, %shift_right_arithmetic3A_537 : vector<16xi32>
    %shift_left3A_539 = arith.constant 10 : i32
    %shift_left3A_540 = vector.broadcast %shift_left3A_539 : i32 to vector<16xi32>
    %shift_left3A_541 = arith.shli %shift_right_arithmetic3A_538, %shift_left3A_540 : vector<16xi32>
    %or3A_542 = arith.ori %shift_left3A_541, %shift_left3A_14 : vector<16xi32>
    %and3A_543 = arith.constant 127 : i32
    %and3A_544 = vector.broadcast %and3A_543 : i32 to vector<16xi32>
    %and3A_545 = arith.andi %gather3A_535, %and3A_544 : vector<16xi32>
    %or3A_546 = arith.ori %or3A_542, %and3A_545 : vector<16xi32>
    %mul3A_547 = arith.constant 16 : i32
    %mul3A_548 = arith.muli %scan3A_526, %mul3A_547 : i32
    %swap3A_549 = arith.constant 0 : i32
    %swap3A_550 = arith.index_cast %swap3A_549 : i32 to index
    %swap3A_551 = arith.index_cast %mul3A_548 : i32 to index
    %swap3A_552 = tpu.vector_load %arg7[%swap3A_550, %swap3A_551] {strides = array<i32>} : memref<2x1024xi32, #tpu.memory_space<vmem>>, vector<16xi32>,
    tpu.vector_store %arg7[%swap3A_550, %swap3A_551], %or3A_546 {strides = array<i32>} : memref<2x1024xi32, #tpu.memory_space<vmem>>, vector<16xi32>,
    %scan3A_553 = arith.constant 20 : i32
    %mul3A_554 = arith.constant 2 : i32
    %mul3A_555 = arith.muli %mul3A_554, %scan3A_553 : i32
    %add3A_556 = vector.broadcast %mul3A_555 : i32 to vector<16xi32>
    %add3A_557 = arith.addi %add3A_556, %shift_right_arithmetic3A_4 : vector<16xi32>
    %gather3A_558 = arith.constant 0 : i32
    %gather3A_559 = arith.constant 0 : i32
    %gather3A_560 = tpu.memref_slice %arg6[%gather3A_558, %gather3A_559] : memref<2x128xi32, #tpu.memory_space<vmem>> -> memref<1x128xi32, #tpu.memory_space<vmem>>
    %gather3A_561 = tpu.memref_squeeze %gather3A_560 : memref<1x128xi32, #tpu.memory_space<vmem>> -> memref<128xi32, #tpu.memory_space<vmem>>
    %gather3A_562 = tpu.vector_load_idx %gather3A_561[%add3A_557] : memref<128xi32, #tpu.memory_space<vmem>>[vector<16xi32>], vector<16xi32>,
    %shift_right_arithmetic3A_563 = arith.constant 7 : i32
    %shift_right_arithmetic3A_564 = vector.broadcast %shift_right_arithmetic3A_563 : i32 to vector<16xi32>
    %shift_right_arithmetic3A_565 = arith.shrsi %gather3A_562, %shift_right_arithmetic3A_564 : vector<16xi32>
    %shift_left3A_566 = arith.constant 10 : i32
    %shift_left3A_567 = vector.broadcast %shift_left3A_566 : i32 to vector<16xi32>
    %shift_left3A_568 = arith.shli %shift_right_arithmetic3A_565, %shift_left3A_567 : vector<16xi32>
    %or3A_569 = arith.ori %shift_left3A_568, %shift_left3A_14 : vector<16xi32>
    %and3A_570 = arith.constant 127 : i32
    %and3A_571 = vector.broadcast %and3A_570 : i32 to vector<16xi32>
    %and3A_572 = arith.andi %gather3A_562, %and3A_571 : vector<16xi32>
    %or3A_573 = arith.ori %or3A_569, %and3A_572 : vector<16xi32>
    %mul3A_574 = arith.constant 16 : i32
    %mul3A_575 = arith.muli %scan3A_553, %mul3A_574 : i32
    %swap3A_576 = arith.constant 0 : i32
    %swap3A_577 = arith.index_cast %swap3A_576 : i32 to index
    %swap3A_578 = arith.index_cast %mul3A_575 : i32 to index
    %swap3A_579 = tpu.vector_load %arg7[%swap3A_577, %swap3A_578] {strides = array<i32>} : memref<2x1024xi32, #tpu.memory_space<vmem>>, vector<16xi32>,
    tpu.vector_store %arg7[%swap3A_577, %swap3A_578], %or3A_573 {strides = array<i32>} : memref<2x1024xi32, #tpu.memory_space<vmem>>, vector<16xi32>,
    %scan3A_580 = arith.constant 21 : i32
    %mul3A_581 = arith.constant 2 : i32
    %mul3A_582 = arith.muli %mul3A_581, %scan3A_580 : i32
    %add3A_583 = vector.broadcast %mul3A_582 : i32 to vector<16xi32>
    %add3A_584 = arith.addi %add3A_583, %shift_right_arithmetic3A_4 : vector<16xi32>
    %gather3A_585 = arith.constant 0 : i32
    %gather3A_586 = arith.constant 0 : i32
    %gather3A_587 = tpu.memref_slice %arg6[%gather3A_585, %gather3A_586] : memref<2x128xi32, #tpu.memory_space<vmem>> -> memref<1x128xi32, #tpu.memory_space<vmem>>
    %gather3A_588 = tpu.memref_squeeze %gather3A_587 : memref<1x128xi32, #tpu.memory_space<vmem>> -> memref<128xi32, #tpu.memory_space<vmem>>
    %gather3A_589 = tpu.vector_load_idx %gather3A_588[%add3A_584] : memref<128xi32, #tpu.memory_space<vmem>>[vector<16xi32>], vector<16xi32>,
    %shift_right_arithmetic3A_590 = arith.constant 7 : i32
    %shift_right_arithmetic3A_591 = vector.broadcast %shift_right_arithmetic3A_590 : i32 to vector<16xi32>
    %shift_right_arithmetic3A_592 = arith.shrsi %gather3A_589, %shift_right_arithmetic3A_591 : vector<16xi32>
    %shift_left3A_593 = arith.constant 10 : i32
    %shift_left3A_594 = vector.broadcast %shift_left3A_593 : i32 to vector<16xi32>
    %shift_left3A_595 = arith.shli %shift_right_arithmetic3A_592, %shift_left3A_594 : vector<16xi32>
    %or3A_596 = arith.ori %shift_left3A_595, %shift_left3A_14 : vector<16xi32>
    %and3A_597 = arith.constant 127 : i32
    %and3A_598 = vector.broadcast %and3A_597 : i32 to vector<16xi32>
    %and3A_599 = arith.andi %gather3A_589, %and3A_598 : vector<16xi32>
    %or3A_600 = arith.ori %or3A_596, %and3A_599 : vector<16xi32>
    %mul3A_601 = arith.constant 16 : i32
    %mul3A_602 = arith.muli %scan3A_580, %mul3A_601 : i32
    %swap3A_603 = arith.constant 0 : i32
    %swap3A_604 = arith.index_cast %swap3A_603 : i32 to index
    %swap3A_605 = arith.index_cast %mul3A_602 : i32 to index
    %swap3A_606 = tpu.vector_load %arg7[%swap3A_604, %swap3A_605] {strides = array<i32>} : memref<2x1024xi32, #tpu.memory_space<vmem>>, vector<16xi32>,
    tpu.vector_store %arg7[%swap3A_604, %swap3A_605], %or3A_600 {strides = array<i32>} : memref<2x1024xi32, #tpu.memory_space<vmem>>, vector<16xi32>,
    %scan3A_607 = arith.constant 22 : i32
    %mul3A_608 = arith.constant 2 : i32
    %mul3A_609 = arith.muli %mul3A_608, %scan3A_607 : i32
    %add3A_610 = vector.broadcast %mul3A_609 : i32 to vector<16xi32>
    %add3A_611 = arith.addi %add3A_610, %shift_right_arithmetic3A_4 : vector<16xi32>
    %gather3A_612 = arith.constant 0 : i32
    %gather3A_613 = arith.constant 0 : i32
    %gather3A_614 = tpu.memref_slice %arg6[%gather3A_612, %gather3A_613] : memref<2x128xi32, #tpu.memory_space<vmem>> -> memref<1x128xi32, #tpu.memory_space<vmem>>
    %gather3A_615 = tpu.memref_squeeze %gather3A_614 : memref<1x128xi32, #tpu.memory_space<vmem>> -> memref<128xi32, #tpu.memory_space<vmem>>
    %gather3A_616 = tpu.vector_load_idx %gather3A_615[%add3A_611] : memref<128xi32, #tpu.memory_space<vmem>>[vector<16xi32>], vector<16xi32>,
    %shift_right_arithmetic3A_617 = arith.constant 7 : i32
    %shift_right_arithmetic3A_618 = vector.broadcast %shift_right_arithmetic3A_617 : i32 to vector<16xi32>
    %shift_right_arithmetic3A_619 = arith.shrsi %gather3A_616, %shift_right_arithmetic3A_618 : vector<16xi32>
    %shift_left3A_620 = arith.constant 10 : i32
    %shift_left3A_621 = vector.broadcast %shift_left3A_620 : i32 to vector<16xi32>
    %shift_left3A_622 = arith.shli %shift_right_arithmetic3A_619, %shift_left3A_621 : vector<16xi32>
    %or3A_623 = arith.ori %shift_left3A_622, %shift_left3A_14 : vector<16xi32>
    %and3A_624 = arith.constant 127 : i32
    %and3A_625 = vector.broadcast %and3A_624 : i32 to vector<16xi32>
    %and3A_626 = arith.andi %gather3A_616, %and3A_625 : vector<16xi32>
    %or3A_627 = arith.ori %or3A_623, %and3A_626 : vector<16xi32>
    %mul3A_628 = arith.constant 16 : i32
    %mul3A_629 = arith.muli %scan3A_607, %mul3A_628 : i32
    %swap3A_630 = arith.constant 0 : i32
    %swap3A_631 = arith.index_cast %swap3A_630 : i32 to index
    %swap3A_632 = arith.index_cast %mul3A_629 : i32 to index
    %swap3A_633 = tpu.vector_load %arg7[%swap3A_631, %swap3A_632] {strides = array<i32>} : memref<2x1024xi32, #tpu.memory_space<vmem>>, vector<16xi32>,
    tpu.vector_store %arg7[%swap3A_631, %swap3A_632], %or3A_627 {strides = array<i32>} : memref<2x1024xi32, #tpu.memory_space<vmem>>, vector<16xi32>,
    %scan3A_634 = arith.constant 23 : i32
    %mul3A_635 = arith.constant 2 : i32
    %mul3A_636 = arith.muli %mul3A_635, %scan3A_634 : i32
    %add3A_637 = vector.broadcast %mul3A_636 : i32 to vector<16xi32>
    %add3A_638 = arith.addi %add3A_637, %shift_right_arithmetic3A_4 : vector<16xi32>
    %gather3A_639 = arith.constant 0 : i32
    %gather3A_640 = arith.constant 0 : i32
    %gather3A_641 = tpu.memref_slice %arg6[%gather3A_639, %gather3A_640] : memref<2x128xi32, #tpu.memory_space<vmem>> -> memref<1x128xi32, #tpu.memory_space<vmem>>
    %gather3A_642 = tpu.memref_squeeze %gather3A_641 : memref<1x128xi32, #tpu.memory_space<vmem>> -> memref<128xi32, #tpu.memory_space<vmem>>
    %gather3A_643 = tpu.vector_load_idx %gather3A_642[%add3A_638] : memref<128xi32, #tpu.memory_space<vmem>>[vector<16xi32>], vector<16xi32>,
    %shift_right_arithmetic3A_644 = arith.constant 7 : i32
    %shift_right_arithmetic3A_645 = vector.broadcast %shift_right_arithmetic3A_644 : i32 to vector<16xi32>
    %shift_right_arithmetic3A_646 = arith.shrsi %gather3A_643, %shift_right_arithmetic3A_645 : vector<16xi32>
    %shift_left3A_647 = arith.constant 10 : i32
    %shift_left3A_648 = vector.broadcast %shift_left3A_647 : i32 to vector<16xi32>
    %shift_left3A_649 = arith.shli %shift_right_arithmetic3A_646, %shift_left3A_648 : vector<16xi32>
    %or3A_650 = arith.ori %shift_left3A_649, %shift_left3A_14 : vector<16xi32>
    %and3A_651 = arith.constant 127 : i32
    %and3A_652 = vector.broadcast %and3A_651 : i32 to vector<16xi32>
    %and3A_653 = arith.andi %gather3A_643, %and3A_652 : vector<16xi32>
    %or3A_654 = arith.ori %or3A_650, %and3A_653 : vector<16xi32>
    %mul3A_655 = arith.constant 16 : i32
    %mul3A_656 = arith.muli %scan3A_634, %mul3A_655 : i32
    %swap3A_657 = arith.constant 0 : i32
    %swap3A_658 = arith.index_cast %swap3A_657 : i32 to index
    %swap3A_659 = arith.index_cast %mul3A_656 : i32 to index
    %swap3A_660 = tpu.vector_load %arg7[%swap3A_658, %swap3A_659] {strides = array<i32>} : memref<2x1024xi32, #tpu.memory_space<vmem>>, vector<16xi32>,
    tpu.vector_store %arg7[%swap3A_658, %swap3A_659], %or3A_654 {strides = array<i32>} : memref<2x1024xi32, #tpu.memory_space<vmem>>, vector<16xi32>,
    %scan3A_661 = arith.constant 24 : i32
    %mul3A_662 = arith.constant 2 : i32
    %mul3A_663 = arith.muli %mul3A_662, %scan3A_661 : i32
    %add3A_664 = vector.broadcast %mul3A_663 : i32 to vector<16xi32>
    %add3A_665 = arith.addi %add3A_664, %shift_right_arithmetic3A_4 : vector<16xi32>
    %gather3A_666 = arith.constant 0 : i32
    %gather3A_667 = arith.constant 0 : i32
    %gather3A_668 = tpu.memref_slice %arg6[%gather3A_666, %gather3A_667] : memref<2x128xi32, #tpu.memory_space<vmem>> -> memref<1x128xi32, #tpu.memory_space<vmem>>
    %gather3A_669 = tpu.memref_squeeze %gather3A_668 : memref<1x128xi32, #tpu.memory_space<vmem>> -> memref<128xi32, #tpu.memory_space<vmem>>
    %gather3A_670 = tpu.vector_load_idx %gather3A_669[%add3A_665] : memref<128xi32, #tpu.memory_space<vmem>>[vector<16xi32>], vector<16xi32>,
    %shift_right_arithmetic3A_671 = arith.constant 7 : i32
    %shift_right_arithmetic3A_672 = vector.broadcast %shift_right_arithmetic3A_671 : i32 to vector<16xi32>
    %shift_right_arithmetic3A_673 = arith.shrsi %gather3A_670, %shift_right_arithmetic3A_672 : vector<16xi32>
    %shift_left3A_674 = arith.constant 10 : i32
    %shift_left3A_675 = vector.broadcast %shift_left3A_674 : i32 to vector<16xi32>
    %shift_left3A_676 = arith.shli %shift_right_arithmetic3A_673, %shift_left3A_675 : vector<16xi32>
    %or3A_677 = arith.ori %shift_left3A_676, %shift_left3A_14 : vector<16xi32>
    %and3A_678 = arith.constant 127 : i32
    %and3A_679 = vector.broadcast %and3A_678 : i32 to vector<16xi32>
    %and3A_680 = arith.andi %gather3A_670, %and3A_679 : vector<16xi32>
    %or3A_681 = arith.ori %or3A_677, %and3A_680 : vector<16xi32>
    %mul3A_682 = arith.constant 16 : i32
    %mul3A_683 = arith.muli %scan3A_661, %mul3A_682 : i32
    %swap3A_684 = arith.constant 0 : i32
    %swap3A_685 = arith.index_cast %swap3A_684 : i32 to index
    %swap3A_686 = arith.index_cast %mul3A_683 : i32 to index
    %swap3A_687 = tpu.vector_load %arg7[%swap3A_685, %swap3A_686] {strides = array<i32>} : memref<2x1024xi32, #tpu.memory_space<vmem>>, vector<16xi32>,
    tpu.vector_store %arg7[%swap3A_685, %swap3A_686], %or3A_681 {strides = array<i32>} : memref<2x1024xi32, #tpu.memory_space<vmem>>, vector<16xi32>,
    %scan3A_688 = arith.constant 25 : i32
    %mul3A_689 = arith.constant 2 : i32
    %mul3A_690 = arith.muli %mul3A_689, %scan3A_688 : i32
    %add3A_691 = vector.broadcast %mul3A_690 : i32 to vector<16xi32>
    %add3A_692 = arith.addi %add3A_691, %shift_right_arithmetic3A_4 : vector<16xi32>
    %gather3A_693 = arith.constant 0 : i32
    %gather3A_694 = arith.constant 0 : i32
    %gather3A_695 = tpu.memref_slice %arg6[%gather3A_693, %gather3A_694] : memref<2x128xi32, #tpu.memory_space<vmem>> -> memref<1x128xi32, #tpu.memory_space<vmem>>
    %gather3A_696 = tpu.memref_squeeze %gather3A_695 : memref<1x128xi32, #tpu.memory_space<vmem>> -> memref<128xi32, #tpu.memory_space<vmem>>
    %gather3A_697 = tpu.vector_load_idx %gather3A_696[%add3A_692] : memref<128xi32, #tpu.memory_space<vmem>>[vector<16xi32>], vector<16xi32>,
    %shift_right_arithmetic3A_698 = arith.constant 7 : i32
    %shift_right_arithmetic3A_699 = vector.broadcast %shift_right_arithmetic3A_698 : i32 to vector<16xi32>
    %shift_right_arithmetic3A_700 = arith.shrsi %gather3A_697, %shift_right_arithmetic3A_699 : vector<16xi32>
    %shift_left3A_701 = arith.constant 10 : i32
    %shift_left3A_702 = vector.broadcast %shift_left3A_701 : i32 to vector<16xi32>
    %shift_left3A_703 = arith.shli %shift_right_arithmetic3A_700, %shift_left3A_702 : vector<16xi32>
    %or3A_704 = arith.ori %shift_left3A_703, %shift_left3A_14 : vector<16xi32>
    %and3A_705 = arith.constant 127 : i32
    %and3A_706 = vector.broadcast %and3A_705 : i32 to vector<16xi32>
    %and3A_707 = arith.andi %gather3A_697, %and3A_706 : vector<16xi32>
    %or3A_708 = arith.ori %or3A_704, %and3A_707 : vector<16xi32>
    %mul3A_709 = arith.constant 16 : i32
    %mul3A_710 = arith.muli %scan3A_688, %mul3A_709 : i32
    %swap3A_711 = arith.constant 0 : i32
    %swap3A_712 = arith.index_cast %swap3A_711 : i32 to index
    %swap3A_713 = arith.index_cast %mul3A_710 : i32 to index
    %swap3A_714 = tpu.vector_load %arg7[%swap3A_712, %swap3A_713] {strides = array<i32>} : memref<2x1024xi32, #tpu.memory_space<vmem>>, vector<16xi32>,
    tpu.vector_store %arg7[%swap3A_712, %swap3A_713], %or3A_708 {strides = array<i32>} : memref<2x1024xi32, #tpu.memory_space<vmem>>, vector<16xi32>,
    %scan3A_715 = arith.constant 26 : i32
    %mul3A_716 = arith.constant 2 : i32
    %mul3A_717 = arith.muli %mul3A_716, %scan3A_715 : i32
    %add3A_718 = vector.broadcast %mul3A_717 : i32 to vector<16xi32>
    %add3A_719 = arith.addi %add3A_718, %shift_right_arithmetic3A_4 : vector<16xi32>
    %gather3A_720 = arith.constant 0 : i32
    %gather3A_721 = arith.constant 0 : i32
    %gather3A_722 = tpu.memref_slice %arg6[%gather3A_720, %gather3A_721] : memref<2x128xi32, #tpu.memory_space<vmem>> -> memref<1x128xi32, #tpu.memory_space<vmem>>
    %gather3A_723 = tpu.memref_squeeze %gather3A_722 : memref<1x128xi32, #tpu.memory_space<vmem>> -> memref<128xi32, #tpu.memory_space<vmem>>
    %gather3A_724 = tpu.vector_load_idx %gather3A_723[%add3A_719] : memref<128xi32, #tpu.memory_space<vmem>>[vector<16xi32>], vector<16xi32>,
    %shift_right_arithmetic3A_725 = arith.constant 7 : i32
    %shift_right_arithmetic3A_726 = vector.broadcast %shift_right_arithmetic3A_725 : i32 to vector<16xi32>
    %shift_right_arithmetic3A_727 = arith.shrsi %gather3A_724, %shift_right_arithmetic3A_726 : vector<16xi32>
    %shift_left3A_728 = arith.constant 10 : i32
    %shift_left3A_729 = vector.broadcast %shift_left3A_728 : i32 to vector<16xi32>
    %shift_left3A_730 = arith.shli %shift_right_arithmetic3A_727, %shift_left3A_729 : vector<16xi32>
    %or3A_731 = arith.ori %shift_left3A_730, %shift_left3A_14 : vector<16xi32>
    %and3A_732 = arith.constant 127 : i32
    %and3A_733 = vector.broadcast %and3A_732 : i32 to vector<16xi32>
    %and3A_734 = arith.andi %gather3A_724, %and3A_733 : vector<16xi32>
    %or3A_735 = arith.ori %or3A_731, %and3A_734 : vector<16xi32>
    %mul3A_736 = arith.constant 16 : i32
    %mul3A_737 = arith.muli %scan3A_715, %mul3A_736 : i32
    %swap3A_738 = arith.constant 0 : i32
    %swap3A_739 = arith.index_cast %swap3A_738 : i32 to index
    %swap3A_740 = arith.index_cast %mul3A_737 : i32 to index
    %swap3A_741 = tpu.vector_load %arg7[%swap3A_739, %swap3A_740] {strides = array<i32>} : memref<2x1024xi32, #tpu.memory_space<vmem>>, vector<16xi32>,
    tpu.vector_store %arg7[%swap3A_739, %swap3A_740], %or3A_735 {strides = array<i32>} : memref<2x1024xi32, #tpu.memory_space<vmem>>, vector<16xi32>,
    %scan3A_742 = arith.constant 27 : i32
    %mul3A_743 = arith.constant 2 : i32
    %mul3A_744 = arith.muli %mul3A_743, %scan3A_742 : i32
    %add3A_745 = vector.broadcast %mul3A_744 : i32 to vector<16xi32>
    %add3A_746 = arith.addi %add3A_745, %shift_right_arithmetic3A_4 : vector<16xi32>
    %gather3A_747 = arith.constant 0 : i32
    %gather3A_748 = arith.constant 0 : i32
    %gather3A_749 = tpu.memref_slice %arg6[%gather3A_747, %gather3A_748] : memref<2x128xi32, #tpu.memory_space<vmem>> -> memref<1x128xi32, #tpu.memory_space<vmem>>
    %gather3A_750 = tpu.memref_squeeze %gather3A_749 : memref<1x128xi32, #tpu.memory_space<vmem>> -> memref<128xi32, #tpu.memory_space<vmem>>
    %gather3A_751 = tpu.vector_load_idx %gather3A_750[%add3A_746] : memref<128xi32, #tpu.memory_space<vmem>>[vector<16xi32>], vector<16xi32>,
    %shift_right_arithmetic3A_752 = arith.constant 7 : i32
    %shift_right_arithmetic3A_753 = vector.broadcast %shift_right_arithmetic3A_752 : i32 to vector<16xi32>
    %shift_right_arithmetic3A_754 = arith.shrsi %gather3A_751, %shift_right_arithmetic3A_753 : vector<16xi32>
    %shift_left3A_755 = arith.constant 10 : i32
    %shift_left3A_756 = vector.broadcast %shift_left3A_755 : i32 to vector<16xi32>
    %shift_left3A_757 = arith.shli %shift_right_arithmetic3A_754, %shift_left3A_756 : vector<16xi32>
    %or3A_758 = arith.ori %shift_left3A_757, %shift_left3A_14 : vector<16xi32>
    %and3A_759 = arith.constant 127 : i32
    %and3A_760 = vector.broadcast %and3A_759 : i32 to vector<16xi32>
    %and3A_761 = arith.andi %gather3A_751, %and3A_760 : vector<16xi32>
    %or3A_762 = arith.ori %or3A_758, %and3A_761 : vector<16xi32>
    %mul3A_763 = arith.constant 16 : i32
    %mul3A_764 = arith.muli %scan3A_742, %mul3A_763 : i32
    %swap3A_765 = arith.constant 0 : i32
    %swap3A_766 = arith.index_cast %swap3A_765 : i32 to index
    %swap3A_767 = arith.index_cast %mul3A_764 : i32 to index
    %swap3A_768 = tpu.vector_load %arg7[%swap3A_766, %swap3A_767] {strides = array<i32>} : memref<2x1024xi32, #tpu.memory_space<vmem>>, vector<16xi32>,
    tpu.vector_store %arg7[%swap3A_766, %swap3A_767], %or3A_762 {strides = array<i32>} : memref<2x1024xi32, #tpu.memory_space<vmem>>, vector<16xi32>,
    %scan3A_769 = arith.constant 28 : i32
    %mul3A_770 = arith.constant 2 : i32
    %mul3A_771 = arith.muli %mul3A_770, %scan3A_769 : i32
    %add3A_772 = vector.broadcast %mul3A_771 : i32 to vector<16xi32>
    %add3A_773 = arith.addi %add3A_772, %shift_right_arithmetic3A_4 : vector<16xi32>
    %gather3A_774 = arith.constant 0 : i32
    %gather3A_775 = arith.constant 0 : i32
    %gather3A_776 = tpu.memref_slice %arg6[%gather3A_774, %gather3A_775] : memref<2x128xi32, #tpu.memory_space<vmem>> -> memref<1x128xi32, #tpu.memory_space<vmem>>
    %gather3A_777 = tpu.memref_squeeze %gather3A_776 : memref<1x128xi32, #tpu.memory_space<vmem>> -> memref<128xi32, #tpu.memory_space<vmem>>
    %gather3A_778 = tpu.vector_load_idx %gather3A_777[%add3A_773] : memref<128xi32, #tpu.memory_space<vmem>>[vector<16xi32>], vector<16xi32>,
    %shift_right_arithmetic3A_779 = arith.constant 7 : i32
    %shift_right_arithmetic3A_780 = vector.broadcast %shift_right_arithmetic3A_779 : i32 to vector<16xi32>
    %shift_right_arithmetic3A_781 = arith.shrsi %gather3A_778, %shift_right_arithmetic3A_780 : vector<16xi32>
    %shift_left3A_782 = arith.constant 10 : i32
    %shift_left3A_783 = vector.broadcast %shift_left3A_782 : i32 to vector<16xi32>
    %shift_left3A_784 = arith.shli %shift_right_arithmetic3A_781, %shift_left3A_783 : vector<16xi32>
    %or3A_785 = arith.ori %shift_left3A_784, %shift_left3A_14 : vector<16xi32>
    %and3A_786 = arith.constant 127 : i32
    %and3A_787 = vector.broadcast %and3A_786 : i32 to vector<16xi32>
    %and3A_788 = arith.andi %gather3A_778, %and3A_787 : vector<16xi32>
    %or3A_789 = arith.ori %or3A_785, %and3A_788 : vector<16xi32>
    %mul3A_790 = arith.constant 16 : i32
    %mul3A_791 = arith.muli %scan3A_769, %mul3A_790 : i32
    %swap3A_792 = arith.constant 0 : i32
    %swap3A_793 = arith.index_cast %swap3A_792 : i32 to index
    %swap3A_794 = arith.index_cast %mul3A_791 : i32 to index
    %swap3A_795 = tpu.vector_load %arg7[%swap3A_793, %swap3A_794] {strides = array<i32>} : memref<2x1024xi32, #tpu.memory_space<vmem>>, vector<16xi32>,
    tpu.vector_store %arg7[%swap3A_793, %swap3A_794], %or3A_789 {strides = array<i32>} : memref<2x1024xi32, #tpu.memory_space<vmem>>, vector<16xi32>,
    %scan3A_796 = arith.constant 29 : i32
    %mul3A_797 = arith.constant 2 : i32
    %mul3A_798 = arith.muli %mul3A_797, %scan3A_796 : i32
    %add3A_799 = vector.broadcast %mul3A_798 : i32 to vector<16xi32>
    %add3A_800 = arith.addi %add3A_799, %shift_right_arithmetic3A_4 : vector<16xi32>
    %gather3A_801 = arith.constant 0 : i32
    %gather3A_802 = arith.constant 0 : i32
    %gather3A_803 = tpu.memref_slice %arg6[%gather3A_801, %gather3A_802] : memref<2x128xi32, #tpu.memory_space<vmem>> -> memref<1x128xi32, #tpu.memory_space<vmem>>
    %gather3A_804 = tpu.memref_squeeze %gather3A_803 : memref<1x128xi32, #tpu.memory_space<vmem>> -> memref<128xi32, #tpu.memory_space<vmem>>
    %gather3A_805 = tpu.vector_load_idx %gather3A_804[%add3A_800] : memref<128xi32, #tpu.memory_space<vmem>>[vector<16xi32>], vector<16xi32>,
    %shift_right_arithmetic3A_806 = arith.constant 7 : i32
    %shift_right_arithmetic3A_807 = vector.broadcast %shift_right_arithmetic3A_806 : i32 to vector<16xi32>
    %shift_right_arithmetic3A_808 = arith.shrsi %gather3A_805, %shift_right_arithmetic3A_807 : vector<16xi32>
    %shift_left3A_809 = arith.constant 10 : i32
    %shift_left3A_810 = vector.broadcast %shift_left3A_809 : i32 to vector<16xi32>
    %shift_left3A_811 = arith.shli %shift_right_arithmetic3A_808, %shift_left3A_810 : vector<16xi32>
    %or3A_812 = arith.ori %shift_left3A_811, %shift_left3A_14 : vector<16xi32>
    %and3A_813 = arith.constant 127 : i32
    %and3A_814 = vector.broadcast %and3A_813 : i32 to vector<16xi32>
    %and3A_815 = arith.andi %gather3A_805, %and3A_814 : vector<16xi32>
    %or3A_816 = arith.ori %or3A_812, %and3A_815 : vector<16xi32>
    %mul3A_817 = arith.constant 16 : i32
    %mul3A_818 = arith.muli %scan3A_796, %mul3A_817 : i32
    %swap3A_819 = arith.constant 0 : i32
    %swap3A_820 = arith.index_cast %swap3A_819 : i32 to index
    %swap3A_821 = arith.index_cast %mul3A_818 : i32 to index
    %swap3A_822 = tpu.vector_load %arg7[%swap3A_820, %swap3A_821] {strides = array<i32>} : memref<2x1024xi32, #tpu.memory_space<vmem>>, vector<16xi32>,
    tpu.vector_store %arg7[%swap3A_820, %swap3A_821], %or3A_816 {strides = array<i32>} : memref<2x1024xi32, #tpu.memory_space<vmem>>, vector<16xi32>,
    %scan3A_823 = arith.constant 30 : i32
    %mul3A_824 = arith.constant 2 : i32
    %mul3A_825 = arith.muli %mul3A_824, %scan3A_823 : i32
    %add3A_826 = vector.broadcast %mul3A_825 : i32 to vector<16xi32>
    %add3A_827 = arith.addi %add3A_826, %shift_right_arithmetic3A_4 : vector<16xi32>
    %gather3A_828 = arith.constant 0 : i32
    %gather3A_829 = arith.constant 0 : i32
    %gather3A_830 = tpu.memref_slice %arg6[%gather3A_828, %gather3A_829] : memref<2x128xi32, #tpu.memory_space<vmem>> -> memref<1x128xi32, #tpu.memory_space<vmem>>
    %gather3A_831 = tpu.memref_squeeze %gather3A_830 : memref<1x128xi32, #tpu.memory_space<vmem>> -> memref<128xi32, #tpu.memory_space<vmem>>
    %gather3A_832 = tpu.vector_load_idx %gather3A_831[%add3A_827] : memref<128xi32, #tpu.memory_space<vmem>>[vector<16xi32>], vector<16xi32>,
    %shift_right_arithmetic3A_833 = arith.constant 7 : i32
    %shift_right_arithmetic3A_834 = vector.broadcast %shift_right_arithmetic3A_833 : i32 to vector<16xi32>
    %shift_right_arithmetic3A_835 = arith.shrsi %gather3A_832, %shift_right_arithmetic3A_834 : vector<16xi32>
    %shift_left3A_836 = arith.constant 10 : i32
    %shift_left3A_837 = vector.broadcast %shift_left3A_836 : i32 to vector<16xi32>
    %shift_left3A_838 = arith.shli %shift_right_arithmetic3A_835, %shift_left3A_837 : vector<16xi32>
    %or3A_839 = arith.ori %shift_left3A_838, %shift_left3A_14 : vector<16xi32>
    %and3A_840 = arith.constant 127 : i32
    %and3A_841 = vector.broadcast %and3A_840 : i32 to vector<16xi32>
    %and3A_842 = arith.andi %gather3A_832, %and3A_841 : vector<16xi32>
    %or3A_843 = arith.ori %or3A_839, %and3A_842 : vector<16xi32>
    %mul3A_844 = arith.constant 16 : i32
    %mul3A_845 = arith.muli %scan3A_823, %mul3A_844 : i32
    %swap3A_846 = arith.constant 0 : i32
    %swap3A_847 = arith.index_cast %swap3A_846 : i32 to index
    %swap3A_848 = arith.index_cast %mul3A_845 : i32 to index
    %swap3A_849 = tpu.vector_load %arg7[%swap3A_847, %swap3A_848] {strides = array<i32>} : memref<2x1024xi32, #tpu.memory_space<vmem>>, vector<16xi32>,
    tpu.vector_store %arg7[%swap3A_847, %swap3A_848], %or3A_843 {strides = array<i32>} : memref<2x1024xi32, #tpu.memory_space<vmem>>, vector<16xi32>,
    %scan3A_850 = arith.constant 31 : i32
    %mul3A_851 = arith.constant 2 : i32
    %mul3A_852 = arith.muli %mul3A_851, %scan3A_850 : i32
    %add3A_853 = vector.broadcast %mul3A_852 : i32 to vector<16xi32>
    %add3A_854 = arith.addi %add3A_853, %shift_right_arithmetic3A_4 : vector<16xi32>
    %gather3A_855 = arith.constant 0 : i32
    %gather3A_856 = arith.constant 0 : i32
    %gather3A_857 = tpu.memref_slice %arg6[%gather3A_855, %gather3A_856] : memref<2x128xi32, #tpu.memory_space<vmem>> -> memref<1x128xi32, #tpu.memory_space<vmem>>
    %gather3A_858 = tpu.memref_squeeze %gather3A_857 : memref<1x128xi32, #tpu.memory_space<vmem>> -> memref<128xi32, #tpu.memory_space<vmem>>
    %gather3A_859 = tpu.vector_load_idx %gather3A_858[%add3A_854] : memref<128xi32, #tpu.memory_space<vmem>>[vector<16xi32>], vector<16xi32>,
    %shift_right_arithmetic3A_860 = arith.constant 7 : i32
    %shift_right_arithmetic3A_861 = vector.broadcast %shift_right_arithmetic3A_860 : i32 to vector<16xi32>
    %shift_right_arithmetic3A_862 = arith.shrsi %gather3A_859, %shift_right_arithmetic3A_861 : vector<16xi32>
    %shift_left3A_863 = arith.constant 10 : i32
    %shift_left3A_864 = vector.broadcast %shift_left3A_863 : i32 to vector<16xi32>
    %shift_left3A_865 = arith.shli %shift_right_arithmetic3A_862, %shift_left3A_864 : vector<16xi32>
    %or3A_866 = arith.ori %shift_left3A_865, %shift_left3A_14 : vector<16xi32>
    %and3A_867 = arith.constant 127 : i32
    %and3A_868 = vector.broadcast %and3A_867 : i32 to vector<16xi32>
    %and3A_869 = arith.andi %gather3A_859, %and3A_868 : vector<16xi32>
    %or3A_870 = arith.ori %or3A_866, %and3A_869 : vector<16xi32>
    %mul3A_871 = arith.constant 16 : i32
    %mul3A_872 = arith.muli %scan3A_850, %mul3A_871 : i32
    %swap3A_873 = arith.constant 0 : i32
    %swap3A_874 = arith.index_cast %swap3A_873 : i32 to index
    %swap3A_875 = arith.index_cast %mul3A_872 : i32 to index
    %swap3A_876 = tpu.vector_load %arg7[%swap3A_874, %swap3A_875] {strides = array<i32>} : memref<2x1024xi32, #tpu.memory_space<vmem>>, vector<16xi32>,
    tpu.vector_store %arg7[%swap3A_874, %swap3A_875], %or3A_870 {strides = array<i32>} : memref<2x1024xi32, #tpu.memory_space<vmem>>, vector<16xi32>,
    %scan3A_877 = arith.constant 32 : i32
    %mul3A_878 = arith.constant 2 : i32
    %mul3A_879 = arith.muli %mul3A_878, %scan3A_877 : i32
    %add3A_880 = vector.broadcast %mul3A_879 : i32 to vector<16xi32>
    %add3A_881 = arith.addi %add3A_880, %shift_right_arithmetic3A_4 : vector<16xi32>
    %gather3A_882 = arith.constant 0 : i32
    %gather3A_883 = arith.constant 0 : i32
    %gather3A_884 = tpu.memref_slice %arg6[%gather3A_882, %gather3A_883] : memref<2x128xi32, #tpu.memory_space<vmem>> -> memref<1x128xi32, #tpu.memory_space<vmem>>
    %gather3A_885 = tpu.memref_squeeze %gather3A_884 : memref<1x128xi32, #tpu.memory_space<vmem>> -> memref<128xi32, #tpu.memory_space<vmem>>
    %gather3A_886 = tpu.vector_load_idx %gather3A_885[%add3A_881] : memref<128xi32, #tpu.memory_space<vmem>>[vector<16xi32>], vector<16xi32>,
    %shift_right_arithmetic3A_887 = arith.constant 7 : i32
    %shift_right_arithmetic3A_888 = vector.broadcast %shift_right_arithmetic3A_887 : i32 to vector<16xi32>
    %shift_right_arithmetic3A_889 = arith.shrsi %gather3A_886, %shift_right_arithmetic3A_888 : vector<16xi32>
    %shift_left3A_890 = arith.constant 10 : i32
    %shift_left3A_891 = vector.broadcast %shift_left3A_890 : i32 to vector<16xi32>
    %shift_left3A_892 = arith.shli %shift_right_arithmetic3A_889, %shift_left3A_891 : vector<16xi32>
    %or3A_893 = arith.ori %shift_left3A_892, %shift_left3A_14 : vector<16xi32>
    %and3A_894 = arith.constant 127 : i32
    %and3A_895 = vector.broadcast %and3A_894 : i32 to vector<16xi32>
    %and3A_896 = arith.andi %gather3A_886, %and3A_895 : vector<16xi32>
    %or3A_897 = arith.ori %or3A_893, %and3A_896 : vector<16xi32>
    %mul3A_898 = arith.constant 16 : i32
    %mul3A_899 = arith.muli %scan3A_877, %mul3A_898 : i32
    %swap3A_900 = arith.constant 0 : i32
    %swap3A_901 = arith.index_cast %swap3A_900 : i32 to index
    %swap3A_902 = arith.index_cast %mul3A_899 : i32 to index
    %swap3A_903 = tpu.vector_load %arg7[%swap3A_901, %swap3A_902] {strides = array<i32>} : memref<2x1024xi32, #tpu.memory_space<vmem>>, vector<16xi32>,
    tpu.vector_store %arg7[%swap3A_901, %swap3A_902], %or3A_897 {strides = array<i32>} : memref<2x1024xi32, #tpu.memory_space<vmem>>, vector<16xi32>,
    %scan3A_904 = arith.constant 33 : i32
    %mul3A_905 = arith.constant 2 : i32
    %mul3A_906 = arith.muli %mul3A_905, %scan3A_904 : i32
    %add3A_907 = vector.broadcast %mul3A_906 : i32 to vector<16xi32>
    %add3A_908 = arith.addi %add3A_907, %shift_right_arithmetic3A_4 : vector<16xi32>
    %gather3A_909 = arith.constant 0 : i32
    %gather3A_910 = arith.constant 0 : i32
    %gather3A_911 = tpu.memref_slice %arg6[%gather3A_909, %gather3A_910] : memref<2x128xi32, #tpu.memory_space<vmem>> -> memref<1x128xi32, #tpu.memory_space<vmem>>
    %gather3A_912 = tpu.memref_squeeze %gather3A_911 : memref<1x128xi32, #tpu.memory_space<vmem>> -> memref<128xi32, #tpu.memory_space<vmem>>
    %gather3A_913 = tpu.vector_load_idx %gather3A_912[%add3A_908] : memref<128xi32, #tpu.memory_space<vmem>>[vector<16xi32>], vector<16xi32>,
    %shift_right_arithmetic3A_914 = arith.constant 7 : i32
    %shift_right_arithmetic3A_915 = vector.broadcast %shift_right_arithmetic3A_914 : i32 to vector<16xi32>
    %shift_right_arithmetic3A_916 = arith.shrsi %gather3A_913, %shift_right_arithmetic3A_915 : vector<16xi32>
    %shift_left3A_917 = arith.constant 10 : i32
    %shift_left3A_918 = vector.broadcast %shift_left3A_917 : i32 to vector<16xi32>
    %shift_left3A_919 = arith.shli %shift_right_arithmetic3A_916, %shift_left3A_918 : vector<16xi32>
    %or3A_920 = arith.ori %shift_left3A_919, %shift_left3A_14 : vector<16xi32>
    %and3A_921 = arith.constant 127 : i32
    %and3A_922 = vector.broadcast %and3A_921 : i32 to vector<16xi32>
    %and3A_923 = arith.andi %gather3A_913, %and3A_922 : vector<16xi32>
    %or3A_924 = arith.ori %or3A_920, %and3A_923 : vector<16xi32>
    %mul3A_925 = arith.constant 16 : i32
    %mul3A_926 = arith.muli %scan3A_904, %mul3A_925 : i32
    %swap3A_927 = arith.constant 0 : i32
    %swap3A_928 = arith.index_cast %swap3A_927 : i32 to index
    %swap3A_929 = arith.index_cast %mul3A_926 : i32 to index
    %swap3A_930 = tpu.vector_load %arg7[%swap3A_928, %swap3A_929] {strides = array<i32>} : memref<2x1024xi32, #tpu.memory_space<vmem>>, vector<16xi32>,
    tpu.vector_store %arg7[%swap3A_928, %swap3A_929], %or3A_924 {strides = array<i32>} : memref<2x1024xi32, #tpu.memory_space<vmem>>, vector<16xi32>,
    %scan3A_931 = arith.constant 34 : i32
    %mul3A_932 = arith.constant 2 : i32
    %mul3A_933 = arith.muli %mul3A_932, %scan3A_931 : i32
    %add3A_934 = vector.broadcast %mul3A_933 : i32 to vector<16xi32>
    %add3A_935 = arith.addi %add3A_934, %shift_right_arithmetic3A_4 : vector<16xi32>
    %gather3A_936 = arith.constant 0 : i32
    %gather3A_937 = arith.constant 0 : i32
    %gather3A_938 = tpu.memref_slice %arg6[%gather3A_936, %gather3A_937] : memref<2x128xi32, #tpu.memory_space<vmem>> -> memref<1x128xi32, #tpu.memory_space<vmem>>
    %gather3A_939 = tpu.memref_squeeze %gather3A_938 : memref<1x128xi32, #tpu.memory_space<vmem>> -> memref<128xi32, #tpu.memory_space<vmem>>
    %gather3A_940 = tpu.vector_load_idx %gather3A_939[%add3A_935] : memref<128xi32, #tpu.memory_space<vmem>>[vector<16xi32>], vector<16xi32>,
    %shift_right_arithmetic3A_941 = arith.constant 7 : i32
    %shift_right_arithmetic3A_942 = vector.broadcast %shift_right_arithmetic3A_941 : i32 to vector<16xi32>
    %shift_right_arithmetic3A_943 = arith.shrsi %gather3A_940, %shift_right_arithmetic3A_942 : vector<16xi32>
    %shift_left3A_944 = arith.constant 10 : i32
    %shift_left3A_945 = vector.broadcast %shift_left3A_944 : i32 to vector<16xi32>
    %shift_left3A_946 = arith.shli %shift_right_arithmetic3A_943, %shift_left3A_945 : vector<16xi32>
    %or3A_947 = arith.ori %shift_left3A_946, %shift_left3A_14 : vector<16xi32>
    %and3A_948 = arith.constant 127 : i32
    %and3A_949 = vector.broadcast %and3A_948 : i32 to vector<16xi32>
    %and3A_950 = arith.andi %gather3A_940, %and3A_949 : vector<16xi32>
    %or3A_951 = arith.ori %or3A_947, %and3A_950 : vector<16xi32>
    %mul3A_952 = arith.constant 16 : i32
    %mul3A_953 = arith.muli %scan3A_931, %mul3A_952 : i32
    %swap3A_954 = arith.constant 0 : i32
    %swap3A_955 = arith.index_cast %swap3A_954 : i32 to index
    %swap3A_956 = arith.index_cast %mul3A_953 : i32 to index
    %swap3A_957 = tpu.vector_load %arg7[%swap3A_955, %swap3A_956] {strides = array<i32>} : memref<2x1024xi32, #tpu.memory_space<vmem>>, vector<16xi32>,
    tpu.vector_store %arg7[%swap3A_955, %swap3A_956], %or3A_951 {strides = array<i32>} : memref<2x1024xi32, #tpu.memory_space<vmem>>, vector<16xi32>,
    %scan3A_958 = arith.constant 35 : i32
    %mul3A_959 = arith.constant 2 : i32
    %mul3A_960 = arith.muli %mul3A_959, %scan3A_958 : i32
    %add3A_961 = vector.broadcast %mul3A_960 : i32 to vector<16xi32>
    %add3A_962 = arith.addi %add3A_961, %shift_right_arithmetic3A_4 : vector<16xi32>
    %gather3A_963 = arith.constant 0 : i32
    %gather3A_964 = arith.constant 0 : i32
    %gather3A_965 = tpu.memref_slice %arg6[%gather3A_963, %gather3A_964] : memref<2x128xi32, #tpu.memory_space<vmem>> -> memref<1x128xi32, #tpu.memory_space<vmem>>
    %gather3A_966 = tpu.memref_squeeze %gather3A_965 : memref<1x128xi32, #tpu.memory_space<vmem>> -> memref<128xi32, #tpu.memory_space<vmem>>
    %gather3A_967 = tpu.vector_load_idx %gather3A_966[%add3A_962] : memref<128xi32, #tpu.memory_space<vmem>>[vector<16xi32>], vector<16xi32>,
    %shift_right_arithmetic3A_968 = arith.constant 7 : i32
    %shift_right_arithmetic3A_969 = vector.broadcast %shift_right_arithmetic3A_968 : i32 to vector<16xi32>
    %shift_right_arithmetic3A_970 = arith.shrsi %gather3A_967, %shift_right_arithmetic3A_969 : vector<16xi32>
    %shift_left3A_971 = arith.constant 10 : i32
    %shift_left3A_972 = vector.broadcast %shift_left3A_971 : i32 to vector<16xi32>
    %shift_left3A_973 = arith.shli %shift_right_arithmetic3A_970, %shift_left3A_972 : vector<16xi32>
    %or3A_974 = arith.ori %shift_left3A_973, %shift_left3A_14 : vector<16xi32>
    %and3A_975 = arith.constant 127 : i32
    %and3A_976 = vector.broadcast %and3A_975 : i32 to vector<16xi32>
    %and3A_977 = arith.andi %gather3A_967, %and3A_976 : vector<16xi32>
    %or3A_978 = arith.ori %or3A_974, %and3A_977 : vector<16xi32>
    %mul3A_979 = arith.constant 16 : i32
    %mul3A_980 = arith.muli %scan3A_958, %mul3A_979 : i32
    %swap3A_981 = arith.constant 0 : i32
    %swap3A_982 = arith.index_cast %swap3A_981 : i32 to index
    %swap3A_983 = arith.index_cast %mul3A_980 : i32 to index
    %swap3A_984 = tpu.vector_load %arg7[%swap3A_982, %swap3A_983] {strides = array<i32>} : memref<2x1024xi32, #tpu.memory_space<vmem>>, vector<16xi32>,
    tpu.vector_store %arg7[%swap3A_982, %swap3A_983], %or3A_978 {strides = array<i32>} : memref<2x1024xi32, #tpu.memory_space<vmem>>, vector<16xi32>,
    %scan3A_985 = arith.constant 36 : i32
    %mul3A_986 = arith.constant 2 : i32
    %mul3A_987 = arith.muli %mul3A_986, %scan3A_985 : i32
    %add3A_988 = vector.broadcast %mul3A_987 : i32 to vector<16xi32>
    %add3A_989 = arith.addi %add3A_988, %shift_right_arithmetic3A_4 : vector<16xi32>
    %gather3A_990 = arith.constant 0 : i32
    %gather3A_991 = arith.constant 0 : i32
    %gather3A_992 = tpu.memref_slice %arg6[%gather3A_990, %gather3A_991] : memref<2x128xi32, #tpu.memory_space<vmem>> -> memref<1x128xi32, #tpu.memory_space<vmem>>
    %gather3A_993 = tpu.memref_squeeze %gather3A_992 : memref<1x128xi32, #tpu.memory_space<vmem>> -> memref<128xi32, #tpu.memory_space<vmem>>
    %gather3A_994 = tpu.vector_load_idx %gather3A_993[%add3A_989] : memref<128xi32, #tpu.memory_space<vmem>>[vector<16xi32>], vector<16xi32>,
    %shift_right_arithmetic3A_995 = arith.constant 7 : i32
    %shift_right_arithmetic3A_996 = vector.broadcast %shift_right_arithmetic3A_995 : i32 to vector<16xi32>
    %shift_right_arithmetic3A_997 = arith.shrsi %gather3A_994, %shift_right_arithmetic3A_996 : vector<16xi32>
    %shift_left3A_998 = arith.constant 10 : i32
    %shift_left3A_999 = vector.broadcast %shift_left3A_998 : i32 to vector<16xi32>
    %shift_left3A_1000 = arith.shli %shift_right_arithmetic3A_997, %shift_left3A_999 : vector<16xi32>
    %or3A_1001 = arith.ori %shift_left3A_1000, %shift_left3A_14 : vector<16xi32>
    %and3A_1002 = arith.constant 127 : i32
    %and3A_1003 = vector.broadcast %and3A_1002 : i32 to vector<16xi32>
    %and3A_1004 = arith.andi %gather3A_994, %and3A_1003 : vector<16xi32>
    %or3A_1005 = arith.ori %or3A_1001, %and3A_1004 : vector<16xi32>
    %mul3A_1006 = arith.constant 16 : i32
    %mul3A_1007 = arith.muli %scan3A_985, %mul3A_1006 : i32
    %swap3A_1008 = arith.constant 0 : i32
    %swap3A_1009 = arith.index_cast %swap3A_1008 : i32 to index
    %swap3A_1010 = arith.index_cast %mul3A_1007 : i32 to index
    %swap3A_1011 = tpu.vector_load %arg7[%swap3A_1009, %swap3A_1010] {strides = array<i32>} : memref<2x1024xi32, #tpu.memory_space<vmem>>, vector<16xi32>,
    tpu.vector_store %arg7[%swap3A_1009, %swap3A_1010], %or3A_1005 {strides = array<i32>} : memref<2x1024xi32, #tpu.memory_space<vmem>>, vector<16xi32>,
    %scan3A_1012 = arith.constant 37 : i32
    %mul3A_1013 = arith.constant 2 : i32
    %mul3A_1014 = arith.muli %mul3A_1013, %scan3A_1012 : i32
    %add3A_1015 = vector.broadcast %mul3A_1014 : i32 to vector<16xi32>
    %add3A_1016 = arith.addi %add3A_1015, %shift_right_arithmetic3A_4 : vector<16xi32>
    %gather3A_1017 = arith.constant 0 : i32
    %gather3A_1018 = arith.constant 0 : i32
    %gather3A_1019 = tpu.memref_slice %arg6[%gather3A_1017, %gather3A_1018] : memref<2x128xi32, #tpu.memory_space<vmem>> -> memref<1x128xi32, #tpu.memory_space<vmem>>
    %gather3A_1020 = tpu.memref_squeeze %gather3A_1019 : memref<1x128xi32, #tpu.memory_space<vmem>> -> memref<128xi32, #tpu.memory_space<vmem>>
    %gather3A_1021 = tpu.vector_load_idx %gather3A_1020[%add3A_1016] : memref<128xi32, #tpu.memory_space<vmem>>[vector<16xi32>], vector<16xi32>,
    %shift_right_arithmetic3A_1022 = arith.constant 7 : i32
    %shift_right_arithmetic3A_1023 = vector.broadcast %shift_right_arithmetic3A_1022 : i32 to vector<16xi32>
    %shift_right_arithmetic3A_1024 = arith.shrsi %gather3A_1021, %shift_right_arithmetic3A_1023 : vector<16xi32>
    %shift_left3A_1025 = arith.constant 10 : i32
    %shift_left3A_1026 = vector.broadcast %shift_left3A_1025 : i32 to vector<16xi32>
    %shift_left3A_1027 = arith.shli %shift_right_arithmetic3A_1024, %shift_left3A_1026 : vector<16xi32>
    %or3A_1028 = arith.ori %shift_left3A_1027, %shift_left3A_14 : vector<16xi32>
    %and3A_1029 = arith.constant 127 : i32
    %and3A_1030 = vector.broadcast %and3A_1029 : i32 to vector<16xi32>
    %and3A_1031 = arith.andi %gather3A_1021, %and3A_1030 : vector<16xi32>
    %or3A_1032 = arith.ori %or3A_1028, %and3A_1031 : vector<16xi32>
    %mul3A_1033 = arith.constant 16 : i32
    %mul3A_1034 = arith.muli %scan3A_1012, %mul3A_1033 : i32
    %swap3A_1035 = arith.constant 0 : i32
    %swap3A_1036 = arith.index_cast %swap3A_1035 : i32 to index
    %swap3A_1037 = arith.index_cast %mul3A_1034 : i32 to index
    %swap3A_1038 = tpu.vector_load %arg7[%swap3A_1036, %swap3A_1037] {strides = array<i32>} : memref<2x1024xi32, #tpu.memory_space<vmem>>, vector<16xi32>,
    tpu.vector_store %arg7[%swap3A_1036, %swap3A_1037], %or3A_1032 {strides = array<i32>} : memref<2x1024xi32, #tpu.memory_space<vmem>>, vector<16xi32>,
    %scan3A_1039 = arith.constant 38 : i32
    %mul3A_1040 = arith.constant 2 : i32
    %mul3A_1041 = arith.muli %mul3A_1040, %scan3A_1039 : i32
    %add3A_1042 = vector.broadcast %mul3A_1041 : i32 to vector<16xi32>
    %add3A_1043 = arith.addi %add3A_1042, %shift_right_arithmetic3A_4 : vector<16xi32>
    %gather3A_1044 = arith.constant 0 : i32
    %gather3A_1045 = arith.constant 0 : i32
    %gather3A_1046 = tpu.memref_slice %arg6[%gather3A_1044, %gather3A_1045] : memref<2x128xi32, #tpu.memory_space<vmem>> -> memref<1x128xi32, #tpu.memory_space<vmem>>
    %gather3A_1047 = tpu.memref_squeeze %gather3A_1046 : memref<1x128xi32, #tpu.memory_space<vmem>> -> memref<128xi32, #tpu.memory_space<vmem>>
    %gather3A_1048 = tpu.vector_load_idx %gather3A_1047[%add3A_1043] : memref<128xi32, #tpu.memory_space<vmem>>[vector<16xi32>], vector<16xi32>,
    %shift_right_arithmetic3A_1049 = arith.constant 7 : i32
    %shift_right_arithmetic3A_1050 = vector.broadcast %shift_right_arithmetic3A_1049 : i32 to vector<16xi32>
    %shift_right_arithmetic3A_1051 = arith.shrsi %gather3A_1048, %shift_right_arithmetic3A_1050 : vector<16xi32>
    %shift_left3A_1052 = arith.constant 10 : i32
    %shift_left3A_1053 = vector.broadcast %shift_left3A_1052 : i32 to vector<16xi32>
    %shift_left3A_1054 = arith.shli %shift_right_arithmetic3A_1051, %shift_left3A_1053 : vector<16xi32>
    %or3A_1055 = arith.ori %shift_left3A_1054, %shift_left3A_14 : vector<16xi32>
    %and3A_1056 = arith.constant 127 : i32
    %and3A_1057 = vector.broadcast %and3A_1056 : i32 to vector<16xi32>
    %and3A_1058 = arith.andi %gather3A_1048, %and3A_1057 : vector<16xi32>
    %or3A_1059 = arith.ori %or3A_1055, %and3A_1058 : vector<16xi32>
    %mul3A_1060 = arith.constant 16 : i32
    %mul3A_1061 = arith.muli %scan3A_1039, %mul3A_1060 : i32
    %swap3A_1062 = arith.constant 0 : i32
    %swap3A_1063 = arith.index_cast %swap3A_1062 : i32 to index
    %swap3A_1064 = arith.index_cast %mul3A_1061 : i32 to index
    %swap3A_1065 = tpu.vector_load %arg7[%swap3A_1063, %swap3A_1064] {strides = array<i32>} : memref<2x1024xi32, #tpu.memory_space<vmem>>, vector<16xi32>,
    tpu.vector_store %arg7[%swap3A_1063, %swap3A_1064], %or3A_1059 {strides = array<i32>} : memref<2x1024xi32, #tpu.memory_space<vmem>>, vector<16xi32>,
    %scan3A_1066 = arith.constant 39 : i32
    %mul3A_1067 = arith.constant 2 : i32
    %mul3A_1068 = arith.muli %mul3A_1067, %scan3A_1066 : i32
    %add3A_1069 = vector.broadcast %mul3A_1068 : i32 to vector<16xi32>
    %add3A_1070 = arith.addi %add3A_1069, %shift_right_arithmetic3A_4 : vector<16xi32>
    %gather3A_1071 = arith.constant 0 : i32
    %gather3A_1072 = arith.constant 0 : i32
    %gather3A_1073 = tpu.memref_slice %arg6[%gather3A_1071, %gather3A_1072] : memref<2x128xi32, #tpu.memory_space<vmem>> -> memref<1x128xi32, #tpu.memory_space<vmem>>
    %gather3A_1074 = tpu.memref_squeeze %gather3A_1073 : memref<1x128xi32, #tpu.memory_space<vmem>> -> memref<128xi32, #tpu.memory_space<vmem>>
    %gather3A_1075 = tpu.vector_load_idx %gather3A_1074[%add3A_1070] : memref<128xi32, #tpu.memory_space<vmem>>[vector<16xi32>], vector<16xi32>,
    %shift_right_arithmetic3A_1076 = arith.constant 7 : i32
    %shift_right_arithmetic3A_1077 = vector.broadcast %shift_right_arithmetic3A_1076 : i32 to vector<16xi32>
    %shift_right_arithmetic3A_1078 = arith.shrsi %gather3A_1075, %shift_right_arithmetic3A_1077 : vector<16xi32>
    %shift_left3A_1079 = arith.constant 10 : i32
    %shift_left3A_1080 = vector.broadcast %shift_left3A_1079 : i32 to vector<16xi32>
    %shift_left3A_1081 = arith.shli %shift_right_arithmetic3A_1078, %shift_left3A_1080 : vector<16xi32>
    %or3A_1082 = arith.ori %shift_left3A_1081, %shift_left3A_14 : vector<16xi32>
    %and3A_1083 = arith.constant 127 : i32
    %and3A_1084 = vector.broadcast %and3A_1083 : i32 to vector<16xi32>
    %and3A_1085 = arith.andi %gather3A_1075, %and3A_1084 : vector<16xi32>
    %or3A_1086 = arith.ori %or3A_1082, %and3A_1085 : vector<16xi32>
    %mul3A_1087 = arith.constant 16 : i32
    %mul3A_1088 = arith.muli %scan3A_1066, %mul3A_1087 : i32
    %swap3A_1089 = arith.constant 0 : i32
    %swap3A_1090 = arith.index_cast %swap3A_1089 : i32 to index
    %swap3A_1091 = arith.index_cast %mul3A_1088 : i32 to index
    %swap3A_1092 = tpu.vector_load %arg7[%swap3A_1090, %swap3A_1091] {strides = array<i32>} : memref<2x1024xi32, #tpu.memory_space<vmem>>, vector<16xi32>,
    tpu.vector_store %arg7[%swap3A_1090, %swap3A_1091], %or3A_1086 {strides = array<i32>} : memref<2x1024xi32, #tpu.memory_space<vmem>>, vector<16xi32>,
    %scan3A_1093 = arith.constant 40 : i32
    %mul3A_1094 = arith.constant 2 : i32
    %mul3A_1095 = arith.muli %mul3A_1094, %scan3A_1093 : i32
    %add3A_1096 = vector.broadcast %mul3A_1095 : i32 to vector<16xi32>
    %add3A_1097 = arith.addi %add3A_1096, %shift_right_arithmetic3A_4 : vector<16xi32>
    %gather3A_1098 = arith.constant 0 : i32
    %gather3A_1099 = arith.constant 0 : i32
    %gather3A_1100 = tpu.memref_slice %arg6[%gather3A_1098, %gather3A_1099] : memref<2x128xi32, #tpu.memory_space<vmem>> -> memref<1x128xi32, #tpu.memory_space<vmem>>
    %gather3A_1101 = tpu.memref_squeeze %gather3A_1100 : memref<1x128xi32, #tpu.memory_space<vmem>> -> memref<128xi32, #tpu.memory_space<vmem>>
    %gather3A_1102 = tpu.vector_load_idx %gather3A_1101[%add3A_1097] : memref<128xi32, #tpu.memory_space<vmem>>[vector<16xi32>], vector<16xi32>,
    %shift_right_arithmetic3A_1103 = arith.constant 7 : i32
    %shift_right_arithmetic3A_1104 = vector.broadcast %shift_right_arithmetic3A_1103 : i32 to vector<16xi32>
    %shift_right_arithmetic3A_1105 = arith.shrsi %gather3A_1102, %shift_right_arithmetic3A_1104 : vector<16xi32>
    %shift_left3A_1106 = arith.constant 10 : i32
    %shift_left3A_1107 = vector.broadcast %shift_left3A_1106 : i32 to vector<16xi32>
    %shift_left3A_1108 = arith.shli %shift_right_arithmetic3A_1105, %shift_left3A_1107 : vector<16xi32>
    %or3A_1109 = arith.ori %shift_left3A_1108, %shift_left3A_14 : vector<16xi32>
    %and3A_1110 = arith.constant 127 : i32
    %and3A_1111 = vector.broadcast %and3A_1110 : i32 to vector<16xi32>
    %and3A_1112 = arith.andi %gather3A_1102, %and3A_1111 : vector<16xi32>
    %or3A_1113 = arith.ori %or3A_1109, %and3A_1112 : vector<16xi32>
    %mul3A_1114 = arith.constant 16 : i32
    %mul3A_1115 = arith.muli %scan3A_1093, %mul3A_1114 : i32
    %swap3A_1116 = arith.constant 0 : i32
    %swap3A_1117 = arith.index_cast %swap3A_1116 : i32 to index
    %swap3A_1118 = arith.index_cast %mul3A_1115 : i32 to index
    %swap3A_1119 = tpu.vector_load %arg7[%swap3A_1117, %swap3A_1118] {strides = array<i32>} : memref<2x1024xi32, #tpu.memory_space<vmem>>, vector<16xi32>,
    tpu.vector_store %arg7[%swap3A_1117, %swap3A_1118], %or3A_1113 {strides = array<i32>} : memref<2x1024xi32, #tpu.memory_space<vmem>>, vector<16xi32>,
    %scan3A_1120 = arith.constant 41 : i32
    %mul3A_1121 = arith.constant 2 : i32
    %mul3A_1122 = arith.muli %mul3A_1121, %scan3A_1120 : i32
    %add3A_1123 = vector.broadcast %mul3A_1122 : i32 to vector<16xi32>
    %add3A_1124 = arith.addi %add3A_1123, %shift_right_arithmetic3A_4 : vector<16xi32>
    %gather3A_1125 = arith.constant 0 : i32
    %gather3A_1126 = arith.constant 0 : i32
    %gather3A_1127 = tpu.memref_slice %arg6[%gather3A_1125, %gather3A_1126] : memref<2x128xi32, #tpu.memory_space<vmem>> -> memref<1x128xi32, #tpu.memory_space<vmem>>
    %gather3A_1128 = tpu.memref_squeeze %gather3A_1127 : memref<1x128xi32, #tpu.memory_space<vmem>> -> memref<128xi32, #tpu.memory_space<vmem>>
    %gather3A_1129 = tpu.vector_load_idx %gather3A_1128[%add3A_1124] : memref<128xi32, #tpu.memory_space<vmem>>[vector<16xi32>], vector<16xi32>,
    %shift_right_arithmetic3A_1130 = arith.constant 7 : i32
    %shift_right_arithmetic3A_1131 = vector.broadcast %shift_right_arithmetic3A_1130 : i32 to vector<16xi32>
    %shift_right_arithmetic3A_1132 = arith.shrsi %gather3A_1129, %shift_right_arithmetic3A_1131 : vector<16xi32>
    %shift_left3A_1133 = arith.constant 10 : i32
    %shift_left3A_1134 = vector.broadcast %shift_left3A_1133 : i32 to vector<16xi32>
    %shift_left3A_1135 = arith.shli %shift_right_arithmetic3A_1132, %shift_left3A_1134 : vector<16xi32>
    %or3A_1136 = arith.ori %shift_left3A_1135, %shift_left3A_14 : vector<16xi32>
    %and3A_1137 = arith.constant 127 : i32
    %and3A_1138 = vector.broadcast %and3A_1137 : i32 to vector<16xi32>
    %and3A_1139 = arith.andi %gather3A_1129, %and3A_1138 : vector<16xi32>
    %or3A_1140 = arith.ori %or3A_1136, %and3A_1139 : vector<16xi32>
    %mul3A_1141 = arith.constant 16 : i32
    %mul3A_1142 = arith.muli %scan3A_1120, %mul3A_1141 : i32
    %swap3A_1143 = arith.constant 0 : i32
    %swap3A_1144 = arith.index_cast %swap3A_1143 : i32 to index
    %swap3A_1145 = arith.index_cast %mul3A_1142 : i32 to index
    %swap3A_1146 = tpu.vector_load %arg7[%swap3A_1144, %swap3A_1145] {strides = array<i32>} : memref<2x1024xi32, #tpu.memory_space<vmem>>, vector<16xi32>,
    tpu.vector_store %arg7[%swap3A_1144, %swap3A_1145], %or3A_1140 {strides = array<i32>} : memref<2x1024xi32, #tpu.memory_space<vmem>>, vector<16xi32>,
    %scan3A_1147 = arith.constant 42 : i32
    %mul3A_1148 = arith.constant 2 : i32
    %mul3A_1149 = arith.muli %mul3A_1148, %scan3A_1147 : i32
    %add3A_1150 = vector.broadcast %mul3A_1149 : i32 to vector<16xi32>
    %add3A_1151 = arith.addi %add3A_1150, %shift_right_arithmetic3A_4 : vector<16xi32>
    %gather3A_1152 = arith.constant 0 : i32
    %gather3A_1153 = arith.constant 0 : i32
    %gather3A_1154 = tpu.memref_slice %arg6[%gather3A_1152, %gather3A_1153] : memref<2x128xi32, #tpu.memory_space<vmem>> -> memref<1x128xi32, #tpu.memory_space<vmem>>
    %gather3A_1155 = tpu.memref_squeeze %gather3A_1154 : memref<1x128xi32, #tpu.memory_space<vmem>> -> memref<128xi32, #tpu.memory_space<vmem>>
    %gather3A_1156 = tpu.vector_load_idx %gather3A_1155[%add3A_1151] : memref<128xi32, #tpu.memory_space<vmem>>[vector<16xi32>], vector<16xi32>,
    %shift_right_arithmetic3A_1157 = arith.constant 7 : i32
    %shift_right_arithmetic3A_1158 = vector.broadcast %shift_right_arithmetic3A_1157 : i32 to vector<16xi32>
    %shift_right_arithmetic3A_1159 = arith.shrsi %gather3A_1156, %shift_right_arithmetic3A_1158 : vector<16xi32>
    %shift_left3A_1160 = arith.constant 10 : i32
    %shift_left3A_1161 = vector.broadcast %shift_left3A_1160 : i32 to vector<16xi32>
    %shift_left3A_1162 = arith.shli %shift_right_arithmetic3A_1159, %shift_left3A_1161 : vector<16xi32>
    %or3A_1163 = arith.ori %shift_left3A_1162, %shift_left3A_14 : vector<16xi32>
    %and3A_1164 = arith.constant 127 : i32
    %and3A_1165 = vector.broadcast %and3A_1164 : i32 to vector<16xi32>
    %and3A_1166 = arith.andi %gather3A_1156, %and3A_1165 : vector<16xi32>
    %or3A_1167 = arith.ori %or3A_1163, %and3A_1166 : vector<16xi32>
    %mul3A_1168 = arith.constant 16 : i32
    %mul3A_1169 = arith.muli %scan3A_1147, %mul3A_1168 : i32
    %swap3A_1170 = arith.constant 0 : i32
    %swap3A_1171 = arith.index_cast %swap3A_1170 : i32 to index
    %swap3A_1172 = arith.index_cast %mul3A_1169 : i32 to index
    %swap3A_1173 = tpu.vector_load %arg7[%swap3A_1171, %swap3A_1172] {strides = array<i32>} : memref<2x1024xi32, #tpu.memory_space<vmem>>, vector<16xi32>,
    tpu.vector_store %arg7[%swap3A_1171, %swap3A_1172], %or3A_1167 {strides = array<i32>} : memref<2x1024xi32, #tpu.memory_space<vmem>>, vector<16xi32>,
    %scan3A_1174 = arith.constant 43 : i32
    %mul3A_1175 = arith.constant 2 : i32
    %mul3A_1176 = arith.muli %mul3A_1175, %scan3A_1174 : i32
    %add3A_1177 = vector.broadcast %mul3A_1176 : i32 to vector<16xi32>
    %add3A_1178 = arith.addi %add3A_1177, %shift_right_arithmetic3A_4 : vector<16xi32>
    %gather3A_1179 = arith.constant 0 : i32
    %gather3A_1180 = arith.constant 0 : i32
    %gather3A_1181 = tpu.memref_slice %arg6[%gather3A_1179, %gather3A_1180] : memref<2x128xi32, #tpu.memory_space<vmem>> -> memref<1x128xi32, #tpu.memory_space<vmem>>
    %gather3A_1182 = tpu.memref_squeeze %gather3A_1181 : memref<1x128xi32, #tpu.memory_space<vmem>> -> memref<128xi32, #tpu.memory_space<vmem>>
    %gather3A_1183 = tpu.vector_load_idx %gather3A_1182[%add3A_1178] : memref<128xi32, #tpu.memory_space<vmem>>[vector<16xi32>], vector<16xi32>,
    %shift_right_arithmetic3A_1184 = arith.constant 7 : i32
    %shift_right_arithmetic3A_1185 = vector.broadcast %shift_right_arithmetic3A_1184 : i32 to vector<16xi32>
    %shift_right_arithmetic3A_1186 = arith.shrsi %gather3A_1183, %shift_right_arithmetic3A_1185 : vector<16xi32>
    %shift_left3A_1187 = arith.constant 10 : i32
    %shift_left3A_1188 = vector.broadcast %shift_left3A_1187 : i32 to vector<16xi32>
    %shift_left3A_1189 = arith.shli %shift_right_arithmetic3A_1186, %shift_left3A_1188 : vector<16xi32>
    %or3A_1190 = arith.ori %shift_left3A_1189, %shift_left3A_14 : vector<16xi32>
    %and3A_1191 = arith.constant 127 : i32
    %and3A_1192 = vector.broadcast %and3A_1191 : i32 to vector<16xi32>
    %and3A_1193 = arith.andi %gather3A_1183, %and3A_1192 : vector<16xi32>
    %or3A_1194 = arith.ori %or3A_1190, %and3A_1193 : vector<16xi32>
    %mul3A_1195 = arith.constant 16 : i32
    %mul3A_1196 = arith.muli %scan3A_1174, %mul3A_1195 : i32
    %swap3A_1197 = arith.constant 0 : i32
    %swap3A_1198 = arith.index_cast %swap3A_1197 : i32 to index
    %swap3A_1199 = arith.index_cast %mul3A_1196 : i32 to index
    %swap3A_1200 = tpu.vector_load %arg7[%swap3A_1198, %swap3A_1199] {strides = array<i32>} : memref<2x1024xi32, #tpu.memory_space<vmem>>, vector<16xi32>,
    tpu.vector_store %arg7[%swap3A_1198, %swap3A_1199], %or3A_1194 {strides = array<i32>} : memref<2x1024xi32, #tpu.memory_space<vmem>>, vector<16xi32>,
    %scan3A_1201 = arith.constant 44 : i32
    %mul3A_1202 = arith.constant 2 : i32
    %mul3A_1203 = arith.muli %mul3A_1202, %scan3A_1201 : i32
    %add3A_1204 = vector.broadcast %mul3A_1203 : i32 to vector<16xi32>
    %add3A_1205 = arith.addi %add3A_1204, %shift_right_arithmetic3A_4 : vector<16xi32>
    %gather3A_1206 = arith.constant 0 : i32
    %gather3A_1207 = arith.constant 0 : i32
    %gather3A_1208 = tpu.memref_slice %arg6[%gather3A_1206, %gather3A_1207] : memref<2x128xi32, #tpu.memory_space<vmem>> -> memref<1x128xi32, #tpu.memory_space<vmem>>
    %gather3A_1209 = tpu.memref_squeeze %gather3A_1208 : memref<1x128xi32, #tpu.memory_space<vmem>> -> memref<128xi32, #tpu.memory_space<vmem>>
    %gather3A_1210 = tpu.vector_load_idx %gather3A_1209[%add3A_1205] : memref<128xi32, #tpu.memory_space<vmem>>[vector<16xi32>], vector<16xi32>,
    %shift_right_arithmetic3A_1211 = arith.constant 7 : i32
    %shift_right_arithmetic3A_1212 = vector.broadcast %shift_right_arithmetic3A_1211 : i32 to vector<16xi32>
    %shift_right_arithmetic3A_1213 = arith.shrsi %gather3A_1210, %shift_right_arithmetic3A_1212 : vector<16xi32>
    %shift_left3A_1214 = arith.constant 10 : i32
    %shift_left3A_1215 = vector.broadcast %shift_left3A_1214 : i32 to vector<16xi32>
    %shift_left3A_1216 = arith.shli %shift_right_arithmetic3A_1213, %shift_left3A_1215 : vector<16xi32>
    %or3A_1217 = arith.ori %shift_left3A_1216, %shift_left3A_14 : vector<16xi32>
    %and3A_1218 = arith.constant 127 : i32
    %and3A_1219 = vector.broadcast %and3A_1218 : i32 to vector<16xi32>
    %and3A_1220 = arith.andi %gather3A_1210, %and3A_1219 : vector<16xi32>
    %or3A_1221 = arith.ori %or3A_1217, %and3A_1220 : vector<16xi32>
    %mul3A_1222 = arith.constant 16 : i32
    %mul3A_1223 = arith.muli %scan3A_1201, %mul3A_1222 : i32
    %swap3A_1224 = arith.constant 0 : i32
    %swap3A_1225 = arith.index_cast %swap3A_1224 : i32 to index
    %swap3A_1226 = arith.index_cast %mul3A_1223 : i32 to index
    %swap3A_1227 = tpu.vector_load %arg7[%swap3A_1225, %swap3A_1226] {strides = array<i32>} : memref<2x1024xi32, #tpu.memory_space<vmem>>, vector<16xi32>,
    tpu.vector_store %arg7[%swap3A_1225, %swap3A_1226], %or3A_1221 {strides = array<i32>} : memref<2x1024xi32, #tpu.memory_space<vmem>>, vector<16xi32>,
    %scan3A_1228 = arith.constant 45 : i32
    %mul3A_1229 = arith.constant 2 : i32
    %mul3A_1230 = arith.muli %mul3A_1229, %scan3A_1228 : i32
    %add3A_1231 = vector.broadcast %mul3A_1230 : i32 to vector<16xi32>
    %add3A_1232 = arith.addi %add3A_1231, %shift_right_arithmetic3A_4 : vector<16xi32>
    %gather3A_1233 = arith.constant 0 : i32
    %gather3A_1234 = arith.constant 0 : i32
    %gather3A_1235 = tpu.memref_slice %arg6[%gather3A_1233, %gather3A_1234] : memref<2x128xi32, #tpu.memory_space<vmem>> -> memref<1x128xi32, #tpu.memory_space<vmem>>
    %gather3A_1236 = tpu.memref_squeeze %gather3A_1235 : memref<1x128xi32, #tpu.memory_space<vmem>> -> memref<128xi32, #tpu.memory_space<vmem>>
    %gather3A_1237 = tpu.vector_load_idx %gather3A_1236[%add3A_1232] : memref<128xi32, #tpu.memory_space<vmem>>[vector<16xi32>], vector<16xi32>,
    %shift_right_arithmetic3A_1238 = arith.constant 7 : i32
    %shift_right_arithmetic3A_1239 = vector.broadcast %shift_right_arithmetic3A_1238 : i32 to vector<16xi32>
    %shift_right_arithmetic3A_1240 = arith.shrsi %gather3A_1237, %shift_right_arithmetic3A_1239 : vector<16xi32>
    %shift_left3A_1241 = arith.constant 10 : i32
    %shift_left3A_1242 = vector.broadcast %shift_left3A_1241 : i32 to vector<16xi32>
    %shift_left3A_1243 = arith.shli %shift_right_arithmetic3A_1240, %shift_left3A_1242 : vector<16xi32>
    %or3A_1244 = arith.ori %shift_left3A_1243, %shift_left3A_14 : vector<16xi32>
    %and3A_1245 = arith.constant 127 : i32
    %and3A_1246 = vector.broadcast %and3A_1245 : i32 to vector<16xi32>
    %and3A_1247 = arith.andi %gather3A_1237, %and3A_1246 : vector<16xi32>
    %or3A_1248 = arith.ori %or3A_1244, %and3A_1247 : vector<16xi32>
    %mul3A_1249 = arith.constant 16 : i32
    %mul3A_1250 = arith.muli %scan3A_1228, %mul3A_1249 : i32
    %swap3A_1251 = arith.constant 0 : i32
    %swap3A_1252 = arith.index_cast %swap3A_1251 : i32 to index
    %swap3A_1253 = arith.index_cast %mul3A_1250 : i32 to index
    %swap3A_1254 = tpu.vector_load %arg7[%swap3A_1252, %swap3A_1253] {strides = array<i32>} : memref<2x1024xi32, #tpu.memory_space<vmem>>, vector<16xi32>,
    tpu.vector_store %arg7[%swap3A_1252, %swap3A_1253], %or3A_1248 {strides = array<i32>} : memref<2x1024xi32, #tpu.memory_space<vmem>>, vector<16xi32>,
    %scan3A_1255 = arith.constant 46 : i32
    %mul3A_1256 = arith.constant 2 : i32
    %mul3A_1257 = arith.muli %mul3A_1256, %scan3A_1255 : i32
    %add3A_1258 = vector.broadcast %mul3A_1257 : i32 to vector<16xi32>
    %add3A_1259 = arith.addi %add3A_1258, %shift_right_arithmetic3A_4 : vector<16xi32>
    %gather3A_1260 = arith.constant 0 : i32
    %gather3A_1261 = arith.constant 0 : i32
    %gather3A_1262 = tpu.memref_slice %arg6[%gather3A_1260, %gather3A_1261] : memref<2x128xi32, #tpu.memory_space<vmem>> -> memref<1x128xi32, #tpu.memory_space<vmem>>
    %gather3A_1263 = tpu.memref_squeeze %gather3A_1262 : memref<1x128xi32, #tpu.memory_space<vmem>> -> memref<128xi32, #tpu.memory_space<vmem>>
    %gather3A_1264 = tpu.vector_load_idx %gather3A_1263[%add3A_1259] : memref<128xi32, #tpu.memory_space<vmem>>[vector<16xi32>], vector<16xi32>,
    %shift_right_arithmetic3A_1265 = arith.constant 7 : i32
    %shift_right_arithmetic3A_1266 = vector.broadcast %shift_right_arithmetic3A_1265 : i32 to vector<16xi32>
    %shift_right_arithmetic3A_1267 = arith.shrsi %gather3A_1264, %shift_right_arithmetic3A_1266 : vector<16xi32>
    %shift_left3A_1268 = arith.constant 10 : i32
    %shift_left3A_1269 = vector.broadcast %shift_left3A_1268 : i32 to vector<16xi32>
    %shift_left3A_1270 = arith.shli %shift_right_arithmetic3A_1267, %shift_left3A_1269 : vector<16xi32>
    %or3A_1271 = arith.ori %shift_left3A_1270, %shift_left3A_14 : vector<16xi32>
    %and3A_1272 = arith.constant 127 : i32
    %and3A_1273 = vector.broadcast %and3A_1272 : i32 to vector<16xi32>
    %and3A_1274 = arith.andi %gather3A_1264, %and3A_1273 : vector<16xi32>
    %or3A_1275 = arith.ori %or3A_1271, %and3A_1274 : vector<16xi32>
    %mul3A_1276 = arith.constant 16 : i32
    %mul3A_1277 = arith.muli %scan3A_1255, %mul3A_1276 : i32
    %swap3A_1278 = arith.constant 0 : i32
    %swap3A_1279 = arith.index_cast %swap3A_1278 : i32 to index
    %swap3A_1280 = arith.index_cast %mul3A_1277 : i32 to index
    %swap3A_1281 = tpu.vector_load %arg7[%swap3A_1279, %swap3A_1280] {strides = array<i32>} : memref<2x1024xi32, #tpu.memory_space<vmem>>, vector<16xi32>,
    tpu.vector_store %arg7[%swap3A_1279, %swap3A_1280], %or3A_1275 {strides = array<i32>} : memref<2x1024xi32, #tpu.memory_space<vmem>>, vector<16xi32>,
    %scan3A_1282 = arith.constant 47 : i32
    %mul3A_1283 = arith.constant 2 : i32
    %mul3A_1284 = arith.muli %mul3A_1283, %scan3A_1282 : i32
    %add3A_1285 = vector.broadcast %mul3A_1284 : i32 to vector<16xi32>
    %add3A_1286 = arith.addi %add3A_1285, %shift_right_arithmetic3A_4 : vector<16xi32>
    %gather3A_1287 = arith.constant 0 : i32
    %gather3A_1288 = arith.constant 0 : i32
    %gather3A_1289 = tpu.memref_slice %arg6[%gather3A_1287, %gather3A_1288] : memref<2x128xi32, #tpu.memory_space<vmem>> -> memref<1x128xi32, #tpu.memory_space<vmem>>
    %gather3A_1290 = tpu.memref_squeeze %gather3A_1289 : memref<1x128xi32, #tpu.memory_space<vmem>> -> memref<128xi32, #tpu.memory_space<vmem>>
    %gather3A_1291 = tpu.vector_load_idx %gather3A_1290[%add3A_1286] : memref<128xi32, #tpu.memory_space<vmem>>[vector<16xi32>], vector<16xi32>,
    %shift_right_arithmetic3A_1292 = arith.constant 7 : i32
    %shift_right_arithmetic3A_1293 = vector.broadcast %shift_right_arithmetic3A_1292 : i32 to vector<16xi32>
    %shift_right_arithmetic3A_1294 = arith.shrsi %gather3A_1291, %shift_right_arithmetic3A_1293 : vector<16xi32>
    %shift_left3A_1295 = arith.constant 10 : i32
    %shift_left3A_1296 = vector.broadcast %shift_left3A_1295 : i32 to vector<16xi32>
    %shift_left3A_1297 = arith.shli %shift_right_arithmetic3A_1294, %shift_left3A_1296 : vector<16xi32>
    %or3A_1298 = arith.ori %shift_left3A_1297, %shift_left3A_14 : vector<16xi32>
    %and3A_1299 = arith.constant 127 : i32
    %and3A_1300 = vector.broadcast %and3A_1299 : i32 to vector<16xi32>
    %and3A_1301 = arith.andi %gather3A_1291, %and3A_1300 : vector<16xi32>
    %or3A_1302 = arith.ori %or3A_1298, %and3A_1301 : vector<16xi32>
    %mul3A_1303 = arith.constant 16 : i32
    %mul3A_1304 = arith.muli %scan3A_1282, %mul3A_1303 : i32
    %swap3A_1305 = arith.constant 0 : i32
    %swap3A_1306 = arith.index_cast %swap3A_1305 : i32 to index
    %swap3A_1307 = arith.index_cast %mul3A_1304 : i32 to index
    %swap3A_1308 = tpu.vector_load %arg7[%swap3A_1306, %swap3A_1307] {strides = array<i32>} : memref<2x1024xi32, #tpu.memory_space<vmem>>, vector<16xi32>,
    tpu.vector_store %arg7[%swap3A_1306, %swap3A_1307], %or3A_1302 {strides = array<i32>} : memref<2x1024xi32, #tpu.memory_space<vmem>>, vector<16xi32>,
    %scan3A_1309 = arith.constant 48 : i32
    %mul3A_1310 = arith.constant 2 : i32
    %mul3A_1311 = arith.muli %mul3A_1310, %scan3A_1309 : i32
    %add3A_1312 = vector.broadcast %mul3A_1311 : i32 to vector<16xi32>
    %add3A_1313 = arith.addi %add3A_1312, %shift_right_arithmetic3A_4 : vector<16xi32>
    %gather3A_1314 = arith.constant 0 : i32
    %gather3A_1315 = arith.constant 0 : i32
    %gather3A_1316 = tpu.memref_slice %arg6[%gather3A_1314, %gather3A_1315] : memref<2x128xi32, #tpu.memory_space<vmem>> -> memref<1x128xi32, #tpu.memory_space<vmem>>
    %gather3A_1317 = tpu.memref_squeeze %gather3A_1316 : memref<1x128xi32, #tpu.memory_space<vmem>> -> memref<128xi32, #tpu.memory_space<vmem>>
    %gather3A_1318 = tpu.vector_load_idx %gather3A_1317[%add3A_1313] : memref<128xi32, #tpu.memory_space<vmem>>[vector<16xi32>], vector<16xi32>,
    %shift_right_arithmetic3A_1319 = arith.constant 7 : i32
    %shift_right_arithmetic3A_1320 = vector.broadcast %shift_right_arithmetic3A_1319 : i32 to vector<16xi32>
    %shift_right_arithmetic3A_1321 = arith.shrsi %gather3A_1318, %shift_right_arithmetic3A_1320 : vector<16xi32>
    %shift_left3A_1322 = arith.constant 10 : i32
    %shift_left3A_1323 = vector.broadcast %shift_left3A_1322 : i32 to vector<16xi32>
    %shift_left3A_1324 = arith.shli %shift_right_arithmetic3A_1321, %shift_left3A_1323 : vector<16xi32>
    %or3A_1325 = arith.ori %shift_left3A_1324, %shift_left3A_14 : vector<16xi32>
    %and3A_1326 = arith.constant 127 : i32
    %and3A_1327 = vector.broadcast %and3A_1326 : i32 to vector<16xi32>
    %and3A_1328 = arith.andi %gather3A_1318, %and3A_1327 : vector<16xi32>
    %or3A_1329 = arith.ori %or3A_1325, %and3A_1328 : vector<16xi32>
    %mul3A_1330 = arith.constant 16 : i32
    %mul3A_1331 = arith.muli %scan3A_1309, %mul3A_1330 : i32
    %swap3A_1332 = arith.constant 0 : i32
    %swap3A_1333 = arith.index_cast %swap3A_1332 : i32 to index
    %swap3A_1334 = arith.index_cast %mul3A_1331 : i32 to index
    %swap3A_1335 = tpu.vector_load %arg7[%swap3A_1333, %swap3A_1334] {strides = array<i32>} : memref<2x1024xi32, #tpu.memory_space<vmem>>, vector<16xi32>,
    tpu.vector_store %arg7[%swap3A_1333, %swap3A_1334], %or3A_1329 {strides = array<i32>} : memref<2x1024xi32, #tpu.memory_space<vmem>>, vector<16xi32>,
    %scan3A_1336 = arith.constant 49 : i32
    %mul3A_1337 = arith.constant 2 : i32
    %mul3A_1338 = arith.muli %mul3A_1337, %scan3A_1336 : i32
    %add3A_1339 = vector.broadcast %mul3A_1338 : i32 to vector<16xi32>
    %add3A_1340 = arith.addi %add3A_1339, %shift_right_arithmetic3A_4 : vector<16xi32>
    %gather3A_1341 = arith.constant 0 : i32
    %gather3A_1342 = arith.constant 0 : i32
    %gather3A_1343 = tpu.memref_slice %arg6[%gather3A_1341, %gather3A_1342] : memref<2x128xi32, #tpu.memory_space<vmem>> -> memref<1x128xi32, #tpu.memory_space<vmem>>
    %gather3A_1344 = tpu.memref_squeeze %gather3A_1343 : memref<1x128xi32, #tpu.memory_space<vmem>> -> memref<128xi32, #tpu.memory_space<vmem>>
    %gather3A_1345 = tpu.vector_load_idx %gather3A_1344[%add3A_1340] : memref<128xi32, #tpu.memory_space<vmem>>[vector<16xi32>], vector<16xi32>,
    %shift_right_arithmetic3A_1346 = arith.constant 7 : i32
    %shift_right_arithmetic3A_1347 = vector.broadcast %shift_right_arithmetic3A_1346 : i32 to vector<16xi32>
    %shift_right_arithmetic3A_1348 = arith.shrsi %gather3A_1345, %shift_right_arithmetic3A_1347 : vector<16xi32>
    %shift_left3A_1349 = arith.constant 10 : i32
    %shift_left3A_1350 = vector.broadcast %shift_left3A_1349 : i32 to vector<16xi32>
    %shift_left3A_1351 = arith.shli %shift_right_arithmetic3A_1348, %shift_left3A_1350 : vector<16xi32>
    %or3A_1352 = arith.ori %shift_left3A_1351, %shift_left3A_14 : vector<16xi32>
    %and3A_1353 = arith.constant 127 : i32
    %and3A_1354 = vector.broadcast %and3A_1353 : i32 to vector<16xi32>
    %and3A_1355 = arith.andi %gather3A_1345, %and3A_1354 : vector<16xi32>
    %or3A_1356 = arith.ori %or3A_1352, %and3A_1355 : vector<16xi32>
    %mul3A_1357 = arith.constant 16 : i32
    %mul3A_1358 = arith.muli %scan3A_1336, %mul3A_1357 : i32
    %swap3A_1359 = arith.constant 0 : i32
    %swap3A_1360 = arith.index_cast %swap3A_1359 : i32 to index
    %swap3A_1361 = arith.index_cast %mul3A_1358 : i32 to index
    %swap3A_1362 = tpu.vector_load %arg7[%swap3A_1360, %swap3A_1361] {strides = array<i32>} : memref<2x1024xi32, #tpu.memory_space<vmem>>, vector<16xi32>,
    tpu.vector_store %arg7[%swap3A_1360, %swap3A_1361], %or3A_1356 {strides = array<i32>} : memref<2x1024xi32, #tpu.memory_space<vmem>>, vector<16xi32>,
    %scan3A_1363 = arith.constant 50 : i32
    %mul3A_1364 = arith.constant 2 : i32
    %mul3A_1365 = arith.muli %mul3A_1364, %scan3A_1363 : i32
    %add3A_1366 = vector.broadcast %mul3A_1365 : i32 to vector<16xi32>
    %add3A_1367 = arith.addi %add3A_1366, %shift_right_arithmetic3A_4 : vector<16xi32>
    %gather3A_1368 = arith.constant 0 : i32
    %gather3A_1369 = arith.constant 0 : i32
    %gather3A_1370 = tpu.memref_slice %arg6[%gather3A_1368, %gather3A_1369] : memref<2x128xi32, #tpu.memory_space<vmem>> -> memref<1x128xi32, #tpu.memory_space<vmem>>
    %gather3A_1371 = tpu.memref_squeeze %gather3A_1370 : memref<1x128xi32, #tpu.memory_space<vmem>> -> memref<128xi32, #tpu.memory_space<vmem>>
    %gather3A_1372 = tpu.vector_load_idx %gather3A_1371[%add3A_1367] : memref<128xi32, #tpu.memory_space<vmem>>[vector<16xi32>], vector<16xi32>,
    %shift_right_arithmetic3A_1373 = arith.constant 7 : i32
    %shift_right_arithmetic3A_1374 = vector.broadcast %shift_right_arithmetic3A_1373 : i32 to vector<16xi32>
    %shift_right_arithmetic3A_1375 = arith.shrsi %gather3A_1372, %shift_right_arithmetic3A_1374 : vector<16xi32>
    %shift_left3A_1376 = arith.constant 10 : i32
    %shift_left3A_1377 = vector.broadcast %shift_left3A_1376 : i32 to vector<16xi32>
    %shift_left3A_1378 = arith.shli %shift_right_arithmetic3A_1375, %shift_left3A_1377 : vector<16xi32>
    %or3A_1379 = arith.ori %shift_left3A_1378, %shift_left3A_14 : vector<16xi32>
    %and3A_1380 = arith.constant 127 : i32
    %and3A_1381 = vector.broadcast %and3A_1380 : i32 to vector<16xi32>
    %and3A_1382 = arith.andi %gather3A_1372, %and3A_1381 : vector<16xi32>
    %or3A_1383 = arith.ori %or3A_1379, %and3A_1382 : vector<16xi32>
    %mul3A_1384 = arith.constant 16 : i32
    %mul3A_1385 = arith.muli %scan3A_1363, %mul3A_1384 : i32
    %swap3A_1386 = arith.constant 0 : i32
    %swap3A_1387 = arith.index_cast %swap3A_1386 : i32 to index
    %swap3A_1388 = arith.index_cast %mul3A_1385 : i32 to index
    %swap3A_1389 = tpu.vector_load %arg7[%swap3A_1387, %swap3A_1388] {strides = array<i32>} : memref<2x1024xi32, #tpu.memory_space<vmem>>, vector<16xi32>,
    tpu.vector_store %arg7[%swap3A_1387, %swap3A_1388], %or3A_1383 {strides = array<i32>} : memref<2x1024xi32, #tpu.memory_space<vmem>>, vector<16xi32>,
    %scan3A_1390 = arith.constant 51 : i32
    %mul3A_1391 = arith.constant 2 : i32
    %mul3A_1392 = arith.muli %mul3A_1391, %scan3A_1390 : i32
    %add3A_1393 = vector.broadcast %mul3A_1392 : i32 to vector<16xi32>
    %add3A_1394 = arith.addi %add3A_1393, %shift_right_arithmetic3A_4 : vector<16xi32>
    %gather3A_1395 = arith.constant 0 : i32
    %gather3A_1396 = arith.constant 0 : i32
    %gather3A_1397 = tpu.memref_slice %arg6[%gather3A_1395, %gather3A_1396] : memref<2x128xi32, #tpu.memory_space<vmem>> -> memref<1x128xi32, #tpu.memory_space<vmem>>
    %gather3A_1398 = tpu.memref_squeeze %gather3A_1397 : memref<1x128xi32, #tpu.memory_space<vmem>> -> memref<128xi32, #tpu.memory_space<vmem>>
    %gather3A_1399 = tpu.vector_load_idx %gather3A_1398[%add3A_1394] : memref<128xi32, #tpu.memory_space<vmem>>[vector<16xi32>], vector<16xi32>,
    %shift_right_arithmetic3A_1400 = arith.constant 7 : i32
    %shift_right_arithmetic3A_1401 = vector.broadcast %shift_right_arithmetic3A_1400 : i32 to vector<16xi32>
    %shift_right_arithmetic3A_1402 = arith.shrsi %gather3A_1399, %shift_right_arithmetic3A_1401 : vector<16xi32>
    %shift_left3A_1403 = arith.constant 10 : i32
    %shift_left3A_1404 = vector.broadcast %shift_left3A_1403 : i32 to vector<16xi32>
    %shift_left3A_1405 = arith.shli %shift_right_arithmetic3A_1402, %shift_left3A_1404 : vector<16xi32>
    %or3A_1406 = arith.ori %shift_left3A_1405, %shift_left3A_14 : vector<16xi32>
    %and3A_1407 = arith.constant 127 : i32
    %and3A_1408 = vector.broadcast %and3A_1407 : i32 to vector<16xi32>
    %and3A_1409 = arith.andi %gather3A_1399, %and3A_1408 : vector<16xi32>
    %or3A_1410 = arith.ori %or3A_1406, %and3A_1409 : vector<16xi32>
    %mul3A_1411 = arith.constant 16 : i32
    %mul3A_1412 = arith.muli %scan3A_1390, %mul3A_1411 : i32
    %swap3A_1413 = arith.constant 0 : i32
    %swap3A_1414 = arith.index_cast %swap3A_1413 : i32 to index
    %swap3A_1415 = arith.index_cast %mul3A_1412 : i32 to index
    %swap3A_1416 = tpu.vector_load %arg7[%swap3A_1414, %swap3A_1415] {strides = array<i32>} : memref<2x1024xi32, #tpu.memory_space<vmem>>, vector<16xi32>,
    tpu.vector_store %arg7[%swap3A_1414, %swap3A_1415], %or3A_1410 {strides = array<i32>} : memref<2x1024xi32, #tpu.memory_space<vmem>>, vector<16xi32>,
    %scan3A_1417 = arith.constant 52 : i32
    %mul3A_1418 = arith.constant 2 : i32
    %mul3A_1419 = arith.muli %mul3A_1418, %scan3A_1417 : i32
    %add3A_1420 = vector.broadcast %mul3A_1419 : i32 to vector<16xi32>
    %add3A_1421 = arith.addi %add3A_1420, %shift_right_arithmetic3A_4 : vector<16xi32>
    %gather3A_1422 = arith.constant 0 : i32
    %gather3A_1423 = arith.constant 0 : i32
    %gather3A_1424 = tpu.memref_slice %arg6[%gather3A_1422, %gather3A_1423] : memref<2x128xi32, #tpu.memory_space<vmem>> -> memref<1x128xi32, #tpu.memory_space<vmem>>
    %gather3A_1425 = tpu.memref_squeeze %gather3A_1424 : memref<1x128xi32, #tpu.memory_space<vmem>> -> memref<128xi32, #tpu.memory_space<vmem>>
    %gather3A_1426 = tpu.vector_load_idx %gather3A_1425[%add3A_1421] : memref<128xi32, #tpu.memory_space<vmem>>[vector<16xi32>], vector<16xi32>,
    %shift_right_arithmetic3A_1427 = arith.constant 7 : i32
    %shift_right_arithmetic3A_1428 = vector.broadcast %shift_right_arithmetic3A_1427 : i32 to vector<16xi32>
    %shift_right_arithmetic3A_1429 = arith.shrsi %gather3A_1426, %shift_right_arithmetic3A_1428 : vector<16xi32>
    %shift_left3A_1430 = arith.constant 10 : i32
    %shift_left3A_1431 = vector.broadcast %shift_left3A_1430 : i32 to vector<16xi32>
    %shift_left3A_1432 = arith.shli %shift_right_arithmetic3A_1429, %shift_left3A_1431 : vector<16xi32>
    %or3A_1433 = arith.ori %shift_left3A_1432, %shift_left3A_14 : vector<16xi32>
    %and3A_1434 = arith.constant 127 : i32
    %and3A_1435 = vector.broadcast %and3A_1434 : i32 to vector<16xi32>
    %and3A_1436 = arith.andi %gather3A_1426, %and3A_1435 : vector<16xi32>
    %or3A_1437 = arith.ori %or3A_1433, %and3A_1436 : vector<16xi32>
    %mul3A_1438 = arith.constant 16 : i32
    %mul3A_1439 = arith.muli %scan3A_1417, %mul3A_1438 : i32
    %swap3A_1440 = arith.constant 0 : i32
    %swap3A_1441 = arith.index_cast %swap3A_1440 : i32 to index
    %swap3A_1442 = arith.index_cast %mul3A_1439 : i32 to index
    %swap3A_1443 = tpu.vector_load %arg7[%swap3A_1441, %swap3A_1442] {strides = array<i32>} : memref<2x1024xi32, #tpu.memory_space<vmem>>, vector<16xi32>,
    tpu.vector_store %arg7[%swap3A_1441, %swap3A_1442], %or3A_1437 {strides = array<i32>} : memref<2x1024xi32, #tpu.memory_space<vmem>>, vector<16xi32>,
    %scan3A_1444 = arith.constant 53 : i32
    %mul3A_1445 = arith.constant 2 : i32
    %mul3A_1446 = arith.muli %mul3A_1445, %scan3A_1444 : i32
    %add3A_1447 = vector.broadcast %mul3A_1446 : i32 to vector<16xi32>
    %add3A_1448 = arith.addi %add3A_1447, %shift_right_arithmetic3A_4 : vector<16xi32>
    %gather3A_1449 = arith.constant 0 : i32
    %gather3A_1450 = arith.constant 0 : i32
    %gather3A_1451 = tpu.memref_slice %arg6[%gather3A_1449, %gather3A_1450] : memref<2x128xi32, #tpu.memory_space<vmem>> -> memref<1x128xi32, #tpu.memory_space<vmem>>
    %gather3A_1452 = tpu.memref_squeeze %gather3A_1451 : memref<1x128xi32, #tpu.memory_space<vmem>> -> memref<128xi32, #tpu.memory_space<vmem>>
    %gather3A_1453 = tpu.vector_load_idx %gather3A_1452[%add3A_1448] : memref<128xi32, #tpu.memory_space<vmem>>[vector<16xi32>], vector<16xi32>,
    %shift_right_arithmetic3A_1454 = arith.constant 7 : i32
    %shift_right_arithmetic3A_1455 = vector.broadcast %shift_right_arithmetic3A_1454 : i32 to vector<16xi32>
    %shift_right_arithmetic3A_1456 = arith.shrsi %gather3A_1453, %shift_right_arithmetic3A_1455 : vector<16xi32>
    %shift_left3A_1457 = arith.constant 10 : i32
    %shift_left3A_1458 = vector.broadcast %shift_left3A_1457 : i32 to vector<16xi32>
    %shift_left3A_1459 = arith.shli %shift_right_arithmetic3A_1456, %shift_left3A_1458 : vector<16xi32>
    %or3A_1460 = arith.ori %shift_left3A_1459, %shift_left3A_14 : vector<16xi32>
    %and3A_1461 = arith.constant 127 : i32
    %and3A_1462 = vector.broadcast %and3A_1461 : i32 to vector<16xi32>
    %and3A_1463 = arith.andi %gather3A_1453, %and3A_1462 : vector<16xi32>
    %or3A_1464 = arith.ori %or3A_1460, %and3A_1463 : vector<16xi32>
    %mul3A_1465 = arith.constant 16 : i32
    %mul3A_1466 = arith.muli %scan3A_1444, %mul3A_1465 : i32
    %swap3A_1467 = arith.constant 0 : i32
    %swap3A_1468 = arith.index_cast %swap3A_1467 : i32 to index
    %swap3A_1469 = arith.index_cast %mul3A_1466 : i32 to index
    %swap3A_1470 = tpu.vector_load %arg7[%swap3A_1468, %swap3A_1469] {strides = array<i32>} : memref<2x1024xi32, #tpu.memory_space<vmem>>, vector<16xi32>,
    tpu.vector_store %arg7[%swap3A_1468, %swap3A_1469], %or3A_1464 {strides = array<i32>} : memref<2x1024xi32, #tpu.memory_space<vmem>>, vector<16xi32>,
    %scan3A_1471 = arith.constant 54 : i32
    %mul3A_1472 = arith.constant 2 : i32
    %mul3A_1473 = arith.muli %mul3A_1472, %scan3A_1471 : i32
    %add3A_1474 = vector.broadcast %mul3A_1473 : i32 to vector<16xi32>
    %add3A_1475 = arith.addi %add3A_1474, %shift_right_arithmetic3A_4 : vector<16xi32>
    %gather3A_1476 = arith.constant 0 : i32
    %gather3A_1477 = arith.constant 0 : i32
    %gather3A_1478 = tpu.memref_slice %arg6[%gather3A_1476, %gather3A_1477] : memref<2x128xi32, #tpu.memory_space<vmem>> -> memref<1x128xi32, #tpu.memory_space<vmem>>
    %gather3A_1479 = tpu.memref_squeeze %gather3A_1478 : memref<1x128xi32, #tpu.memory_space<vmem>> -> memref<128xi32, #tpu.memory_space<vmem>>
    %gather3A_1480 = tpu.vector_load_idx %gather3A_1479[%add3A_1475] : memref<128xi32, #tpu.memory_space<vmem>>[vector<16xi32>], vector<16xi32>,
    %shift_right_arithmetic3A_1481 = arith.constant 7 : i32
    %shift_right_arithmetic3A_1482 = vector.broadcast %shift_right_arithmetic3A_1481 : i32 to vector<16xi32>
    %shift_right_arithmetic3A_1483 = arith.shrsi %gather3A_1480, %shift_right_arithmetic3A_1482 : vector<16xi32>
    %shift_left3A_1484 = arith.constant 10 : i32
    %shift_left3A_1485 = vector.broadcast %shift_left3A_1484 : i32 to vector<16xi32>
    %shift_left3A_1486 = arith.shli %shift_right_arithmetic3A_1483, %shift_left3A_1485 : vector<16xi32>
    %or3A_1487 = arith.ori %shift_left3A_1486, %shift_left3A_14 : vector<16xi32>
    %and3A_1488 = arith.constant 127 : i32
    %and3A_1489 = vector.broadcast %and3A_1488 : i32 to vector<16xi32>
    %and3A_1490 = arith.andi %gather3A_1480, %and3A_1489 : vector<16xi32>
    %or3A_1491 = arith.ori %or3A_1487, %and3A_1490 : vector<16xi32>
    %mul3A_1492 = arith.constant 16 : i32
    %mul3A_1493 = arith.muli %scan3A_1471, %mul3A_1492 : i32
    %swap3A_1494 = arith.constant 0 : i32
    %swap3A_1495 = arith.index_cast %swap3A_1494 : i32 to index
    %swap3A_1496 = arith.index_cast %mul3A_1493 : i32 to index
    %swap3A_1497 = tpu.vector_load %arg7[%swap3A_1495, %swap3A_1496] {strides = array<i32>} : memref<2x1024xi32, #tpu.memory_space<vmem>>, vector<16xi32>,
    tpu.vector_store %arg7[%swap3A_1495, %swap3A_1496], %or3A_1491 {strides = array<i32>} : memref<2x1024xi32, #tpu.memory_space<vmem>>, vector<16xi32>,
    %scan3A_1498 = arith.constant 55 : i32
    %mul3A_1499 = arith.constant 2 : i32
    %mul3A_1500 = arith.muli %mul3A_1499, %scan3A_1498 : i32
    %add3A_1501 = vector.broadcast %mul3A_1500 : i32 to vector<16xi32>
    %add3A_1502 = arith.addi %add3A_1501, %shift_right_arithmetic3A_4 : vector<16xi32>
    %gather3A_1503 = arith.constant 0 : i32
    %gather3A_1504 = arith.constant 0 : i32
    %gather3A_1505 = tpu.memref_slice %arg6[%gather3A_1503, %gather3A_1504] : memref<2x128xi32, #tpu.memory_space<vmem>> -> memref<1x128xi32, #tpu.memory_space<vmem>>
    %gather3A_1506 = tpu.memref_squeeze %gather3A_1505 : memref<1x128xi32, #tpu.memory_space<vmem>> -> memref<128xi32, #tpu.memory_space<vmem>>
    %gather3A_1507 = tpu.vector_load_idx %gather3A_1506[%add3A_1502] : memref<128xi32, #tpu.memory_space<vmem>>[vector<16xi32>], vector<16xi32>,
    %shift_right_arithmetic3A_1508 = arith.constant 7 : i32
    %shift_right_arithmetic3A_1509 = vector.broadcast %shift_right_arithmetic3A_1508 : i32 to vector<16xi32>
    %shift_right_arithmetic3A_1510 = arith.shrsi %gather3A_1507, %shift_right_arithmetic3A_1509 : vector<16xi32>
    %shift_left3A_1511 = arith.constant 10 : i32
    %shift_left3A_1512 = vector.broadcast %shift_left3A_1511 : i32 to vector<16xi32>
    %shift_left3A_1513 = arith.shli %shift_right_arithmetic3A_1510, %shift_left3A_1512 : vector<16xi32>
    %or3A_1514 = arith.ori %shift_left3A_1513, %shift_left3A_14 : vector<16xi32>
    %and3A_1515 = arith.constant 127 : i32
    %and3A_1516 = vector.broadcast %and3A_1515 : i32 to vector<16xi32>
    %and3A_1517 = arith.andi %gather3A_1507, %and3A_1516 : vector<16xi32>
    %or3A_1518 = arith.ori %or3A_1514, %and3A_1517 : vector<16xi32>
    %mul3A_1519 = arith.constant 16 : i32
    %mul3A_1520 = arith.muli %scan3A_1498, %mul3A_1519 : i32
    %swap3A_1521 = arith.constant 0 : i32
    %swap3A_1522 = arith.index_cast %swap3A_1521 : i32 to index
    %swap3A_1523 = arith.index_cast %mul3A_1520 : i32 to index
    %swap3A_1524 = tpu.vector_load %arg7[%swap3A_1522, %swap3A_1523] {strides = array<i32>} : memref<2x1024xi32, #tpu.memory_space<vmem>>, vector<16xi32>,
    tpu.vector_store %arg7[%swap3A_1522, %swap3A_1523], %or3A_1518 {strides = array<i32>} : memref<2x1024xi32, #tpu.memory_space<vmem>>, vector<16xi32>,
    %scan3A_1525 = arith.constant 56 : i32
    %mul3A_1526 = arith.constant 2 : i32
    %mul3A_1527 = arith.muli %mul3A_1526, %scan3A_1525 : i32
    %add3A_1528 = vector.broadcast %mul3A_1527 : i32 to vector<16xi32>
    %add3A_1529 = arith.addi %add3A_1528, %shift_right_arithmetic3A_4 : vector<16xi32>
    %gather3A_1530 = arith.constant 0 : i32
    %gather3A_1531 = arith.constant 0 : i32
    %gather3A_1532 = tpu.memref_slice %arg6[%gather3A_1530, %gather3A_1531] : memref<2x128xi32, #tpu.memory_space<vmem>> -> memref<1x128xi32, #tpu.memory_space<vmem>>
    %gather3A_1533 = tpu.memref_squeeze %gather3A_1532 : memref<1x128xi32, #tpu.memory_space<vmem>> -> memref<128xi32, #tpu.memory_space<vmem>>
    %gather3A_1534 = tpu.vector_load_idx %gather3A_1533[%add3A_1529] : memref<128xi32, #tpu.memory_space<vmem>>[vector<16xi32>], vector<16xi32>,
    %shift_right_arithmetic3A_1535 = arith.constant 7 : i32
    %shift_right_arithmetic3A_1536 = vector.broadcast %shift_right_arithmetic3A_1535 : i32 to vector<16xi32>
    %shift_right_arithmetic3A_1537 = arith.shrsi %gather3A_1534, %shift_right_arithmetic3A_1536 : vector<16xi32>
    %shift_left3A_1538 = arith.constant 10 : i32
    %shift_left3A_1539 = vector.broadcast %shift_left3A_1538 : i32 to vector<16xi32>
    %shift_left3A_1540 = arith.shli %shift_right_arithmetic3A_1537, %shift_left3A_1539 : vector<16xi32>
    %or3A_1541 = arith.ori %shift_left3A_1540, %shift_left3A_14 : vector<16xi32>
    %and3A_1542 = arith.constant 127 : i32
    %and3A_1543 = vector.broadcast %and3A_1542 : i32 to vector<16xi32>
    %and3A_1544 = arith.andi %gather3A_1534, %and3A_1543 : vector<16xi32>
    %or3A_1545 = arith.ori %or3A_1541, %and3A_1544 : vector<16xi32>
    %mul3A_1546 = arith.constant 16 : i32
    %mul3A_1547 = arith.muli %scan3A_1525, %mul3A_1546 : i32
    %swap3A_1548 = arith.constant 0 : i32
    %swap3A_1549 = arith.index_cast %swap3A_1548 : i32 to index
    %swap3A_1550 = arith.index_cast %mul3A_1547 : i32 to index
    %swap3A_1551 = tpu.vector_load %arg7[%swap3A_1549, %swap3A_1550] {strides = array<i32>} : memref<2x1024xi32, #tpu.memory_space<vmem>>, vector<16xi32>,
    tpu.vector_store %arg7[%swap3A_1549, %swap3A_1550], %or3A_1545 {strides = array<i32>} : memref<2x1024xi32, #tpu.memory_space<vmem>>, vector<16xi32>,
    %scan3A_1552 = arith.constant 57 : i32
    %mul3A_1553 = arith.constant 2 : i32
    %mul3A_1554 = arith.muli %mul3A_1553, %scan3A_1552 : i32
    %add3A_1555 = vector.broadcast %mul3A_1554 : i32 to vector<16xi32>
    %add3A_1556 = arith.addi %add3A_1555, %shift_right_arithmetic3A_4 : vector<16xi32>
    %gather3A_1557 = arith.constant 0 : i32
    %gather3A_1558 = arith.constant 0 : i32
    %gather3A_1559 = tpu.memref_slice %arg6[%gather3A_1557, %gather3A_1558] : memref<2x128xi32, #tpu.memory_space<vmem>> -> memref<1x128xi32, #tpu.memory_space<vmem>>
    %gather3A_1560 = tpu.memref_squeeze %gather3A_1559 : memref<1x128xi32, #tpu.memory_space<vmem>> -> memref<128xi32, #tpu.memory_space<vmem>>
    %gather3A_1561 = tpu.vector_load_idx %gather3A_1560[%add3A_1556] : memref<128xi32, #tpu.memory_space<vmem>>[vector<16xi32>], vector<16xi32>,
    %shift_right_arithmetic3A_1562 = arith.constant 7 : i32
    %shift_right_arithmetic3A_1563 = vector.broadcast %shift_right_arithmetic3A_1562 : i32 to vector<16xi32>
    %shift_right_arithmetic3A_1564 = arith.shrsi %gather3A_1561, %shift_right_arithmetic3A_1563 : vector<16xi32>
    %shift_left3A_1565 = arith.constant 10 : i32
    %shift_left3A_1566 = vector.broadcast %shift_left3A_1565 : i32 to vector<16xi32>
    %shift_left3A_1567 = arith.shli %shift_right_arithmetic3A_1564, %shift_left3A_1566 : vector<16xi32>
    %or3A_1568 = arith.ori %shift_left3A_1567, %shift_left3A_14 : vector<16xi32>
    %and3A_1569 = arith.constant 127 : i32
    %and3A_1570 = vector.broadcast %and3A_1569 : i32 to vector<16xi32>
    %and3A_1571 = arith.andi %gather3A_1561, %and3A_1570 : vector<16xi32>
    %or3A_1572 = arith.ori %or3A_1568, %and3A_1571 : vector<16xi32>
    %mul3A_1573 = arith.constant 16 : i32
    %mul3A_1574 = arith.muli %scan3A_1552, %mul3A_1573 : i32
    %swap3A_1575 = arith.constant 0 : i32
    %swap3A_1576 = arith.index_cast %swap3A_1575 : i32 to index
    %swap3A_1577 = arith.index_cast %mul3A_1574 : i32 to index
    %swap3A_1578 = tpu.vector_load %arg7[%swap3A_1576, %swap3A_1577] {strides = array<i32>} : memref<2x1024xi32, #tpu.memory_space<vmem>>, vector<16xi32>,
    tpu.vector_store %arg7[%swap3A_1576, %swap3A_1577], %or3A_1572 {strides = array<i32>} : memref<2x1024xi32, #tpu.memory_space<vmem>>, vector<16xi32>,
    %scan3A_1579 = arith.constant 58 : i32
    %mul3A_1580 = arith.constant 2 : i32
    %mul3A_1581 = arith.muli %mul3A_1580, %scan3A_1579 : i32
    %add3A_1582 = vector.broadcast %mul3A_1581 : i32 to vector<16xi32>
    %add3A_1583 = arith.addi %add3A_1582, %shift_right_arithmetic3A_4 : vector<16xi32>
    %gather3A_1584 = arith.constant 0 : i32
    %gather3A_1585 = arith.constant 0 : i32
    %gather3A_1586 = tpu.memref_slice %arg6[%gather3A_1584, %gather3A_1585] : memref<2x128xi32, #tpu.memory_space<vmem>> -> memref<1x128xi32, #tpu.memory_space<vmem>>
    %gather3A_1587 = tpu.memref_squeeze %gather3A_1586 : memref<1x128xi32, #tpu.memory_space<vmem>> -> memref<128xi32, #tpu.memory_space<vmem>>
    %gather3A_1588 = tpu.vector_load_idx %gather3A_1587[%add3A_1583] : memref<128xi32, #tpu.memory_space<vmem>>[vector<16xi32>], vector<16xi32>,
    %shift_right_arithmetic3A_1589 = arith.constant 7 : i32
    %shift_right_arithmetic3A_1590 = vector.broadcast %shift_right_arithmetic3A_1589 : i32 to vector<16xi32>
    %shift_right_arithmetic3A_1591 = arith.shrsi %gather3A_1588, %shift_right_arithmetic3A_1590 : vector<16xi32>
    %shift_left3A_1592 = arith.constant 10 : i32
    %shift_left3A_1593 = vector.broadcast %shift_left3A_1592 : i32 to vector<16xi32>
    %shift_left3A_1594 = arith.shli %shift_right_arithmetic3A_1591, %shift_left3A_1593 : vector<16xi32>
    %or3A_1595 = arith.ori %shift_left3A_1594, %shift_left3A_14 : vector<16xi32>
    %and3A_1596 = arith.constant 127 : i32
    %and3A_1597 = vector.broadcast %and3A_1596 : i32 to vector<16xi32>
    %and3A_1598 = arith.andi %gather3A_1588, %and3A_1597 : vector<16xi32>
    %or3A_1599 = arith.ori %or3A_1595, %and3A_1598 : vector<16xi32>
    %mul3A_1600 = arith.constant 16 : i32
    %mul3A_1601 = arith.muli %scan3A_1579, %mul3A_1600 : i32
    %swap3A_1602 = arith.constant 0 : i32
    %swap3A_1603 = arith.index_cast %swap3A_1602 : i32 to index
    %swap3A_1604 = arith.index_cast %mul3A_1601 : i32 to index
    %swap3A_1605 = tpu.vector_load %arg7[%swap3A_1603, %swap3A_1604] {strides = array<i32>} : memref<2x1024xi32, #tpu.memory_space<vmem>>, vector<16xi32>,
    tpu.vector_store %arg7[%swap3A_1603, %swap3A_1604], %or3A_1599 {strides = array<i32>} : memref<2x1024xi32, #tpu.memory_space<vmem>>, vector<16xi32>,
    %scan3A_1606 = arith.constant 59 : i32
    %mul3A_1607 = arith.constant 2 : i32
    %mul3A_1608 = arith.muli %mul3A_1607, %scan3A_1606 : i32
    %add3A_1609 = vector.broadcast %mul3A_1608 : i32 to vector<16xi32>
    %add3A_1610 = arith.addi %add3A_1609, %shift_right_arithmetic3A_4 : vector<16xi32>
    %gather3A_1611 = arith.constant 0 : i32
    %gather3A_1612 = arith.constant 0 : i32
    %gather3A_1613 = tpu.memref_slice %arg6[%gather3A_1611, %gather3A_1612] : memref<2x128xi32, #tpu.memory_space<vmem>> -> memref<1x128xi32, #tpu.memory_space<vmem>>
    %gather3A_1614 = tpu.memref_squeeze %gather3A_1613 : memref<1x128xi32, #tpu.memory_space<vmem>> -> memref<128xi32, #tpu.memory_space<vmem>>
    %gather3A_1615 = tpu.vector_load_idx %gather3A_1614[%add3A_1610] : memref<128xi32, #tpu.memory_space<vmem>>[vector<16xi32>], vector<16xi32>,
    %shift_right_arithmetic3A_1616 = arith.constant 7 : i32
    %shift_right_arithmetic3A_1617 = vector.broadcast %shift_right_arithmetic3A_1616 : i32 to vector<16xi32>
    %shift_right_arithmetic3A_1618 = arith.shrsi %gather3A_1615, %shift_right_arithmetic3A_1617 : vector<16xi32>
    %shift_left3A_1619 = arith.constant 10 : i32
    %shift_left3A_1620 = vector.broadcast %shift_left3A_1619 : i32 to vector<16xi32>
    %shift_left3A_1621 = arith.shli %shift_right_arithmetic3A_1618, %shift_left3A_1620 : vector<16xi32>
    %or3A_1622 = arith.ori %shift_left3A_1621, %shift_left3A_14 : vector<16xi32>
    %and3A_1623 = arith.constant 127 : i32
    %and3A_1624 = vector.broadcast %and3A_1623 : i32 to vector<16xi32>
    %and3A_1625 = arith.andi %gather3A_1615, %and3A_1624 : vector<16xi32>
    %or3A_1626 = arith.ori %or3A_1622, %and3A_1625 : vector<16xi32>
    %mul3A_1627 = arith.constant 16 : i32
    %mul3A_1628 = arith.muli %scan3A_1606, %mul3A_1627 : i32
    %swap3A_1629 = arith.constant 0 : i32
    %swap3A_1630 = arith.index_cast %swap3A_1629 : i32 to index
    %swap3A_1631 = arith.index_cast %mul3A_1628 : i32 to index
    %swap3A_1632 = tpu.vector_load %arg7[%swap3A_1630, %swap3A_1631] {strides = array<i32>} : memref<2x1024xi32, #tpu.memory_space<vmem>>, vector<16xi32>,
    tpu.vector_store %arg7[%swap3A_1630, %swap3A_1631], %or3A_1626 {strides = array<i32>} : memref<2x1024xi32, #tpu.memory_space<vmem>>, vector<16xi32>,
    %scan3A_1633 = arith.constant 60 : i32
    %mul3A_1634 = arith.constant 2 : i32
    %mul3A_1635 = arith.muli %mul3A_1634, %scan3A_1633 : i32
    %add3A_1636 = vector.broadcast %mul3A_1635 : i32 to vector<16xi32>
    %add3A_1637 = arith.addi %add3A_1636, %shift_right_arithmetic3A_4 : vector<16xi32>
    %gather3A_1638 = arith.constant 0 : i32
    %gather3A_1639 = arith.constant 0 : i32
    %gather3A_1640 = tpu.memref_slice %arg6[%gather3A_1638, %gather3A_1639] : memref<2x128xi32, #tpu.memory_space<vmem>> -> memref<1x128xi32, #tpu.memory_space<vmem>>
    %gather3A_1641 = tpu.memref_squeeze %gather3A_1640 : memref<1x128xi32, #tpu.memory_space<vmem>> -> memref<128xi32, #tpu.memory_space<vmem>>
    %gather3A_1642 = tpu.vector_load_idx %gather3A_1641[%add3A_1637] : memref<128xi32, #tpu.memory_space<vmem>>[vector<16xi32>], vector<16xi32>,
    %shift_right_arithmetic3A_1643 = arith.constant 7 : i32
    %shift_right_arithmetic3A_1644 = vector.broadcast %shift_right_arithmetic3A_1643 : i32 to vector<16xi32>
    %shift_right_arithmetic3A_1645 = arith.shrsi %gather3A_1642, %shift_right_arithmetic3A_1644 : vector<16xi32>
    %shift_left3A_1646 = arith.constant 10 : i32
    %shift_left3A_1647 = vector.broadcast %shift_left3A_1646 : i32 to vector<16xi32>
    %shift_left3A_1648 = arith.shli %shift_right_arithmetic3A_1645, %shift_left3A_1647 : vector<16xi32>
    %or3A_1649 = arith.ori %shift_left3A_1648, %shift_left3A_14 : vector<16xi32>
    %and3A_1650 = arith.constant 127 : i32
    %and3A_1651 = vector.broadcast %and3A_1650 : i32 to vector<16xi32>
    %and3A_1652 = arith.andi %gather3A_1642, %and3A_1651 : vector<16xi32>
    %or3A_1653 = arith.ori %or3A_1649, %and3A_1652 : vector<16xi32>
    %mul3A_1654 = arith.constant 16 : i32
    %mul3A_1655 = arith.muli %scan3A_1633, %mul3A_1654 : i32
    %swap3A_1656 = arith.constant 0 : i32
    %swap3A_1657 = arith.index_cast %swap3A_1656 : i32 to index
    %swap3A_1658 = arith.index_cast %mul3A_1655 : i32 to index
    %swap3A_1659 = tpu.vector_load %arg7[%swap3A_1657, %swap3A_1658] {strides = array<i32>} : memref<2x1024xi32, #tpu.memory_space<vmem>>, vector<16xi32>,
    tpu.vector_store %arg7[%swap3A_1657, %swap3A_1658], %or3A_1653 {strides = array<i32>} : memref<2x1024xi32, #tpu.memory_space<vmem>>, vector<16xi32>,
    %scan3A_1660 = arith.constant 61 : i32
    %mul3A_1661 = arith.constant 2 : i32
    %mul3A_1662 = arith.muli %mul3A_1661, %scan3A_1660 : i32
    %add3A_1663 = vector.broadcast %mul3A_1662 : i32 to vector<16xi32>
    %add3A_1664 = arith.addi %add3A_1663, %shift_right_arithmetic3A_4 : vector<16xi32>
    %gather3A_1665 = arith.constant 0 : i32
    %gather3A_1666 = arith.constant 0 : i32
    %gather3A_1667 = tpu.memref_slice %arg6[%gather3A_1665, %gather3A_1666] : memref<2x128xi32, #tpu.memory_space<vmem>> -> memref<1x128xi32, #tpu.memory_space<vmem>>
    %gather3A_1668 = tpu.memref_squeeze %gather3A_1667 : memref<1x128xi32, #tpu.memory_space<vmem>> -> memref<128xi32, #tpu.memory_space<vmem>>
    %gather3A_1669 = tpu.vector_load_idx %gather3A_1668[%add3A_1664] : memref<128xi32, #tpu.memory_space<vmem>>[vector<16xi32>], vector<16xi32>,
    %shift_right_arithmetic3A_1670 = arith.constant 7 : i32
    %shift_right_arithmetic3A_1671 = vector.broadcast %shift_right_arithmetic3A_1670 : i32 to vector<16xi32>
    %shift_right_arithmetic3A_1672 = arith.shrsi %gather3A_1669, %shift_right_arithmetic3A_1671 : vector<16xi32>
    %shift_left3A_1673 = arith.constant 10 : i32
    %shift_left3A_1674 = vector.broadcast %shift_left3A_1673 : i32 to vector<16xi32>
    %shift_left3A_1675 = arith.shli %shift_right_arithmetic3A_1672, %shift_left3A_1674 : vector<16xi32>
    %or3A_1676 = arith.ori %shift_left3A_1675, %shift_left3A_14 : vector<16xi32>
    %and3A_1677 = arith.constant 127 : i32
    %and3A_1678 = vector.broadcast %and3A_1677 : i32 to vector<16xi32>
    %and3A_1679 = arith.andi %gather3A_1669, %and3A_1678 : vector<16xi32>
    %or3A_1680 = arith.ori %or3A_1676, %and3A_1679 : vector<16xi32>
    %mul3A_1681 = arith.constant 16 : i32
    %mul3A_1682 = arith.muli %scan3A_1660, %mul3A_1681 : i32
    %swap3A_1683 = arith.constant 0 : i32
    %swap3A_1684 = arith.index_cast %swap3A_1683 : i32 to index
    %swap3A_1685 = arith.index_cast %mul3A_1682 : i32 to index
    %swap3A_1686 = tpu.vector_load %arg7[%swap3A_1684, %swap3A_1685] {strides = array<i32>} : memref<2x1024xi32, #tpu.memory_space<vmem>>, vector<16xi32>,
    tpu.vector_store %arg7[%swap3A_1684, %swap3A_1685], %or3A_1680 {strides = array<i32>} : memref<2x1024xi32, #tpu.memory_space<vmem>>, vector<16xi32>,
    %scan3A_1687 = arith.constant 62 : i32
    %mul3A_1688 = arith.constant 2 : i32
    %mul3A_1689 = arith.muli %mul3A_1688, %scan3A_1687 : i32
    %add3A_1690 = vector.broadcast %mul3A_1689 : i32 to vector<16xi32>
    %add3A_1691 = arith.addi %add3A_1690, %shift_right_arithmetic3A_4 : vector<16xi32>
    %gather3A_1692 = arith.constant 0 : i32
    %gather3A_1693 = arith.constant 0 : i32
    %gather3A_1694 = tpu.memref_slice %arg6[%gather3A_1692, %gather3A_1693] : memref<2x128xi32, #tpu.memory_space<vmem>> -> memref<1x128xi32, #tpu.memory_space<vmem>>
    %gather3A_1695 = tpu.memref_squeeze %gather3A_1694 : memref<1x128xi32, #tpu.memory_space<vmem>> -> memref<128xi32, #tpu.memory_space<vmem>>
    %gather3A_1696 = tpu.vector_load_idx %gather3A_1695[%add3A_1691] : memref<128xi32, #tpu.memory_space<vmem>>[vector<16xi32>], vector<16xi32>,
    %shift_right_arithmetic3A_1697 = arith.constant 7 : i32
    %shift_right_arithmetic3A_1698 = vector.broadcast %shift_right_arithmetic3A_1697 : i32 to vector<16xi32>
    %shift_right_arithmetic3A_1699 = arith.shrsi %gather3A_1696, %shift_right_arithmetic3A_1698 : vector<16xi32>
    %shift_left3A_1700 = arith.constant 10 : i32
    %shift_left3A_1701 = vector.broadcast %shift_left3A_1700 : i32 to vector<16xi32>
    %shift_left3A_1702 = arith.shli %shift_right_arithmetic3A_1699, %shift_left3A_1701 : vector<16xi32>
    %or3A_1703 = arith.ori %shift_left3A_1702, %shift_left3A_14 : vector<16xi32>
    %and3A_1704 = arith.constant 127 : i32
    %and3A_1705 = vector.broadcast %and3A_1704 : i32 to vector<16xi32>
    %and3A_1706 = arith.andi %gather3A_1696, %and3A_1705 : vector<16xi32>
    %or3A_1707 = arith.ori %or3A_1703, %and3A_1706 : vector<16xi32>
    %mul3A_1708 = arith.constant 16 : i32
    %mul3A_1709 = arith.muli %scan3A_1687, %mul3A_1708 : i32
    %swap3A_1710 = arith.constant 0 : i32
    %swap3A_1711 = arith.index_cast %swap3A_1710 : i32 to index
    %swap3A_1712 = arith.index_cast %mul3A_1709 : i32 to index
    %swap3A_1713 = tpu.vector_load %arg7[%swap3A_1711, %swap3A_1712] {strides = array<i32>} : memref<2x1024xi32, #tpu.memory_space<vmem>>, vector<16xi32>,
    tpu.vector_store %arg7[%swap3A_1711, %swap3A_1712], %or3A_1707 {strides = array<i32>} : memref<2x1024xi32, #tpu.memory_space<vmem>>, vector<16xi32>,
    %scan3A_1714 = arith.constant 63 : i32
    %mul3A_1715 = arith.constant 2 : i32
    %mul3A_1716 = arith.muli %mul3A_1715, %scan3A_1714 : i32
    %add3A_1717 = vector.broadcast %mul3A_1716 : i32 to vector<16xi32>
    %add3A_1718 = arith.addi %add3A_1717, %shift_right_arithmetic3A_4 : vector<16xi32>
    %gather3A_1719 = arith.constant 0 : i32
    %gather3A_1720 = arith.constant 0 : i32
    %gather3A_1721 = tpu.memref_slice %arg6[%gather3A_1719, %gather3A_1720] : memref<2x128xi32, #tpu.memory_space<vmem>> -> memref<1x128xi32, #tpu.memory_space<vmem>>
    %gather3A_1722 = tpu.memref_squeeze %gather3A_1721 : memref<1x128xi32, #tpu.memory_space<vmem>> -> memref<128xi32, #tpu.memory_space<vmem>>
    %gather3A_1723 = tpu.vector_load_idx %gather3A_1722[%add3A_1718] : memref<128xi32, #tpu.memory_space<vmem>>[vector<16xi32>], vector<16xi32>,
    %shift_right_arithmetic3A_1724 = arith.constant 7 : i32
    %shift_right_arithmetic3A_1725 = vector.broadcast %shift_right_arithmetic3A_1724 : i32 to vector<16xi32>
    %shift_right_arithmetic3A_1726 = arith.shrsi %gather3A_1723, %shift_right_arithmetic3A_1725 : vector<16xi32>
    %shift_left3A_1727 = arith.constant 10 : i32
    %shift_left3A_1728 = vector.broadcast %shift_left3A_1727 : i32 to vector<16xi32>
    %shift_left3A_1729 = arith.shli %shift_right_arithmetic3A_1726, %shift_left3A_1728 : vector<16xi32>
    %or3A_1730 = arith.ori %shift_left3A_1729, %shift_left3A_14 : vector<16xi32>
    %and3A_1731 = arith.constant 127 : i32
    %and3A_1732 = vector.broadcast %and3A_1731 : i32 to vector<16xi32>
    %and3A_1733 = arith.andi %gather3A_1723, %and3A_1732 : vector<16xi32>
    %or3A_1734 = arith.ori %or3A_1730, %and3A_1733 : vector<16xi32>
    %mul3A_1735 = arith.constant 16 : i32
    %mul3A_1736 = arith.muli %scan3A_1714, %mul3A_1735 : i32
    %swap3A_1737 = arith.constant 0 : i32
    %swap3A_1738 = arith.index_cast %swap3A_1737 : i32 to index
    %swap3A_1739 = arith.index_cast %mul3A_1736 : i32 to index
    %swap3A_1740 = tpu.vector_load %arg7[%swap3A_1738, %swap3A_1739] {strides = array<i32>} : memref<2x1024xi32, #tpu.memory_space<vmem>>, vector<16xi32>,
    tpu.vector_store %arg7[%swap3A_1738, %swap3A_1739], %or3A_1734 {strides = array<i32>} : memref<2x1024xi32, #tpu.memory_space<vmem>>, vector<16xi32>,
    %scan3A_1741 = arith.constant 64 : i32
    %dma_start3A = arith.constant 0 : i32
    %dma_start3A_1742 = arith.constant 0 : i32
    %dma_start3A_1743 = arith.constant 0 : i32
    %dma_start3A_1744 = tpu.memref_slice %arg8[%dma_start3A_1742, %dma_start3A_1743] : memref<2x1024xi32, #tpu.memory_space<vmem>> -> memref<1x1024xi32, #tpu.memory_space<vmem>>
    %dma_start3A_1745 = tpu.memref_squeeze %dma_start3A_1744 : memref<1x1024xi32, #tpu.memory_space<vmem>> -> memref<1024xi32, #tpu.memory_space<vmem>>
    %dma_start3A_1746 = arith.constant 0 : i32
    %dma_start3A_1747 = tpu.memref_slice %arg7[%dma_start3A, %dma_start3A_1746] : memref<2x1024xi32, #tpu.memory_space<vmem>> -> memref<1x1024xi32, #tpu.memory_space<vmem>>
    %dma_start3A_1748 = tpu.memref_squeeze %dma_start3A_1747 : memref<1x1024xi32, #tpu.memory_space<vmem>> -> memref<1024xi32, #tpu.memory_space<vmem>>
    %dma_start3A_1749 = arith.constant 0 : i32
    %dma_start3A_1750 = tpu.memref_slice %arg3[%dma_start3A_1749] : memref<8000512xi32, #tpu.memory_space<hbm>> -> memref<8000512xi32, #tpu.memory_space<hbm>>
    tpu.enqueue_indirect_dma source(%dma_start3A_1750 : memref<8000512xi32, #tpu.memory_space<hbm>>) target(%dma_start3A_1745 : memref<1024xi32, #tpu.memory_space<vmem>>) offsets(%dma_start3A_1748 : memref<1024xi32, #tpu.memory_space<vmem>>) semaphore(%arg11 : memref<!tpu.dma_semaphore, #tpu.memory_space<semaphore_mem>>)
    %scan3A_1751 = arith.constant 0 : i32
    %scan3A_1752 = arith.constant 50 : i32
    %scan3A_1753 = arith.addi %scan3A_1751, %scan3A_1752 : i32
    %scan3A_1754 = arith.constant 1 : i32
    scf.for %scan3A_1791 = %scan3A_1751 to %scan3A_1753 step %scan3A_1754  : i32 {
      %and3A_1792 = arith.constant 1 : i32
      %and3A_1793 = arith.andi %scan3A_1791, %and3A_1792 : i32
      %mul3A_1794 = arith.constant 128 : i32
      %mul3A_1795 = arith.muli %scan3A_1791, %mul3A_1794 : i32
      %add3A_1796 = arith.addi %mul3A_2, %mul3A_1795 : i32
      %mul3A_1797 = arith.constant 8 : i32
      %mul3A_1798 = arith.muli %add3A_1796, %mul3A_1797 : i32
      %dma_wait3A_1799 = arith.constant 0 : i32
      %dma_wait3A_1800 = arith.constant 0 : i32
      %dma_wait3A_1801 = arith.constant 0 : i32
      %dma_wait3A_1802 = tpu.memref_slice %arg8[%dma_wait3A_1800, %dma_wait3A_1801] : memref<2x1024xi32, #tpu.memory_space<vmem>> -> memref<1x1024xi32, #tpu.memory_space<vmem>>
      %dma_wait3A_1803 = tpu.memref_squeeze %dma_wait3A_1802 : memref<1x1024xi32, #tpu.memory_space<vmem>> -> memref<1024xi32, #tpu.memory_space<vmem>>
      %dma_wait3A_1804 = arith.constant 0 : i32
      %dma_wait3A_1805 = tpu.memref_slice %arg7[%dma_wait3A_1799, %dma_wait3A_1804] : memref<2x1024xi32, #tpu.memory_space<vmem>> -> memref<1x1024xi32, #tpu.memory_space<vmem>>
      %dma_wait3A_1806 = tpu.memref_squeeze %dma_wait3A_1805 : memref<1x1024xi32, #tpu.memory_space<vmem>> -> memref<1024xi32, #tpu.memory_space<vmem>>
      %dma_wait3A_1807 = arith.constant 0 : i32
      %dma_wait3A_1808 = tpu.memref_slice %arg3[%dma_wait3A_1807] : memref<8000512xi32, #tpu.memory_space<hbm>> -> memref<8000512xi32, #tpu.memory_space<hbm>>
      tpu.wait_indirect_dma semaphore(%arg11 : memref<!tpu.dma_semaphore, #tpu.memory_space<semaphore_mem>>) src(%dma_wait3A_1808 : memref<8000512xi32, #tpu.memory_space<hbm>>) dst(%dma_wait3A_1803 : memref<1024xi32, #tpu.memory_space<vmem>>)
      %add3A_1809 = arith.constant 1 : i32
      %add3A_1810 = arith.addi %scan3A_1791, %add3A_1809 : i32
      %lt3A = arith.constant 50 : i32
      %lt3A_1811 = arith.cmpi slt, %add3A_1810, %lt3A : i32
      %convert_element_type3A = arith.extui %lt3A_1811 : i1 to i32
      %cond3A = arith.constant 0 : i32
      %cond3A_1812 = arith.cmpi ne, %convert_element_type3A, %cond3A : i32
      scf.if %cond3A_1812 {
        %add3A_2549 = arith.constant 1 : i32
        %add3A_2550 = arith.addi %scan3A_1791, %add3A_2549 : i32
        %sub3A = arith.constant 1 : i32
        %sub3A_2551 = arith.subi %sub3A, %and3A_1793 : i32
        %mul3A_2552 = arith.constant 128 : i32
        %mul3A_2553 = arith.muli %add3A_2550, %mul3A_2552 : i32
        %add3A_2554 = arith.addi %mul3A_2, %mul3A_2553 : i32
        "tpu.region"() ({
          %run_scoped3A_4164 = tpu.sem_alloc : memref<!tpu.dma_semaphore, #tpu.memory_space<semaphore_mem>>
          %dma_start3A_4165 = arith.constant 0 : i32
          %dma_start3A_4166 = tpu.memref_slice %arg6[%sub3A_2551, %dma_start3A_4165] : memref<2x128xi32, #tpu.memory_space<vmem>> -> memref<1x128xi32, #tpu.memory_space<vmem>>
          %dma_start3A_4167 = tpu.memref_squeeze %dma_start3A_4166 : memref<1x128xi32, #tpu.memory_space<vmem>> -> memref<128xi32, #tpu.memory_space<vmem>>
          %dma_start3A_4168 = tpu.memref_slice %arg2[%add3A_2554] : memref<204800xi32, #tpu.memory_space<hbm>> -> memref<128xi32, #tpu.memory_space<hbm>>
          %dma_start3A_4169 = arith.constant 0 : i32
          %dma_start3A_4170 = tpu.memref_slice %arg6[%sub3A_2551, %dma_start3A_4169] : memref<2x128xi32, #tpu.memory_space<vmem>> -> memref<1x128xi32, #tpu.memory_space<vmem>>
          %dma_start3A_4171 = tpu.memref_squeeze %dma_start3A_4170 : memref<1x128xi32, #tpu.memory_space<vmem>> -> memref<128xi32, #tpu.memory_space<vmem>>
          %dma_start3A_4172 = tpu.memref_slice %arg2[%add3A_2554] : memref<204800xi32, #tpu.memory_space<hbm>> -> memref<128xi32, #tpu.memory_space<hbm>>
          tpu.enqueue_dma source(%dma_start3A_4172 : memref<128xi32, #tpu.memory_space<hbm>>) target(%dma_start3A_4171 : memref<128xi32, #tpu.memory_space<vmem>>) target_semaphore(%run_scoped3A_4164 : memref<!tpu.dma_semaphore, #tpu.memory_space<semaphore_mem>>)
          %dma_wait3A_4173 = arith.constant 0 : i32
          %dma_wait3A_4174 = tpu.memref_slice %arg6[%sub3A_2551, %dma_wait3A_4173] : memref<2x128xi32, #tpu.memory_space<vmem>> -> memref<1x128xi32, #tpu.memory_space<vmem>>
          %dma_wait3A_4175 = tpu.memref_squeeze %dma_wait3A_4174 : memref<1x128xi32, #tpu.memory_space<vmem>> -> memref<128xi32, #tpu.memory_space<vmem>>
          %dma_wait3A_4176 = tpu.memref_slice %arg2[%add3A_2554] : memref<204800xi32, #tpu.memory_space<hbm>> -> memref<128xi32, #tpu.memory_space<hbm>>
          %dma_wait3A_4177 = arith.constant 0 : i32
          %dma_wait3A_4178 = tpu.memref_slice %arg6[%sub3A_2551, %dma_wait3A_4177] : memref<2x128xi32, #tpu.memory_space<vmem>> -> memref<1x128xi32, #tpu.memory_space<vmem>>
          %dma_wait3A_4179 = tpu.memref_squeeze %dma_wait3A_4178 : memref<1x128xi32, #tpu.memory_space<vmem>> -> memref<128xi32, #tpu.memory_space<vmem>>
          %dma_wait3A_4180 = tpu.memref_slice %arg2[%add3A_2554] : memref<204800xi32, #tpu.memory_space<hbm>> -> memref<128xi32, #tpu.memory_space<hbm>>
          tpu.wait_dma2 semaphore(%run_scoped3A_4164 : memref<!tpu.dma_semaphore, #tpu.memory_space<semaphore_mem>>) src(%dma_wait3A_4180 : memref<128xi32, #tpu.memory_space<hbm>>) dst(%dma_wait3A_4179 : memref<128xi32, #tpu.memory_space<vmem>>)
          tpu.yield
        }) : () -> ()
        %scan3A_2555 = arith.constant 0 : i32
        %mul3A_2556 = arith.constant 2 : i32
        %mul3A_2557 = arith.muli %mul3A_2556, %scan3A_2555 : i32
        %add3A_2558 = vector.broadcast %mul3A_2557 : i32 to vector<16xi32>
        %add3A_2559 = arith.addi %add3A_2558, %shift_right_arithmetic3A_4 : vector<16xi32>
        %gather3A_2560 = arith.constant 0 : i32
        %gather3A_2561 = tpu.memref_slice %arg6[%sub3A_2551, %gather3A_2560] : memref<2x128xi32, #tpu.memory_space<vmem>> -> memref<1x128xi32, #tpu.memory_space<vmem>>
        %gather3A_2562 = tpu.memref_squeeze %gather3A_2561 : memref<1x128xi32, #tpu.memory_space<vmem>> -> memref<128xi32, #tpu.memory_space<vmem>>
        %gather3A_2563 = tpu.vector_load_idx %gather3A_2562[%add3A_2559] : memref<128xi32, #tpu.memory_space<vmem>>[vector<16xi32>], vector<16xi32>,
        %shift_right_arithmetic3A_2564 = arith.constant 7 : i32
        %shift_right_arithmetic3A_2565 = vector.broadcast %shift_right_arithmetic3A_2564 : i32 to vector<16xi32>
        %shift_right_arithmetic3A_2566 = arith.shrsi %gather3A_2563, %shift_right_arithmetic3A_2565 : vector<16xi32>
        %shift_left3A_2567 = arith.constant 10 : i32
        %shift_left3A_2568 = vector.broadcast %shift_left3A_2567 : i32 to vector<16xi32>
        %shift_left3A_2569 = arith.shli %shift_right_arithmetic3A_2566, %shift_left3A_2568 : vector<16xi32>
        %or3A_2570 = arith.ori %shift_left3A_2569, %shift_left3A_14 : vector<16xi32>
        %and3A_2571 = arith.constant 127 : i32
        %and3A_2572 = vector.broadcast %and3A_2571 : i32 to vector<16xi32>
        %and3A_2573 = arith.andi %gather3A_2563, %and3A_2572 : vector<16xi32>
        %or3A_2574 = arith.ori %or3A_2570, %and3A_2573 : vector<16xi32>
        %mul3A_2575 = arith.constant 16 : i32
        %mul3A_2576 = arith.muli %scan3A_2555, %mul3A_2575 : i32
        %swap3A_2577 = arith.index_cast %sub3A_2551 : i32 to index
        %swap3A_2578 = arith.index_cast %mul3A_2576 : i32 to index
        %swap3A_2579 = tpu.vector_load %arg7[%swap3A_2577, %swap3A_2578] {strides = array<i32>} : memref<2x1024xi32, #tpu.memory_space<vmem>>, vector<16xi32>,
        tpu.vector_store %arg7[%swap3A_2577, %swap3A_2578], %or3A_2574 {strides = array<i32>} : memref<2x1024xi32, #tpu.memory_space<vmem>>, vector<16xi32>,
        %scan3A_2580 = arith.constant 1 : i32
        %mul3A_2581 = arith.constant 2 : i32
        %mul3A_2582 = arith.muli %mul3A_2581, %scan3A_2580 : i32
        %add3A_2583 = vector.broadcast %mul3A_2582 : i32 to vector<16xi32>
        %add3A_2584 = arith.addi %add3A_2583, %shift_right_arithmetic3A_4 : vector<16xi32>
        %gather3A_2585 = arith.constant 0 : i32
        %gather3A_2586 = tpu.memref_slice %arg6[%sub3A_2551, %gather3A_2585] : memref<2x128xi32, #tpu.memory_space<vmem>> -> memref<1x128xi32, #tpu.memory_space<vmem>>
        %gather3A_2587 = tpu.memref_squeeze %gather3A_2586 : memref<1x128xi32, #tpu.memory_space<vmem>> -> memref<128xi32, #tpu.memory_space<vmem>>
        %gather3A_2588 = tpu.vector_load_idx %gather3A_2587[%add3A_2584] : memref<128xi32, #tpu.memory_space<vmem>>[vector<16xi32>], vector<16xi32>,
        %shift_right_arithmetic3A_2589 = arith.constant 7 : i32
        %shift_right_arithmetic3A_2590 = vector.broadcast %shift_right_arithmetic3A_2589 : i32 to vector<16xi32>
        %shift_right_arithmetic3A_2591 = arith.shrsi %gather3A_2588, %shift_right_arithmetic3A_2590 : vector<16xi32>
        %shift_left3A_2592 = arith.constant 10 : i32
        %shift_left3A_2593 = vector.broadcast %shift_left3A_2592 : i32 to vector<16xi32>
        %shift_left3A_2594 = arith.shli %shift_right_arithmetic3A_2591, %shift_left3A_2593 : vector<16xi32>
        %or3A_2595 = arith.ori %shift_left3A_2594, %shift_left3A_14 : vector<16xi32>
        %and3A_2596 = arith.constant 127 : i32
        %and3A_2597 = vector.broadcast %and3A_2596 : i32 to vector<16xi32>
        %and3A_2598 = arith.andi %gather3A_2588, %and3A_2597 : vector<16xi32>
        %or3A_2599 = arith.ori %or3A_2595, %and3A_2598 : vector<16xi32>
        %mul3A_2600 = arith.constant 16 : i32
        %mul3A_2601 = arith.muli %scan3A_2580, %mul3A_2600 : i32
        %swap3A_2602 = arith.index_cast %sub3A_2551 : i32 to index
        %swap3A_2603 = arith.index_cast %mul3A_2601 : i32 to index
        %swap3A_2604 = tpu.vector_load %arg7[%swap3A_2602, %swap3A_2603] {strides = array<i32>} : memref<2x1024xi32, #tpu.memory_space<vmem>>, vector<16xi32>,
        tpu.vector_store %arg7[%swap3A_2602, %swap3A_2603], %or3A_2599 {strides = array<i32>} : memref<2x1024xi32, #tpu.memory_space<vmem>>, vector<16xi32>,
        %scan3A_2605 = arith.constant 2 : i32
        %mul3A_2606 = arith.constant 2 : i32
        %mul3A_2607 = arith.muli %mul3A_2606, %scan3A_2605 : i32
        %add3A_2608 = vector.broadcast %mul3A_2607 : i32 to vector<16xi32>
        %add3A_2609 = arith.addi %add3A_2608, %shift_right_arithmetic3A_4 : vector<16xi32>
        %gather3A_2610 = arith.constant 0 : i32
        %gather3A_2611 = tpu.memref_slice %arg6[%sub3A_2551, %gather3A_2610] : memref<2x128xi32, #tpu.memory_space<vmem>> -> memref<1x128xi32, #tpu.memory_space<vmem>>
        %gather3A_2612 = tpu.memref_squeeze %gather3A_2611 : memref<1x128xi32, #tpu.memory_space<vmem>> -> memref<128xi32, #tpu.memory_space<vmem>>
        %gather3A_2613 = tpu.vector_load_idx %gather3A_2612[%add3A_2609] : memref<128xi32, #tpu.memory_space<vmem>>[vector<16xi32>], vector<16xi32>,
        %shift_right_arithmetic3A_2614 = arith.constant 7 : i32
        %shift_right_arithmetic3A_2615 = vector.broadcast %shift_right_arithmetic3A_2614 : i32 to vector<16xi32>
        %shift_right_arithmetic3A_2616 = arith.shrsi %gather3A_2613, %shift_right_arithmetic3A_2615 : vector<16xi32>
        %shift_left3A_2617 = arith.constant 10 : i32
        %shift_left3A_2618 = vector.broadcast %shift_left3A_2617 : i32 to vector<16xi32>
        %shift_left3A_2619 = arith.shli %shift_right_arithmetic3A_2616, %shift_left3A_2618 : vector<16xi32>
        %or3A_2620 = arith.ori %shift_left3A_2619, %shift_left3A_14 : vector<16xi32>
        %and3A_2621 = arith.constant 127 : i32
        %and3A_2622 = vector.broadcast %and3A_2621 : i32 to vector<16xi32>
        %and3A_2623 = arith.andi %gather3A_2613, %and3A_2622 : vector<16xi32>
        %or3A_2624 = arith.ori %or3A_2620, %and3A_2623 : vector<16xi32>
        %mul3A_2625 = arith.constant 16 : i32
        %mul3A_2626 = arith.muli %scan3A_2605, %mul3A_2625 : i32
        %swap3A_2627 = arith.index_cast %sub3A_2551 : i32 to index
        %swap3A_2628 = arith.index_cast %mul3A_2626 : i32 to index
        %swap3A_2629 = tpu.vector_load %arg7[%swap3A_2627, %swap3A_2628] {strides = array<i32>} : memref<2x1024xi32, #tpu.memory_space<vmem>>, vector<16xi32>,
        tpu.vector_store %arg7[%swap3A_2627, %swap3A_2628], %or3A_2624 {strides = array<i32>} : memref<2x1024xi32, #tpu.memory_space<vmem>>, vector<16xi32>,
        %scan3A_2630 = arith.constant 3 : i32
        %mul3A_2631 = arith.constant 2 : i32
        %mul3A_2632 = arith.muli %mul3A_2631, %scan3A_2630 : i32
        %add3A_2633 = vector.broadcast %mul3A_2632 : i32 to vector<16xi32>
        %add3A_2634 = arith.addi %add3A_2633, %shift_right_arithmetic3A_4 : vector<16xi32>
        %gather3A_2635 = arith.constant 0 : i32
        %gather3A_2636 = tpu.memref_slice %arg6[%sub3A_2551, %gather3A_2635] : memref<2x128xi32, #tpu.memory_space<vmem>> -> memref<1x128xi32, #tpu.memory_space<vmem>>
        %gather3A_2637 = tpu.memref_squeeze %gather3A_2636 : memref<1x128xi32, #tpu.memory_space<vmem>> -> memref<128xi32, #tpu.memory_space<vmem>>
        %gather3A_2638 = tpu.vector_load_idx %gather3A_2637[%add3A_2634] : memref<128xi32, #tpu.memory_space<vmem>>[vector<16xi32>], vector<16xi32>,
        %shift_right_arithmetic3A_2639 = arith.constant 7 : i32
        %shift_right_arithmetic3A_2640 = vector.broadcast %shift_right_arithmetic3A_2639 : i32 to vector<16xi32>
        %shift_right_arithmetic3A_2641 = arith.shrsi %gather3A_2638, %shift_right_arithmetic3A_2640 : vector<16xi32>
        %shift_left3A_2642 = arith.constant 10 : i32
        %shift_left3A_2643 = vector.broadcast %shift_left3A_2642 : i32 to vector<16xi32>
        %shift_left3A_2644 = arith.shli %shift_right_arithmetic3A_2641, %shift_left3A_2643 : vector<16xi32>
        %or3A_2645 = arith.ori %shift_left3A_2644, %shift_left3A_14 : vector<16xi32>
        %and3A_2646 = arith.constant 127 : i32
        %and3A_2647 = vector.broadcast %and3A_2646 : i32 to vector<16xi32>
        %and3A_2648 = arith.andi %gather3A_2638, %and3A_2647 : vector<16xi32>
        %or3A_2649 = arith.ori %or3A_2645, %and3A_2648 : vector<16xi32>
        %mul3A_2650 = arith.constant 16 : i32
        %mul3A_2651 = arith.muli %scan3A_2630, %mul3A_2650 : i32
        %swap3A_2652 = arith.index_cast %sub3A_2551 : i32 to index
        %swap3A_2653 = arith.index_cast %mul3A_2651 : i32 to index
        %swap3A_2654 = tpu.vector_load %arg7[%swap3A_2652, %swap3A_2653] {strides = array<i32>} : memref<2x1024xi32, #tpu.memory_space<vmem>>, vector<16xi32>,
        tpu.vector_store %arg7[%swap3A_2652, %swap3A_2653], %or3A_2649 {strides = array<i32>} : memref<2x1024xi32, #tpu.memory_space<vmem>>, vector<16xi32>,
        %scan3A_2655 = arith.constant 4 : i32
        %mul3A_2656 = arith.constant 2 : i32
        %mul3A_2657 = arith.muli %mul3A_2656, %scan3A_2655 : i32
        %add3A_2658 = vector.broadcast %mul3A_2657 : i32 to vector<16xi32>
        %add3A_2659 = arith.addi %add3A_2658, %shift_right_arithmetic3A_4 : vector<16xi32>
        %gather3A_2660 = arith.constant 0 : i32
        %gather3A_2661 = tpu.memref_slice %arg6[%sub3A_2551, %gather3A_2660] : memref<2x128xi32, #tpu.memory_space<vmem>> -> memref<1x128xi32, #tpu.memory_space<vmem>>
        %gather3A_2662 = tpu.memref_squeeze %gather3A_2661 : memref<1x128xi32, #tpu.memory_space<vmem>> -> memref<128xi32, #tpu.memory_space<vmem>>
        %gather3A_2663 = tpu.vector_load_idx %gather3A_2662[%add3A_2659] : memref<128xi32, #tpu.memory_space<vmem>>[vector<16xi32>], vector<16xi32>,
        %shift_right_arithmetic3A_2664 = arith.constant 7 : i32
        %shift_right_arithmetic3A_2665 = vector.broadcast %shift_right_arithmetic3A_2664 : i32 to vector<16xi32>
        %shift_right_arithmetic3A_2666 = arith.shrsi %gather3A_2663, %shift_right_arithmetic3A_2665 : vector<16xi32>
        %shift_left3A_2667 = arith.constant 10 : i32
        %shift_left3A_2668 = vector.broadcast %shift_left3A_2667 : i32 to vector<16xi32>
        %shift_left3A_2669 = arith.shli %shift_right_arithmetic3A_2666, %shift_left3A_2668 : vector<16xi32>
        %or3A_2670 = arith.ori %shift_left3A_2669, %shift_left3A_14 : vector<16xi32>
        %and3A_2671 = arith.constant 127 : i32
        %and3A_2672 = vector.broadcast %and3A_2671 : i32 to vector<16xi32>
        %and3A_2673 = arith.andi %gather3A_2663, %and3A_2672 : vector<16xi32>
        %or3A_2674 = arith.ori %or3A_2670, %and3A_2673 : vector<16xi32>
        %mul3A_2675 = arith.constant 16 : i32
        %mul3A_2676 = arith.muli %scan3A_2655, %mul3A_2675 : i32
        %swap3A_2677 = arith.index_cast %sub3A_2551 : i32 to index
        %swap3A_2678 = arith.index_cast %mul3A_2676 : i32 to index
        %swap3A_2679 = tpu.vector_load %arg7[%swap3A_2677, %swap3A_2678] {strides = array<i32>} : memref<2x1024xi32, #tpu.memory_space<vmem>>, vector<16xi32>,
        tpu.vector_store %arg7[%swap3A_2677, %swap3A_2678], %or3A_2674 {strides = array<i32>} : memref<2x1024xi32, #tpu.memory_space<vmem>>, vector<16xi32>,
        %scan3A_2680 = arith.constant 5 : i32
        %mul3A_2681 = arith.constant 2 : i32
        %mul3A_2682 = arith.muli %mul3A_2681, %scan3A_2680 : i32
        %add3A_2683 = vector.broadcast %mul3A_2682 : i32 to vector<16xi32>
        %add3A_2684 = arith.addi %add3A_2683, %shift_right_arithmetic3A_4 : vector<16xi32>
        %gather3A_2685 = arith.constant 0 : i32
        %gather3A_2686 = tpu.memref_slice %arg6[%sub3A_2551, %gather3A_2685] : memref<2x128xi32, #tpu.memory_space<vmem>> -> memref<1x128xi32, #tpu.memory_space<vmem>>
        %gather3A_2687 = tpu.memref_squeeze %gather3A_2686 : memref<1x128xi32, #tpu.memory_space<vmem>> -> memref<128xi32, #tpu.memory_space<vmem>>
        %gather3A_2688 = tpu.vector_load_idx %gather3A_2687[%add3A_2684] : memref<128xi32, #tpu.memory_space<vmem>>[vector<16xi32>], vector<16xi32>,
        %shift_right_arithmetic3A_2689 = arith.constant 7 : i32
        %shift_right_arithmetic3A_2690 = vector.broadcast %shift_right_arithmetic3A_2689 : i32 to vector<16xi32>
        %shift_right_arithmetic3A_2691 = arith.shrsi %gather3A_2688, %shift_right_arithmetic3A_2690 : vector<16xi32>
        %shift_left3A_2692 = arith.constant 10 : i32
        %shift_left3A_2693 = vector.broadcast %shift_left3A_2692 : i32 to vector<16xi32>
        %shift_left3A_2694 = arith.shli %shift_right_arithmetic3A_2691, %shift_left3A_2693 : vector<16xi32>
        %or3A_2695 = arith.ori %shift_left3A_2694, %shift_left3A_14 : vector<16xi32>
        %and3A_2696 = arith.constant 127 : i32
        %and3A_2697 = vector.broadcast %and3A_2696 : i32 to vector<16xi32>
        %and3A_2698 = arith.andi %gather3A_2688, %and3A_2697 : vector<16xi32>
        %or3A_2699 = arith.ori %or3A_2695, %and3A_2698 : vector<16xi32>
        %mul3A_2700 = arith.constant 16 : i32
        %mul3A_2701 = arith.muli %scan3A_2680, %mul3A_2700 : i32
        %swap3A_2702 = arith.index_cast %sub3A_2551 : i32 to index
        %swap3A_2703 = arith.index_cast %mul3A_2701 : i32 to index
        %swap3A_2704 = tpu.vector_load %arg7[%swap3A_2702, %swap3A_2703] {strides = array<i32>} : memref<2x1024xi32, #tpu.memory_space<vmem>>, vector<16xi32>,
        tpu.vector_store %arg7[%swap3A_2702, %swap3A_2703], %or3A_2699 {strides = array<i32>} : memref<2x1024xi32, #tpu.memory_space<vmem>>, vector<16xi32>,
        %scan3A_2705 = arith.constant 6 : i32
        %mul3A_2706 = arith.constant 2 : i32
        %mul3A_2707 = arith.muli %mul3A_2706, %scan3A_2705 : i32
        %add3A_2708 = vector.broadcast %mul3A_2707 : i32 to vector<16xi32>
        %add3A_2709 = arith.addi %add3A_2708, %shift_right_arithmetic3A_4 : vector<16xi32>
        %gather3A_2710 = arith.constant 0 : i32
        %gather3A_2711 = tpu.memref_slice %arg6[%sub3A_2551, %gather3A_2710] : memref<2x128xi32, #tpu.memory_space<vmem>> -> memref<1x128xi32, #tpu.memory_space<vmem>>
        %gather3A_2712 = tpu.memref_squeeze %gather3A_2711 : memref<1x128xi32, #tpu.memory_space<vmem>> -> memref<128xi32, #tpu.memory_space<vmem>>
        %gather3A_2713 = tpu.vector_load_idx %gather3A_2712[%add3A_2709] : memref<128xi32, #tpu.memory_space<vmem>>[vector<16xi32>], vector<16xi32>,
        %shift_right_arithmetic3A_2714 = arith.constant 7 : i32
        %shift_right_arithmetic3A_2715 = vector.broadcast %shift_right_arithmetic3A_2714 : i32 to vector<16xi32>
        %shift_right_arithmetic3A_2716 = arith.shrsi %gather3A_2713, %shift_right_arithmetic3A_2715 : vector<16xi32>
        %shift_left3A_2717 = arith.constant 10 : i32
        %shift_left3A_2718 = vector.broadcast %shift_left3A_2717 : i32 to vector<16xi32>
        %shift_left3A_2719 = arith.shli %shift_right_arithmetic3A_2716, %shift_left3A_2718 : vector<16xi32>
        %or3A_2720 = arith.ori %shift_left3A_2719, %shift_left3A_14 : vector<16xi32>
        %and3A_2721 = arith.constant 127 : i32
        %and3A_2722 = vector.broadcast %and3A_2721 : i32 to vector<16xi32>
        %and3A_2723 = arith.andi %gather3A_2713, %and3A_2722 : vector<16xi32>
        %or3A_2724 = arith.ori %or3A_2720, %and3A_2723 : vector<16xi32>
        %mul3A_2725 = arith.constant 16 : i32
        %mul3A_2726 = arith.muli %scan3A_2705, %mul3A_2725 : i32
        %swap3A_2727 = arith.index_cast %sub3A_2551 : i32 to index
        %swap3A_2728 = arith.index_cast %mul3A_2726 : i32 to index
        %swap3A_2729 = tpu.vector_load %arg7[%swap3A_2727, %swap3A_2728] {strides = array<i32>} : memref<2x1024xi32, #tpu.memory_space<vmem>>, vector<16xi32>,
        tpu.vector_store %arg7[%swap3A_2727, %swap3A_2728], %or3A_2724 {strides = array<i32>} : memref<2x1024xi32, #tpu.memory_space<vmem>>, vector<16xi32>,
        %scan3A_2730 = arith.constant 7 : i32
        %mul3A_2731 = arith.constant 2 : i32
        %mul3A_2732 = arith.muli %mul3A_2731, %scan3A_2730 : i32
        %add3A_2733 = vector.broadcast %mul3A_2732 : i32 to vector<16xi32>
        %add3A_2734 = arith.addi %add3A_2733, %shift_right_arithmetic3A_4 : vector<16xi32>
        %gather3A_2735 = arith.constant 0 : i32
        %gather3A_2736 = tpu.memref_slice %arg6[%sub3A_2551, %gather3A_2735] : memref<2x128xi32, #tpu.memory_space<vmem>> -> memref<1x128xi32, #tpu.memory_space<vmem>>
        %gather3A_2737 = tpu.memref_squeeze %gather3A_2736 : memref<1x128xi32, #tpu.memory_space<vmem>> -> memref<128xi32, #tpu.memory_space<vmem>>
        %gather3A_2738 = tpu.vector_load_idx %gather3A_2737[%add3A_2734] : memref<128xi32, #tpu.memory_space<vmem>>[vector<16xi32>], vector<16xi32>,
        %shift_right_arithmetic3A_2739 = arith.constant 7 : i32
        %shift_right_arithmetic3A_2740 = vector.broadcast %shift_right_arithmetic3A_2739 : i32 to vector<16xi32>
        %shift_right_arithmetic3A_2741 = arith.shrsi %gather3A_2738, %shift_right_arithmetic3A_2740 : vector<16xi32>
        %shift_left3A_2742 = arith.constant 10 : i32
        %shift_left3A_2743 = vector.broadcast %shift_left3A_2742 : i32 to vector<16xi32>
        %shift_left3A_2744 = arith.shli %shift_right_arithmetic3A_2741, %shift_left3A_2743 : vector<16xi32>
        %or3A_2745 = arith.ori %shift_left3A_2744, %shift_left3A_14 : vector<16xi32>
        %and3A_2746 = arith.constant 127 : i32
        %and3A_2747 = vector.broadcast %and3A_2746 : i32 to vector<16xi32>
        %and3A_2748 = arith.andi %gather3A_2738, %and3A_2747 : vector<16xi32>
        %or3A_2749 = arith.ori %or3A_2745, %and3A_2748 : vector<16xi32>
        %mul3A_2750 = arith.constant 16 : i32
        %mul3A_2751 = arith.muli %scan3A_2730, %mul3A_2750 : i32
        %swap3A_2752 = arith.index_cast %sub3A_2551 : i32 to index
        %swap3A_2753 = arith.index_cast %mul3A_2751 : i32 to index
        %swap3A_2754 = tpu.vector_load %arg7[%swap3A_2752, %swap3A_2753] {strides = array<i32>} : memref<2x1024xi32, #tpu.memory_space<vmem>>, vector<16xi32>,
        tpu.vector_store %arg7[%swap3A_2752, %swap3A_2753], %or3A_2749 {strides = array<i32>} : memref<2x1024xi32, #tpu.memory_space<vmem>>, vector<16xi32>,
        %scan3A_2755 = arith.constant 8 : i32
        %mul3A_2756 = arith.constant 2 : i32
        %mul3A_2757 = arith.muli %mul3A_2756, %scan3A_2755 : i32
        %add3A_2758 = vector.broadcast %mul3A_2757 : i32 to vector<16xi32>
        %add3A_2759 = arith.addi %add3A_2758, %shift_right_arithmetic3A_4 : vector<16xi32>
        %gather3A_2760 = arith.constant 0 : i32
        %gather3A_2761 = tpu.memref_slice %arg6[%sub3A_2551, %gather3A_2760] : memref<2x128xi32, #tpu.memory_space<vmem>> -> memref<1x128xi32, #tpu.memory_space<vmem>>
        %gather3A_2762 = tpu.memref_squeeze %gather3A_2761 : memref<1x128xi32, #tpu.memory_space<vmem>> -> memref<128xi32, #tpu.memory_space<vmem>>
        %gather3A_2763 = tpu.vector_load_idx %gather3A_2762[%add3A_2759] : memref<128xi32, #tpu.memory_space<vmem>>[vector<16xi32>], vector<16xi32>,
        %shift_right_arithmetic3A_2764 = arith.constant 7 : i32
        %shift_right_arithmetic3A_2765 = vector.broadcast %shift_right_arithmetic3A_2764 : i32 to vector<16xi32>
        %shift_right_arithmetic3A_2766 = arith.shrsi %gather3A_2763, %shift_right_arithmetic3A_2765 : vector<16xi32>
        %shift_left3A_2767 = arith.constant 10 : i32
        %shift_left3A_2768 = vector.broadcast %shift_left3A_2767 : i32 to vector<16xi32>
        %shift_left3A_2769 = arith.shli %shift_right_arithmetic3A_2766, %shift_left3A_2768 : vector<16xi32>
        %or3A_2770 = arith.ori %shift_left3A_2769, %shift_left3A_14 : vector<16xi32>
        %and3A_2771 = arith.constant 127 : i32
        %and3A_2772 = vector.broadcast %and3A_2771 : i32 to vector<16xi32>
        %and3A_2773 = arith.andi %gather3A_2763, %and3A_2772 : vector<16xi32>
        %or3A_2774 = arith.ori %or3A_2770, %and3A_2773 : vector<16xi32>
        %mul3A_2775 = arith.constant 16 : i32
        %mul3A_2776 = arith.muli %scan3A_2755, %mul3A_2775 : i32
        %swap3A_2777 = arith.index_cast %sub3A_2551 : i32 to index
        %swap3A_2778 = arith.index_cast %mul3A_2776 : i32 to index
        %swap3A_2779 = tpu.vector_load %arg7[%swap3A_2777, %swap3A_2778] {strides = array<i32>} : memref<2x1024xi32, #tpu.memory_space<vmem>>, vector<16xi32>,
        tpu.vector_store %arg7[%swap3A_2777, %swap3A_2778], %or3A_2774 {strides = array<i32>} : memref<2x1024xi32, #tpu.memory_space<vmem>>, vector<16xi32>,
        %scan3A_2780 = arith.constant 9 : i32
        %mul3A_2781 = arith.constant 2 : i32
        %mul3A_2782 = arith.muli %mul3A_2781, %scan3A_2780 : i32
        %add3A_2783 = vector.broadcast %mul3A_2782 : i32 to vector<16xi32>
        %add3A_2784 = arith.addi %add3A_2783, %shift_right_arithmetic3A_4 : vector<16xi32>
        %gather3A_2785 = arith.constant 0 : i32
        %gather3A_2786 = tpu.memref_slice %arg6[%sub3A_2551, %gather3A_2785] : memref<2x128xi32, #tpu.memory_space<vmem>> -> memref<1x128xi32, #tpu.memory_space<vmem>>
        %gather3A_2787 = tpu.memref_squeeze %gather3A_2786 : memref<1x128xi32, #tpu.memory_space<vmem>> -> memref<128xi32, #tpu.memory_space<vmem>>
        %gather3A_2788 = tpu.vector_load_idx %gather3A_2787[%add3A_2784] : memref<128xi32, #tpu.memory_space<vmem>>[vector<16xi32>], vector<16xi32>,
        %shift_right_arithmetic3A_2789 = arith.constant 7 : i32
        %shift_right_arithmetic3A_2790 = vector.broadcast %shift_right_arithmetic3A_2789 : i32 to vector<16xi32>
        %shift_right_arithmetic3A_2791 = arith.shrsi %gather3A_2788, %shift_right_arithmetic3A_2790 : vector<16xi32>
        %shift_left3A_2792 = arith.constant 10 : i32
        %shift_left3A_2793 = vector.broadcast %shift_left3A_2792 : i32 to vector<16xi32>
        %shift_left3A_2794 = arith.shli %shift_right_arithmetic3A_2791, %shift_left3A_2793 : vector<16xi32>
        %or3A_2795 = arith.ori %shift_left3A_2794, %shift_left3A_14 : vector<16xi32>
        %and3A_2796 = arith.constant 127 : i32
        %and3A_2797 = vector.broadcast %and3A_2796 : i32 to vector<16xi32>
        %and3A_2798 = arith.andi %gather3A_2788, %and3A_2797 : vector<16xi32>
        %or3A_2799 = arith.ori %or3A_2795, %and3A_2798 : vector<16xi32>
        %mul3A_2800 = arith.constant 16 : i32
        %mul3A_2801 = arith.muli %scan3A_2780, %mul3A_2800 : i32
        %swap3A_2802 = arith.index_cast %sub3A_2551 : i32 to index
        %swap3A_2803 = arith.index_cast %mul3A_2801 : i32 to index
        %swap3A_2804 = tpu.vector_load %arg7[%swap3A_2802, %swap3A_2803] {strides = array<i32>} : memref<2x1024xi32, #tpu.memory_space<vmem>>, vector<16xi32>,
        tpu.vector_store %arg7[%swap3A_2802, %swap3A_2803], %or3A_2799 {strides = array<i32>} : memref<2x1024xi32, #tpu.memory_space<vmem>>, vector<16xi32>,
        %scan3A_2805 = arith.constant 10 : i32
        %mul3A_2806 = arith.constant 2 : i32
        %mul3A_2807 = arith.muli %mul3A_2806, %scan3A_2805 : i32
        %add3A_2808 = vector.broadcast %mul3A_2807 : i32 to vector<16xi32>
        %add3A_2809 = arith.addi %add3A_2808, %shift_right_arithmetic3A_4 : vector<16xi32>
        %gather3A_2810 = arith.constant 0 : i32
        %gather3A_2811 = tpu.memref_slice %arg6[%sub3A_2551, %gather3A_2810] : memref<2x128xi32, #tpu.memory_space<vmem>> -> memref<1x128xi32, #tpu.memory_space<vmem>>
        %gather3A_2812 = tpu.memref_squeeze %gather3A_2811 : memref<1x128xi32, #tpu.memory_space<vmem>> -> memref<128xi32, #tpu.memory_space<vmem>>
        %gather3A_2813 = tpu.vector_load_idx %gather3A_2812[%add3A_2809] : memref<128xi32, #tpu.memory_space<vmem>>[vector<16xi32>], vector<16xi32>,
        %shift_right_arithmetic3A_2814 = arith.constant 7 : i32
        %shift_right_arithmetic3A_2815 = vector.broadcast %shift_right_arithmetic3A_2814 : i32 to vector<16xi32>
        %shift_right_arithmetic3A_2816 = arith.shrsi %gather3A_2813, %shift_right_arithmetic3A_2815 : vector<16xi32>
        %shift_left3A_2817 = arith.constant 10 : i32
        %shift_left3A_2818 = vector.broadcast %shift_left3A_2817 : i32 to vector<16xi32>
        %shift_left3A_2819 = arith.shli %shift_right_arithmetic3A_2816, %shift_left3A_2818 : vector<16xi32>
        %or3A_2820 = arith.ori %shift_left3A_2819, %shift_left3A_14 : vector<16xi32>
        %and3A_2821 = arith.constant 127 : i32
        %and3A_2822 = vector.broadcast %and3A_2821 : i32 to vector<16xi32>
        %and3A_2823 = arith.andi %gather3A_2813, %and3A_2822 : vector<16xi32>
        %or3A_2824 = arith.ori %or3A_2820, %and3A_2823 : vector<16xi32>
        %mul3A_2825 = arith.constant 16 : i32
        %mul3A_2826 = arith.muli %scan3A_2805, %mul3A_2825 : i32
        %swap3A_2827 = arith.index_cast %sub3A_2551 : i32 to index
        %swap3A_2828 = arith.index_cast %mul3A_2826 : i32 to index
        %swap3A_2829 = tpu.vector_load %arg7[%swap3A_2827, %swap3A_2828] {strides = array<i32>} : memref<2x1024xi32, #tpu.memory_space<vmem>>, vector<16xi32>,
        tpu.vector_store %arg7[%swap3A_2827, %swap3A_2828], %or3A_2824 {strides = array<i32>} : memref<2x1024xi32, #tpu.memory_space<vmem>>, vector<16xi32>,
        %scan3A_2830 = arith.constant 11 : i32
        %mul3A_2831 = arith.constant 2 : i32
        %mul3A_2832 = arith.muli %mul3A_2831, %scan3A_2830 : i32
        %add3A_2833 = vector.broadcast %mul3A_2832 : i32 to vector<16xi32>
        %add3A_2834 = arith.addi %add3A_2833, %shift_right_arithmetic3A_4 : vector<16xi32>
        %gather3A_2835 = arith.constant 0 : i32
        %gather3A_2836 = tpu.memref_slice %arg6[%sub3A_2551, %gather3A_2835] : memref<2x128xi32, #tpu.memory_space<vmem>> -> memref<1x128xi32, #tpu.memory_space<vmem>>
        %gather3A_2837 = tpu.memref_squeeze %gather3A_2836 : memref<1x128xi32, #tpu.memory_space<vmem>> -> memref<128xi32, #tpu.memory_space<vmem>>
        %gather3A_2838 = tpu.vector_load_idx %gather3A_2837[%add3A_2834] : memref<128xi32, #tpu.memory_space<vmem>>[vector<16xi32>], vector<16xi32>,
        %shift_right_arithmetic3A_2839 = arith.constant 7 : i32
        %shift_right_arithmetic3A_2840 = vector.broadcast %shift_right_arithmetic3A_2839 : i32 to vector<16xi32>
        %shift_right_arithmetic3A_2841 = arith.shrsi %gather3A_2838, %shift_right_arithmetic3A_2840 : vector<16xi32>
        %shift_left3A_2842 = arith.constant 10 : i32
        %shift_left3A_2843 = vector.broadcast %shift_left3A_2842 : i32 to vector<16xi32>
        %shift_left3A_2844 = arith.shli %shift_right_arithmetic3A_2841, %shift_left3A_2843 : vector<16xi32>
        %or3A_2845 = arith.ori %shift_left3A_2844, %shift_left3A_14 : vector<16xi32>
        %and3A_2846 = arith.constant 127 : i32
        %and3A_2847 = vector.broadcast %and3A_2846 : i32 to vector<16xi32>
        %and3A_2848 = arith.andi %gather3A_2838, %and3A_2847 : vector<16xi32>
        %or3A_2849 = arith.ori %or3A_2845, %and3A_2848 : vector<16xi32>
        %mul3A_2850 = arith.constant 16 : i32
        %mul3A_2851 = arith.muli %scan3A_2830, %mul3A_2850 : i32
        %swap3A_2852 = arith.index_cast %sub3A_2551 : i32 to index
        %swap3A_2853 = arith.index_cast %mul3A_2851 : i32 to index
        %swap3A_2854 = tpu.vector_load %arg7[%swap3A_2852, %swap3A_2853] {strides = array<i32>} : memref<2x1024xi32, #tpu.memory_space<vmem>>, vector<16xi32>,
        tpu.vector_store %arg7[%swap3A_2852, %swap3A_2853], %or3A_2849 {strides = array<i32>} : memref<2x1024xi32, #tpu.memory_space<vmem>>, vector<16xi32>,
        %scan3A_2855 = arith.constant 12 : i32
        %mul3A_2856 = arith.constant 2 : i32
        %mul3A_2857 = arith.muli %mul3A_2856, %scan3A_2855 : i32
        %add3A_2858 = vector.broadcast %mul3A_2857 : i32 to vector<16xi32>
        %add3A_2859 = arith.addi %add3A_2858, %shift_right_arithmetic3A_4 : vector<16xi32>
        %gather3A_2860 = arith.constant 0 : i32
        %gather3A_2861 = tpu.memref_slice %arg6[%sub3A_2551, %gather3A_2860] : memref<2x128xi32, #tpu.memory_space<vmem>> -> memref<1x128xi32, #tpu.memory_space<vmem>>
        %gather3A_2862 = tpu.memref_squeeze %gather3A_2861 : memref<1x128xi32, #tpu.memory_space<vmem>> -> memref<128xi32, #tpu.memory_space<vmem>>
        %gather3A_2863 = tpu.vector_load_idx %gather3A_2862[%add3A_2859] : memref<128xi32, #tpu.memory_space<vmem>>[vector<16xi32>], vector<16xi32>,
        %shift_right_arithmetic3A_2864 = arith.constant 7 : i32
        %shift_right_arithmetic3A_2865 = vector.broadcast %shift_right_arithmetic3A_2864 : i32 to vector<16xi32>
        %shift_right_arithmetic3A_2866 = arith.shrsi %gather3A_2863, %shift_right_arithmetic3A_2865 : vector<16xi32>
        %shift_left3A_2867 = arith.constant 10 : i32
        %shift_left3A_2868 = vector.broadcast %shift_left3A_2867 : i32 to vector<16xi32>
        %shift_left3A_2869 = arith.shli %shift_right_arithmetic3A_2866, %shift_left3A_2868 : vector<16xi32>
        %or3A_2870 = arith.ori %shift_left3A_2869, %shift_left3A_14 : vector<16xi32>
        %and3A_2871 = arith.constant 127 : i32
        %and3A_2872 = vector.broadcast %and3A_2871 : i32 to vector<16xi32>
        %and3A_2873 = arith.andi %gather3A_2863, %and3A_2872 : vector<16xi32>
        %or3A_2874 = arith.ori %or3A_2870, %and3A_2873 : vector<16xi32>
        %mul3A_2875 = arith.constant 16 : i32
        %mul3A_2876 = arith.muli %scan3A_2855, %mul3A_2875 : i32
        %swap3A_2877 = arith.index_cast %sub3A_2551 : i32 to index
        %swap3A_2878 = arith.index_cast %mul3A_2876 : i32 to index
        %swap3A_2879 = tpu.vector_load %arg7[%swap3A_2877, %swap3A_2878] {strides = array<i32>} : memref<2x1024xi32, #tpu.memory_space<vmem>>, vector<16xi32>,
        tpu.vector_store %arg7[%swap3A_2877, %swap3A_2878], %or3A_2874 {strides = array<i32>} : memref<2x1024xi32, #tpu.memory_space<vmem>>, vector<16xi32>,
        %scan3A_2880 = arith.constant 13 : i32
        %mul3A_2881 = arith.constant 2 : i32
        %mul3A_2882 = arith.muli %mul3A_2881, %scan3A_2880 : i32
        %add3A_2883 = vector.broadcast %mul3A_2882 : i32 to vector<16xi32>
        %add3A_2884 = arith.addi %add3A_2883, %shift_right_arithmetic3A_4 : vector<16xi32>
        %gather3A_2885 = arith.constant 0 : i32
        %gather3A_2886 = tpu.memref_slice %arg6[%sub3A_2551, %gather3A_2885] : memref<2x128xi32, #tpu.memory_space<vmem>> -> memref<1x128xi32, #tpu.memory_space<vmem>>
        %gather3A_2887 = tpu.memref_squeeze %gather3A_2886 : memref<1x128xi32, #tpu.memory_space<vmem>> -> memref<128xi32, #tpu.memory_space<vmem>>
        %gather3A_2888 = tpu.vector_load_idx %gather3A_2887[%add3A_2884] : memref<128xi32, #tpu.memory_space<vmem>>[vector<16xi32>], vector<16xi32>,
        %shift_right_arithmetic3A_2889 = arith.constant 7 : i32
        %shift_right_arithmetic3A_2890 = vector.broadcast %shift_right_arithmetic3A_2889 : i32 to vector<16xi32>
        %shift_right_arithmetic3A_2891 = arith.shrsi %gather3A_2888, %shift_right_arithmetic3A_2890 : vector<16xi32>
        %shift_left3A_2892 = arith.constant 10 : i32
        %shift_left3A_2893 = vector.broadcast %shift_left3A_2892 : i32 to vector<16xi32>
        %shift_left3A_2894 = arith.shli %shift_right_arithmetic3A_2891, %shift_left3A_2893 : vector<16xi32>
        %or3A_2895 = arith.ori %shift_left3A_2894, %shift_left3A_14 : vector<16xi32>
        %and3A_2896 = arith.constant 127 : i32
        %and3A_2897 = vector.broadcast %and3A_2896 : i32 to vector<16xi32>
        %and3A_2898 = arith.andi %gather3A_2888, %and3A_2897 : vector<16xi32>
        %or3A_2899 = arith.ori %or3A_2895, %and3A_2898 : vector<16xi32>
        %mul3A_2900 = arith.constant 16 : i32
        %mul3A_2901 = arith.muli %scan3A_2880, %mul3A_2900 : i32
        %swap3A_2902 = arith.index_cast %sub3A_2551 : i32 to index
        %swap3A_2903 = arith.index_cast %mul3A_2901 : i32 to index
        %swap3A_2904 = tpu.vector_load %arg7[%swap3A_2902, %swap3A_2903] {strides = array<i32>} : memref<2x1024xi32, #tpu.memory_space<vmem>>, vector<16xi32>,
        tpu.vector_store %arg7[%swap3A_2902, %swap3A_2903], %or3A_2899 {strides = array<i32>} : memref<2x1024xi32, #tpu.memory_space<vmem>>, vector<16xi32>,
        %scan3A_2905 = arith.constant 14 : i32
        %mul3A_2906 = arith.constant 2 : i32
        %mul3A_2907 = arith.muli %mul3A_2906, %scan3A_2905 : i32
        %add3A_2908 = vector.broadcast %mul3A_2907 : i32 to vector<16xi32>
        %add3A_2909 = arith.addi %add3A_2908, %shift_right_arithmetic3A_4 : vector<16xi32>
        %gather3A_2910 = arith.constant 0 : i32
        %gather3A_2911 = tpu.memref_slice %arg6[%sub3A_2551, %gather3A_2910] : memref<2x128xi32, #tpu.memory_space<vmem>> -> memref<1x128xi32, #tpu.memory_space<vmem>>
        %gather3A_2912 = tpu.memref_squeeze %gather3A_2911 : memref<1x128xi32, #tpu.memory_space<vmem>> -> memref<128xi32, #tpu.memory_space<vmem>>
        %gather3A_2913 = tpu.vector_load_idx %gather3A_2912[%add3A_2909] : memref<128xi32, #tpu.memory_space<vmem>>[vector<16xi32>], vector<16xi32>,
        %shift_right_arithmetic3A_2914 = arith.constant 7 : i32
        %shift_right_arithmetic3A_2915 = vector.broadcast %shift_right_arithmetic3A_2914 : i32 to vector<16xi32>
        %shift_right_arithmetic3A_2916 = arith.shrsi %gather3A_2913, %shift_right_arithmetic3A_2915 : vector<16xi32>
        %shift_left3A_2917 = arith.constant 10 : i32
        %shift_left3A_2918 = vector.broadcast %shift_left3A_2917 : i32 to vector<16xi32>
        %shift_left3A_2919 = arith.shli %shift_right_arithmetic3A_2916, %shift_left3A_2918 : vector<16xi32>
        %or3A_2920 = arith.ori %shift_left3A_2919, %shift_left3A_14 : vector<16xi32>
        %and3A_2921 = arith.constant 127 : i32
        %and3A_2922 = vector.broadcast %and3A_2921 : i32 to vector<16xi32>
        %and3A_2923 = arith.andi %gather3A_2913, %and3A_2922 : vector<16xi32>
        %or3A_2924 = arith.ori %or3A_2920, %and3A_2923 : vector<16xi32>
        %mul3A_2925 = arith.constant 16 : i32
        %mul3A_2926 = arith.muli %scan3A_2905, %mul3A_2925 : i32
        %swap3A_2927 = arith.index_cast %sub3A_2551 : i32 to index
        %swap3A_2928 = arith.index_cast %mul3A_2926 : i32 to index
        %swap3A_2929 = tpu.vector_load %arg7[%swap3A_2927, %swap3A_2928] {strides = array<i32>} : memref<2x1024xi32, #tpu.memory_space<vmem>>, vector<16xi32>,
        tpu.vector_store %arg7[%swap3A_2927, %swap3A_2928], %or3A_2924 {strides = array<i32>} : memref<2x1024xi32, #tpu.memory_space<vmem>>, vector<16xi32>,
        %scan3A_2930 = arith.constant 15 : i32
        %mul3A_2931 = arith.constant 2 : i32
        %mul3A_2932 = arith.muli %mul3A_2931, %scan3A_2930 : i32
        %add3A_2933 = vector.broadcast %mul3A_2932 : i32 to vector<16xi32>
        %add3A_2934 = arith.addi %add3A_2933, %shift_right_arithmetic3A_4 : vector<16xi32>
        %gather3A_2935 = arith.constant 0 : i32
        %gather3A_2936 = tpu.memref_slice %arg6[%sub3A_2551, %gather3A_2935] : memref<2x128xi32, #tpu.memory_space<vmem>> -> memref<1x128xi32, #tpu.memory_space<vmem>>
        %gather3A_2937 = tpu.memref_squeeze %gather3A_2936 : memref<1x128xi32, #tpu.memory_space<vmem>> -> memref<128xi32, #tpu.memory_space<vmem>>
        %gather3A_2938 = tpu.vector_load_idx %gather3A_2937[%add3A_2934] : memref<128xi32, #tpu.memory_space<vmem>>[vector<16xi32>], vector<16xi32>,
        %shift_right_arithmetic3A_2939 = arith.constant 7 : i32
        %shift_right_arithmetic3A_2940 = vector.broadcast %shift_right_arithmetic3A_2939 : i32 to vector<16xi32>
        %shift_right_arithmetic3A_2941 = arith.shrsi %gather3A_2938, %shift_right_arithmetic3A_2940 : vector<16xi32>
        %shift_left3A_2942 = arith.constant 10 : i32
        %shift_left3A_2943 = vector.broadcast %shift_left3A_2942 : i32 to vector<16xi32>
        %shift_left3A_2944 = arith.shli %shift_right_arithmetic3A_2941, %shift_left3A_2943 : vector<16xi32>
        %or3A_2945 = arith.ori %shift_left3A_2944, %shift_left3A_14 : vector<16xi32>
        %and3A_2946 = arith.constant 127 : i32
        %and3A_2947 = vector.broadcast %and3A_2946 : i32 to vector<16xi32>
        %and3A_2948 = arith.andi %gather3A_2938, %and3A_2947 : vector<16xi32>
        %or3A_2949 = arith.ori %or3A_2945, %and3A_2948 : vector<16xi32>
        %mul3A_2950 = arith.constant 16 : i32
        %mul3A_2951 = arith.muli %scan3A_2930, %mul3A_2950 : i32
        %swap3A_2952 = arith.index_cast %sub3A_2551 : i32 to index
        %swap3A_2953 = arith.index_cast %mul3A_2951 : i32 to index
        %swap3A_2954 = tpu.vector_load %arg7[%swap3A_2952, %swap3A_2953] {strides = array<i32>} : memref<2x1024xi32, #tpu.memory_space<vmem>>, vector<16xi32>,
        tpu.vector_store %arg7[%swap3A_2952, %swap3A_2953], %or3A_2949 {strides = array<i32>} : memref<2x1024xi32, #tpu.memory_space<vmem>>, vector<16xi32>,
        %scan3A_2955 = arith.constant 16 : i32
        %mul3A_2956 = arith.constant 2 : i32
        %mul3A_2957 = arith.muli %mul3A_2956, %scan3A_2955 : i32
        %add3A_2958 = vector.broadcast %mul3A_2957 : i32 to vector<16xi32>
        %add3A_2959 = arith.addi %add3A_2958, %shift_right_arithmetic3A_4 : vector<16xi32>
        %gather3A_2960 = arith.constant 0 : i32
        %gather3A_2961 = tpu.memref_slice %arg6[%sub3A_2551, %gather3A_2960] : memref<2x128xi32, #tpu.memory_space<vmem>> -> memref<1x128xi32, #tpu.memory_space<vmem>>
        %gather3A_2962 = tpu.memref_squeeze %gather3A_2961 : memref<1x128xi32, #tpu.memory_space<vmem>> -> memref<128xi32, #tpu.memory_space<vmem>>
        %gather3A_2963 = tpu.vector_load_idx %gather3A_2962[%add3A_2959] : memref<128xi32, #tpu.memory_space<vmem>>[vector<16xi32>], vector<16xi32>,
        %shift_right_arithmetic3A_2964 = arith.constant 7 : i32
        %shift_right_arithmetic3A_2965 = vector.broadcast %shift_right_arithmetic3A_2964 : i32 to vector<16xi32>
        %shift_right_arithmetic3A_2966 = arith.shrsi %gather3A_2963, %shift_right_arithmetic3A_2965 : vector<16xi32>
        %shift_left3A_2967 = arith.constant 10 : i32
        %shift_left3A_2968 = vector.broadcast %shift_left3A_2967 : i32 to vector<16xi32>
        %shift_left3A_2969 = arith.shli %shift_right_arithmetic3A_2966, %shift_left3A_2968 : vector<16xi32>
        %or3A_2970 = arith.ori %shift_left3A_2969, %shift_left3A_14 : vector<16xi32>
        %and3A_2971 = arith.constant 127 : i32
        %and3A_2972 = vector.broadcast %and3A_2971 : i32 to vector<16xi32>
        %and3A_2973 = arith.andi %gather3A_2963, %and3A_2972 : vector<16xi32>
        %or3A_2974 = arith.ori %or3A_2970, %and3A_2973 : vector<16xi32>
        %mul3A_2975 = arith.constant 16 : i32
        %mul3A_2976 = arith.muli %scan3A_2955, %mul3A_2975 : i32
        %swap3A_2977 = arith.index_cast %sub3A_2551 : i32 to index
        %swap3A_2978 = arith.index_cast %mul3A_2976 : i32 to index
        %swap3A_2979 = tpu.vector_load %arg7[%swap3A_2977, %swap3A_2978] {strides = array<i32>} : memref<2x1024xi32, #tpu.memory_space<vmem>>, vector<16xi32>,
        tpu.vector_store %arg7[%swap3A_2977, %swap3A_2978], %or3A_2974 {strides = array<i32>} : memref<2x1024xi32, #tpu.memory_space<vmem>>, vector<16xi32>,
        %scan3A_2980 = arith.constant 17 : i32
        %mul3A_2981 = arith.constant 2 : i32
        %mul3A_2982 = arith.muli %mul3A_2981, %scan3A_2980 : i32
        %add3A_2983 = vector.broadcast %mul3A_2982 : i32 to vector<16xi32>
        %add3A_2984 = arith.addi %add3A_2983, %shift_right_arithmetic3A_4 : vector<16xi32>
        %gather3A_2985 = arith.constant 0 : i32
        %gather3A_2986 = tpu.memref_slice %arg6[%sub3A_2551, %gather3A_2985] : memref<2x128xi32, #tpu.memory_space<vmem>> -> memref<1x128xi32, #tpu.memory_space<vmem>>
        %gather3A_2987 = tpu.memref_squeeze %gather3A_2986 : memref<1x128xi32, #tpu.memory_space<vmem>> -> memref<128xi32, #tpu.memory_space<vmem>>
        %gather3A_2988 = tpu.vector_load_idx %gather3A_2987[%add3A_2984] : memref<128xi32, #tpu.memory_space<vmem>>[vector<16xi32>], vector<16xi32>,
        %shift_right_arithmetic3A_2989 = arith.constant 7 : i32
        %shift_right_arithmetic3A_2990 = vector.broadcast %shift_right_arithmetic3A_2989 : i32 to vector<16xi32>
        %shift_right_arithmetic3A_2991 = arith.shrsi %gather3A_2988, %shift_right_arithmetic3A_2990 : vector<16xi32>
        %shift_left3A_2992 = arith.constant 10 : i32
        %shift_left3A_2993 = vector.broadcast %shift_left3A_2992 : i32 to vector<16xi32>
        %shift_left3A_2994 = arith.shli %shift_right_arithmetic3A_2991, %shift_left3A_2993 : vector<16xi32>
        %or3A_2995 = arith.ori %shift_left3A_2994, %shift_left3A_14 : vector<16xi32>
        %and3A_2996 = arith.constant 127 : i32
        %and3A_2997 = vector.broadcast %and3A_2996 : i32 to vector<16xi32>
        %and3A_2998 = arith.andi %gather3A_2988, %and3A_2997 : vector<16xi32>
        %or3A_2999 = arith.ori %or3A_2995, %and3A_2998 : vector<16xi32>
        %mul3A_3000 = arith.constant 16 : i32
        %mul3A_3001 = arith.muli %scan3A_2980, %mul3A_3000 : i32
        %swap3A_3002 = arith.index_cast %sub3A_2551 : i32 to index
        %swap3A_3003 = arith.index_cast %mul3A_3001 : i32 to index
        %swap3A_3004 = tpu.vector_load %arg7[%swap3A_3002, %swap3A_3003] {strides = array<i32>} : memref<2x1024xi32, #tpu.memory_space<vmem>>, vector<16xi32>,
        tpu.vector_store %arg7[%swap3A_3002, %swap3A_3003], %or3A_2999 {strides = array<i32>} : memref<2x1024xi32, #tpu.memory_space<vmem>>, vector<16xi32>,
        %scan3A_3005 = arith.constant 18 : i32
        %mul3A_3006 = arith.constant 2 : i32
        %mul3A_3007 = arith.muli %mul3A_3006, %scan3A_3005 : i32
        %add3A_3008 = vector.broadcast %mul3A_3007 : i32 to vector<16xi32>
        %add3A_3009 = arith.addi %add3A_3008, %shift_right_arithmetic3A_4 : vector<16xi32>
        %gather3A_3010 = arith.constant 0 : i32
        %gather3A_3011 = tpu.memref_slice %arg6[%sub3A_2551, %gather3A_3010] : memref<2x128xi32, #tpu.memory_space<vmem>> -> memref<1x128xi32, #tpu.memory_space<vmem>>
        %gather3A_3012 = tpu.memref_squeeze %gather3A_3011 : memref<1x128xi32, #tpu.memory_space<vmem>> -> memref<128xi32, #tpu.memory_space<vmem>>
        %gather3A_3013 = tpu.vector_load_idx %gather3A_3012[%add3A_3009] : memref<128xi32, #tpu.memory_space<vmem>>[vector<16xi32>], vector<16xi32>,
        %shift_right_arithmetic3A_3014 = arith.constant 7 : i32
        %shift_right_arithmetic3A_3015 = vector.broadcast %shift_right_arithmetic3A_3014 : i32 to vector<16xi32>
        %shift_right_arithmetic3A_3016 = arith.shrsi %gather3A_3013, %shift_right_arithmetic3A_3015 : vector<16xi32>
        %shift_left3A_3017 = arith.constant 10 : i32
        %shift_left3A_3018 = vector.broadcast %shift_left3A_3017 : i32 to vector<16xi32>
        %shift_left3A_3019 = arith.shli %shift_right_arithmetic3A_3016, %shift_left3A_3018 : vector<16xi32>
        %or3A_3020 = arith.ori %shift_left3A_3019, %shift_left3A_14 : vector<16xi32>
        %and3A_3021 = arith.constant 127 : i32
        %and3A_3022 = vector.broadcast %and3A_3021 : i32 to vector<16xi32>
        %and3A_3023 = arith.andi %gather3A_3013, %and3A_3022 : vector<16xi32>
        %or3A_3024 = arith.ori %or3A_3020, %and3A_3023 : vector<16xi32>
        %mul3A_3025 = arith.constant 16 : i32
        %mul3A_3026 = arith.muli %scan3A_3005, %mul3A_3025 : i32
        %swap3A_3027 = arith.index_cast %sub3A_2551 : i32 to index
        %swap3A_3028 = arith.index_cast %mul3A_3026 : i32 to index
        %swap3A_3029 = tpu.vector_load %arg7[%swap3A_3027, %swap3A_3028] {strides = array<i32>} : memref<2x1024xi32, #tpu.memory_space<vmem>>, vector<16xi32>,
        tpu.vector_store %arg7[%swap3A_3027, %swap3A_3028], %or3A_3024 {strides = array<i32>} : memref<2x1024xi32, #tpu.memory_space<vmem>>, vector<16xi32>,
        %scan3A_3030 = arith.constant 19 : i32
        %mul3A_3031 = arith.constant 2 : i32
        %mul3A_3032 = arith.muli %mul3A_3031, %scan3A_3030 : i32
        %add3A_3033 = vector.broadcast %mul3A_3032 : i32 to vector<16xi32>
        %add3A_3034 = arith.addi %add3A_3033, %shift_right_arithmetic3A_4 : vector<16xi32>
        %gather3A_3035 = arith.constant 0 : i32
        %gather3A_3036 = tpu.memref_slice %arg6[%sub3A_2551, %gather3A_3035] : memref<2x128xi32, #tpu.memory_space<vmem>> -> memref<1x128xi32, #tpu.memory_space<vmem>>
        %gather3A_3037 = tpu.memref_squeeze %gather3A_3036 : memref<1x128xi32, #tpu.memory_space<vmem>> -> memref<128xi32, #tpu.memory_space<vmem>>
        %gather3A_3038 = tpu.vector_load_idx %gather3A_3037[%add3A_3034] : memref<128xi32, #tpu.memory_space<vmem>>[vector<16xi32>], vector<16xi32>,
        %shift_right_arithmetic3A_3039 = arith.constant 7 : i32
        %shift_right_arithmetic3A_3040 = vector.broadcast %shift_right_arithmetic3A_3039 : i32 to vector<16xi32>
        %shift_right_arithmetic3A_3041 = arith.shrsi %gather3A_3038, %shift_right_arithmetic3A_3040 : vector<16xi32>
        %shift_left3A_3042 = arith.constant 10 : i32
        %shift_left3A_3043 = vector.broadcast %shift_left3A_3042 : i32 to vector<16xi32>
        %shift_left3A_3044 = arith.shli %shift_right_arithmetic3A_3041, %shift_left3A_3043 : vector<16xi32>
        %or3A_3045 = arith.ori %shift_left3A_3044, %shift_left3A_14 : vector<16xi32>
        %and3A_3046 = arith.constant 127 : i32
        %and3A_3047 = vector.broadcast %and3A_3046 : i32 to vector<16xi32>
        %and3A_3048 = arith.andi %gather3A_3038, %and3A_3047 : vector<16xi32>
        %or3A_3049 = arith.ori %or3A_3045, %and3A_3048 : vector<16xi32>
        %mul3A_3050 = arith.constant 16 : i32
        %mul3A_3051 = arith.muli %scan3A_3030, %mul3A_3050 : i32
        %swap3A_3052 = arith.index_cast %sub3A_2551 : i32 to index
        %swap3A_3053 = arith.index_cast %mul3A_3051 : i32 to index
        %swap3A_3054 = tpu.vector_load %arg7[%swap3A_3052, %swap3A_3053] {strides = array<i32>} : memref<2x1024xi32, #tpu.memory_space<vmem>>, vector<16xi32>,
        tpu.vector_store %arg7[%swap3A_3052, %swap3A_3053], %or3A_3049 {strides = array<i32>} : memref<2x1024xi32, #tpu.memory_space<vmem>>, vector<16xi32>,
        %scan3A_3055 = arith.constant 20 : i32
        %mul3A_3056 = arith.constant 2 : i32
        %mul3A_3057 = arith.muli %mul3A_3056, %scan3A_3055 : i32
        %add3A_3058 = vector.broadcast %mul3A_3057 : i32 to vector<16xi32>
        %add3A_3059 = arith.addi %add3A_3058, %shift_right_arithmetic3A_4 : vector<16xi32>
        %gather3A_3060 = arith.constant 0 : i32
        %gather3A_3061 = tpu.memref_slice %arg6[%sub3A_2551, %gather3A_3060] : memref<2x128xi32, #tpu.memory_space<vmem>> -> memref<1x128xi32, #tpu.memory_space<vmem>>
        %gather3A_3062 = tpu.memref_squeeze %gather3A_3061 : memref<1x128xi32, #tpu.memory_space<vmem>> -> memref<128xi32, #tpu.memory_space<vmem>>
        %gather3A_3063 = tpu.vector_load_idx %gather3A_3062[%add3A_3059] : memref<128xi32, #tpu.memory_space<vmem>>[vector<16xi32>], vector<16xi32>,
        %shift_right_arithmetic3A_3064 = arith.constant 7 : i32
        %shift_right_arithmetic3A_3065 = vector.broadcast %shift_right_arithmetic3A_3064 : i32 to vector<16xi32>
        %shift_right_arithmetic3A_3066 = arith.shrsi %gather3A_3063, %shift_right_arithmetic3A_3065 : vector<16xi32>
        %shift_left3A_3067 = arith.constant 10 : i32
        %shift_left3A_3068 = vector.broadcast %shift_left3A_3067 : i32 to vector<16xi32>
        %shift_left3A_3069 = arith.shli %shift_right_arithmetic3A_3066, %shift_left3A_3068 : vector<16xi32>
        %or3A_3070 = arith.ori %shift_left3A_3069, %shift_left3A_14 : vector<16xi32>
        %and3A_3071 = arith.constant 127 : i32
        %and3A_3072 = vector.broadcast %and3A_3071 : i32 to vector<16xi32>
        %and3A_3073 = arith.andi %gather3A_3063, %and3A_3072 : vector<16xi32>
        %or3A_3074 = arith.ori %or3A_3070, %and3A_3073 : vector<16xi32>
        %mul3A_3075 = arith.constant 16 : i32
        %mul3A_3076 = arith.muli %scan3A_3055, %mul3A_3075 : i32
        %swap3A_3077 = arith.index_cast %sub3A_2551 : i32 to index
        %swap3A_3078 = arith.index_cast %mul3A_3076 : i32 to index
        %swap3A_3079 = tpu.vector_load %arg7[%swap3A_3077, %swap3A_3078] {strides = array<i32>} : memref<2x1024xi32, #tpu.memory_space<vmem>>, vector<16xi32>,
        tpu.vector_store %arg7[%swap3A_3077, %swap3A_3078], %or3A_3074 {strides = array<i32>} : memref<2x1024xi32, #tpu.memory_space<vmem>>, vector<16xi32>,
        %scan3A_3080 = arith.constant 21 : i32
        %mul3A_3081 = arith.constant 2 : i32
        %mul3A_3082 = arith.muli %mul3A_3081, %scan3A_3080 : i32
        %add3A_3083 = vector.broadcast %mul3A_3082 : i32 to vector<16xi32>
        %add3A_3084 = arith.addi %add3A_3083, %shift_right_arithmetic3A_4 : vector<16xi32>
        %gather3A_3085 = arith.constant 0 : i32
        %gather3A_3086 = tpu.memref_slice %arg6[%sub3A_2551, %gather3A_3085] : memref<2x128xi32, #tpu.memory_space<vmem>> -> memref<1x128xi32, #tpu.memory_space<vmem>>
        %gather3A_3087 = tpu.memref_squeeze %gather3A_3086 : memref<1x128xi32, #tpu.memory_space<vmem>> -> memref<128xi32, #tpu.memory_space<vmem>>
        %gather3A_3088 = tpu.vector_load_idx %gather3A_3087[%add3A_3084] : memref<128xi32, #tpu.memory_space<vmem>>[vector<16xi32>], vector<16xi32>,
        %shift_right_arithmetic3A_3089 = arith.constant 7 : i32
        %shift_right_arithmetic3A_3090 = vector.broadcast %shift_right_arithmetic3A_3089 : i32 to vector<16xi32>
        %shift_right_arithmetic3A_3091 = arith.shrsi %gather3A_3088, %shift_right_arithmetic3A_3090 : vector<16xi32>
        %shift_left3A_3092 = arith.constant 10 : i32
        %shift_left3A_3093 = vector.broadcast %shift_left3A_3092 : i32 to vector<16xi32>
        %shift_left3A_3094 = arith.shli %shift_right_arithmetic3A_3091, %shift_left3A_3093 : vector<16xi32>
        %or3A_3095 = arith.ori %shift_left3A_3094, %shift_left3A_14 : vector<16xi32>
        %and3A_3096 = arith.constant 127 : i32
        %and3A_3097 = vector.broadcast %and3A_3096 : i32 to vector<16xi32>
        %and3A_3098 = arith.andi %gather3A_3088, %and3A_3097 : vector<16xi32>
        %or3A_3099 = arith.ori %or3A_3095, %and3A_3098 : vector<16xi32>
        %mul3A_3100 = arith.constant 16 : i32
        %mul3A_3101 = arith.muli %scan3A_3080, %mul3A_3100 : i32
        %swap3A_3102 = arith.index_cast %sub3A_2551 : i32 to index
        %swap3A_3103 = arith.index_cast %mul3A_3101 : i32 to index
        %swap3A_3104 = tpu.vector_load %arg7[%swap3A_3102, %swap3A_3103] {strides = array<i32>} : memref<2x1024xi32, #tpu.memory_space<vmem>>, vector<16xi32>,
        tpu.vector_store %arg7[%swap3A_3102, %swap3A_3103], %or3A_3099 {strides = array<i32>} : memref<2x1024xi32, #tpu.memory_space<vmem>>, vector<16xi32>,
        %scan3A_3105 = arith.constant 22 : i32
        %mul3A_3106 = arith.constant 2 : i32
        %mul3A_3107 = arith.muli %mul3A_3106, %scan3A_3105 : i32
        %add3A_3108 = vector.broadcast %mul3A_3107 : i32 to vector<16xi32>
        %add3A_3109 = arith.addi %add3A_3108, %shift_right_arithmetic3A_4 : vector<16xi32>
        %gather3A_3110 = arith.constant 0 : i32
        %gather3A_3111 = tpu.memref_slice %arg6[%sub3A_2551, %gather3A_3110] : memref<2x128xi32, #tpu.memory_space<vmem>> -> memref<1x128xi32, #tpu.memory_space<vmem>>
        %gather3A_3112 = tpu.memref_squeeze %gather3A_3111 : memref<1x128xi32, #tpu.memory_space<vmem>> -> memref<128xi32, #tpu.memory_space<vmem>>
        %gather3A_3113 = tpu.vector_load_idx %gather3A_3112[%add3A_3109] : memref<128xi32, #tpu.memory_space<vmem>>[vector<16xi32>], vector<16xi32>,
        %shift_right_arithmetic3A_3114 = arith.constant 7 : i32
        %shift_right_arithmetic3A_3115 = vector.broadcast %shift_right_arithmetic3A_3114 : i32 to vector<16xi32>
        %shift_right_arithmetic3A_3116 = arith.shrsi %gather3A_3113, %shift_right_arithmetic3A_3115 : vector<16xi32>
        %shift_left3A_3117 = arith.constant 10 : i32
        %shift_left3A_3118 = vector.broadcast %shift_left3A_3117 : i32 to vector<16xi32>
        %shift_left3A_3119 = arith.shli %shift_right_arithmetic3A_3116, %shift_left3A_3118 : vector<16xi32>
        %or3A_3120 = arith.ori %shift_left3A_3119, %shift_left3A_14 : vector<16xi32>
        %and3A_3121 = arith.constant 127 : i32
        %and3A_3122 = vector.broadcast %and3A_3121 : i32 to vector<16xi32>
        %and3A_3123 = arith.andi %gather3A_3113, %and3A_3122 : vector<16xi32>
        %or3A_3124 = arith.ori %or3A_3120, %and3A_3123 : vector<16xi32>
        %mul3A_3125 = arith.constant 16 : i32
        %mul3A_3126 = arith.muli %scan3A_3105, %mul3A_3125 : i32
        %swap3A_3127 = arith.index_cast %sub3A_2551 : i32 to index
        %swap3A_3128 = arith.index_cast %mul3A_3126 : i32 to index
        %swap3A_3129 = tpu.vector_load %arg7[%swap3A_3127, %swap3A_3128] {strides = array<i32>} : memref<2x1024xi32, #tpu.memory_space<vmem>>, vector<16xi32>,
        tpu.vector_store %arg7[%swap3A_3127, %swap3A_3128], %or3A_3124 {strides = array<i32>} : memref<2x1024xi32, #tpu.memory_space<vmem>>, vector<16xi32>,
        %scan3A_3130 = arith.constant 23 : i32
        %mul3A_3131 = arith.constant 2 : i32
        %mul3A_3132 = arith.muli %mul3A_3131, %scan3A_3130 : i32
        %add3A_3133 = vector.broadcast %mul3A_3132 : i32 to vector<16xi32>
        %add3A_3134 = arith.addi %add3A_3133, %shift_right_arithmetic3A_4 : vector<16xi32>
        %gather3A_3135 = arith.constant 0 : i32
        %gather3A_3136 = tpu.memref_slice %arg6[%sub3A_2551, %gather3A_3135] : memref<2x128xi32, #tpu.memory_space<vmem>> -> memref<1x128xi32, #tpu.memory_space<vmem>>
        %gather3A_3137 = tpu.memref_squeeze %gather3A_3136 : memref<1x128xi32, #tpu.memory_space<vmem>> -> memref<128xi32, #tpu.memory_space<vmem>>
        %gather3A_3138 = tpu.vector_load_idx %gather3A_3137[%add3A_3134] : memref<128xi32, #tpu.memory_space<vmem>>[vector<16xi32>], vector<16xi32>,
        %shift_right_arithmetic3A_3139 = arith.constant 7 : i32
        %shift_right_arithmetic3A_3140 = vector.broadcast %shift_right_arithmetic3A_3139 : i32 to vector<16xi32>
        %shift_right_arithmetic3A_3141 = arith.shrsi %gather3A_3138, %shift_right_arithmetic3A_3140 : vector<16xi32>
        %shift_left3A_3142 = arith.constant 10 : i32
        %shift_left3A_3143 = vector.broadcast %shift_left3A_3142 : i32 to vector<16xi32>
        %shift_left3A_3144 = arith.shli %shift_right_arithmetic3A_3141, %shift_left3A_3143 : vector<16xi32>
        %or3A_3145 = arith.ori %shift_left3A_3144, %shift_left3A_14 : vector<16xi32>
        %and3A_3146 = arith.constant 127 : i32
        %and3A_3147 = vector.broadcast %and3A_3146 : i32 to vector<16xi32>
        %and3A_3148 = arith.andi %gather3A_3138, %and3A_3147 : vector<16xi32>
        %or3A_3149 = arith.ori %or3A_3145, %and3A_3148 : vector<16xi32>
        %mul3A_3150 = arith.constant 16 : i32
        %mul3A_3151 = arith.muli %scan3A_3130, %mul3A_3150 : i32
        %swap3A_3152 = arith.index_cast %sub3A_2551 : i32 to index
        %swap3A_3153 = arith.index_cast %mul3A_3151 : i32 to index
        %swap3A_3154 = tpu.vector_load %arg7[%swap3A_3152, %swap3A_3153] {strides = array<i32>} : memref<2x1024xi32, #tpu.memory_space<vmem>>, vector<16xi32>,
        tpu.vector_store %arg7[%swap3A_3152, %swap3A_3153], %or3A_3149 {strides = array<i32>} : memref<2x1024xi32, #tpu.memory_space<vmem>>, vector<16xi32>,
        %scan3A_3155 = arith.constant 24 : i32
        %mul3A_3156 = arith.constant 2 : i32
        %mul3A_3157 = arith.muli %mul3A_3156, %scan3A_3155 : i32
        %add3A_3158 = vector.broadcast %mul3A_3157 : i32 to vector<16xi32>
        %add3A_3159 = arith.addi %add3A_3158, %shift_right_arithmetic3A_4 : vector<16xi32>
        %gather3A_3160 = arith.constant 0 : i32
        %gather3A_3161 = tpu.memref_slice %arg6[%sub3A_2551, %gather3A_3160] : memref<2x128xi32, #tpu.memory_space<vmem>> -> memref<1x128xi32, #tpu.memory_space<vmem>>
        %gather3A_3162 = tpu.memref_squeeze %gather3A_3161 : memref<1x128xi32, #tpu.memory_space<vmem>> -> memref<128xi32, #tpu.memory_space<vmem>>
        %gather3A_3163 = tpu.vector_load_idx %gather3A_3162[%add3A_3159] : memref<128xi32, #tpu.memory_space<vmem>>[vector<16xi32>], vector<16xi32>,
        %shift_right_arithmetic3A_3164 = arith.constant 7 : i32
        %shift_right_arithmetic3A_3165 = vector.broadcast %shift_right_arithmetic3A_3164 : i32 to vector<16xi32>
        %shift_right_arithmetic3A_3166 = arith.shrsi %gather3A_3163, %shift_right_arithmetic3A_3165 : vector<16xi32>
        %shift_left3A_3167 = arith.constant 10 : i32
        %shift_left3A_3168 = vector.broadcast %shift_left3A_3167 : i32 to vector<16xi32>
        %shift_left3A_3169 = arith.shli %shift_right_arithmetic3A_3166, %shift_left3A_3168 : vector<16xi32>
        %or3A_3170 = arith.ori %shift_left3A_3169, %shift_left3A_14 : vector<16xi32>
        %and3A_3171 = arith.constant 127 : i32
        %and3A_3172 = vector.broadcast %and3A_3171 : i32 to vector<16xi32>
        %and3A_3173 = arith.andi %gather3A_3163, %and3A_3172 : vector<16xi32>
        %or3A_3174 = arith.ori %or3A_3170, %and3A_3173 : vector<16xi32>
        %mul3A_3175 = arith.constant 16 : i32
        %mul3A_3176 = arith.muli %scan3A_3155, %mul3A_3175 : i32
        %swap3A_3177 = arith.index_cast %sub3A_2551 : i32 to index
        %swap3A_3178 = arith.index_cast %mul3A_3176 : i32 to index
        %swap3A_3179 = tpu.vector_load %arg7[%swap3A_3177, %swap3A_3178] {strides = array<i32>} : memref<2x1024xi32, #tpu.memory_space<vmem>>, vector<16xi32>,
        tpu.vector_store %arg7[%swap3A_3177, %swap3A_3178], %or3A_3174 {strides = array<i32>} : memref<2x1024xi32, #tpu.memory_space<vmem>>, vector<16xi32>,
        %scan3A_3180 = arith.constant 25 : i32
        %mul3A_3181 = arith.constant 2 : i32
        %mul3A_3182 = arith.muli %mul3A_3181, %scan3A_3180 : i32
        %add3A_3183 = vector.broadcast %mul3A_3182 : i32 to vector<16xi32>
        %add3A_3184 = arith.addi %add3A_3183, %shift_right_arithmetic3A_4 : vector<16xi32>
        %gather3A_3185 = arith.constant 0 : i32
        %gather3A_3186 = tpu.memref_slice %arg6[%sub3A_2551, %gather3A_3185] : memref<2x128xi32, #tpu.memory_space<vmem>> -> memref<1x128xi32, #tpu.memory_space<vmem>>
        %gather3A_3187 = tpu.memref_squeeze %gather3A_3186 : memref<1x128xi32, #tpu.memory_space<vmem>> -> memref<128xi32, #tpu.memory_space<vmem>>
        %gather3A_3188 = tpu.vector_load_idx %gather3A_3187[%add3A_3184] : memref<128xi32, #tpu.memory_space<vmem>>[vector<16xi32>], vector<16xi32>,
        %shift_right_arithmetic3A_3189 = arith.constant 7 : i32
        %shift_right_arithmetic3A_3190 = vector.broadcast %shift_right_arithmetic3A_3189 : i32 to vector<16xi32>
        %shift_right_arithmetic3A_3191 = arith.shrsi %gather3A_3188, %shift_right_arithmetic3A_3190 : vector<16xi32>
        %shift_left3A_3192 = arith.constant 10 : i32
        %shift_left3A_3193 = vector.broadcast %shift_left3A_3192 : i32 to vector<16xi32>
        %shift_left3A_3194 = arith.shli %shift_right_arithmetic3A_3191, %shift_left3A_3193 : vector<16xi32>
        %or3A_3195 = arith.ori %shift_left3A_3194, %shift_left3A_14 : vector<16xi32>
        %and3A_3196 = arith.constant 127 : i32
        %and3A_3197 = vector.broadcast %and3A_3196 : i32 to vector<16xi32>
        %and3A_3198 = arith.andi %gather3A_3188, %and3A_3197 : vector<16xi32>
        %or3A_3199 = arith.ori %or3A_3195, %and3A_3198 : vector<16xi32>
        %mul3A_3200 = arith.constant 16 : i32
        %mul3A_3201 = arith.muli %scan3A_3180, %mul3A_3200 : i32
        %swap3A_3202 = arith.index_cast %sub3A_2551 : i32 to index
        %swap3A_3203 = arith.index_cast %mul3A_3201 : i32 to index
        %swap3A_3204 = tpu.vector_load %arg7[%swap3A_3202, %swap3A_3203] {strides = array<i32>} : memref<2x1024xi32, #tpu.memory_space<vmem>>, vector<16xi32>,
        tpu.vector_store %arg7[%swap3A_3202, %swap3A_3203], %or3A_3199 {strides = array<i32>} : memref<2x1024xi32, #tpu.memory_space<vmem>>, vector<16xi32>,
        %scan3A_3205 = arith.constant 26 : i32
        %mul3A_3206 = arith.constant 2 : i32
        %mul3A_3207 = arith.muli %mul3A_3206, %scan3A_3205 : i32
        %add3A_3208 = vector.broadcast %mul3A_3207 : i32 to vector<16xi32>
        %add3A_3209 = arith.addi %add3A_3208, %shift_right_arithmetic3A_4 : vector<16xi32>
        %gather3A_3210 = arith.constant 0 : i32
        %gather3A_3211 = tpu.memref_slice %arg6[%sub3A_2551, %gather3A_3210] : memref<2x128xi32, #tpu.memory_space<vmem>> -> memref<1x128xi32, #tpu.memory_space<vmem>>
        %gather3A_3212 = tpu.memref_squeeze %gather3A_3211 : memref<1x128xi32, #tpu.memory_space<vmem>> -> memref<128xi32, #tpu.memory_space<vmem>>
        %gather3A_3213 = tpu.vector_load_idx %gather3A_3212[%add3A_3209] : memref<128xi32, #tpu.memory_space<vmem>>[vector<16xi32>], vector<16xi32>,
        %shift_right_arithmetic3A_3214 = arith.constant 7 : i32
        %shift_right_arithmetic3A_3215 = vector.broadcast %shift_right_arithmetic3A_3214 : i32 to vector<16xi32>
        %shift_right_arithmetic3A_3216 = arith.shrsi %gather3A_3213, %shift_right_arithmetic3A_3215 : vector<16xi32>
        %shift_left3A_3217 = arith.constant 10 : i32
        %shift_left3A_3218 = vector.broadcast %shift_left3A_3217 : i32 to vector<16xi32>
        %shift_left3A_3219 = arith.shli %shift_right_arithmetic3A_3216, %shift_left3A_3218 : vector<16xi32>
        %or3A_3220 = arith.ori %shift_left3A_3219, %shift_left3A_14 : vector<16xi32>
        %and3A_3221 = arith.constant 127 : i32
        %and3A_3222 = vector.broadcast %and3A_3221 : i32 to vector<16xi32>
        %and3A_3223 = arith.andi %gather3A_3213, %and3A_3222 : vector<16xi32>
        %or3A_3224 = arith.ori %or3A_3220, %and3A_3223 : vector<16xi32>
        %mul3A_3225 = arith.constant 16 : i32
        %mul3A_3226 = arith.muli %scan3A_3205, %mul3A_3225 : i32
        %swap3A_3227 = arith.index_cast %sub3A_2551 : i32 to index
        %swap3A_3228 = arith.index_cast %mul3A_3226 : i32 to index
        %swap3A_3229 = tpu.vector_load %arg7[%swap3A_3227, %swap3A_3228] {strides = array<i32>} : memref<2x1024xi32, #tpu.memory_space<vmem>>, vector<16xi32>,
        tpu.vector_store %arg7[%swap3A_3227, %swap3A_3228], %or3A_3224 {strides = array<i32>} : memref<2x1024xi32, #tpu.memory_space<vmem>>, vector<16xi32>,
        %scan3A_3230 = arith.constant 27 : i32
        %mul3A_3231 = arith.constant 2 : i32
        %mul3A_3232 = arith.muli %mul3A_3231, %scan3A_3230 : i32
        %add3A_3233 = vector.broadcast %mul3A_3232 : i32 to vector<16xi32>
        %add3A_3234 = arith.addi %add3A_3233, %shift_right_arithmetic3A_4 : vector<16xi32>
        %gather3A_3235 = arith.constant 0 : i32
        %gather3A_3236 = tpu.memref_slice %arg6[%sub3A_2551, %gather3A_3235] : memref<2x128xi32, #tpu.memory_space<vmem>> -> memref<1x128xi32, #tpu.memory_space<vmem>>
        %gather3A_3237 = tpu.memref_squeeze %gather3A_3236 : memref<1x128xi32, #tpu.memory_space<vmem>> -> memref<128xi32, #tpu.memory_space<vmem>>
        %gather3A_3238 = tpu.vector_load_idx %gather3A_3237[%add3A_3234] : memref<128xi32, #tpu.memory_space<vmem>>[vector<16xi32>], vector<16xi32>,
        %shift_right_arithmetic3A_3239 = arith.constant 7 : i32
        %shift_right_arithmetic3A_3240 = vector.broadcast %shift_right_arithmetic3A_3239 : i32 to vector<16xi32>
        %shift_right_arithmetic3A_3241 = arith.shrsi %gather3A_3238, %shift_right_arithmetic3A_3240 : vector<16xi32>
        %shift_left3A_3242 = arith.constant 10 : i32
        %shift_left3A_3243 = vector.broadcast %shift_left3A_3242 : i32 to vector<16xi32>
        %shift_left3A_3244 = arith.shli %shift_right_arithmetic3A_3241, %shift_left3A_3243 : vector<16xi32>
        %or3A_3245 = arith.ori %shift_left3A_3244, %shift_left3A_14 : vector<16xi32>
        %and3A_3246 = arith.constant 127 : i32
        %and3A_3247 = vector.broadcast %and3A_3246 : i32 to vector<16xi32>
        %and3A_3248 = arith.andi %gather3A_3238, %and3A_3247 : vector<16xi32>
        %or3A_3249 = arith.ori %or3A_3245, %and3A_3248 : vector<16xi32>
        %mul3A_3250 = arith.constant 16 : i32
        %mul3A_3251 = arith.muli %scan3A_3230, %mul3A_3250 : i32
        %swap3A_3252 = arith.index_cast %sub3A_2551 : i32 to index
        %swap3A_3253 = arith.index_cast %mul3A_3251 : i32 to index
        %swap3A_3254 = tpu.vector_load %arg7[%swap3A_3252, %swap3A_3253] {strides = array<i32>} : memref<2x1024xi32, #tpu.memory_space<vmem>>, vector<16xi32>,
        tpu.vector_store %arg7[%swap3A_3252, %swap3A_3253], %or3A_3249 {strides = array<i32>} : memref<2x1024xi32, #tpu.memory_space<vmem>>, vector<16xi32>,
        %scan3A_3255 = arith.constant 28 : i32
        %mul3A_3256 = arith.constant 2 : i32
        %mul3A_3257 = arith.muli %mul3A_3256, %scan3A_3255 : i32
        %add3A_3258 = vector.broadcast %mul3A_3257 : i32 to vector<16xi32>
        %add3A_3259 = arith.addi %add3A_3258, %shift_right_arithmetic3A_4 : vector<16xi32>
        %gather3A_3260 = arith.constant 0 : i32
        %gather3A_3261 = tpu.memref_slice %arg6[%sub3A_2551, %gather3A_3260] : memref<2x128xi32, #tpu.memory_space<vmem>> -> memref<1x128xi32, #tpu.memory_space<vmem>>
        %gather3A_3262 = tpu.memref_squeeze %gather3A_3261 : memref<1x128xi32, #tpu.memory_space<vmem>> -> memref<128xi32, #tpu.memory_space<vmem>>
        %gather3A_3263 = tpu.vector_load_idx %gather3A_3262[%add3A_3259] : memref<128xi32, #tpu.memory_space<vmem>>[vector<16xi32>], vector<16xi32>,
        %shift_right_arithmetic3A_3264 = arith.constant 7 : i32
        %shift_right_arithmetic3A_3265 = vector.broadcast %shift_right_arithmetic3A_3264 : i32 to vector<16xi32>
        %shift_right_arithmetic3A_3266 = arith.shrsi %gather3A_3263, %shift_right_arithmetic3A_3265 : vector<16xi32>
        %shift_left3A_3267 = arith.constant 10 : i32
        %shift_left3A_3268 = vector.broadcast %shift_left3A_3267 : i32 to vector<16xi32>
        %shift_left3A_3269 = arith.shli %shift_right_arithmetic3A_3266, %shift_left3A_3268 : vector<16xi32>
        %or3A_3270 = arith.ori %shift_left3A_3269, %shift_left3A_14 : vector<16xi32>
        %and3A_3271 = arith.constant 127 : i32
        %and3A_3272 = vector.broadcast %and3A_3271 : i32 to vector<16xi32>
        %and3A_3273 = arith.andi %gather3A_3263, %and3A_3272 : vector<16xi32>
        %or3A_3274 = arith.ori %or3A_3270, %and3A_3273 : vector<16xi32>
        %mul3A_3275 = arith.constant 16 : i32
        %mul3A_3276 = arith.muli %scan3A_3255, %mul3A_3275 : i32
        %swap3A_3277 = arith.index_cast %sub3A_2551 : i32 to index
        %swap3A_3278 = arith.index_cast %mul3A_3276 : i32 to index
        %swap3A_3279 = tpu.vector_load %arg7[%swap3A_3277, %swap3A_3278] {strides = array<i32>} : memref<2x1024xi32, #tpu.memory_space<vmem>>, vector<16xi32>,
        tpu.vector_store %arg7[%swap3A_3277, %swap3A_3278], %or3A_3274 {strides = array<i32>} : memref<2x1024xi32, #tpu.memory_space<vmem>>, vector<16xi32>,
        %scan3A_3280 = arith.constant 29 : i32
        %mul3A_3281 = arith.constant 2 : i32
        %mul3A_3282 = arith.muli %mul3A_3281, %scan3A_3280 : i32
        %add3A_3283 = vector.broadcast %mul3A_3282 : i32 to vector<16xi32>
        %add3A_3284 = arith.addi %add3A_3283, %shift_right_arithmetic3A_4 : vector<16xi32>
        %gather3A_3285 = arith.constant 0 : i32
        %gather3A_3286 = tpu.memref_slice %arg6[%sub3A_2551, %gather3A_3285] : memref<2x128xi32, #tpu.memory_space<vmem>> -> memref<1x128xi32, #tpu.memory_space<vmem>>
        %gather3A_3287 = tpu.memref_squeeze %gather3A_3286 : memref<1x128xi32, #tpu.memory_space<vmem>> -> memref<128xi32, #tpu.memory_space<vmem>>
        %gather3A_3288 = tpu.vector_load_idx %gather3A_3287[%add3A_3284] : memref<128xi32, #tpu.memory_space<vmem>>[vector<16xi32>], vector<16xi32>,
        %shift_right_arithmetic3A_3289 = arith.constant 7 : i32
        %shift_right_arithmetic3A_3290 = vector.broadcast %shift_right_arithmetic3A_3289 : i32 to vector<16xi32>
        %shift_right_arithmetic3A_3291 = arith.shrsi %gather3A_3288, %shift_right_arithmetic3A_3290 : vector<16xi32>
        %shift_left3A_3292 = arith.constant 10 : i32
        %shift_left3A_3293 = vector.broadcast %shift_left3A_3292 : i32 to vector<16xi32>
        %shift_left3A_3294 = arith.shli %shift_right_arithmetic3A_3291, %shift_left3A_3293 : vector<16xi32>
        %or3A_3295 = arith.ori %shift_left3A_3294, %shift_left3A_14 : vector<16xi32>
        %and3A_3296 = arith.constant 127 : i32
        %and3A_3297 = vector.broadcast %and3A_3296 : i32 to vector<16xi32>
        %and3A_3298 = arith.andi %gather3A_3288, %and3A_3297 : vector<16xi32>
        %or3A_3299 = arith.ori %or3A_3295, %and3A_3298 : vector<16xi32>
        %mul3A_3300 = arith.constant 16 : i32
        %mul3A_3301 = arith.muli %scan3A_3280, %mul3A_3300 : i32
        %swap3A_3302 = arith.index_cast %sub3A_2551 : i32 to index
        %swap3A_3303 = arith.index_cast %mul3A_3301 : i32 to index
        %swap3A_3304 = tpu.vector_load %arg7[%swap3A_3302, %swap3A_3303] {strides = array<i32>} : memref<2x1024xi32, #tpu.memory_space<vmem>>, vector<16xi32>,
        tpu.vector_store %arg7[%swap3A_3302, %swap3A_3303], %or3A_3299 {strides = array<i32>} : memref<2x1024xi32, #tpu.memory_space<vmem>>, vector<16xi32>,
        %scan3A_3305 = arith.constant 30 : i32
        %mul3A_3306 = arith.constant 2 : i32
        %mul3A_3307 = arith.muli %mul3A_3306, %scan3A_3305 : i32
        %add3A_3308 = vector.broadcast %mul3A_3307 : i32 to vector<16xi32>
        %add3A_3309 = arith.addi %add3A_3308, %shift_right_arithmetic3A_4 : vector<16xi32>
        %gather3A_3310 = arith.constant 0 : i32
        %gather3A_3311 = tpu.memref_slice %arg6[%sub3A_2551, %gather3A_3310] : memref<2x128xi32, #tpu.memory_space<vmem>> -> memref<1x128xi32, #tpu.memory_space<vmem>>
        %gather3A_3312 = tpu.memref_squeeze %gather3A_3311 : memref<1x128xi32, #tpu.memory_space<vmem>> -> memref<128xi32, #tpu.memory_space<vmem>>
        %gather3A_3313 = tpu.vector_load_idx %gather3A_3312[%add3A_3309] : memref<128xi32, #tpu.memory_space<vmem>>[vector<16xi32>], vector<16xi32>,
        %shift_right_arithmetic3A_3314 = arith.constant 7 : i32
        %shift_right_arithmetic3A_3315 = vector.broadcast %shift_right_arithmetic3A_3314 : i32 to vector<16xi32>
        %shift_right_arithmetic3A_3316 = arith.shrsi %gather3A_3313, %shift_right_arithmetic3A_3315 : vector<16xi32>
        %shift_left3A_3317 = arith.constant 10 : i32
        %shift_left3A_3318 = vector.broadcast %shift_left3A_3317 : i32 to vector<16xi32>
        %shift_left3A_3319 = arith.shli %shift_right_arithmetic3A_3316, %shift_left3A_3318 : vector<16xi32>
        %or3A_3320 = arith.ori %shift_left3A_3319, %shift_left3A_14 : vector<16xi32>
        %and3A_3321 = arith.constant 127 : i32
        %and3A_3322 = vector.broadcast %and3A_3321 : i32 to vector<16xi32>
        %and3A_3323 = arith.andi %gather3A_3313, %and3A_3322 : vector<16xi32>
        %or3A_3324 = arith.ori %or3A_3320, %and3A_3323 : vector<16xi32>
        %mul3A_3325 = arith.constant 16 : i32
        %mul3A_3326 = arith.muli %scan3A_3305, %mul3A_3325 : i32
        %swap3A_3327 = arith.index_cast %sub3A_2551 : i32 to index
        %swap3A_3328 = arith.index_cast %mul3A_3326 : i32 to index
        %swap3A_3329 = tpu.vector_load %arg7[%swap3A_3327, %swap3A_3328] {strides = array<i32>} : memref<2x1024xi32, #tpu.memory_space<vmem>>, vector<16xi32>,
        tpu.vector_store %arg7[%swap3A_3327, %swap3A_3328], %or3A_3324 {strides = array<i32>} : memref<2x1024xi32, #tpu.memory_space<vmem>>, vector<16xi32>,
        %scan3A_3330 = arith.constant 31 : i32
        %mul3A_3331 = arith.constant 2 : i32
        %mul3A_3332 = arith.muli %mul3A_3331, %scan3A_3330 : i32
        %add3A_3333 = vector.broadcast %mul3A_3332 : i32 to vector<16xi32>
        %add3A_3334 = arith.addi %add3A_3333, %shift_right_arithmetic3A_4 : vector<16xi32>
        %gather3A_3335 = arith.constant 0 : i32
        %gather3A_3336 = tpu.memref_slice %arg6[%sub3A_2551, %gather3A_3335] : memref<2x128xi32, #tpu.memory_space<vmem>> -> memref<1x128xi32, #tpu.memory_space<vmem>>
        %gather3A_3337 = tpu.memref_squeeze %gather3A_3336 : memref<1x128xi32, #tpu.memory_space<vmem>> -> memref<128xi32, #tpu.memory_space<vmem>>
        %gather3A_3338 = tpu.vector_load_idx %gather3A_3337[%add3A_3334] : memref<128xi32, #tpu.memory_space<vmem>>[vector<16xi32>], vector<16xi32>,
        %shift_right_arithmetic3A_3339 = arith.constant 7 : i32
        %shift_right_arithmetic3A_3340 = vector.broadcast %shift_right_arithmetic3A_3339 : i32 to vector<16xi32>
        %shift_right_arithmetic3A_3341 = arith.shrsi %gather3A_3338, %shift_right_arithmetic3A_3340 : vector<16xi32>
        %shift_left3A_3342 = arith.constant 10 : i32
        %shift_left3A_3343 = vector.broadcast %shift_left3A_3342 : i32 to vector<16xi32>
        %shift_left3A_3344 = arith.shli %shift_right_arithmetic3A_3341, %shift_left3A_3343 : vector<16xi32>
        %or3A_3345 = arith.ori %shift_left3A_3344, %shift_left3A_14 : vector<16xi32>
        %and3A_3346 = arith.constant 127 : i32
        %and3A_3347 = vector.broadcast %and3A_3346 : i32 to vector<16xi32>
        %and3A_3348 = arith.andi %gather3A_3338, %and3A_3347 : vector<16xi32>
        %or3A_3349 = arith.ori %or3A_3345, %and3A_3348 : vector<16xi32>
        %mul3A_3350 = arith.constant 16 : i32
        %mul3A_3351 = arith.muli %scan3A_3330, %mul3A_3350 : i32
        %swap3A_3352 = arith.index_cast %sub3A_2551 : i32 to index
        %swap3A_3353 = arith.index_cast %mul3A_3351 : i32 to index
        %swap3A_3354 = tpu.vector_load %arg7[%swap3A_3352, %swap3A_3353] {strides = array<i32>} : memref<2x1024xi32, #tpu.memory_space<vmem>>, vector<16xi32>,
        tpu.vector_store %arg7[%swap3A_3352, %swap3A_3353], %or3A_3349 {strides = array<i32>} : memref<2x1024xi32, #tpu.memory_space<vmem>>, vector<16xi32>,
        %scan3A_3355 = arith.constant 32 : i32
        %mul3A_3356 = arith.constant 2 : i32
        %mul3A_3357 = arith.muli %mul3A_3356, %scan3A_3355 : i32
        %add3A_3358 = vector.broadcast %mul3A_3357 : i32 to vector<16xi32>
        %add3A_3359 = arith.addi %add3A_3358, %shift_right_arithmetic3A_4 : vector<16xi32>
        %gather3A_3360 = arith.constant 0 : i32
        %gather3A_3361 = tpu.memref_slice %arg6[%sub3A_2551, %gather3A_3360] : memref<2x128xi32, #tpu.memory_space<vmem>> -> memref<1x128xi32, #tpu.memory_space<vmem>>
        %gather3A_3362 = tpu.memref_squeeze %gather3A_3361 : memref<1x128xi32, #tpu.memory_space<vmem>> -> memref<128xi32, #tpu.memory_space<vmem>>
        %gather3A_3363 = tpu.vector_load_idx %gather3A_3362[%add3A_3359] : memref<128xi32, #tpu.memory_space<vmem>>[vector<16xi32>], vector<16xi32>,
        %shift_right_arithmetic3A_3364 = arith.constant 7 : i32
        %shift_right_arithmetic3A_3365 = vector.broadcast %shift_right_arithmetic3A_3364 : i32 to vector<16xi32>
        %shift_right_arithmetic3A_3366 = arith.shrsi %gather3A_3363, %shift_right_arithmetic3A_3365 : vector<16xi32>
        %shift_left3A_3367 = arith.constant 10 : i32
        %shift_left3A_3368 = vector.broadcast %shift_left3A_3367 : i32 to vector<16xi32>
        %shift_left3A_3369 = arith.shli %shift_right_arithmetic3A_3366, %shift_left3A_3368 : vector<16xi32>
        %or3A_3370 = arith.ori %shift_left3A_3369, %shift_left3A_14 : vector<16xi32>
        %and3A_3371 = arith.constant 127 : i32
        %and3A_3372 = vector.broadcast %and3A_3371 : i32 to vector<16xi32>
        %and3A_3373 = arith.andi %gather3A_3363, %and3A_3372 : vector<16xi32>
        %or3A_3374 = arith.ori %or3A_3370, %and3A_3373 : vector<16xi32>
        %mul3A_3375 = arith.constant 16 : i32
        %mul3A_3376 = arith.muli %scan3A_3355, %mul3A_3375 : i32
        %swap3A_3377 = arith.index_cast %sub3A_2551 : i32 to index
        %swap3A_3378 = arith.index_cast %mul3A_3376 : i32 to index
        %swap3A_3379 = tpu.vector_load %arg7[%swap3A_3377, %swap3A_3378] {strides = array<i32>} : memref<2x1024xi32, #tpu.memory_space<vmem>>, vector<16xi32>,
        tpu.vector_store %arg7[%swap3A_3377, %swap3A_3378], %or3A_3374 {strides = array<i32>} : memref<2x1024xi32, #tpu.memory_space<vmem>>, vector<16xi32>,
        %scan3A_3380 = arith.constant 33 : i32
        %mul3A_3381 = arith.constant 2 : i32
        %mul3A_3382 = arith.muli %mul3A_3381, %scan3A_3380 : i32
        %add3A_3383 = vector.broadcast %mul3A_3382 : i32 to vector<16xi32>
        %add3A_3384 = arith.addi %add3A_3383, %shift_right_arithmetic3A_4 : vector<16xi32>
        %gather3A_3385 = arith.constant 0 : i32
        %gather3A_3386 = tpu.memref_slice %arg6[%sub3A_2551, %gather3A_3385] : memref<2x128xi32, #tpu.memory_space<vmem>> -> memref<1x128xi32, #tpu.memory_space<vmem>>
        %gather3A_3387 = tpu.memref_squeeze %gather3A_3386 : memref<1x128xi32, #tpu.memory_space<vmem>> -> memref<128xi32, #tpu.memory_space<vmem>>
        %gather3A_3388 = tpu.vector_load_idx %gather3A_3387[%add3A_3384] : memref<128xi32, #tpu.memory_space<vmem>>[vector<16xi32>], vector<16xi32>,
        %shift_right_arithmetic3A_3389 = arith.constant 7 : i32
        %shift_right_arithmetic3A_3390 = vector.broadcast %shift_right_arithmetic3A_3389 : i32 to vector<16xi32>
        %shift_right_arithmetic3A_3391 = arith.shrsi %gather3A_3388, %shift_right_arithmetic3A_3390 : vector<16xi32>
        %shift_left3A_3392 = arith.constant 10 : i32
        %shift_left3A_3393 = vector.broadcast %shift_left3A_3392 : i32 to vector<16xi32>
        %shift_left3A_3394 = arith.shli %shift_right_arithmetic3A_3391, %shift_left3A_3393 : vector<16xi32>
        %or3A_3395 = arith.ori %shift_left3A_3394, %shift_left3A_14 : vector<16xi32>
        %and3A_3396 = arith.constant 127 : i32
        %and3A_3397 = vector.broadcast %and3A_3396 : i32 to vector<16xi32>
        %and3A_3398 = arith.andi %gather3A_3388, %and3A_3397 : vector<16xi32>
        %or3A_3399 = arith.ori %or3A_3395, %and3A_3398 : vector<16xi32>
        %mul3A_3400 = arith.constant 16 : i32
        %mul3A_3401 = arith.muli %scan3A_3380, %mul3A_3400 : i32
        %swap3A_3402 = arith.index_cast %sub3A_2551 : i32 to index
        %swap3A_3403 = arith.index_cast %mul3A_3401 : i32 to index
        %swap3A_3404 = tpu.vector_load %arg7[%swap3A_3402, %swap3A_3403] {strides = array<i32>} : memref<2x1024xi32, #tpu.memory_space<vmem>>, vector<16xi32>,
        tpu.vector_store %arg7[%swap3A_3402, %swap3A_3403], %or3A_3399 {strides = array<i32>} : memref<2x1024xi32, #tpu.memory_space<vmem>>, vector<16xi32>,
        %scan3A_3405 = arith.constant 34 : i32
        %mul3A_3406 = arith.constant 2 : i32
        %mul3A_3407 = arith.muli %mul3A_3406, %scan3A_3405 : i32
        %add3A_3408 = vector.broadcast %mul3A_3407 : i32 to vector<16xi32>
        %add3A_3409 = arith.addi %add3A_3408, %shift_right_arithmetic3A_4 : vector<16xi32>
        %gather3A_3410 = arith.constant 0 : i32
        %gather3A_3411 = tpu.memref_slice %arg6[%sub3A_2551, %gather3A_3410] : memref<2x128xi32, #tpu.memory_space<vmem>> -> memref<1x128xi32, #tpu.memory_space<vmem>>
        %gather3A_3412 = tpu.memref_squeeze %gather3A_3411 : memref<1x128xi32, #tpu.memory_space<vmem>> -> memref<128xi32, #tpu.memory_space<vmem>>
        %gather3A_3413 = tpu.vector_load_idx %gather3A_3412[%add3A_3409] : memref<128xi32, #tpu.memory_space<vmem>>[vector<16xi32>], vector<16xi32>,
        %shift_right_arithmetic3A_3414 = arith.constant 7 : i32
        %shift_right_arithmetic3A_3415 = vector.broadcast %shift_right_arithmetic3A_3414 : i32 to vector<16xi32>
        %shift_right_arithmetic3A_3416 = arith.shrsi %gather3A_3413, %shift_right_arithmetic3A_3415 : vector<16xi32>
        %shift_left3A_3417 = arith.constant 10 : i32
        %shift_left3A_3418 = vector.broadcast %shift_left3A_3417 : i32 to vector<16xi32>
        %shift_left3A_3419 = arith.shli %shift_right_arithmetic3A_3416, %shift_left3A_3418 : vector<16xi32>
        %or3A_3420 = arith.ori %shift_left3A_3419, %shift_left3A_14 : vector<16xi32>
        %and3A_3421 = arith.constant 127 : i32
        %and3A_3422 = vector.broadcast %and3A_3421 : i32 to vector<16xi32>
        %and3A_3423 = arith.andi %gather3A_3413, %and3A_3422 : vector<16xi32>
        %or3A_3424 = arith.ori %or3A_3420, %and3A_3423 : vector<16xi32>
        %mul3A_3425 = arith.constant 16 : i32
        %mul3A_3426 = arith.muli %scan3A_3405, %mul3A_3425 : i32
        %swap3A_3427 = arith.index_cast %sub3A_2551 : i32 to index
        %swap3A_3428 = arith.index_cast %mul3A_3426 : i32 to index
        %swap3A_3429 = tpu.vector_load %arg7[%swap3A_3427, %swap3A_3428] {strides = array<i32>} : memref<2x1024xi32, #tpu.memory_space<vmem>>, vector<16xi32>,
        tpu.vector_store %arg7[%swap3A_3427, %swap3A_3428], %or3A_3424 {strides = array<i32>} : memref<2x1024xi32, #tpu.memory_space<vmem>>, vector<16xi32>,
        %scan3A_3430 = arith.constant 35 : i32
        %mul3A_3431 = arith.constant 2 : i32
        %mul3A_3432 = arith.muli %mul3A_3431, %scan3A_3430 : i32
        %add3A_3433 = vector.broadcast %mul3A_3432 : i32 to vector<16xi32>
        %add3A_3434 = arith.addi %add3A_3433, %shift_right_arithmetic3A_4 : vector<16xi32>
        %gather3A_3435 = arith.constant 0 : i32
        %gather3A_3436 = tpu.memref_slice %arg6[%sub3A_2551, %gather3A_3435] : memref<2x128xi32, #tpu.memory_space<vmem>> -> memref<1x128xi32, #tpu.memory_space<vmem>>
        %gather3A_3437 = tpu.memref_squeeze %gather3A_3436 : memref<1x128xi32, #tpu.memory_space<vmem>> -> memref<128xi32, #tpu.memory_space<vmem>>
        %gather3A_3438 = tpu.vector_load_idx %gather3A_3437[%add3A_3434] : memref<128xi32, #tpu.memory_space<vmem>>[vector<16xi32>], vector<16xi32>,
        %shift_right_arithmetic3A_3439 = arith.constant 7 : i32
        %shift_right_arithmetic3A_3440 = vector.broadcast %shift_right_arithmetic3A_3439 : i32 to vector<16xi32>
        %shift_right_arithmetic3A_3441 = arith.shrsi %gather3A_3438, %shift_right_arithmetic3A_3440 : vector<16xi32>
        %shift_left3A_3442 = arith.constant 10 : i32
        %shift_left3A_3443 = vector.broadcast %shift_left3A_3442 : i32 to vector<16xi32>
        %shift_left3A_3444 = arith.shli %shift_right_arithmetic3A_3441, %shift_left3A_3443 : vector<16xi32>
        %or3A_3445 = arith.ori %shift_left3A_3444, %shift_left3A_14 : vector<16xi32>
        %and3A_3446 = arith.constant 127 : i32
        %and3A_3447 = vector.broadcast %and3A_3446 : i32 to vector<16xi32>
        %and3A_3448 = arith.andi %gather3A_3438, %and3A_3447 : vector<16xi32>
        %or3A_3449 = arith.ori %or3A_3445, %and3A_3448 : vector<16xi32>
        %mul3A_3450 = arith.constant 16 : i32
        %mul3A_3451 = arith.muli %scan3A_3430, %mul3A_3450 : i32
        %swap3A_3452 = arith.index_cast %sub3A_2551 : i32 to index
        %swap3A_3453 = arith.index_cast %mul3A_3451 : i32 to index
        %swap3A_3454 = tpu.vector_load %arg7[%swap3A_3452, %swap3A_3453] {strides = array<i32>} : memref<2x1024xi32, #tpu.memory_space<vmem>>, vector<16xi32>,
        tpu.vector_store %arg7[%swap3A_3452, %swap3A_3453], %or3A_3449 {strides = array<i32>} : memref<2x1024xi32, #tpu.memory_space<vmem>>, vector<16xi32>,
        %scan3A_3455 = arith.constant 36 : i32
        %mul3A_3456 = arith.constant 2 : i32
        %mul3A_3457 = arith.muli %mul3A_3456, %scan3A_3455 : i32
        %add3A_3458 = vector.broadcast %mul3A_3457 : i32 to vector<16xi32>
        %add3A_3459 = arith.addi %add3A_3458, %shift_right_arithmetic3A_4 : vector<16xi32>
        %gather3A_3460 = arith.constant 0 : i32
        %gather3A_3461 = tpu.memref_slice %arg6[%sub3A_2551, %gather3A_3460] : memref<2x128xi32, #tpu.memory_space<vmem>> -> memref<1x128xi32, #tpu.memory_space<vmem>>
        %gather3A_3462 = tpu.memref_squeeze %gather3A_3461 : memref<1x128xi32, #tpu.memory_space<vmem>> -> memref<128xi32, #tpu.memory_space<vmem>>
        %gather3A_3463 = tpu.vector_load_idx %gather3A_3462[%add3A_3459] : memref<128xi32, #tpu.memory_space<vmem>>[vector<16xi32>], vector<16xi32>,
        %shift_right_arithmetic3A_3464 = arith.constant 7 : i32
        %shift_right_arithmetic3A_3465 = vector.broadcast %shift_right_arithmetic3A_3464 : i32 to vector<16xi32>
        %shift_right_arithmetic3A_3466 = arith.shrsi %gather3A_3463, %shift_right_arithmetic3A_3465 : vector<16xi32>
        %shift_left3A_3467 = arith.constant 10 : i32
        %shift_left3A_3468 = vector.broadcast %shift_left3A_3467 : i32 to vector<16xi32>
        %shift_left3A_3469 = arith.shli %shift_right_arithmetic3A_3466, %shift_left3A_3468 : vector<16xi32>
        %or3A_3470 = arith.ori %shift_left3A_3469, %shift_left3A_14 : vector<16xi32>
        %and3A_3471 = arith.constant 127 : i32
        %and3A_3472 = vector.broadcast %and3A_3471 : i32 to vector<16xi32>
        %and3A_3473 = arith.andi %gather3A_3463, %and3A_3472 : vector<16xi32>
        %or3A_3474 = arith.ori %or3A_3470, %and3A_3473 : vector<16xi32>
        %mul3A_3475 = arith.constant 16 : i32
        %mul3A_3476 = arith.muli %scan3A_3455, %mul3A_3475 : i32
        %swap3A_3477 = arith.index_cast %sub3A_2551 : i32 to index
        %swap3A_3478 = arith.index_cast %mul3A_3476 : i32 to index
        %swap3A_3479 = tpu.vector_load %arg7[%swap3A_3477, %swap3A_3478] {strides = array<i32>} : memref<2x1024xi32, #tpu.memory_space<vmem>>, vector<16xi32>,
        tpu.vector_store %arg7[%swap3A_3477, %swap3A_3478], %or3A_3474 {strides = array<i32>} : memref<2x1024xi32, #tpu.memory_space<vmem>>, vector<16xi32>,
        %scan3A_3480 = arith.constant 37 : i32
        %mul3A_3481 = arith.constant 2 : i32
        %mul3A_3482 = arith.muli %mul3A_3481, %scan3A_3480 : i32
        %add3A_3483 = vector.broadcast %mul3A_3482 : i32 to vector<16xi32>
        %add3A_3484 = arith.addi %add3A_3483, %shift_right_arithmetic3A_4 : vector<16xi32>
        %gather3A_3485 = arith.constant 0 : i32
        %gather3A_3486 = tpu.memref_slice %arg6[%sub3A_2551, %gather3A_3485] : memref<2x128xi32, #tpu.memory_space<vmem>> -> memref<1x128xi32, #tpu.memory_space<vmem>>
        %gather3A_3487 = tpu.memref_squeeze %gather3A_3486 : memref<1x128xi32, #tpu.memory_space<vmem>> -> memref<128xi32, #tpu.memory_space<vmem>>
        %gather3A_3488 = tpu.vector_load_idx %gather3A_3487[%add3A_3484] : memref<128xi32, #tpu.memory_space<vmem>>[vector<16xi32>], vector<16xi32>,
        %shift_right_arithmetic3A_3489 = arith.constant 7 : i32
        %shift_right_arithmetic3A_3490 = vector.broadcast %shift_right_arithmetic3A_3489 : i32 to vector<16xi32>
        %shift_right_arithmetic3A_3491 = arith.shrsi %gather3A_3488, %shift_right_arithmetic3A_3490 : vector<16xi32>
        %shift_left3A_3492 = arith.constant 10 : i32
        %shift_left3A_3493 = vector.broadcast %shift_left3A_3492 : i32 to vector<16xi32>
        %shift_left3A_3494 = arith.shli %shift_right_arithmetic3A_3491, %shift_left3A_3493 : vector<16xi32>
        %or3A_3495 = arith.ori %shift_left3A_3494, %shift_left3A_14 : vector<16xi32>
        %and3A_3496 = arith.constant 127 : i32
        %and3A_3497 = vector.broadcast %and3A_3496 : i32 to vector<16xi32>
        %and3A_3498 = arith.andi %gather3A_3488, %and3A_3497 : vector<16xi32>
        %or3A_3499 = arith.ori %or3A_3495, %and3A_3498 : vector<16xi32>
        %mul3A_3500 = arith.constant 16 : i32
        %mul3A_3501 = arith.muli %scan3A_3480, %mul3A_3500 : i32
        %swap3A_3502 = arith.index_cast %sub3A_2551 : i32 to index
        %swap3A_3503 = arith.index_cast %mul3A_3501 : i32 to index
        %swap3A_3504 = tpu.vector_load %arg7[%swap3A_3502, %swap3A_3503] {strides = array<i32>} : memref<2x1024xi32, #tpu.memory_space<vmem>>, vector<16xi32>,
        tpu.vector_store %arg7[%swap3A_3502, %swap3A_3503], %or3A_3499 {strides = array<i32>} : memref<2x1024xi32, #tpu.memory_space<vmem>>, vector<16xi32>,
        %scan3A_3505 = arith.constant 38 : i32
        %mul3A_3506 = arith.constant 2 : i32
        %mul3A_3507 = arith.muli %mul3A_3506, %scan3A_3505 : i32
        %add3A_3508 = vector.broadcast %mul3A_3507 : i32 to vector<16xi32>
        %add3A_3509 = arith.addi %add3A_3508, %shift_right_arithmetic3A_4 : vector<16xi32>
        %gather3A_3510 = arith.constant 0 : i32
        %gather3A_3511 = tpu.memref_slice %arg6[%sub3A_2551, %gather3A_3510] : memref<2x128xi32, #tpu.memory_space<vmem>> -> memref<1x128xi32, #tpu.memory_space<vmem>>
        %gather3A_3512 = tpu.memref_squeeze %gather3A_3511 : memref<1x128xi32, #tpu.memory_space<vmem>> -> memref<128xi32, #tpu.memory_space<vmem>>
        %gather3A_3513 = tpu.vector_load_idx %gather3A_3512[%add3A_3509] : memref<128xi32, #tpu.memory_space<vmem>>[vector<16xi32>], vector<16xi32>,
        %shift_right_arithmetic3A_3514 = arith.constant 7 : i32
        %shift_right_arithmetic3A_3515 = vector.broadcast %shift_right_arithmetic3A_3514 : i32 to vector<16xi32>
        %shift_right_arithmetic3A_3516 = arith.shrsi %gather3A_3513, %shift_right_arithmetic3A_3515 : vector<16xi32>
        %shift_left3A_3517 = arith.constant 10 : i32
        %shift_left3A_3518 = vector.broadcast %shift_left3A_3517 : i32 to vector<16xi32>
        %shift_left3A_3519 = arith.shli %shift_right_arithmetic3A_3516, %shift_left3A_3518 : vector<16xi32>
        %or3A_3520 = arith.ori %shift_left3A_3519, %shift_left3A_14 : vector<16xi32>
        %and3A_3521 = arith.constant 127 : i32
        %and3A_3522 = vector.broadcast %and3A_3521 : i32 to vector<16xi32>
        %and3A_3523 = arith.andi %gather3A_3513, %and3A_3522 : vector<16xi32>
        %or3A_3524 = arith.ori %or3A_3520, %and3A_3523 : vector<16xi32>
        %mul3A_3525 = arith.constant 16 : i32
        %mul3A_3526 = arith.muli %scan3A_3505, %mul3A_3525 : i32
        %swap3A_3527 = arith.index_cast %sub3A_2551 : i32 to index
        %swap3A_3528 = arith.index_cast %mul3A_3526 : i32 to index
        %swap3A_3529 = tpu.vector_load %arg7[%swap3A_3527, %swap3A_3528] {strides = array<i32>} : memref<2x1024xi32, #tpu.memory_space<vmem>>, vector<16xi32>,
        tpu.vector_store %arg7[%swap3A_3527, %swap3A_3528], %or3A_3524 {strides = array<i32>} : memref<2x1024xi32, #tpu.memory_space<vmem>>, vector<16xi32>,
        %scan3A_3530 = arith.constant 39 : i32
        %mul3A_3531 = arith.constant 2 : i32
        %mul3A_3532 = arith.muli %mul3A_3531, %scan3A_3530 : i32
        %add3A_3533 = vector.broadcast %mul3A_3532 : i32 to vector<16xi32>
        %add3A_3534 = arith.addi %add3A_3533, %shift_right_arithmetic3A_4 : vector<16xi32>
        %gather3A_3535 = arith.constant 0 : i32
        %gather3A_3536 = tpu.memref_slice %arg6[%sub3A_2551, %gather3A_3535] : memref<2x128xi32, #tpu.memory_space<vmem>> -> memref<1x128xi32, #tpu.memory_space<vmem>>
        %gather3A_3537 = tpu.memref_squeeze %gather3A_3536 : memref<1x128xi32, #tpu.memory_space<vmem>> -> memref<128xi32, #tpu.memory_space<vmem>>
        %gather3A_3538 = tpu.vector_load_idx %gather3A_3537[%add3A_3534] : memref<128xi32, #tpu.memory_space<vmem>>[vector<16xi32>], vector<16xi32>,
        %shift_right_arithmetic3A_3539 = arith.constant 7 : i32
        %shift_right_arithmetic3A_3540 = vector.broadcast %shift_right_arithmetic3A_3539 : i32 to vector<16xi32>
        %shift_right_arithmetic3A_3541 = arith.shrsi %gather3A_3538, %shift_right_arithmetic3A_3540 : vector<16xi32>
        %shift_left3A_3542 = arith.constant 10 : i32
        %shift_left3A_3543 = vector.broadcast %shift_left3A_3542 : i32 to vector<16xi32>
        %shift_left3A_3544 = arith.shli %shift_right_arithmetic3A_3541, %shift_left3A_3543 : vector<16xi32>
        %or3A_3545 = arith.ori %shift_left3A_3544, %shift_left3A_14 : vector<16xi32>
        %and3A_3546 = arith.constant 127 : i32
        %and3A_3547 = vector.broadcast %and3A_3546 : i32 to vector<16xi32>
        %and3A_3548 = arith.andi %gather3A_3538, %and3A_3547 : vector<16xi32>
        %or3A_3549 = arith.ori %or3A_3545, %and3A_3548 : vector<16xi32>
        %mul3A_3550 = arith.constant 16 : i32
        %mul3A_3551 = arith.muli %scan3A_3530, %mul3A_3550 : i32
        %swap3A_3552 = arith.index_cast %sub3A_2551 : i32 to index
        %swap3A_3553 = arith.index_cast %mul3A_3551 : i32 to index
        %swap3A_3554 = tpu.vector_load %arg7[%swap3A_3552, %swap3A_3553] {strides = array<i32>} : memref<2x1024xi32, #tpu.memory_space<vmem>>, vector<16xi32>,
        tpu.vector_store %arg7[%swap3A_3552, %swap3A_3553], %or3A_3549 {strides = array<i32>} : memref<2x1024xi32, #tpu.memory_space<vmem>>, vector<16xi32>,
        %scan3A_3555 = arith.constant 40 : i32
        %mul3A_3556 = arith.constant 2 : i32
        %mul3A_3557 = arith.muli %mul3A_3556, %scan3A_3555 : i32
        %add3A_3558 = vector.broadcast %mul3A_3557 : i32 to vector<16xi32>
        %add3A_3559 = arith.addi %add3A_3558, %shift_right_arithmetic3A_4 : vector<16xi32>
        %gather3A_3560 = arith.constant 0 : i32
        %gather3A_3561 = tpu.memref_slice %arg6[%sub3A_2551, %gather3A_3560] : memref<2x128xi32, #tpu.memory_space<vmem>> -> memref<1x128xi32, #tpu.memory_space<vmem>>
        %gather3A_3562 = tpu.memref_squeeze %gather3A_3561 : memref<1x128xi32, #tpu.memory_space<vmem>> -> memref<128xi32, #tpu.memory_space<vmem>>
        %gather3A_3563 = tpu.vector_load_idx %gather3A_3562[%add3A_3559] : memref<128xi32, #tpu.memory_space<vmem>>[vector<16xi32>], vector<16xi32>,
        %shift_right_arithmetic3A_3564 = arith.constant 7 : i32
        %shift_right_arithmetic3A_3565 = vector.broadcast %shift_right_arithmetic3A_3564 : i32 to vector<16xi32>
        %shift_right_arithmetic3A_3566 = arith.shrsi %gather3A_3563, %shift_right_arithmetic3A_3565 : vector<16xi32>
        %shift_left3A_3567 = arith.constant 10 : i32
        %shift_left3A_3568 = vector.broadcast %shift_left3A_3567 : i32 to vector<16xi32>
        %shift_left3A_3569 = arith.shli %shift_right_arithmetic3A_3566, %shift_left3A_3568 : vector<16xi32>
        %or3A_3570 = arith.ori %shift_left3A_3569, %shift_left3A_14 : vector<16xi32>
        %and3A_3571 = arith.constant 127 : i32
        %and3A_3572 = vector.broadcast %and3A_3571 : i32 to vector<16xi32>
        %and3A_3573 = arith.andi %gather3A_3563, %and3A_3572 : vector<16xi32>
        %or3A_3574 = arith.ori %or3A_3570, %and3A_3573 : vector<16xi32>
        %mul3A_3575 = arith.constant 16 : i32
        %mul3A_3576 = arith.muli %scan3A_3555, %mul3A_3575 : i32
        %swap3A_3577 = arith.index_cast %sub3A_2551 : i32 to index
        %swap3A_3578 = arith.index_cast %mul3A_3576 : i32 to index
        %swap3A_3579 = tpu.vector_load %arg7[%swap3A_3577, %swap3A_3578] {strides = array<i32>} : memref<2x1024xi32, #tpu.memory_space<vmem>>, vector<16xi32>,
        tpu.vector_store %arg7[%swap3A_3577, %swap3A_3578], %or3A_3574 {strides = array<i32>} : memref<2x1024xi32, #tpu.memory_space<vmem>>, vector<16xi32>,
        %scan3A_3580 = arith.constant 41 : i32
        %mul3A_3581 = arith.constant 2 : i32
        %mul3A_3582 = arith.muli %mul3A_3581, %scan3A_3580 : i32
        %add3A_3583 = vector.broadcast %mul3A_3582 : i32 to vector<16xi32>
        %add3A_3584 = arith.addi %add3A_3583, %shift_right_arithmetic3A_4 : vector<16xi32>
        %gather3A_3585 = arith.constant 0 : i32
        %gather3A_3586 = tpu.memref_slice %arg6[%sub3A_2551, %gather3A_3585] : memref<2x128xi32, #tpu.memory_space<vmem>> -> memref<1x128xi32, #tpu.memory_space<vmem>>
        %gather3A_3587 = tpu.memref_squeeze %gather3A_3586 : memref<1x128xi32, #tpu.memory_space<vmem>> -> memref<128xi32, #tpu.memory_space<vmem>>
        %gather3A_3588 = tpu.vector_load_idx %gather3A_3587[%add3A_3584] : memref<128xi32, #tpu.memory_space<vmem>>[vector<16xi32>], vector<16xi32>,
        %shift_right_arithmetic3A_3589 = arith.constant 7 : i32
        %shift_right_arithmetic3A_3590 = vector.broadcast %shift_right_arithmetic3A_3589 : i32 to vector<16xi32>
        %shift_right_arithmetic3A_3591 = arith.shrsi %gather3A_3588, %shift_right_arithmetic3A_3590 : vector<16xi32>
        %shift_left3A_3592 = arith.constant 10 : i32
        %shift_left3A_3593 = vector.broadcast %shift_left3A_3592 : i32 to vector<16xi32>
        %shift_left3A_3594 = arith.shli %shift_right_arithmetic3A_3591, %shift_left3A_3593 : vector<16xi32>
        %or3A_3595 = arith.ori %shift_left3A_3594, %shift_left3A_14 : vector<16xi32>
        %and3A_3596 = arith.constant 127 : i32
        %and3A_3597 = vector.broadcast %and3A_3596 : i32 to vector<16xi32>
        %and3A_3598 = arith.andi %gather3A_3588, %and3A_3597 : vector<16xi32>
        %or3A_3599 = arith.ori %or3A_3595, %and3A_3598 : vector<16xi32>
        %mul3A_3600 = arith.constant 16 : i32
        %mul3A_3601 = arith.muli %scan3A_3580, %mul3A_3600 : i32
        %swap3A_3602 = arith.index_cast %sub3A_2551 : i32 to index
        %swap3A_3603 = arith.index_cast %mul3A_3601 : i32 to index
        %swap3A_3604 = tpu.vector_load %arg7[%swap3A_3602, %swap3A_3603] {strides = array<i32>} : memref<2x1024xi32, #tpu.memory_space<vmem>>, vector<16xi32>,
        tpu.vector_store %arg7[%swap3A_3602, %swap3A_3603], %or3A_3599 {strides = array<i32>} : memref<2x1024xi32, #tpu.memory_space<vmem>>, vector<16xi32>,
        %scan3A_3605 = arith.constant 42 : i32
        %mul3A_3606 = arith.constant 2 : i32
        %mul3A_3607 = arith.muli %mul3A_3606, %scan3A_3605 : i32
        %add3A_3608 = vector.broadcast %mul3A_3607 : i32 to vector<16xi32>
        %add3A_3609 = arith.addi %add3A_3608, %shift_right_arithmetic3A_4 : vector<16xi32>
        %gather3A_3610 = arith.constant 0 : i32
        %gather3A_3611 = tpu.memref_slice %arg6[%sub3A_2551, %gather3A_3610] : memref<2x128xi32, #tpu.memory_space<vmem>> -> memref<1x128xi32, #tpu.memory_space<vmem>>
        %gather3A_3612 = tpu.memref_squeeze %gather3A_3611 : memref<1x128xi32, #tpu.memory_space<vmem>> -> memref<128xi32, #tpu.memory_space<vmem>>
        %gather3A_3613 = tpu.vector_load_idx %gather3A_3612[%add3A_3609] : memref<128xi32, #tpu.memory_space<vmem>>[vector<16xi32>], vector<16xi32>,
        %shift_right_arithmetic3A_3614 = arith.constant 7 : i32
        %shift_right_arithmetic3A_3615 = vector.broadcast %shift_right_arithmetic3A_3614 : i32 to vector<16xi32>
        %shift_right_arithmetic3A_3616 = arith.shrsi %gather3A_3613, %shift_right_arithmetic3A_3615 : vector<16xi32>
        %shift_left3A_3617 = arith.constant 10 : i32
        %shift_left3A_3618 = vector.broadcast %shift_left3A_3617 : i32 to vector<16xi32>
        %shift_left3A_3619 = arith.shli %shift_right_arithmetic3A_3616, %shift_left3A_3618 : vector<16xi32>
        %or3A_3620 = arith.ori %shift_left3A_3619, %shift_left3A_14 : vector<16xi32>
        %and3A_3621 = arith.constant 127 : i32
        %and3A_3622 = vector.broadcast %and3A_3621 : i32 to vector<16xi32>
        %and3A_3623 = arith.andi %gather3A_3613, %and3A_3622 : vector<16xi32>
        %or3A_3624 = arith.ori %or3A_3620, %and3A_3623 : vector<16xi32>
        %mul3A_3625 = arith.constant 16 : i32
        %mul3A_3626 = arith.muli %scan3A_3605, %mul3A_3625 : i32
        %swap3A_3627 = arith.index_cast %sub3A_2551 : i32 to index
        %swap3A_3628 = arith.index_cast %mul3A_3626 : i32 to index
        %swap3A_3629 = tpu.vector_load %arg7[%swap3A_3627, %swap3A_3628] {strides = array<i32>} : memref<2x1024xi32, #tpu.memory_space<vmem>>, vector<16xi32>,
        tpu.vector_store %arg7[%swap3A_3627, %swap3A_3628], %or3A_3624 {strides = array<i32>} : memref<2x1024xi32, #tpu.memory_space<vmem>>, vector<16xi32>,
        %scan3A_3630 = arith.constant 43 : i32
        %mul3A_3631 = arith.constant 2 : i32
        %mul3A_3632 = arith.muli %mul3A_3631, %scan3A_3630 : i32
        %add3A_3633 = vector.broadcast %mul3A_3632 : i32 to vector<16xi32>
        %add3A_3634 = arith.addi %add3A_3633, %shift_right_arithmetic3A_4 : vector<16xi32>
        %gather3A_3635 = arith.constant 0 : i32
        %gather3A_3636 = tpu.memref_slice %arg6[%sub3A_2551, %gather3A_3635] : memref<2x128xi32, #tpu.memory_space<vmem>> -> memref<1x128xi32, #tpu.memory_space<vmem>>
        %gather3A_3637 = tpu.memref_squeeze %gather3A_3636 : memref<1x128xi32, #tpu.memory_space<vmem>> -> memref<128xi32, #tpu.memory_space<vmem>>
        %gather3A_3638 = tpu.vector_load_idx %gather3A_3637[%add3A_3634] : memref<128xi32, #tpu.memory_space<vmem>>[vector<16xi32>], vector<16xi32>,
        %shift_right_arithmetic3A_3639 = arith.constant 7 : i32
        %shift_right_arithmetic3A_3640 = vector.broadcast %shift_right_arithmetic3A_3639 : i32 to vector<16xi32>
        %shift_right_arithmetic3A_3641 = arith.shrsi %gather3A_3638, %shift_right_arithmetic3A_3640 : vector<16xi32>
        %shift_left3A_3642 = arith.constant 10 : i32
        %shift_left3A_3643 = vector.broadcast %shift_left3A_3642 : i32 to vector<16xi32>
        %shift_left3A_3644 = arith.shli %shift_right_arithmetic3A_3641, %shift_left3A_3643 : vector<16xi32>
        %or3A_3645 = arith.ori %shift_left3A_3644, %shift_left3A_14 : vector<16xi32>
        %and3A_3646 = arith.constant 127 : i32
        %and3A_3647 = vector.broadcast %and3A_3646 : i32 to vector<16xi32>
        %and3A_3648 = arith.andi %gather3A_3638, %and3A_3647 : vector<16xi32>
        %or3A_3649 = arith.ori %or3A_3645, %and3A_3648 : vector<16xi32>
        %mul3A_3650 = arith.constant 16 : i32
        %mul3A_3651 = arith.muli %scan3A_3630, %mul3A_3650 : i32
        %swap3A_3652 = arith.index_cast %sub3A_2551 : i32 to index
        %swap3A_3653 = arith.index_cast %mul3A_3651 : i32 to index
        %swap3A_3654 = tpu.vector_load %arg7[%swap3A_3652, %swap3A_3653] {strides = array<i32>} : memref<2x1024xi32, #tpu.memory_space<vmem>>, vector<16xi32>,
        tpu.vector_store %arg7[%swap3A_3652, %swap3A_3653], %or3A_3649 {strides = array<i32>} : memref<2x1024xi32, #tpu.memory_space<vmem>>, vector<16xi32>,
        %scan3A_3655 = arith.constant 44 : i32
        %mul3A_3656 = arith.constant 2 : i32
        %mul3A_3657 = arith.muli %mul3A_3656, %scan3A_3655 : i32
        %add3A_3658 = vector.broadcast %mul3A_3657 : i32 to vector<16xi32>
        %add3A_3659 = arith.addi %add3A_3658, %shift_right_arithmetic3A_4 : vector<16xi32>
        %gather3A_3660 = arith.constant 0 : i32
        %gather3A_3661 = tpu.memref_slice %arg6[%sub3A_2551, %gather3A_3660] : memref<2x128xi32, #tpu.memory_space<vmem>> -> memref<1x128xi32, #tpu.memory_space<vmem>>
        %gather3A_3662 = tpu.memref_squeeze %gather3A_3661 : memref<1x128xi32, #tpu.memory_space<vmem>> -> memref<128xi32, #tpu.memory_space<vmem>>
        %gather3A_3663 = tpu.vector_load_idx %gather3A_3662[%add3A_3659] : memref<128xi32, #tpu.memory_space<vmem>>[vector<16xi32>], vector<16xi32>,
        %shift_right_arithmetic3A_3664 = arith.constant 7 : i32
        %shift_right_arithmetic3A_3665 = vector.broadcast %shift_right_arithmetic3A_3664 : i32 to vector<16xi32>
        %shift_right_arithmetic3A_3666 = arith.shrsi %gather3A_3663, %shift_right_arithmetic3A_3665 : vector<16xi32>
        %shift_left3A_3667 = arith.constant 10 : i32
        %shift_left3A_3668 = vector.broadcast %shift_left3A_3667 : i32 to vector<16xi32>
        %shift_left3A_3669 = arith.shli %shift_right_arithmetic3A_3666, %shift_left3A_3668 : vector<16xi32>
        %or3A_3670 = arith.ori %shift_left3A_3669, %shift_left3A_14 : vector<16xi32>
        %and3A_3671 = arith.constant 127 : i32
        %and3A_3672 = vector.broadcast %and3A_3671 : i32 to vector<16xi32>
        %and3A_3673 = arith.andi %gather3A_3663, %and3A_3672 : vector<16xi32>
        %or3A_3674 = arith.ori %or3A_3670, %and3A_3673 : vector<16xi32>
        %mul3A_3675 = arith.constant 16 : i32
        %mul3A_3676 = arith.muli %scan3A_3655, %mul3A_3675 : i32
        %swap3A_3677 = arith.index_cast %sub3A_2551 : i32 to index
        %swap3A_3678 = arith.index_cast %mul3A_3676 : i32 to index
        %swap3A_3679 = tpu.vector_load %arg7[%swap3A_3677, %swap3A_3678] {strides = array<i32>} : memref<2x1024xi32, #tpu.memory_space<vmem>>, vector<16xi32>,
        tpu.vector_store %arg7[%swap3A_3677, %swap3A_3678], %or3A_3674 {strides = array<i32>} : memref<2x1024xi32, #tpu.memory_space<vmem>>, vector<16xi32>,
        %scan3A_3680 = arith.constant 45 : i32
        %mul3A_3681 = arith.constant 2 : i32
        %mul3A_3682 = arith.muli %mul3A_3681, %scan3A_3680 : i32
        %add3A_3683 = vector.broadcast %mul3A_3682 : i32 to vector<16xi32>
        %add3A_3684 = arith.addi %add3A_3683, %shift_right_arithmetic3A_4 : vector<16xi32>
        %gather3A_3685 = arith.constant 0 : i32
        %gather3A_3686 = tpu.memref_slice %arg6[%sub3A_2551, %gather3A_3685] : memref<2x128xi32, #tpu.memory_space<vmem>> -> memref<1x128xi32, #tpu.memory_space<vmem>>
        %gather3A_3687 = tpu.memref_squeeze %gather3A_3686 : memref<1x128xi32, #tpu.memory_space<vmem>> -> memref<128xi32, #tpu.memory_space<vmem>>
        %gather3A_3688 = tpu.vector_load_idx %gather3A_3687[%add3A_3684] : memref<128xi32, #tpu.memory_space<vmem>>[vector<16xi32>], vector<16xi32>,
        %shift_right_arithmetic3A_3689 = arith.constant 7 : i32
        %shift_right_arithmetic3A_3690 = vector.broadcast %shift_right_arithmetic3A_3689 : i32 to vector<16xi32>
        %shift_right_arithmetic3A_3691 = arith.shrsi %gather3A_3688, %shift_right_arithmetic3A_3690 : vector<16xi32>
        %shift_left3A_3692 = arith.constant 10 : i32
        %shift_left3A_3693 = vector.broadcast %shift_left3A_3692 : i32 to vector<16xi32>
        %shift_left3A_3694 = arith.shli %shift_right_arithmetic3A_3691, %shift_left3A_3693 : vector<16xi32>
        %or3A_3695 = arith.ori %shift_left3A_3694, %shift_left3A_14 : vector<16xi32>
        %and3A_3696 = arith.constant 127 : i32
        %and3A_3697 = vector.broadcast %and3A_3696 : i32 to vector<16xi32>
        %and3A_3698 = arith.andi %gather3A_3688, %and3A_3697 : vector<16xi32>
        %or3A_3699 = arith.ori %or3A_3695, %and3A_3698 : vector<16xi32>
        %mul3A_3700 = arith.constant 16 : i32
        %mul3A_3701 = arith.muli %scan3A_3680, %mul3A_3700 : i32
        %swap3A_3702 = arith.index_cast %sub3A_2551 : i32 to index
        %swap3A_3703 = arith.index_cast %mul3A_3701 : i32 to index
        %swap3A_3704 = tpu.vector_load %arg7[%swap3A_3702, %swap3A_3703] {strides = array<i32>} : memref<2x1024xi32, #tpu.memory_space<vmem>>, vector<16xi32>,
        tpu.vector_store %arg7[%swap3A_3702, %swap3A_3703], %or3A_3699 {strides = array<i32>} : memref<2x1024xi32, #tpu.memory_space<vmem>>, vector<16xi32>,
        %scan3A_3705 = arith.constant 46 : i32
        %mul3A_3706 = arith.constant 2 : i32
        %mul3A_3707 = arith.muli %mul3A_3706, %scan3A_3705 : i32
        %add3A_3708 = vector.broadcast %mul3A_3707 : i32 to vector<16xi32>
        %add3A_3709 = arith.addi %add3A_3708, %shift_right_arithmetic3A_4 : vector<16xi32>
        %gather3A_3710 = arith.constant 0 : i32
        %gather3A_3711 = tpu.memref_slice %arg6[%sub3A_2551, %gather3A_3710] : memref<2x128xi32, #tpu.memory_space<vmem>> -> memref<1x128xi32, #tpu.memory_space<vmem>>
        %gather3A_3712 = tpu.memref_squeeze %gather3A_3711 : memref<1x128xi32, #tpu.memory_space<vmem>> -> memref<128xi32, #tpu.memory_space<vmem>>
        %gather3A_3713 = tpu.vector_load_idx %gather3A_3712[%add3A_3709] : memref<128xi32, #tpu.memory_space<vmem>>[vector<16xi32>], vector<16xi32>,
        %shift_right_arithmetic3A_3714 = arith.constant 7 : i32
        %shift_right_arithmetic3A_3715 = vector.broadcast %shift_right_arithmetic3A_3714 : i32 to vector<16xi32>
        %shift_right_arithmetic3A_3716 = arith.shrsi %gather3A_3713, %shift_right_arithmetic3A_3715 : vector<16xi32>
        %shift_left3A_3717 = arith.constant 10 : i32
        %shift_left3A_3718 = vector.broadcast %shift_left3A_3717 : i32 to vector<16xi32>
        %shift_left3A_3719 = arith.shli %shift_right_arithmetic3A_3716, %shift_left3A_3718 : vector<16xi32>
        %or3A_3720 = arith.ori %shift_left3A_3719, %shift_left3A_14 : vector<16xi32>
        %and3A_3721 = arith.constant 127 : i32
        %and3A_3722 = vector.broadcast %and3A_3721 : i32 to vector<16xi32>
        %and3A_3723 = arith.andi %gather3A_3713, %and3A_3722 : vector<16xi32>
        %or3A_3724 = arith.ori %or3A_3720, %and3A_3723 : vector<16xi32>
        %mul3A_3725 = arith.constant 16 : i32
        %mul3A_3726 = arith.muli %scan3A_3705, %mul3A_3725 : i32
        %swap3A_3727 = arith.index_cast %sub3A_2551 : i32 to index
        %swap3A_3728 = arith.index_cast %mul3A_3726 : i32 to index
        %swap3A_3729 = tpu.vector_load %arg7[%swap3A_3727, %swap3A_3728] {strides = array<i32>} : memref<2x1024xi32, #tpu.memory_space<vmem>>, vector<16xi32>,
        tpu.vector_store %arg7[%swap3A_3727, %swap3A_3728], %or3A_3724 {strides = array<i32>} : memref<2x1024xi32, #tpu.memory_space<vmem>>, vector<16xi32>,
        %scan3A_3730 = arith.constant 47 : i32
        %mul3A_3731 = arith.constant 2 : i32
        %mul3A_3732 = arith.muli %mul3A_3731, %scan3A_3730 : i32
        %add3A_3733 = vector.broadcast %mul3A_3732 : i32 to vector<16xi32>
        %add3A_3734 = arith.addi %add3A_3733, %shift_right_arithmetic3A_4 : vector<16xi32>
        %gather3A_3735 = arith.constant 0 : i32
        %gather3A_3736 = tpu.memref_slice %arg6[%sub3A_2551, %gather3A_3735] : memref<2x128xi32, #tpu.memory_space<vmem>> -> memref<1x128xi32, #tpu.memory_space<vmem>>
        %gather3A_3737 = tpu.memref_squeeze %gather3A_3736 : memref<1x128xi32, #tpu.memory_space<vmem>> -> memref<128xi32, #tpu.memory_space<vmem>>
        %gather3A_3738 = tpu.vector_load_idx %gather3A_3737[%add3A_3734] : memref<128xi32, #tpu.memory_space<vmem>>[vector<16xi32>], vector<16xi32>,
        %shift_right_arithmetic3A_3739 = arith.constant 7 : i32
        %shift_right_arithmetic3A_3740 = vector.broadcast %shift_right_arithmetic3A_3739 : i32 to vector<16xi32>
        %shift_right_arithmetic3A_3741 = arith.shrsi %gather3A_3738, %shift_right_arithmetic3A_3740 : vector<16xi32>
        %shift_left3A_3742 = arith.constant 10 : i32
        %shift_left3A_3743 = vector.broadcast %shift_left3A_3742 : i32 to vector<16xi32>
        %shift_left3A_3744 = arith.shli %shift_right_arithmetic3A_3741, %shift_left3A_3743 : vector<16xi32>
        %or3A_3745 = arith.ori %shift_left3A_3744, %shift_left3A_14 : vector<16xi32>
        %and3A_3746 = arith.constant 127 : i32
        %and3A_3747 = vector.broadcast %and3A_3746 : i32 to vector<16xi32>
        %and3A_3748 = arith.andi %gather3A_3738, %and3A_3747 : vector<16xi32>
        %or3A_3749 = arith.ori %or3A_3745, %and3A_3748 : vector<16xi32>
        %mul3A_3750 = arith.constant 16 : i32
        %mul3A_3751 = arith.muli %scan3A_3730, %mul3A_3750 : i32
        %swap3A_3752 = arith.index_cast %sub3A_2551 : i32 to index
        %swap3A_3753 = arith.index_cast %mul3A_3751 : i32 to index
        %swap3A_3754 = tpu.vector_load %arg7[%swap3A_3752, %swap3A_3753] {strides = array<i32>} : memref<2x1024xi32, #tpu.memory_space<vmem>>, vector<16xi32>,
        tpu.vector_store %arg7[%swap3A_3752, %swap3A_3753], %or3A_3749 {strides = array<i32>} : memref<2x1024xi32, #tpu.memory_space<vmem>>, vector<16xi32>,
        %scan3A_3755 = arith.constant 48 : i32
        %mul3A_3756 = arith.constant 2 : i32
        %mul3A_3757 = arith.muli %mul3A_3756, %scan3A_3755 : i32
        %add3A_3758 = vector.broadcast %mul3A_3757 : i32 to vector<16xi32>
        %add3A_3759 = arith.addi %add3A_3758, %shift_right_arithmetic3A_4 : vector<16xi32>
        %gather3A_3760 = arith.constant 0 : i32
        %gather3A_3761 = tpu.memref_slice %arg6[%sub3A_2551, %gather3A_3760] : memref<2x128xi32, #tpu.memory_space<vmem>> -> memref<1x128xi32, #tpu.memory_space<vmem>>
        %gather3A_3762 = tpu.memref_squeeze %gather3A_3761 : memref<1x128xi32, #tpu.memory_space<vmem>> -> memref<128xi32, #tpu.memory_space<vmem>>
        %gather3A_3763 = tpu.vector_load_idx %gather3A_3762[%add3A_3759] : memref<128xi32, #tpu.memory_space<vmem>>[vector<16xi32>], vector<16xi32>,
        %shift_right_arithmetic3A_3764 = arith.constant 7 : i32
        %shift_right_arithmetic3A_3765 = vector.broadcast %shift_right_arithmetic3A_3764 : i32 to vector<16xi32>
        %shift_right_arithmetic3A_3766 = arith.shrsi %gather3A_3763, %shift_right_arithmetic3A_3765 : vector<16xi32>
        %shift_left3A_3767 = arith.constant 10 : i32
        %shift_left3A_3768 = vector.broadcast %shift_left3A_3767 : i32 to vector<16xi32>
        %shift_left3A_3769 = arith.shli %shift_right_arithmetic3A_3766, %shift_left3A_3768 : vector<16xi32>
        %or3A_3770 = arith.ori %shift_left3A_3769, %shift_left3A_14 : vector<16xi32>
        %and3A_3771 = arith.constant 127 : i32
        %and3A_3772 = vector.broadcast %and3A_3771 : i32 to vector<16xi32>
        %and3A_3773 = arith.andi %gather3A_3763, %and3A_3772 : vector<16xi32>
        %or3A_3774 = arith.ori %or3A_3770, %and3A_3773 : vector<16xi32>
        %mul3A_3775 = arith.constant 16 : i32
        %mul3A_3776 = arith.muli %scan3A_3755, %mul3A_3775 : i32
        %swap3A_3777 = arith.index_cast %sub3A_2551 : i32 to index
        %swap3A_3778 = arith.index_cast %mul3A_3776 : i32 to index
        %swap3A_3779 = tpu.vector_load %arg7[%swap3A_3777, %swap3A_3778] {strides = array<i32>} : memref<2x1024xi32, #tpu.memory_space<vmem>>, vector<16xi32>,
        tpu.vector_store %arg7[%swap3A_3777, %swap3A_3778], %or3A_3774 {strides = array<i32>} : memref<2x1024xi32, #tpu.memory_space<vmem>>, vector<16xi32>,
        %scan3A_3780 = arith.constant 49 : i32
        %mul3A_3781 = arith.constant 2 : i32
        %mul3A_3782 = arith.muli %mul3A_3781, %scan3A_3780 : i32
        %add3A_3783 = vector.broadcast %mul3A_3782 : i32 to vector<16xi32>
        %add3A_3784 = arith.addi %add3A_3783, %shift_right_arithmetic3A_4 : vector<16xi32>
        %gather3A_3785 = arith.constant 0 : i32
        %gather3A_3786 = tpu.memref_slice %arg6[%sub3A_2551, %gather3A_3785] : memref<2x128xi32, #tpu.memory_space<vmem>> -> memref<1x128xi32, #tpu.memory_space<vmem>>
        %gather3A_3787 = tpu.memref_squeeze %gather3A_3786 : memref<1x128xi32, #tpu.memory_space<vmem>> -> memref<128xi32, #tpu.memory_space<vmem>>
        %gather3A_3788 = tpu.vector_load_idx %gather3A_3787[%add3A_3784] : memref<128xi32, #tpu.memory_space<vmem>>[vector<16xi32>], vector<16xi32>,
        %shift_right_arithmetic3A_3789 = arith.constant 7 : i32
        %shift_right_arithmetic3A_3790 = vector.broadcast %shift_right_arithmetic3A_3789 : i32 to vector<16xi32>
        %shift_right_arithmetic3A_3791 = arith.shrsi %gather3A_3788, %shift_right_arithmetic3A_3790 : vector<16xi32>
        %shift_left3A_3792 = arith.constant 10 : i32
        %shift_left3A_3793 = vector.broadcast %shift_left3A_3792 : i32 to vector<16xi32>
        %shift_left3A_3794 = arith.shli %shift_right_arithmetic3A_3791, %shift_left3A_3793 : vector<16xi32>
        %or3A_3795 = arith.ori %shift_left3A_3794, %shift_left3A_14 : vector<16xi32>
        %and3A_3796 = arith.constant 127 : i32
        %and3A_3797 = vector.broadcast %and3A_3796 : i32 to vector<16xi32>
        %and3A_3798 = arith.andi %gather3A_3788, %and3A_3797 : vector<16xi32>
        %or3A_3799 = arith.ori %or3A_3795, %and3A_3798 : vector<16xi32>
        %mul3A_3800 = arith.constant 16 : i32
        %mul3A_3801 = arith.muli %scan3A_3780, %mul3A_3800 : i32
        %swap3A_3802 = arith.index_cast %sub3A_2551 : i32 to index
        %swap3A_3803 = arith.index_cast %mul3A_3801 : i32 to index
        %swap3A_3804 = tpu.vector_load %arg7[%swap3A_3802, %swap3A_3803] {strides = array<i32>} : memref<2x1024xi32, #tpu.memory_space<vmem>>, vector<16xi32>,
        tpu.vector_store %arg7[%swap3A_3802, %swap3A_3803], %or3A_3799 {strides = array<i32>} : memref<2x1024xi32, #tpu.memory_space<vmem>>, vector<16xi32>,
        %scan3A_3805 = arith.constant 50 : i32
        %mul3A_3806 = arith.constant 2 : i32
        %mul3A_3807 = arith.muli %mul3A_3806, %scan3A_3805 : i32
        %add3A_3808 = vector.broadcast %mul3A_3807 : i32 to vector<16xi32>
        %add3A_3809 = arith.addi %add3A_3808, %shift_right_arithmetic3A_4 : vector<16xi32>
        %gather3A_3810 = arith.constant 0 : i32
        %gather3A_3811 = tpu.memref_slice %arg6[%sub3A_2551, %gather3A_3810] : memref<2x128xi32, #tpu.memory_space<vmem>> -> memref<1x128xi32, #tpu.memory_space<vmem>>
        %gather3A_3812 = tpu.memref_squeeze %gather3A_3811 : memref<1x128xi32, #tpu.memory_space<vmem>> -> memref<128xi32, #tpu.memory_space<vmem>>
        %gather3A_3813 = tpu.vector_load_idx %gather3A_3812[%add3A_3809] : memref<128xi32, #tpu.memory_space<vmem>>[vector<16xi32>], vector<16xi32>,
        %shift_right_arithmetic3A_3814 = arith.constant 7 : i32
        %shift_right_arithmetic3A_3815 = vector.broadcast %shift_right_arithmetic3A_3814 : i32 to vector<16xi32>
        %shift_right_arithmetic3A_3816 = arith.shrsi %gather3A_3813, %shift_right_arithmetic3A_3815 : vector<16xi32>
        %shift_left3A_3817 = arith.constant 10 : i32
        %shift_left3A_3818 = vector.broadcast %shift_left3A_3817 : i32 to vector<16xi32>
        %shift_left3A_3819 = arith.shli %shift_right_arithmetic3A_3816, %shift_left3A_3818 : vector<16xi32>
        %or3A_3820 = arith.ori %shift_left3A_3819, %shift_left3A_14 : vector<16xi32>
        %and3A_3821 = arith.constant 127 : i32
        %and3A_3822 = vector.broadcast %and3A_3821 : i32 to vector<16xi32>
        %and3A_3823 = arith.andi %gather3A_3813, %and3A_3822 : vector<16xi32>
        %or3A_3824 = arith.ori %or3A_3820, %and3A_3823 : vector<16xi32>
        %mul3A_3825 = arith.constant 16 : i32
        %mul3A_3826 = arith.muli %scan3A_3805, %mul3A_3825 : i32
        %swap3A_3827 = arith.index_cast %sub3A_2551 : i32 to index
        %swap3A_3828 = arith.index_cast %mul3A_3826 : i32 to index
        %swap3A_3829 = tpu.vector_load %arg7[%swap3A_3827, %swap3A_3828] {strides = array<i32>} : memref<2x1024xi32, #tpu.memory_space<vmem>>, vector<16xi32>,
        tpu.vector_store %arg7[%swap3A_3827, %swap3A_3828], %or3A_3824 {strides = array<i32>} : memref<2x1024xi32, #tpu.memory_space<vmem>>, vector<16xi32>,
        %scan3A_3830 = arith.constant 51 : i32
        %mul3A_3831 = arith.constant 2 : i32
        %mul3A_3832 = arith.muli %mul3A_3831, %scan3A_3830 : i32
        %add3A_3833 = vector.broadcast %mul3A_3832 : i32 to vector<16xi32>
        %add3A_3834 = arith.addi %add3A_3833, %shift_right_arithmetic3A_4 : vector<16xi32>
        %gather3A_3835 = arith.constant 0 : i32
        %gather3A_3836 = tpu.memref_slice %arg6[%sub3A_2551, %gather3A_3835] : memref<2x128xi32, #tpu.memory_space<vmem>> -> memref<1x128xi32, #tpu.memory_space<vmem>>
        %gather3A_3837 = tpu.memref_squeeze %gather3A_3836 : memref<1x128xi32, #tpu.memory_space<vmem>> -> memref<128xi32, #tpu.memory_space<vmem>>
        %gather3A_3838 = tpu.vector_load_idx %gather3A_3837[%add3A_3834] : memref<128xi32, #tpu.memory_space<vmem>>[vector<16xi32>], vector<16xi32>,
        %shift_right_arithmetic3A_3839 = arith.constant 7 : i32
        %shift_right_arithmetic3A_3840 = vector.broadcast %shift_right_arithmetic3A_3839 : i32 to vector<16xi32>
        %shift_right_arithmetic3A_3841 = arith.shrsi %gather3A_3838, %shift_right_arithmetic3A_3840 : vector<16xi32>
        %shift_left3A_3842 = arith.constant 10 : i32
        %shift_left3A_3843 = vector.broadcast %shift_left3A_3842 : i32 to vector<16xi32>
        %shift_left3A_3844 = arith.shli %shift_right_arithmetic3A_3841, %shift_left3A_3843 : vector<16xi32>
        %or3A_3845 = arith.ori %shift_left3A_3844, %shift_left3A_14 : vector<16xi32>
        %and3A_3846 = arith.constant 127 : i32
        %and3A_3847 = vector.broadcast %and3A_3846 : i32 to vector<16xi32>
        %and3A_3848 = arith.andi %gather3A_3838, %and3A_3847 : vector<16xi32>
        %or3A_3849 = arith.ori %or3A_3845, %and3A_3848 : vector<16xi32>
        %mul3A_3850 = arith.constant 16 : i32
        %mul3A_3851 = arith.muli %scan3A_3830, %mul3A_3850 : i32
        %swap3A_3852 = arith.index_cast %sub3A_2551 : i32 to index
        %swap3A_3853 = arith.index_cast %mul3A_3851 : i32 to index
        %swap3A_3854 = tpu.vector_load %arg7[%swap3A_3852, %swap3A_3853] {strides = array<i32>} : memref<2x1024xi32, #tpu.memory_space<vmem>>, vector<16xi32>,
        tpu.vector_store %arg7[%swap3A_3852, %swap3A_3853], %or3A_3849 {strides = array<i32>} : memref<2x1024xi32, #tpu.memory_space<vmem>>, vector<16xi32>,
        %scan3A_3855 = arith.constant 52 : i32
        %mul3A_3856 = arith.constant 2 : i32
        %mul3A_3857 = arith.muli %mul3A_3856, %scan3A_3855 : i32
        %add3A_3858 = vector.broadcast %mul3A_3857 : i32 to vector<16xi32>
        %add3A_3859 = arith.addi %add3A_3858, %shift_right_arithmetic3A_4 : vector<16xi32>
        %gather3A_3860 = arith.constant 0 : i32
        %gather3A_3861 = tpu.memref_slice %arg6[%sub3A_2551, %gather3A_3860] : memref<2x128xi32, #tpu.memory_space<vmem>> -> memref<1x128xi32, #tpu.memory_space<vmem>>
        %gather3A_3862 = tpu.memref_squeeze %gather3A_3861 : memref<1x128xi32, #tpu.memory_space<vmem>> -> memref<128xi32, #tpu.memory_space<vmem>>
        %gather3A_3863 = tpu.vector_load_idx %gather3A_3862[%add3A_3859] : memref<128xi32, #tpu.memory_space<vmem>>[vector<16xi32>], vector<16xi32>,
        %shift_right_arithmetic3A_3864 = arith.constant 7 : i32
        %shift_right_arithmetic3A_3865 = vector.broadcast %shift_right_arithmetic3A_3864 : i32 to vector<16xi32>
        %shift_right_arithmetic3A_3866 = arith.shrsi %gather3A_3863, %shift_right_arithmetic3A_3865 : vector<16xi32>
        %shift_left3A_3867 = arith.constant 10 : i32
        %shift_left3A_3868 = vector.broadcast %shift_left3A_3867 : i32 to vector<16xi32>
        %shift_left3A_3869 = arith.shli %shift_right_arithmetic3A_3866, %shift_left3A_3868 : vector<16xi32>
        %or3A_3870 = arith.ori %shift_left3A_3869, %shift_left3A_14 : vector<16xi32>
        %and3A_3871 = arith.constant 127 : i32
        %and3A_3872 = vector.broadcast %and3A_3871 : i32 to vector<16xi32>
        %and3A_3873 = arith.andi %gather3A_3863, %and3A_3872 : vector<16xi32>
        %or3A_3874 = arith.ori %or3A_3870, %and3A_3873 : vector<16xi32>
        %mul3A_3875 = arith.constant 16 : i32
        %mul3A_3876 = arith.muli %scan3A_3855, %mul3A_3875 : i32
        %swap3A_3877 = arith.index_cast %sub3A_2551 : i32 to index
        %swap3A_3878 = arith.index_cast %mul3A_3876 : i32 to index
        %swap3A_3879 = tpu.vector_load %arg7[%swap3A_3877, %swap3A_3878] {strides = array<i32>} : memref<2x1024xi32, #tpu.memory_space<vmem>>, vector<16xi32>,
        tpu.vector_store %arg7[%swap3A_3877, %swap3A_3878], %or3A_3874 {strides = array<i32>} : memref<2x1024xi32, #tpu.memory_space<vmem>>, vector<16xi32>,
        %scan3A_3880 = arith.constant 53 : i32
        %mul3A_3881 = arith.constant 2 : i32
        %mul3A_3882 = arith.muli %mul3A_3881, %scan3A_3880 : i32
        %add3A_3883 = vector.broadcast %mul3A_3882 : i32 to vector<16xi32>
        %add3A_3884 = arith.addi %add3A_3883, %shift_right_arithmetic3A_4 : vector<16xi32>
        %gather3A_3885 = arith.constant 0 : i32
        %gather3A_3886 = tpu.memref_slice %arg6[%sub3A_2551, %gather3A_3885] : memref<2x128xi32, #tpu.memory_space<vmem>> -> memref<1x128xi32, #tpu.memory_space<vmem>>
        %gather3A_3887 = tpu.memref_squeeze %gather3A_3886 : memref<1x128xi32, #tpu.memory_space<vmem>> -> memref<128xi32, #tpu.memory_space<vmem>>
        %gather3A_3888 = tpu.vector_load_idx %gather3A_3887[%add3A_3884] : memref<128xi32, #tpu.memory_space<vmem>>[vector<16xi32>], vector<16xi32>,
        %shift_right_arithmetic3A_3889 = arith.constant 7 : i32
        %shift_right_arithmetic3A_3890 = vector.broadcast %shift_right_arithmetic3A_3889 : i32 to vector<16xi32>
        %shift_right_arithmetic3A_3891 = arith.shrsi %gather3A_3888, %shift_right_arithmetic3A_3890 : vector<16xi32>
        %shift_left3A_3892 = arith.constant 10 : i32
        %shift_left3A_3893 = vector.broadcast %shift_left3A_3892 : i32 to vector<16xi32>
        %shift_left3A_3894 = arith.shli %shift_right_arithmetic3A_3891, %shift_left3A_3893 : vector<16xi32>
        %or3A_3895 = arith.ori %shift_left3A_3894, %shift_left3A_14 : vector<16xi32>
        %and3A_3896 = arith.constant 127 : i32
        %and3A_3897 = vector.broadcast %and3A_3896 : i32 to vector<16xi32>
        %and3A_3898 = arith.andi %gather3A_3888, %and3A_3897 : vector<16xi32>
        %or3A_3899 = arith.ori %or3A_3895, %and3A_3898 : vector<16xi32>
        %mul3A_3900 = arith.constant 16 : i32
        %mul3A_3901 = arith.muli %scan3A_3880, %mul3A_3900 : i32
        %swap3A_3902 = arith.index_cast %sub3A_2551 : i32 to index
        %swap3A_3903 = arith.index_cast %mul3A_3901 : i32 to index
        %swap3A_3904 = tpu.vector_load %arg7[%swap3A_3902, %swap3A_3903] {strides = array<i32>} : memref<2x1024xi32, #tpu.memory_space<vmem>>, vector<16xi32>,
        tpu.vector_store %arg7[%swap3A_3902, %swap3A_3903], %or3A_3899 {strides = array<i32>} : memref<2x1024xi32, #tpu.memory_space<vmem>>, vector<16xi32>,
        %scan3A_3905 = arith.constant 54 : i32
        %mul3A_3906 = arith.constant 2 : i32
        %mul3A_3907 = arith.muli %mul3A_3906, %scan3A_3905 : i32
        %add3A_3908 = vector.broadcast %mul3A_3907 : i32 to vector<16xi32>
        %add3A_3909 = arith.addi %add3A_3908, %shift_right_arithmetic3A_4 : vector<16xi32>
        %gather3A_3910 = arith.constant 0 : i32
        %gather3A_3911 = tpu.memref_slice %arg6[%sub3A_2551, %gather3A_3910] : memref<2x128xi32, #tpu.memory_space<vmem>> -> memref<1x128xi32, #tpu.memory_space<vmem>>
        %gather3A_3912 = tpu.memref_squeeze %gather3A_3911 : memref<1x128xi32, #tpu.memory_space<vmem>> -> memref<128xi32, #tpu.memory_space<vmem>>
        %gather3A_3913 = tpu.vector_load_idx %gather3A_3912[%add3A_3909] : memref<128xi32, #tpu.memory_space<vmem>>[vector<16xi32>], vector<16xi32>,
        %shift_right_arithmetic3A_3914 = arith.constant 7 : i32
        %shift_right_arithmetic3A_3915 = vector.broadcast %shift_right_arithmetic3A_3914 : i32 to vector<16xi32>
        %shift_right_arithmetic3A_3916 = arith.shrsi %gather3A_3913, %shift_right_arithmetic3A_3915 : vector<16xi32>
        %shift_left3A_3917 = arith.constant 10 : i32
        %shift_left3A_3918 = vector.broadcast %shift_left3A_3917 : i32 to vector<16xi32>
        %shift_left3A_3919 = arith.shli %shift_right_arithmetic3A_3916, %shift_left3A_3918 : vector<16xi32>
        %or3A_3920 = arith.ori %shift_left3A_3919, %shift_left3A_14 : vector<16xi32>
        %and3A_3921 = arith.constant 127 : i32
        %and3A_3922 = vector.broadcast %and3A_3921 : i32 to vector<16xi32>
        %and3A_3923 = arith.andi %gather3A_3913, %and3A_3922 : vector<16xi32>
        %or3A_3924 = arith.ori %or3A_3920, %and3A_3923 : vector<16xi32>
        %mul3A_3925 = arith.constant 16 : i32
        %mul3A_3926 = arith.muli %scan3A_3905, %mul3A_3925 : i32
        %swap3A_3927 = arith.index_cast %sub3A_2551 : i32 to index
        %swap3A_3928 = arith.index_cast %mul3A_3926 : i32 to index
        %swap3A_3929 = tpu.vector_load %arg7[%swap3A_3927, %swap3A_3928] {strides = array<i32>} : memref<2x1024xi32, #tpu.memory_space<vmem>>, vector<16xi32>,
        tpu.vector_store %arg7[%swap3A_3927, %swap3A_3928], %or3A_3924 {strides = array<i32>} : memref<2x1024xi32, #tpu.memory_space<vmem>>, vector<16xi32>,
        %scan3A_3930 = arith.constant 55 : i32
        %mul3A_3931 = arith.constant 2 : i32
        %mul3A_3932 = arith.muli %mul3A_3931, %scan3A_3930 : i32
        %add3A_3933 = vector.broadcast %mul3A_3932 : i32 to vector<16xi32>
        %add3A_3934 = arith.addi %add3A_3933, %shift_right_arithmetic3A_4 : vector<16xi32>
        %gather3A_3935 = arith.constant 0 : i32
        %gather3A_3936 = tpu.memref_slice %arg6[%sub3A_2551, %gather3A_3935] : memref<2x128xi32, #tpu.memory_space<vmem>> -> memref<1x128xi32, #tpu.memory_space<vmem>>
        %gather3A_3937 = tpu.memref_squeeze %gather3A_3936 : memref<1x128xi32, #tpu.memory_space<vmem>> -> memref<128xi32, #tpu.memory_space<vmem>>
        %gather3A_3938 = tpu.vector_load_idx %gather3A_3937[%add3A_3934] : memref<128xi32, #tpu.memory_space<vmem>>[vector<16xi32>], vector<16xi32>,
        %shift_right_arithmetic3A_3939 = arith.constant 7 : i32
        %shift_right_arithmetic3A_3940 = vector.broadcast %shift_right_arithmetic3A_3939 : i32 to vector<16xi32>
        %shift_right_arithmetic3A_3941 = arith.shrsi %gather3A_3938, %shift_right_arithmetic3A_3940 : vector<16xi32>
        %shift_left3A_3942 = arith.constant 10 : i32
        %shift_left3A_3943 = vector.broadcast %shift_left3A_3942 : i32 to vector<16xi32>
        %shift_left3A_3944 = arith.shli %shift_right_arithmetic3A_3941, %shift_left3A_3943 : vector<16xi32>
        %or3A_3945 = arith.ori %shift_left3A_3944, %shift_left3A_14 : vector<16xi32>
        %and3A_3946 = arith.constant 127 : i32
        %and3A_3947 = vector.broadcast %and3A_3946 : i32 to vector<16xi32>
        %and3A_3948 = arith.andi %gather3A_3938, %and3A_3947 : vector<16xi32>
        %or3A_3949 = arith.ori %or3A_3945, %and3A_3948 : vector<16xi32>
        %mul3A_3950 = arith.constant 16 : i32
        %mul3A_3951 = arith.muli %scan3A_3930, %mul3A_3950 : i32
        %swap3A_3952 = arith.index_cast %sub3A_2551 : i32 to index
        %swap3A_3953 = arith.index_cast %mul3A_3951 : i32 to index
        %swap3A_3954 = tpu.vector_load %arg7[%swap3A_3952, %swap3A_3953] {strides = array<i32>} : memref<2x1024xi32, #tpu.memory_space<vmem>>, vector<16xi32>,
        tpu.vector_store %arg7[%swap3A_3952, %swap3A_3953], %or3A_3949 {strides = array<i32>} : memref<2x1024xi32, #tpu.memory_space<vmem>>, vector<16xi32>,
        %scan3A_3955 = arith.constant 56 : i32
        %mul3A_3956 = arith.constant 2 : i32
        %mul3A_3957 = arith.muli %mul3A_3956, %scan3A_3955 : i32
        %add3A_3958 = vector.broadcast %mul3A_3957 : i32 to vector<16xi32>
        %add3A_3959 = arith.addi %add3A_3958, %shift_right_arithmetic3A_4 : vector<16xi32>
        %gather3A_3960 = arith.constant 0 : i32
        %gather3A_3961 = tpu.memref_slice %arg6[%sub3A_2551, %gather3A_3960] : memref<2x128xi32, #tpu.memory_space<vmem>> -> memref<1x128xi32, #tpu.memory_space<vmem>>
        %gather3A_3962 = tpu.memref_squeeze %gather3A_3961 : memref<1x128xi32, #tpu.memory_space<vmem>> -> memref<128xi32, #tpu.memory_space<vmem>>
        %gather3A_3963 = tpu.vector_load_idx %gather3A_3962[%add3A_3959] : memref<128xi32, #tpu.memory_space<vmem>>[vector<16xi32>], vector<16xi32>,
        %shift_right_arithmetic3A_3964 = arith.constant 7 : i32
        %shift_right_arithmetic3A_3965 = vector.broadcast %shift_right_arithmetic3A_3964 : i32 to vector<16xi32>
        %shift_right_arithmetic3A_3966 = arith.shrsi %gather3A_3963, %shift_right_arithmetic3A_3965 : vector<16xi32>
        %shift_left3A_3967 = arith.constant 10 : i32
        %shift_left3A_3968 = vector.broadcast %shift_left3A_3967 : i32 to vector<16xi32>
        %shift_left3A_3969 = arith.shli %shift_right_arithmetic3A_3966, %shift_left3A_3968 : vector<16xi32>
        %or3A_3970 = arith.ori %shift_left3A_3969, %shift_left3A_14 : vector<16xi32>
        %and3A_3971 = arith.constant 127 : i32
        %and3A_3972 = vector.broadcast %and3A_3971 : i32 to vector<16xi32>
        %and3A_3973 = arith.andi %gather3A_3963, %and3A_3972 : vector<16xi32>
        %or3A_3974 = arith.ori %or3A_3970, %and3A_3973 : vector<16xi32>
        %mul3A_3975 = arith.constant 16 : i32
        %mul3A_3976 = arith.muli %scan3A_3955, %mul3A_3975 : i32
        %swap3A_3977 = arith.index_cast %sub3A_2551 : i32 to index
        %swap3A_3978 = arith.index_cast %mul3A_3976 : i32 to index
        %swap3A_3979 = tpu.vector_load %arg7[%swap3A_3977, %swap3A_3978] {strides = array<i32>} : memref<2x1024xi32, #tpu.memory_space<vmem>>, vector<16xi32>,
        tpu.vector_store %arg7[%swap3A_3977, %swap3A_3978], %or3A_3974 {strides = array<i32>} : memref<2x1024xi32, #tpu.memory_space<vmem>>, vector<16xi32>,
        %scan3A_3980 = arith.constant 57 : i32
        %mul3A_3981 = arith.constant 2 : i32
        %mul3A_3982 = arith.muli %mul3A_3981, %scan3A_3980 : i32
        %add3A_3983 = vector.broadcast %mul3A_3982 : i32 to vector<16xi32>
        %add3A_3984 = arith.addi %add3A_3983, %shift_right_arithmetic3A_4 : vector<16xi32>
        %gather3A_3985 = arith.constant 0 : i32
        %gather3A_3986 = tpu.memref_slice %arg6[%sub3A_2551, %gather3A_3985] : memref<2x128xi32, #tpu.memory_space<vmem>> -> memref<1x128xi32, #tpu.memory_space<vmem>>
        %gather3A_3987 = tpu.memref_squeeze %gather3A_3986 : memref<1x128xi32, #tpu.memory_space<vmem>> -> memref<128xi32, #tpu.memory_space<vmem>>
        %gather3A_3988 = tpu.vector_load_idx %gather3A_3987[%add3A_3984] : memref<128xi32, #tpu.memory_space<vmem>>[vector<16xi32>], vector<16xi32>,
        %shift_right_arithmetic3A_3989 = arith.constant 7 : i32
        %shift_right_arithmetic3A_3990 = vector.broadcast %shift_right_arithmetic3A_3989 : i32 to vector<16xi32>
        %shift_right_arithmetic3A_3991 = arith.shrsi %gather3A_3988, %shift_right_arithmetic3A_3990 : vector<16xi32>
        %shift_left3A_3992 = arith.constant 10 : i32
        %shift_left3A_3993 = vector.broadcast %shift_left3A_3992 : i32 to vector<16xi32>
        %shift_left3A_3994 = arith.shli %shift_right_arithmetic3A_3991, %shift_left3A_3993 : vector<16xi32>
        %or3A_3995 = arith.ori %shift_left3A_3994, %shift_left3A_14 : vector<16xi32>
        %and3A_3996 = arith.constant 127 : i32
        %and3A_3997 = vector.broadcast %and3A_3996 : i32 to vector<16xi32>
        %and3A_3998 = arith.andi %gather3A_3988, %and3A_3997 : vector<16xi32>
        %or3A_3999 = arith.ori %or3A_3995, %and3A_3998 : vector<16xi32>
        %mul3A_4000 = arith.constant 16 : i32
        %mul3A_4001 = arith.muli %scan3A_3980, %mul3A_4000 : i32
        %swap3A_4002 = arith.index_cast %sub3A_2551 : i32 to index
        %swap3A_4003 = arith.index_cast %mul3A_4001 : i32 to index
        %swap3A_4004 = tpu.vector_load %arg7[%swap3A_4002, %swap3A_4003] {strides = array<i32>} : memref<2x1024xi32, #tpu.memory_space<vmem>>, vector<16xi32>,
        tpu.vector_store %arg7[%swap3A_4002, %swap3A_4003], %or3A_3999 {strides = array<i32>} : memref<2x1024xi32, #tpu.memory_space<vmem>>, vector<16xi32>,
        %scan3A_4005 = arith.constant 58 : i32
        %mul3A_4006 = arith.constant 2 : i32
        %mul3A_4007 = arith.muli %mul3A_4006, %scan3A_4005 : i32
        %add3A_4008 = vector.broadcast %mul3A_4007 : i32 to vector<16xi32>
        %add3A_4009 = arith.addi %add3A_4008, %shift_right_arithmetic3A_4 : vector<16xi32>
        %gather3A_4010 = arith.constant 0 : i32
        %gather3A_4011 = tpu.memref_slice %arg6[%sub3A_2551, %gather3A_4010] : memref<2x128xi32, #tpu.memory_space<vmem>> -> memref<1x128xi32, #tpu.memory_space<vmem>>
        %gather3A_4012 = tpu.memref_squeeze %gather3A_4011 : memref<1x128xi32, #tpu.memory_space<vmem>> -> memref<128xi32, #tpu.memory_space<vmem>>
        %gather3A_4013 = tpu.vector_load_idx %gather3A_4012[%add3A_4009] : memref<128xi32, #tpu.memory_space<vmem>>[vector<16xi32>], vector<16xi32>,
        %shift_right_arithmetic3A_4014 = arith.constant 7 : i32
        %shift_right_arithmetic3A_4015 = vector.broadcast %shift_right_arithmetic3A_4014 : i32 to vector<16xi32>
        %shift_right_arithmetic3A_4016 = arith.shrsi %gather3A_4013, %shift_right_arithmetic3A_4015 : vector<16xi32>
        %shift_left3A_4017 = arith.constant 10 : i32
        %shift_left3A_4018 = vector.broadcast %shift_left3A_4017 : i32 to vector<16xi32>
        %shift_left3A_4019 = arith.shli %shift_right_arithmetic3A_4016, %shift_left3A_4018 : vector<16xi32>
        %or3A_4020 = arith.ori %shift_left3A_4019, %shift_left3A_14 : vector<16xi32>
        %and3A_4021 = arith.constant 127 : i32
        %and3A_4022 = vector.broadcast %and3A_4021 : i32 to vector<16xi32>
        %and3A_4023 = arith.andi %gather3A_4013, %and3A_4022 : vector<16xi32>
        %or3A_4024 = arith.ori %or3A_4020, %and3A_4023 : vector<16xi32>
        %mul3A_4025 = arith.constant 16 : i32
        %mul3A_4026 = arith.muli %scan3A_4005, %mul3A_4025 : i32
        %swap3A_4027 = arith.index_cast %sub3A_2551 : i32 to index
        %swap3A_4028 = arith.index_cast %mul3A_4026 : i32 to index
        %swap3A_4029 = tpu.vector_load %arg7[%swap3A_4027, %swap3A_4028] {strides = array<i32>} : memref<2x1024xi32, #tpu.memory_space<vmem>>, vector<16xi32>,
        tpu.vector_store %arg7[%swap3A_4027, %swap3A_4028], %or3A_4024 {strides = array<i32>} : memref<2x1024xi32, #tpu.memory_space<vmem>>, vector<16xi32>,
        %scan3A_4030 = arith.constant 59 : i32
        %mul3A_4031 = arith.constant 2 : i32
        %mul3A_4032 = arith.muli %mul3A_4031, %scan3A_4030 : i32
        %add3A_4033 = vector.broadcast %mul3A_4032 : i32 to vector<16xi32>
        %add3A_4034 = arith.addi %add3A_4033, %shift_right_arithmetic3A_4 : vector<16xi32>
        %gather3A_4035 = arith.constant 0 : i32
        %gather3A_4036 = tpu.memref_slice %arg6[%sub3A_2551, %gather3A_4035] : memref<2x128xi32, #tpu.memory_space<vmem>> -> memref<1x128xi32, #tpu.memory_space<vmem>>
        %gather3A_4037 = tpu.memref_squeeze %gather3A_4036 : memref<1x128xi32, #tpu.memory_space<vmem>> -> memref<128xi32, #tpu.memory_space<vmem>>
        %gather3A_4038 = tpu.vector_load_idx %gather3A_4037[%add3A_4034] : memref<128xi32, #tpu.memory_space<vmem>>[vector<16xi32>], vector<16xi32>,
        %shift_right_arithmetic3A_4039 = arith.constant 7 : i32
        %shift_right_arithmetic3A_4040 = vector.broadcast %shift_right_arithmetic3A_4039 : i32 to vector<16xi32>
        %shift_right_arithmetic3A_4041 = arith.shrsi %gather3A_4038, %shift_right_arithmetic3A_4040 : vector<16xi32>
        %shift_left3A_4042 = arith.constant 10 : i32
        %shift_left3A_4043 = vector.broadcast %shift_left3A_4042 : i32 to vector<16xi32>
        %shift_left3A_4044 = arith.shli %shift_right_arithmetic3A_4041, %shift_left3A_4043 : vector<16xi32>
        %or3A_4045 = arith.ori %shift_left3A_4044, %shift_left3A_14 : vector<16xi32>
        %and3A_4046 = arith.constant 127 : i32
        %and3A_4047 = vector.broadcast %and3A_4046 : i32 to vector<16xi32>
        %and3A_4048 = arith.andi %gather3A_4038, %and3A_4047 : vector<16xi32>
        %or3A_4049 = arith.ori %or3A_4045, %and3A_4048 : vector<16xi32>
        %mul3A_4050 = arith.constant 16 : i32
        %mul3A_4051 = arith.muli %scan3A_4030, %mul3A_4050 : i32
        %swap3A_4052 = arith.index_cast %sub3A_2551 : i32 to index
        %swap3A_4053 = arith.index_cast %mul3A_4051 : i32 to index
        %swap3A_4054 = tpu.vector_load %arg7[%swap3A_4052, %swap3A_4053] {strides = array<i32>} : memref<2x1024xi32, #tpu.memory_space<vmem>>, vector<16xi32>,
        tpu.vector_store %arg7[%swap3A_4052, %swap3A_4053], %or3A_4049 {strides = array<i32>} : memref<2x1024xi32, #tpu.memory_space<vmem>>, vector<16xi32>,
        %scan3A_4055 = arith.constant 60 : i32
        %mul3A_4056 = arith.constant 2 : i32
        %mul3A_4057 = arith.muli %mul3A_4056, %scan3A_4055 : i32
        %add3A_4058 = vector.broadcast %mul3A_4057 : i32 to vector<16xi32>
        %add3A_4059 = arith.addi %add3A_4058, %shift_right_arithmetic3A_4 : vector<16xi32>
        %gather3A_4060 = arith.constant 0 : i32
        %gather3A_4061 = tpu.memref_slice %arg6[%sub3A_2551, %gather3A_4060] : memref<2x128xi32, #tpu.memory_space<vmem>> -> memref<1x128xi32, #tpu.memory_space<vmem>>
        %gather3A_4062 = tpu.memref_squeeze %gather3A_4061 : memref<1x128xi32, #tpu.memory_space<vmem>> -> memref<128xi32, #tpu.memory_space<vmem>>
        %gather3A_4063 = tpu.vector_load_idx %gather3A_4062[%add3A_4059] : memref<128xi32, #tpu.memory_space<vmem>>[vector<16xi32>], vector<16xi32>,
        %shift_right_arithmetic3A_4064 = arith.constant 7 : i32
        %shift_right_arithmetic3A_4065 = vector.broadcast %shift_right_arithmetic3A_4064 : i32 to vector<16xi32>
        %shift_right_arithmetic3A_4066 = arith.shrsi %gather3A_4063, %shift_right_arithmetic3A_4065 : vector<16xi32>
        %shift_left3A_4067 = arith.constant 10 : i32
        %shift_left3A_4068 = vector.broadcast %shift_left3A_4067 : i32 to vector<16xi32>
        %shift_left3A_4069 = arith.shli %shift_right_arithmetic3A_4066, %shift_left3A_4068 : vector<16xi32>
        %or3A_4070 = arith.ori %shift_left3A_4069, %shift_left3A_14 : vector<16xi32>
        %and3A_4071 = arith.constant 127 : i32
        %and3A_4072 = vector.broadcast %and3A_4071 : i32 to vector<16xi32>
        %and3A_4073 = arith.andi %gather3A_4063, %and3A_4072 : vector<16xi32>
        %or3A_4074 = arith.ori %or3A_4070, %and3A_4073 : vector<16xi32>
        %mul3A_4075 = arith.constant 16 : i32
        %mul3A_4076 = arith.muli %scan3A_4055, %mul3A_4075 : i32
        %swap3A_4077 = arith.index_cast %sub3A_2551 : i32 to index
        %swap3A_4078 = arith.index_cast %mul3A_4076 : i32 to index
        %swap3A_4079 = tpu.vector_load %arg7[%swap3A_4077, %swap3A_4078] {strides = array<i32>} : memref<2x1024xi32, #tpu.memory_space<vmem>>, vector<16xi32>,
        tpu.vector_store %arg7[%swap3A_4077, %swap3A_4078], %or3A_4074 {strides = array<i32>} : memref<2x1024xi32, #tpu.memory_space<vmem>>, vector<16xi32>,
        %scan3A_4080 = arith.constant 61 : i32
        %mul3A_4081 = arith.constant 2 : i32
        %mul3A_4082 = arith.muli %mul3A_4081, %scan3A_4080 : i32
        %add3A_4083 = vector.broadcast %mul3A_4082 : i32 to vector<16xi32>
        %add3A_4084 = arith.addi %add3A_4083, %shift_right_arithmetic3A_4 : vector<16xi32>
        %gather3A_4085 = arith.constant 0 : i32
        %gather3A_4086 = tpu.memref_slice %arg6[%sub3A_2551, %gather3A_4085] : memref<2x128xi32, #tpu.memory_space<vmem>> -> memref<1x128xi32, #tpu.memory_space<vmem>>
        %gather3A_4087 = tpu.memref_squeeze %gather3A_4086 : memref<1x128xi32, #tpu.memory_space<vmem>> -> memref<128xi32, #tpu.memory_space<vmem>>
        %gather3A_4088 = tpu.vector_load_idx %gather3A_4087[%add3A_4084] : memref<128xi32, #tpu.memory_space<vmem>>[vector<16xi32>], vector<16xi32>,
        %shift_right_arithmetic3A_4089 = arith.constant 7 : i32
        %shift_right_arithmetic3A_4090 = vector.broadcast %shift_right_arithmetic3A_4089 : i32 to vector<16xi32>
        %shift_right_arithmetic3A_4091 = arith.shrsi %gather3A_4088, %shift_right_arithmetic3A_4090 : vector<16xi32>
        %shift_left3A_4092 = arith.constant 10 : i32
        %shift_left3A_4093 = vector.broadcast %shift_left3A_4092 : i32 to vector<16xi32>
        %shift_left3A_4094 = arith.shli %shift_right_arithmetic3A_4091, %shift_left3A_4093 : vector<16xi32>
        %or3A_4095 = arith.ori %shift_left3A_4094, %shift_left3A_14 : vector<16xi32>
        %and3A_4096 = arith.constant 127 : i32
        %and3A_4097 = vector.broadcast %and3A_4096 : i32 to vector<16xi32>
        %and3A_4098 = arith.andi %gather3A_4088, %and3A_4097 : vector<16xi32>
        %or3A_4099 = arith.ori %or3A_4095, %and3A_4098 : vector<16xi32>
        %mul3A_4100 = arith.constant 16 : i32
        %mul3A_4101 = arith.muli %scan3A_4080, %mul3A_4100 : i32
        %swap3A_4102 = arith.index_cast %sub3A_2551 : i32 to index
        %swap3A_4103 = arith.index_cast %mul3A_4101 : i32 to index
        %swap3A_4104 = tpu.vector_load %arg7[%swap3A_4102, %swap3A_4103] {strides = array<i32>} : memref<2x1024xi32, #tpu.memory_space<vmem>>, vector<16xi32>,
        tpu.vector_store %arg7[%swap3A_4102, %swap3A_4103], %or3A_4099 {strides = array<i32>} : memref<2x1024xi32, #tpu.memory_space<vmem>>, vector<16xi32>,
        %scan3A_4105 = arith.constant 62 : i32
        %mul3A_4106 = arith.constant 2 : i32
        %mul3A_4107 = arith.muli %mul3A_4106, %scan3A_4105 : i32
        %add3A_4108 = vector.broadcast %mul3A_4107 : i32 to vector<16xi32>
        %add3A_4109 = arith.addi %add3A_4108, %shift_right_arithmetic3A_4 : vector<16xi32>
        %gather3A_4110 = arith.constant 0 : i32
        %gather3A_4111 = tpu.memref_slice %arg6[%sub3A_2551, %gather3A_4110] : memref<2x128xi32, #tpu.memory_space<vmem>> -> memref<1x128xi32, #tpu.memory_space<vmem>>
        %gather3A_4112 = tpu.memref_squeeze %gather3A_4111 : memref<1x128xi32, #tpu.memory_space<vmem>> -> memref<128xi32, #tpu.memory_space<vmem>>
        %gather3A_4113 = tpu.vector_load_idx %gather3A_4112[%add3A_4109] : memref<128xi32, #tpu.memory_space<vmem>>[vector<16xi32>], vector<16xi32>,
        %shift_right_arithmetic3A_4114 = arith.constant 7 : i32
        %shift_right_arithmetic3A_4115 = vector.broadcast %shift_right_arithmetic3A_4114 : i32 to vector<16xi32>
        %shift_right_arithmetic3A_4116 = arith.shrsi %gather3A_4113, %shift_right_arithmetic3A_4115 : vector<16xi32>
        %shift_left3A_4117 = arith.constant 10 : i32
        %shift_left3A_4118 = vector.broadcast %shift_left3A_4117 : i32 to vector<16xi32>
        %shift_left3A_4119 = arith.shli %shift_right_arithmetic3A_4116, %shift_left3A_4118 : vector<16xi32>
        %or3A_4120 = arith.ori %shift_left3A_4119, %shift_left3A_14 : vector<16xi32>
        %and3A_4121 = arith.constant 127 : i32
        %and3A_4122 = vector.broadcast %and3A_4121 : i32 to vector<16xi32>
        %and3A_4123 = arith.andi %gather3A_4113, %and3A_4122 : vector<16xi32>
        %or3A_4124 = arith.ori %or3A_4120, %and3A_4123 : vector<16xi32>
        %mul3A_4125 = arith.constant 16 : i32
        %mul3A_4126 = arith.muli %scan3A_4105, %mul3A_4125 : i32
        %swap3A_4127 = arith.index_cast %sub3A_2551 : i32 to index
        %swap3A_4128 = arith.index_cast %mul3A_4126 : i32 to index
        %swap3A_4129 = tpu.vector_load %arg7[%swap3A_4127, %swap3A_4128] {strides = array<i32>} : memref<2x1024xi32, #tpu.memory_space<vmem>>, vector<16xi32>,
        tpu.vector_store %arg7[%swap3A_4127, %swap3A_4128], %or3A_4124 {strides = array<i32>} : memref<2x1024xi32, #tpu.memory_space<vmem>>, vector<16xi32>,
        %scan3A_4130 = arith.constant 63 : i32
        %mul3A_4131 = arith.constant 2 : i32
        %mul3A_4132 = arith.muli %mul3A_4131, %scan3A_4130 : i32
        %add3A_4133 = vector.broadcast %mul3A_4132 : i32 to vector<16xi32>
        %add3A_4134 = arith.addi %add3A_4133, %shift_right_arithmetic3A_4 : vector<16xi32>
        %gather3A_4135 = arith.constant 0 : i32
        %gather3A_4136 = tpu.memref_slice %arg6[%sub3A_2551, %gather3A_4135] : memref<2x128xi32, #tpu.memory_space<vmem>> -> memref<1x128xi32, #tpu.memory_space<vmem>>
        %gather3A_4137 = tpu.memref_squeeze %gather3A_4136 : memref<1x128xi32, #tpu.memory_space<vmem>> -> memref<128xi32, #tpu.memory_space<vmem>>
        %gather3A_4138 = tpu.vector_load_idx %gather3A_4137[%add3A_4134] : memref<128xi32, #tpu.memory_space<vmem>>[vector<16xi32>], vector<16xi32>,
        %shift_right_arithmetic3A_4139 = arith.constant 7 : i32
        %shift_right_arithmetic3A_4140 = vector.broadcast %shift_right_arithmetic3A_4139 : i32 to vector<16xi32>
        %shift_right_arithmetic3A_4141 = arith.shrsi %gather3A_4138, %shift_right_arithmetic3A_4140 : vector<16xi32>
        %shift_left3A_4142 = arith.constant 10 : i32
        %shift_left3A_4143 = vector.broadcast %shift_left3A_4142 : i32 to vector<16xi32>
        %shift_left3A_4144 = arith.shli %shift_right_arithmetic3A_4141, %shift_left3A_4143 : vector<16xi32>
        %or3A_4145 = arith.ori %shift_left3A_4144, %shift_left3A_14 : vector<16xi32>
        %and3A_4146 = arith.constant 127 : i32
        %and3A_4147 = vector.broadcast %and3A_4146 : i32 to vector<16xi32>
        %and3A_4148 = arith.andi %gather3A_4138, %and3A_4147 : vector<16xi32>
        %or3A_4149 = arith.ori %or3A_4145, %and3A_4148 : vector<16xi32>
        %mul3A_4150 = arith.constant 16 : i32
        %mul3A_4151 = arith.muli %scan3A_4130, %mul3A_4150 : i32
        %swap3A_4152 = arith.index_cast %sub3A_2551 : i32 to index
        %swap3A_4153 = arith.index_cast %mul3A_4151 : i32 to index
        %swap3A_4154 = tpu.vector_load %arg7[%swap3A_4152, %swap3A_4153] {strides = array<i32>} : memref<2x1024xi32, #tpu.memory_space<vmem>>, vector<16xi32>,
        tpu.vector_store %arg7[%swap3A_4152, %swap3A_4153], %or3A_4149 {strides = array<i32>} : memref<2x1024xi32, #tpu.memory_space<vmem>>, vector<16xi32>,
        %scan3A_4155 = arith.constant 64 : i32
        %dma_start3A_4156 = arith.constant 0 : i32
        %dma_start3A_4157 = tpu.memref_slice %arg8[%sub3A_2551, %dma_start3A_4156] : memref<2x1024xi32, #tpu.memory_space<vmem>> -> memref<1x1024xi32, #tpu.memory_space<vmem>>
        %dma_start3A_4158 = tpu.memref_squeeze %dma_start3A_4157 : memref<1x1024xi32, #tpu.memory_space<vmem>> -> memref<1024xi32, #tpu.memory_space<vmem>>
        %dma_start3A_4159 = arith.constant 0 : i32
        %dma_start3A_4160 = tpu.memref_slice %arg7[%sub3A_2551, %dma_start3A_4159] : memref<2x1024xi32, #tpu.memory_space<vmem>> -> memref<1x1024xi32, #tpu.memory_space<vmem>>
        %dma_start3A_4161 = tpu.memref_squeeze %dma_start3A_4160 : memref<1x1024xi32, #tpu.memory_space<vmem>> -> memref<1024xi32, #tpu.memory_space<vmem>>
        %dma_start3A_4162 = arith.constant 0 : i32
        %dma_start3A_4163 = tpu.memref_slice %arg3[%dma_start3A_4162] : memref<8000512xi32, #tpu.memory_space<hbm>> -> memref<8000512xi32, #tpu.memory_space<hbm>>
        tpu.enqueue_indirect_dma source(%dma_start3A_4163 : memref<8000512xi32, #tpu.memory_space<hbm>>) target(%dma_start3A_4158 : memref<1024xi32, #tpu.memory_space<vmem>>) offsets(%dma_start3A_4161 : memref<1024xi32, #tpu.memory_space<vmem>>) semaphore(%arg11 : memref<!tpu.dma_semaphore, #tpu.memory_space<semaphore_mem>>)
      } else {
      }
      %ge3A = arith.constant 2 : i32
      %ge3A_1813 = arith.cmpi sge, %scan3A_1791, %ge3A : i32
      %convert_element_type3A_1814 = arith.extui %ge3A_1813 : i1 to i32
      %cond3A_1815 = arith.constant 0 : i32
      %cond3A_1816 = arith.cmpi ne, %convert_element_type3A_1814, %cond3A_1815 : i32
      scf.if %cond3A_1816 {
        %dma_wait3A_2549 = arith.constant 0 : i32
        %dma_wait3A_2550 = arith.constant 0 : i32
        %dma_wait3A_2551 = tpu.memref_slice %arg10[%and3A_1793, %dma_wait3A_2549, %dma_wait3A_2550] : memref<2x1024x16xf32, #tpu.memory_space<vmem>> -> memref<1x1024x16xf32, #tpu.memory_space<vmem>>
        %dma_wait3A_2552 = tpu.memref_squeeze %dma_wait3A_2551 : memref<1x1024x16xf32, #tpu.memory_space<vmem>> -> memref<1024x16xf32, #tpu.memory_space<vmem>>
        %dma_wait3A_2553 = arith.constant 0 : i32
        %dma_wait3A_2554 = arith.constant 0 : i32
        %dma_wait3A_2555 = tpu.memref_slice %arg5[%dma_wait3A_2553, %dma_wait3A_2554] : memref<1638400x16xf32, #tpu.memory_space<hbm>> -> memref<1024x16xf32, #tpu.memory_space<hbm>>
        %dma_wait3A_2556 = tpu.memref_slice %arg13[%and3A_1793] : memref<2x!tpu.dma_semaphore, #tpu.memory_space<semaphore_mem>> -> memref<1x!tpu.dma_semaphore, #tpu.memory_space<semaphore_mem>>
        %dma_wait3A_2557 = tpu.memref_squeeze %dma_wait3A_2556 : memref<1x!tpu.dma_semaphore, #tpu.memory_space<semaphore_mem>> -> memref<!tpu.dma_semaphore, #tpu.memory_space<semaphore_mem>>
        %dma_wait3A_2558 = arith.constant 0 : i32
        %dma_wait3A_2559 = arith.constant 0 : i32
        %dma_wait3A_2560 = tpu.memref_slice %arg5[%dma_wait3A_2558, %dma_wait3A_2559] : memref<1638400x16xf32, #tpu.memory_space<hbm>> -> memref<1024x16xf32, #tpu.memory_space<hbm>>
        %dma_wait3A_2561 = arith.constant 0 : i32
        %dma_wait3A_2562 = arith.constant 0 : i32
        %dma_wait3A_2563 = tpu.memref_slice %arg10[%and3A_1793, %dma_wait3A_2561, %dma_wait3A_2562] : memref<2x1024x16xf32, #tpu.memory_space<vmem>> -> memref<1x1024x16xf32, #tpu.memory_space<vmem>>
        %dma_wait3A_2564 = tpu.memref_squeeze %dma_wait3A_2563 : memref<1x1024x16xf32, #tpu.memory_space<vmem>> -> memref<1024x16xf32, #tpu.memory_space<vmem>>
        tpu.wait_dma2 semaphore(%dma_wait3A_2557 : memref<!tpu.dma_semaphore, #tpu.memory_space<semaphore_mem>>) src(%dma_wait3A_2564 : memref<1024x16xf32, #tpu.memory_space<vmem>>) dst(%dma_wait3A_2560 : memref<1024x16xf32, #tpu.memory_space<hbm>>)
      } else {
      }
      %scan3A_1817 = arith.constant 0 : i32
      %mul3A_1818 = arith.constant 16 : i32
      %mul3A_1819 = arith.muli %scan3A_1817, %mul3A_1818 : i32
      %get3A = arith.index_cast %and3A_1793 : i32 to index
      %get3A_1820 = arith.index_cast %mul3A_1819 : i32 to index
      %get3A_1821 = tpu.vector_load %arg8[%get3A, %get3A_1820] {strides = array<i32>} : memref<2x1024xi32, #tpu.memory_space<vmem>>, vector<16xi32>,
      %add3A_1822 = arith.addi %get3A_1821, %shift_left3A_8 : vector<16xi32>
      %mul3A_1823 = arith.constant 16 : i32
      %mul3A_1824 = arith.muli %scan3A_1817, %mul3A_1823 : i32
      %swap3A_1825 = arith.index_cast %mul3A_1824 : i32 to index
      %swap3A_1826 = tpu.vector_load %arg9[%swap3A_1825] {strides = array<i32>} : memref<1024xi32, #tpu.memory_space<vmem>>, vector<16xi32>,
      tpu.vector_store %arg9[%swap3A_1825], %add3A_1822 {strides = array<i32>} : memref<1024xi32, #tpu.memory_space<vmem>>, vector<16xi32>,
      %scan3A_1827 = arith.constant 1 : i32
      %mul3A_1828 = arith.constant 16 : i32
      %mul3A_1829 = arith.muli %scan3A_1827, %mul3A_1828 : i32
      %get3A_1830 = arith.index_cast %and3A_1793 : i32 to index
      %get3A_1831 = arith.index_cast %mul3A_1829 : i32 to index
      %get3A_1832 = tpu.vector_load %arg8[%get3A_1830, %get3A_1831] {strides = array<i32>} : memref<2x1024xi32, #tpu.memory_space<vmem>>, vector<16xi32>,
      %add3A_1833 = arith.addi %get3A_1832, %shift_left3A_8 : vector<16xi32>
      %mul3A_1834 = arith.constant 16 : i32
      %mul3A_1835 = arith.muli %scan3A_1827, %mul3A_1834 : i32
      %swap3A_1836 = arith.index_cast %mul3A_1835 : i32 to index
      %swap3A_1837 = tpu.vector_load %arg9[%swap3A_1836] {strides = array<i32>} : memref<1024xi32, #tpu.memory_space<vmem>>, vector<16xi32>,
      tpu.vector_store %arg9[%swap3A_1836], %add3A_1833 {strides = array<i32>} : memref<1024xi32, #tpu.memory_space<vmem>>, vector<16xi32>,
      %scan3A_1838 = arith.constant 2 : i32
      %mul3A_1839 = arith.constant 16 : i32
      %mul3A_1840 = arith.muli %scan3A_1838, %mul3A_1839 : i32
      %get3A_1841 = arith.index_cast %and3A_1793 : i32 to index
      %get3A_1842 = arith.index_cast %mul3A_1840 : i32 to index
      %get3A_1843 = tpu.vector_load %arg8[%get3A_1841, %get3A_1842] {strides = array<i32>} : memref<2x1024xi32, #tpu.memory_space<vmem>>, vector<16xi32>,
      %add3A_1844 = arith.addi %get3A_1843, %shift_left3A_8 : vector<16xi32>
      %mul3A_1845 = arith.constant 16 : i32
      %mul3A_1846 = arith.muli %scan3A_1838, %mul3A_1845 : i32
      %swap3A_1847 = arith.index_cast %mul3A_1846 : i32 to index
      %swap3A_1848 = tpu.vector_load %arg9[%swap3A_1847] {strides = array<i32>} : memref<1024xi32, #tpu.memory_space<vmem>>, vector<16xi32>,
      tpu.vector_store %arg9[%swap3A_1847], %add3A_1844 {strides = array<i32>} : memref<1024xi32, #tpu.memory_space<vmem>>, vector<16xi32>,
      %scan3A_1849 = arith.constant 3 : i32
      %mul3A_1850 = arith.constant 16 : i32
      %mul3A_1851 = arith.muli %scan3A_1849, %mul3A_1850 : i32
      %get3A_1852 = arith.index_cast %and3A_1793 : i32 to index
      %get3A_1853 = arith.index_cast %mul3A_1851 : i32 to index
      %get3A_1854 = tpu.vector_load %arg8[%get3A_1852, %get3A_1853] {strides = array<i32>} : memref<2x1024xi32, #tpu.memory_space<vmem>>, vector<16xi32>,
      %add3A_1855 = arith.addi %get3A_1854, %shift_left3A_8 : vector<16xi32>
      %mul3A_1856 = arith.constant 16 : i32
      %mul3A_1857 = arith.muli %scan3A_1849, %mul3A_1856 : i32
      %swap3A_1858 = arith.index_cast %mul3A_1857 : i32 to index
      %swap3A_1859 = tpu.vector_load %arg9[%swap3A_1858] {strides = array<i32>} : memref<1024xi32, #tpu.memory_space<vmem>>, vector<16xi32>,
      tpu.vector_store %arg9[%swap3A_1858], %add3A_1855 {strides = array<i32>} : memref<1024xi32, #tpu.memory_space<vmem>>, vector<16xi32>,
      %scan3A_1860 = arith.constant 4 : i32
      %mul3A_1861 = arith.constant 16 : i32
      %mul3A_1862 = arith.muli %scan3A_1860, %mul3A_1861 : i32
      %get3A_1863 = arith.index_cast %and3A_1793 : i32 to index
      %get3A_1864 = arith.index_cast %mul3A_1862 : i32 to index
      %get3A_1865 = tpu.vector_load %arg8[%get3A_1863, %get3A_1864] {strides = array<i32>} : memref<2x1024xi32, #tpu.memory_space<vmem>>, vector<16xi32>,
      %add3A_1866 = arith.addi %get3A_1865, %shift_left3A_8 : vector<16xi32>
      %mul3A_1867 = arith.constant 16 : i32
      %mul3A_1868 = arith.muli %scan3A_1860, %mul3A_1867 : i32
      %swap3A_1869 = arith.index_cast %mul3A_1868 : i32 to index
      %swap3A_1870 = tpu.vector_load %arg9[%swap3A_1869] {strides = array<i32>} : memref<1024xi32, #tpu.memory_space<vmem>>, vector<16xi32>,
      tpu.vector_store %arg9[%swap3A_1869], %add3A_1866 {strides = array<i32>} : memref<1024xi32, #tpu.memory_space<vmem>>, vector<16xi32>,
      %scan3A_1871 = arith.constant 5 : i32
      %mul3A_1872 = arith.constant 16 : i32
      %mul3A_1873 = arith.muli %scan3A_1871, %mul3A_1872 : i32
      %get3A_1874 = arith.index_cast %and3A_1793 : i32 to index
      %get3A_1875 = arith.index_cast %mul3A_1873 : i32 to index
      %get3A_1876 = tpu.vector_load %arg8[%get3A_1874, %get3A_1875] {strides = array<i32>} : memref<2x1024xi32, #tpu.memory_space<vmem>>, vector<16xi32>,
      %add3A_1877 = arith.addi %get3A_1876, %shift_left3A_8 : vector<16xi32>
      %mul3A_1878 = arith.constant 16 : i32
      %mul3A_1879 = arith.muli %scan3A_1871, %mul3A_1878 : i32
      %swap3A_1880 = arith.index_cast %mul3A_1879 : i32 to index
      %swap3A_1881 = tpu.vector_load %arg9[%swap3A_1880] {strides = array<i32>} : memref<1024xi32, #tpu.memory_space<vmem>>, vector<16xi32>,
      tpu.vector_store %arg9[%swap3A_1880], %add3A_1877 {strides = array<i32>} : memref<1024xi32, #tpu.memory_space<vmem>>, vector<16xi32>,
      %scan3A_1882 = arith.constant 6 : i32
      %mul3A_1883 = arith.constant 16 : i32
      %mul3A_1884 = arith.muli %scan3A_1882, %mul3A_1883 : i32
      %get3A_1885 = arith.index_cast %and3A_1793 : i32 to index
      %get3A_1886 = arith.index_cast %mul3A_1884 : i32 to index
      %get3A_1887 = tpu.vector_load %arg8[%get3A_1885, %get3A_1886] {strides = array<i32>} : memref<2x1024xi32, #tpu.memory_space<vmem>>, vector<16xi32>,
      %add3A_1888 = arith.addi %get3A_1887, %shift_left3A_8 : vector<16xi32>
      %mul3A_1889 = arith.constant 16 : i32
      %mul3A_1890 = arith.muli %scan3A_1882, %mul3A_1889 : i32
      %swap3A_1891 = arith.index_cast %mul3A_1890 : i32 to index
      %swap3A_1892 = tpu.vector_load %arg9[%swap3A_1891] {strides = array<i32>} : memref<1024xi32, #tpu.memory_space<vmem>>, vector<16xi32>,
      tpu.vector_store %arg9[%swap3A_1891], %add3A_1888 {strides = array<i32>} : memref<1024xi32, #tpu.memory_space<vmem>>, vector<16xi32>,
      %scan3A_1893 = arith.constant 7 : i32
      %mul3A_1894 = arith.constant 16 : i32
      %mul3A_1895 = arith.muli %scan3A_1893, %mul3A_1894 : i32
      %get3A_1896 = arith.index_cast %and3A_1793 : i32 to index
      %get3A_1897 = arith.index_cast %mul3A_1895 : i32 to index
      %get3A_1898 = tpu.vector_load %arg8[%get3A_1896, %get3A_1897] {strides = array<i32>} : memref<2x1024xi32, #tpu.memory_space<vmem>>, vector<16xi32>,
      %add3A_1899 = arith.addi %get3A_1898, %shift_left3A_8 : vector<16xi32>
      %mul3A_1900 = arith.constant 16 : i32
      %mul3A_1901 = arith.muli %scan3A_1893, %mul3A_1900 : i32
      %swap3A_1902 = arith.index_cast %mul3A_1901 : i32 to index
      %swap3A_1903 = tpu.vector_load %arg9[%swap3A_1902] {strides = array<i32>} : memref<1024xi32, #tpu.memory_space<vmem>>, vector<16xi32>,
      tpu.vector_store %arg9[%swap3A_1902], %add3A_1899 {strides = array<i32>} : memref<1024xi32, #tpu.memory_space<vmem>>, vector<16xi32>,
      %scan3A_1904 = arith.constant 8 : i32
      %mul3A_1905 = arith.constant 16 : i32
      %mul3A_1906 = arith.muli %scan3A_1904, %mul3A_1905 : i32
      %get3A_1907 = arith.index_cast %and3A_1793 : i32 to index
      %get3A_1908 = arith.index_cast %mul3A_1906 : i32 to index
      %get3A_1909 = tpu.vector_load %arg8[%get3A_1907, %get3A_1908] {strides = array<i32>} : memref<2x1024xi32, #tpu.memory_space<vmem>>, vector<16xi32>,
      %add3A_1910 = arith.addi %get3A_1909, %shift_left3A_8 : vector<16xi32>
      %mul3A_1911 = arith.constant 16 : i32
      %mul3A_1912 = arith.muli %scan3A_1904, %mul3A_1911 : i32
      %swap3A_1913 = arith.index_cast %mul3A_1912 : i32 to index
      %swap3A_1914 = tpu.vector_load %arg9[%swap3A_1913] {strides = array<i32>} : memref<1024xi32, #tpu.memory_space<vmem>>, vector<16xi32>,
      tpu.vector_store %arg9[%swap3A_1913], %add3A_1910 {strides = array<i32>} : memref<1024xi32, #tpu.memory_space<vmem>>, vector<16xi32>,
      %scan3A_1915 = arith.constant 9 : i32
      %mul3A_1916 = arith.constant 16 : i32
      %mul3A_1917 = arith.muli %scan3A_1915, %mul3A_1916 : i32
      %get3A_1918 = arith.index_cast %and3A_1793 : i32 to index
      %get3A_1919 = arith.index_cast %mul3A_1917 : i32 to index
      %get3A_1920 = tpu.vector_load %arg8[%get3A_1918, %get3A_1919] {strides = array<i32>} : memref<2x1024xi32, #tpu.memory_space<vmem>>, vector<16xi32>,
      %add3A_1921 = arith.addi %get3A_1920, %shift_left3A_8 : vector<16xi32>
      %mul3A_1922 = arith.constant 16 : i32
      %mul3A_1923 = arith.muli %scan3A_1915, %mul3A_1922 : i32
      %swap3A_1924 = arith.index_cast %mul3A_1923 : i32 to index
      %swap3A_1925 = tpu.vector_load %arg9[%swap3A_1924] {strides = array<i32>} : memref<1024xi32, #tpu.memory_space<vmem>>, vector<16xi32>,
      tpu.vector_store %arg9[%swap3A_1924], %add3A_1921 {strides = array<i32>} : memref<1024xi32, #tpu.memory_space<vmem>>, vector<16xi32>,
      %scan3A_1926 = arith.constant 10 : i32
      %mul3A_1927 = arith.constant 16 : i32
      %mul3A_1928 = arith.muli %scan3A_1926, %mul3A_1927 : i32
      %get3A_1929 = arith.index_cast %and3A_1793 : i32 to index
      %get3A_1930 = arith.index_cast %mul3A_1928 : i32 to index
      %get3A_1931 = tpu.vector_load %arg8[%get3A_1929, %get3A_1930] {strides = array<i32>} : memref<2x1024xi32, #tpu.memory_space<vmem>>, vector<16xi32>,
      %add3A_1932 = arith.addi %get3A_1931, %shift_left3A_8 : vector<16xi32>
      %mul3A_1933 = arith.constant 16 : i32
      %mul3A_1934 = arith.muli %scan3A_1926, %mul3A_1933 : i32
      %swap3A_1935 = arith.index_cast %mul3A_1934 : i32 to index
      %swap3A_1936 = tpu.vector_load %arg9[%swap3A_1935] {strides = array<i32>} : memref<1024xi32, #tpu.memory_space<vmem>>, vector<16xi32>,
      tpu.vector_store %arg9[%swap3A_1935], %add3A_1932 {strides = array<i32>} : memref<1024xi32, #tpu.memory_space<vmem>>, vector<16xi32>,
      %scan3A_1937 = arith.constant 11 : i32
      %mul3A_1938 = arith.constant 16 : i32
      %mul3A_1939 = arith.muli %scan3A_1937, %mul3A_1938 : i32
      %get3A_1940 = arith.index_cast %and3A_1793 : i32 to index
      %get3A_1941 = arith.index_cast %mul3A_1939 : i32 to index
      %get3A_1942 = tpu.vector_load %arg8[%get3A_1940, %get3A_1941] {strides = array<i32>} : memref<2x1024xi32, #tpu.memory_space<vmem>>, vector<16xi32>,
      %add3A_1943 = arith.addi %get3A_1942, %shift_left3A_8 : vector<16xi32>
      %mul3A_1944 = arith.constant 16 : i32
      %mul3A_1945 = arith.muli %scan3A_1937, %mul3A_1944 : i32
      %swap3A_1946 = arith.index_cast %mul3A_1945 : i32 to index
      %swap3A_1947 = tpu.vector_load %arg9[%swap3A_1946] {strides = array<i32>} : memref<1024xi32, #tpu.memory_space<vmem>>, vector<16xi32>,
      tpu.vector_store %arg9[%swap3A_1946], %add3A_1943 {strides = array<i32>} : memref<1024xi32, #tpu.memory_space<vmem>>, vector<16xi32>,
      %scan3A_1948 = arith.constant 12 : i32
      %mul3A_1949 = arith.constant 16 : i32
      %mul3A_1950 = arith.muli %scan3A_1948, %mul3A_1949 : i32
      %get3A_1951 = arith.index_cast %and3A_1793 : i32 to index
      %get3A_1952 = arith.index_cast %mul3A_1950 : i32 to index
      %get3A_1953 = tpu.vector_load %arg8[%get3A_1951, %get3A_1952] {strides = array<i32>} : memref<2x1024xi32, #tpu.memory_space<vmem>>, vector<16xi32>,
      %add3A_1954 = arith.addi %get3A_1953, %shift_left3A_8 : vector<16xi32>
      %mul3A_1955 = arith.constant 16 : i32
      %mul3A_1956 = arith.muli %scan3A_1948, %mul3A_1955 : i32
      %swap3A_1957 = arith.index_cast %mul3A_1956 : i32 to index
      %swap3A_1958 = tpu.vector_load %arg9[%swap3A_1957] {strides = array<i32>} : memref<1024xi32, #tpu.memory_space<vmem>>, vector<16xi32>,
      tpu.vector_store %arg9[%swap3A_1957], %add3A_1954 {strides = array<i32>} : memref<1024xi32, #tpu.memory_space<vmem>>, vector<16xi32>,
      %scan3A_1959 = arith.constant 13 : i32
      %mul3A_1960 = arith.constant 16 : i32
      %mul3A_1961 = arith.muli %scan3A_1959, %mul3A_1960 : i32
      %get3A_1962 = arith.index_cast %and3A_1793 : i32 to index
      %get3A_1963 = arith.index_cast %mul3A_1961 : i32 to index
      %get3A_1964 = tpu.vector_load %arg8[%get3A_1962, %get3A_1963] {strides = array<i32>} : memref<2x1024xi32, #tpu.memory_space<vmem>>, vector<16xi32>,
      %add3A_1965 = arith.addi %get3A_1964, %shift_left3A_8 : vector<16xi32>
      %mul3A_1966 = arith.constant 16 : i32
      %mul3A_1967 = arith.muli %scan3A_1959, %mul3A_1966 : i32
      %swap3A_1968 = arith.index_cast %mul3A_1967 : i32 to index
      %swap3A_1969 = tpu.vector_load %arg9[%swap3A_1968] {strides = array<i32>} : memref<1024xi32, #tpu.memory_space<vmem>>, vector<16xi32>,
      tpu.vector_store %arg9[%swap3A_1968], %add3A_1965 {strides = array<i32>} : memref<1024xi32, #tpu.memory_space<vmem>>, vector<16xi32>,
      %scan3A_1970 = arith.constant 14 : i32
      %mul3A_1971 = arith.constant 16 : i32
      %mul3A_1972 = arith.muli %scan3A_1970, %mul3A_1971 : i32
      %get3A_1973 = arith.index_cast %and3A_1793 : i32 to index
      %get3A_1974 = arith.index_cast %mul3A_1972 : i32 to index
      %get3A_1975 = tpu.vector_load %arg8[%get3A_1973, %get3A_1974] {strides = array<i32>} : memref<2x1024xi32, #tpu.memory_space<vmem>>, vector<16xi32>,
      %add3A_1976 = arith.addi %get3A_1975, %shift_left3A_8 : vector<16xi32>
      %mul3A_1977 = arith.constant 16 : i32
      %mul3A_1978 = arith.muli %scan3A_1970, %mul3A_1977 : i32
      %swap3A_1979 = arith.index_cast %mul3A_1978 : i32 to index
      %swap3A_1980 = tpu.vector_load %arg9[%swap3A_1979] {strides = array<i32>} : memref<1024xi32, #tpu.memory_space<vmem>>, vector<16xi32>,
      tpu.vector_store %arg9[%swap3A_1979], %add3A_1976 {strides = array<i32>} : memref<1024xi32, #tpu.memory_space<vmem>>, vector<16xi32>,
      %scan3A_1981 = arith.constant 15 : i32
      %mul3A_1982 = arith.constant 16 : i32
      %mul3A_1983 = arith.muli %scan3A_1981, %mul3A_1982 : i32
      %get3A_1984 = arith.index_cast %and3A_1793 : i32 to index
      %get3A_1985 = arith.index_cast %mul3A_1983 : i32 to index
      %get3A_1986 = tpu.vector_load %arg8[%get3A_1984, %get3A_1985] {strides = array<i32>} : memref<2x1024xi32, #tpu.memory_space<vmem>>, vector<16xi32>,
      %add3A_1987 = arith.addi %get3A_1986, %shift_left3A_8 : vector<16xi32>
      %mul3A_1988 = arith.constant 16 : i32
      %mul3A_1989 = arith.muli %scan3A_1981, %mul3A_1988 : i32
      %swap3A_1990 = arith.index_cast %mul3A_1989 : i32 to index
      %swap3A_1991 = tpu.vector_load %arg9[%swap3A_1990] {strides = array<i32>} : memref<1024xi32, #tpu.memory_space<vmem>>, vector<16xi32>,
      tpu.vector_store %arg9[%swap3A_1990], %add3A_1987 {strides = array<i32>} : memref<1024xi32, #tpu.memory_space<vmem>>, vector<16xi32>,
      %scan3A_1992 = arith.constant 16 : i32
      %mul3A_1993 = arith.constant 16 : i32
      %mul3A_1994 = arith.muli %scan3A_1992, %mul3A_1993 : i32
      %get3A_1995 = arith.index_cast %and3A_1793 : i32 to index
      %get3A_1996 = arith.index_cast %mul3A_1994 : i32 to index
      %get3A_1997 = tpu.vector_load %arg8[%get3A_1995, %get3A_1996] {strides = array<i32>} : memref<2x1024xi32, #tpu.memory_space<vmem>>, vector<16xi32>,
      %add3A_1998 = arith.addi %get3A_1997, %shift_left3A_8 : vector<16xi32>
      %mul3A_1999 = arith.constant 16 : i32
      %mul3A_2000 = arith.muli %scan3A_1992, %mul3A_1999 : i32
      %swap3A_2001 = arith.index_cast %mul3A_2000 : i32 to index
      %swap3A_2002 = tpu.vector_load %arg9[%swap3A_2001] {strides = array<i32>} : memref<1024xi32, #tpu.memory_space<vmem>>, vector<16xi32>,
      tpu.vector_store %arg9[%swap3A_2001], %add3A_1998 {strides = array<i32>} : memref<1024xi32, #tpu.memory_space<vmem>>, vector<16xi32>,
      %scan3A_2003 = arith.constant 17 : i32
      %mul3A_2004 = arith.constant 16 : i32
      %mul3A_2005 = arith.muli %scan3A_2003, %mul3A_2004 : i32
      %get3A_2006 = arith.index_cast %and3A_1793 : i32 to index
      %get3A_2007 = arith.index_cast %mul3A_2005 : i32 to index
      %get3A_2008 = tpu.vector_load %arg8[%get3A_2006, %get3A_2007] {strides = array<i32>} : memref<2x1024xi32, #tpu.memory_space<vmem>>, vector<16xi32>,
      %add3A_2009 = arith.addi %get3A_2008, %shift_left3A_8 : vector<16xi32>
      %mul3A_2010 = arith.constant 16 : i32
      %mul3A_2011 = arith.muli %scan3A_2003, %mul3A_2010 : i32
      %swap3A_2012 = arith.index_cast %mul3A_2011 : i32 to index
      %swap3A_2013 = tpu.vector_load %arg9[%swap3A_2012] {strides = array<i32>} : memref<1024xi32, #tpu.memory_space<vmem>>, vector<16xi32>,
      tpu.vector_store %arg9[%swap3A_2012], %add3A_2009 {strides = array<i32>} : memref<1024xi32, #tpu.memory_space<vmem>>, vector<16xi32>,
      %scan3A_2014 = arith.constant 18 : i32
      %mul3A_2015 = arith.constant 16 : i32
      %mul3A_2016 = arith.muli %scan3A_2014, %mul3A_2015 : i32
      %get3A_2017 = arith.index_cast %and3A_1793 : i32 to index
      %get3A_2018 = arith.index_cast %mul3A_2016 : i32 to index
      %get3A_2019 = tpu.vector_load %arg8[%get3A_2017, %get3A_2018] {strides = array<i32>} : memref<2x1024xi32, #tpu.memory_space<vmem>>, vector<16xi32>,
      %add3A_2020 = arith.addi %get3A_2019, %shift_left3A_8 : vector<16xi32>
      %mul3A_2021 = arith.constant 16 : i32
      %mul3A_2022 = arith.muli %scan3A_2014, %mul3A_2021 : i32
      %swap3A_2023 = arith.index_cast %mul3A_2022 : i32 to index
      %swap3A_2024 = tpu.vector_load %arg9[%swap3A_2023] {strides = array<i32>} : memref<1024xi32, #tpu.memory_space<vmem>>, vector<16xi32>,
      tpu.vector_store %arg9[%swap3A_2023], %add3A_2020 {strides = array<i32>} : memref<1024xi32, #tpu.memory_space<vmem>>, vector<16xi32>,
      %scan3A_2025 = arith.constant 19 : i32
      %mul3A_2026 = arith.constant 16 : i32
      %mul3A_2027 = arith.muli %scan3A_2025, %mul3A_2026 : i32
      %get3A_2028 = arith.index_cast %and3A_1793 : i32 to index
      %get3A_2029 = arith.index_cast %mul3A_2027 : i32 to index
      %get3A_2030 = tpu.vector_load %arg8[%get3A_2028, %get3A_2029] {strides = array<i32>} : memref<2x1024xi32, #tpu.memory_space<vmem>>, vector<16xi32>,
      %add3A_2031 = arith.addi %get3A_2030, %shift_left3A_8 : vector<16xi32>
      %mul3A_2032 = arith.constant 16 : i32
      %mul3A_2033 = arith.muli %scan3A_2025, %mul3A_2032 : i32
      %swap3A_2034 = arith.index_cast %mul3A_2033 : i32 to index
      %swap3A_2035 = tpu.vector_load %arg9[%swap3A_2034] {strides = array<i32>} : memref<1024xi32, #tpu.memory_space<vmem>>, vector<16xi32>,
      tpu.vector_store %arg9[%swap3A_2034], %add3A_2031 {strides = array<i32>} : memref<1024xi32, #tpu.memory_space<vmem>>, vector<16xi32>,
      %scan3A_2036 = arith.constant 20 : i32
      %mul3A_2037 = arith.constant 16 : i32
      %mul3A_2038 = arith.muli %scan3A_2036, %mul3A_2037 : i32
      %get3A_2039 = arith.index_cast %and3A_1793 : i32 to index
      %get3A_2040 = arith.index_cast %mul3A_2038 : i32 to index
      %get3A_2041 = tpu.vector_load %arg8[%get3A_2039, %get3A_2040] {strides = array<i32>} : memref<2x1024xi32, #tpu.memory_space<vmem>>, vector<16xi32>,
      %add3A_2042 = arith.addi %get3A_2041, %shift_left3A_8 : vector<16xi32>
      %mul3A_2043 = arith.constant 16 : i32
      %mul3A_2044 = arith.muli %scan3A_2036, %mul3A_2043 : i32
      %swap3A_2045 = arith.index_cast %mul3A_2044 : i32 to index
      %swap3A_2046 = tpu.vector_load %arg9[%swap3A_2045] {strides = array<i32>} : memref<1024xi32, #tpu.memory_space<vmem>>, vector<16xi32>,
      tpu.vector_store %arg9[%swap3A_2045], %add3A_2042 {strides = array<i32>} : memref<1024xi32, #tpu.memory_space<vmem>>, vector<16xi32>,
      %scan3A_2047 = arith.constant 21 : i32
      %mul3A_2048 = arith.constant 16 : i32
      %mul3A_2049 = arith.muli %scan3A_2047, %mul3A_2048 : i32
      %get3A_2050 = arith.index_cast %and3A_1793 : i32 to index
      %get3A_2051 = arith.index_cast %mul3A_2049 : i32 to index
      %get3A_2052 = tpu.vector_load %arg8[%get3A_2050, %get3A_2051] {strides = array<i32>} : memref<2x1024xi32, #tpu.memory_space<vmem>>, vector<16xi32>,
      %add3A_2053 = arith.addi %get3A_2052, %shift_left3A_8 : vector<16xi32>
      %mul3A_2054 = arith.constant 16 : i32
      %mul3A_2055 = arith.muli %scan3A_2047, %mul3A_2054 : i32
      %swap3A_2056 = arith.index_cast %mul3A_2055 : i32 to index
      %swap3A_2057 = tpu.vector_load %arg9[%swap3A_2056] {strides = array<i32>} : memref<1024xi32, #tpu.memory_space<vmem>>, vector<16xi32>,
      tpu.vector_store %arg9[%swap3A_2056], %add3A_2053 {strides = array<i32>} : memref<1024xi32, #tpu.memory_space<vmem>>, vector<16xi32>,
      %scan3A_2058 = arith.constant 22 : i32
      %mul3A_2059 = arith.constant 16 : i32
      %mul3A_2060 = arith.muli %scan3A_2058, %mul3A_2059 : i32
      %get3A_2061 = arith.index_cast %and3A_1793 : i32 to index
      %get3A_2062 = arith.index_cast %mul3A_2060 : i32 to index
      %get3A_2063 = tpu.vector_load %arg8[%get3A_2061, %get3A_2062] {strides = array<i32>} : memref<2x1024xi32, #tpu.memory_space<vmem>>, vector<16xi32>,
      %add3A_2064 = arith.addi %get3A_2063, %shift_left3A_8 : vector<16xi32>
      %mul3A_2065 = arith.constant 16 : i32
      %mul3A_2066 = arith.muli %scan3A_2058, %mul3A_2065 : i32
      %swap3A_2067 = arith.index_cast %mul3A_2066 : i32 to index
      %swap3A_2068 = tpu.vector_load %arg9[%swap3A_2067] {strides = array<i32>} : memref<1024xi32, #tpu.memory_space<vmem>>, vector<16xi32>,
      tpu.vector_store %arg9[%swap3A_2067], %add3A_2064 {strides = array<i32>} : memref<1024xi32, #tpu.memory_space<vmem>>, vector<16xi32>,
      %scan3A_2069 = arith.constant 23 : i32
      %mul3A_2070 = arith.constant 16 : i32
      %mul3A_2071 = arith.muli %scan3A_2069, %mul3A_2070 : i32
      %get3A_2072 = arith.index_cast %and3A_1793 : i32 to index
      %get3A_2073 = arith.index_cast %mul3A_2071 : i32 to index
      %get3A_2074 = tpu.vector_load %arg8[%get3A_2072, %get3A_2073] {strides = array<i32>} : memref<2x1024xi32, #tpu.memory_space<vmem>>, vector<16xi32>,
      %add3A_2075 = arith.addi %get3A_2074, %shift_left3A_8 : vector<16xi32>
      %mul3A_2076 = arith.constant 16 : i32
      %mul3A_2077 = arith.muli %scan3A_2069, %mul3A_2076 : i32
      %swap3A_2078 = arith.index_cast %mul3A_2077 : i32 to index
      %swap3A_2079 = tpu.vector_load %arg9[%swap3A_2078] {strides = array<i32>} : memref<1024xi32, #tpu.memory_space<vmem>>, vector<16xi32>,
      tpu.vector_store %arg9[%swap3A_2078], %add3A_2075 {strides = array<i32>} : memref<1024xi32, #tpu.memory_space<vmem>>, vector<16xi32>,
      %scan3A_2080 = arith.constant 24 : i32
      %mul3A_2081 = arith.constant 16 : i32
      %mul3A_2082 = arith.muli %scan3A_2080, %mul3A_2081 : i32
      %get3A_2083 = arith.index_cast %and3A_1793 : i32 to index
      %get3A_2084 = arith.index_cast %mul3A_2082 : i32 to index
      %get3A_2085 = tpu.vector_load %arg8[%get3A_2083, %get3A_2084] {strides = array<i32>} : memref<2x1024xi32, #tpu.memory_space<vmem>>, vector<16xi32>,
      %add3A_2086 = arith.addi %get3A_2085, %shift_left3A_8 : vector<16xi32>
      %mul3A_2087 = arith.constant 16 : i32
      %mul3A_2088 = arith.muli %scan3A_2080, %mul3A_2087 : i32
      %swap3A_2089 = arith.index_cast %mul3A_2088 : i32 to index
      %swap3A_2090 = tpu.vector_load %arg9[%swap3A_2089] {strides = array<i32>} : memref<1024xi32, #tpu.memory_space<vmem>>, vector<16xi32>,
      tpu.vector_store %arg9[%swap3A_2089], %add3A_2086 {strides = array<i32>} : memref<1024xi32, #tpu.memory_space<vmem>>, vector<16xi32>,
      %scan3A_2091 = arith.constant 25 : i32
      %mul3A_2092 = arith.constant 16 : i32
      %mul3A_2093 = arith.muli %scan3A_2091, %mul3A_2092 : i32
      %get3A_2094 = arith.index_cast %and3A_1793 : i32 to index
      %get3A_2095 = arith.index_cast %mul3A_2093 : i32 to index
      %get3A_2096 = tpu.vector_load %arg8[%get3A_2094, %get3A_2095] {strides = array<i32>} : memref<2x1024xi32, #tpu.memory_space<vmem>>, vector<16xi32>,
      %add3A_2097 = arith.addi %get3A_2096, %shift_left3A_8 : vector<16xi32>
      %mul3A_2098 = arith.constant 16 : i32
      %mul3A_2099 = arith.muli %scan3A_2091, %mul3A_2098 : i32
      %swap3A_2100 = arith.index_cast %mul3A_2099 : i32 to index
      %swap3A_2101 = tpu.vector_load %arg9[%swap3A_2100] {strides = array<i32>} : memref<1024xi32, #tpu.memory_space<vmem>>, vector<16xi32>,
      tpu.vector_store %arg9[%swap3A_2100], %add3A_2097 {strides = array<i32>} : memref<1024xi32, #tpu.memory_space<vmem>>, vector<16xi32>,
      %scan3A_2102 = arith.constant 26 : i32
      %mul3A_2103 = arith.constant 16 : i32
      %mul3A_2104 = arith.muli %scan3A_2102, %mul3A_2103 : i32
      %get3A_2105 = arith.index_cast %and3A_1793 : i32 to index
      %get3A_2106 = arith.index_cast %mul3A_2104 : i32 to index
      %get3A_2107 = tpu.vector_load %arg8[%get3A_2105, %get3A_2106] {strides = array<i32>} : memref<2x1024xi32, #tpu.memory_space<vmem>>, vector<16xi32>,
      %add3A_2108 = arith.addi %get3A_2107, %shift_left3A_8 : vector<16xi32>
      %mul3A_2109 = arith.constant 16 : i32
      %mul3A_2110 = arith.muli %scan3A_2102, %mul3A_2109 : i32
      %swap3A_2111 = arith.index_cast %mul3A_2110 : i32 to index
      %swap3A_2112 = tpu.vector_load %arg9[%swap3A_2111] {strides = array<i32>} : memref<1024xi32, #tpu.memory_space<vmem>>, vector<16xi32>,
      tpu.vector_store %arg9[%swap3A_2111], %add3A_2108 {strides = array<i32>} : memref<1024xi32, #tpu.memory_space<vmem>>, vector<16xi32>,
      %scan3A_2113 = arith.constant 27 : i32
      %mul3A_2114 = arith.constant 16 : i32
      %mul3A_2115 = arith.muli %scan3A_2113, %mul3A_2114 : i32
      %get3A_2116 = arith.index_cast %and3A_1793 : i32 to index
      %get3A_2117 = arith.index_cast %mul3A_2115 : i32 to index
      %get3A_2118 = tpu.vector_load %arg8[%get3A_2116, %get3A_2117] {strides = array<i32>} : memref<2x1024xi32, #tpu.memory_space<vmem>>, vector<16xi32>,
      %add3A_2119 = arith.addi %get3A_2118, %shift_left3A_8 : vector<16xi32>
      %mul3A_2120 = arith.constant 16 : i32
      %mul3A_2121 = arith.muli %scan3A_2113, %mul3A_2120 : i32
      %swap3A_2122 = arith.index_cast %mul3A_2121 : i32 to index
      %swap3A_2123 = tpu.vector_load %arg9[%swap3A_2122] {strides = array<i32>} : memref<1024xi32, #tpu.memory_space<vmem>>, vector<16xi32>,
      tpu.vector_store %arg9[%swap3A_2122], %add3A_2119 {strides = array<i32>} : memref<1024xi32, #tpu.memory_space<vmem>>, vector<16xi32>,
      %scan3A_2124 = arith.constant 28 : i32
      %mul3A_2125 = arith.constant 16 : i32
      %mul3A_2126 = arith.muli %scan3A_2124, %mul3A_2125 : i32
      %get3A_2127 = arith.index_cast %and3A_1793 : i32 to index
      %get3A_2128 = arith.index_cast %mul3A_2126 : i32 to index
      %get3A_2129 = tpu.vector_load %arg8[%get3A_2127, %get3A_2128] {strides = array<i32>} : memref<2x1024xi32, #tpu.memory_space<vmem>>, vector<16xi32>,
      %add3A_2130 = arith.addi %get3A_2129, %shift_left3A_8 : vector<16xi32>
      %mul3A_2131 = arith.constant 16 : i32
      %mul3A_2132 = arith.muli %scan3A_2124, %mul3A_2131 : i32
      %swap3A_2133 = arith.index_cast %mul3A_2132 : i32 to index
      %swap3A_2134 = tpu.vector_load %arg9[%swap3A_2133] {strides = array<i32>} : memref<1024xi32, #tpu.memory_space<vmem>>, vector<16xi32>,
      tpu.vector_store %arg9[%swap3A_2133], %add3A_2130 {strides = array<i32>} : memref<1024xi32, #tpu.memory_space<vmem>>, vector<16xi32>,
      %scan3A_2135 = arith.constant 29 : i32
      %mul3A_2136 = arith.constant 16 : i32
      %mul3A_2137 = arith.muli %scan3A_2135, %mul3A_2136 : i32
      %get3A_2138 = arith.index_cast %and3A_1793 : i32 to index
      %get3A_2139 = arith.index_cast %mul3A_2137 : i32 to index
      %get3A_2140 = tpu.vector_load %arg8[%get3A_2138, %get3A_2139] {strides = array<i32>} : memref<2x1024xi32, #tpu.memory_space<vmem>>, vector<16xi32>,
      %add3A_2141 = arith.addi %get3A_2140, %shift_left3A_8 : vector<16xi32>
      %mul3A_2142 = arith.constant 16 : i32
      %mul3A_2143 = arith.muli %scan3A_2135, %mul3A_2142 : i32
      %swap3A_2144 = arith.index_cast %mul3A_2143 : i32 to index
      %swap3A_2145 = tpu.vector_load %arg9[%swap3A_2144] {strides = array<i32>} : memref<1024xi32, #tpu.memory_space<vmem>>, vector<16xi32>,
      tpu.vector_store %arg9[%swap3A_2144], %add3A_2141 {strides = array<i32>} : memref<1024xi32, #tpu.memory_space<vmem>>, vector<16xi32>,
      %scan3A_2146 = arith.constant 30 : i32
      %mul3A_2147 = arith.constant 16 : i32
      %mul3A_2148 = arith.muli %scan3A_2146, %mul3A_2147 : i32
      %get3A_2149 = arith.index_cast %and3A_1793 : i32 to index
      %get3A_2150 = arith.index_cast %mul3A_2148 : i32 to index
      %get3A_2151 = tpu.vector_load %arg8[%get3A_2149, %get3A_2150] {strides = array<i32>} : memref<2x1024xi32, #tpu.memory_space<vmem>>, vector<16xi32>,
      %add3A_2152 = arith.addi %get3A_2151, %shift_left3A_8 : vector<16xi32>
      %mul3A_2153 = arith.constant 16 : i32
      %mul3A_2154 = arith.muli %scan3A_2146, %mul3A_2153 : i32
      %swap3A_2155 = arith.index_cast %mul3A_2154 : i32 to index
      %swap3A_2156 = tpu.vector_load %arg9[%swap3A_2155] {strides = array<i32>} : memref<1024xi32, #tpu.memory_space<vmem>>, vector<16xi32>,
      tpu.vector_store %arg9[%swap3A_2155], %add3A_2152 {strides = array<i32>} : memref<1024xi32, #tpu.memory_space<vmem>>, vector<16xi32>,
      %scan3A_2157 = arith.constant 31 : i32
      %mul3A_2158 = arith.constant 16 : i32
      %mul3A_2159 = arith.muli %scan3A_2157, %mul3A_2158 : i32
      %get3A_2160 = arith.index_cast %and3A_1793 : i32 to index
      %get3A_2161 = arith.index_cast %mul3A_2159 : i32 to index
      %get3A_2162 = tpu.vector_load %arg8[%get3A_2160, %get3A_2161] {strides = array<i32>} : memref<2x1024xi32, #tpu.memory_space<vmem>>, vector<16xi32>,
      %add3A_2163 = arith.addi %get3A_2162, %shift_left3A_8 : vector<16xi32>
      %mul3A_2164 = arith.constant 16 : i32
      %mul3A_2165 = arith.muli %scan3A_2157, %mul3A_2164 : i32
      %swap3A_2166 = arith.index_cast %mul3A_2165 : i32 to index
      %swap3A_2167 = tpu.vector_load %arg9[%swap3A_2166] {strides = array<i32>} : memref<1024xi32, #tpu.memory_space<vmem>>, vector<16xi32>,
      tpu.vector_store %arg9[%swap3A_2166], %add3A_2163 {strides = array<i32>} : memref<1024xi32, #tpu.memory_space<vmem>>, vector<16xi32>,
      %scan3A_2168 = arith.constant 32 : i32
      %mul3A_2169 = arith.constant 16 : i32
      %mul3A_2170 = arith.muli %scan3A_2168, %mul3A_2169 : i32
      %get3A_2171 = arith.index_cast %and3A_1793 : i32 to index
      %get3A_2172 = arith.index_cast %mul3A_2170 : i32 to index
      %get3A_2173 = tpu.vector_load %arg8[%get3A_2171, %get3A_2172] {strides = array<i32>} : memref<2x1024xi32, #tpu.memory_space<vmem>>, vector<16xi32>,
      %add3A_2174 = arith.addi %get3A_2173, %shift_left3A_8 : vector<16xi32>
      %mul3A_2175 = arith.constant 16 : i32
      %mul3A_2176 = arith.muli %scan3A_2168, %mul3A_2175 : i32
      %swap3A_2177 = arith.index_cast %mul3A_2176 : i32 to index
      %swap3A_2178 = tpu.vector_load %arg9[%swap3A_2177] {strides = array<i32>} : memref<1024xi32, #tpu.memory_space<vmem>>, vector<16xi32>,
      tpu.vector_store %arg9[%swap3A_2177], %add3A_2174 {strides = array<i32>} : memref<1024xi32, #tpu.memory_space<vmem>>, vector<16xi32>,
      %scan3A_2179 = arith.constant 33 : i32
      %mul3A_2180 = arith.constant 16 : i32
      %mul3A_2181 = arith.muli %scan3A_2179, %mul3A_2180 : i32
      %get3A_2182 = arith.index_cast %and3A_1793 : i32 to index
      %get3A_2183 = arith.index_cast %mul3A_2181 : i32 to index
      %get3A_2184 = tpu.vector_load %arg8[%get3A_2182, %get3A_2183] {strides = array<i32>} : memref<2x1024xi32, #tpu.memory_space<vmem>>, vector<16xi32>,
      %add3A_2185 = arith.addi %get3A_2184, %shift_left3A_8 : vector<16xi32>
      %mul3A_2186 = arith.constant 16 : i32
      %mul3A_2187 = arith.muli %scan3A_2179, %mul3A_2186 : i32
      %swap3A_2188 = arith.index_cast %mul3A_2187 : i32 to index
      %swap3A_2189 = tpu.vector_load %arg9[%swap3A_2188] {strides = array<i32>} : memref<1024xi32, #tpu.memory_space<vmem>>, vector<16xi32>,
      tpu.vector_store %arg9[%swap3A_2188], %add3A_2185 {strides = array<i32>} : memref<1024xi32, #tpu.memory_space<vmem>>, vector<16xi32>,
      %scan3A_2190 = arith.constant 34 : i32
      %mul3A_2191 = arith.constant 16 : i32
      %mul3A_2192 = arith.muli %scan3A_2190, %mul3A_2191 : i32
      %get3A_2193 = arith.index_cast %and3A_1793 : i32 to index
      %get3A_2194 = arith.index_cast %mul3A_2192 : i32 to index
      %get3A_2195 = tpu.vector_load %arg8[%get3A_2193, %get3A_2194] {strides = array<i32>} : memref<2x1024xi32, #tpu.memory_space<vmem>>, vector<16xi32>,
      %add3A_2196 = arith.addi %get3A_2195, %shift_left3A_8 : vector<16xi32>
      %mul3A_2197 = arith.constant 16 : i32
      %mul3A_2198 = arith.muli %scan3A_2190, %mul3A_2197 : i32
      %swap3A_2199 = arith.index_cast %mul3A_2198 : i32 to index
      %swap3A_2200 = tpu.vector_load %arg9[%swap3A_2199] {strides = array<i32>} : memref<1024xi32, #tpu.memory_space<vmem>>, vector<16xi32>,
      tpu.vector_store %arg9[%swap3A_2199], %add3A_2196 {strides = array<i32>} : memref<1024xi32, #tpu.memory_space<vmem>>, vector<16xi32>,
      %scan3A_2201 = arith.constant 35 : i32
      %mul3A_2202 = arith.constant 16 : i32
      %mul3A_2203 = arith.muli %scan3A_2201, %mul3A_2202 : i32
      %get3A_2204 = arith.index_cast %and3A_1793 : i32 to index
      %get3A_2205 = arith.index_cast %mul3A_2203 : i32 to index
      %get3A_2206 = tpu.vector_load %arg8[%get3A_2204, %get3A_2205] {strides = array<i32>} : memref<2x1024xi32, #tpu.memory_space<vmem>>, vector<16xi32>,
      %add3A_2207 = arith.addi %get3A_2206, %shift_left3A_8 : vector<16xi32>
      %mul3A_2208 = arith.constant 16 : i32
      %mul3A_2209 = arith.muli %scan3A_2201, %mul3A_2208 : i32
      %swap3A_2210 = arith.index_cast %mul3A_2209 : i32 to index
      %swap3A_2211 = tpu.vector_load %arg9[%swap3A_2210] {strides = array<i32>} : memref<1024xi32, #tpu.memory_space<vmem>>, vector<16xi32>,
      tpu.vector_store %arg9[%swap3A_2210], %add3A_2207 {strides = array<i32>} : memref<1024xi32, #tpu.memory_space<vmem>>, vector<16xi32>,
      %scan3A_2212 = arith.constant 36 : i32
      %mul3A_2213 = arith.constant 16 : i32
      %mul3A_2214 = arith.muli %scan3A_2212, %mul3A_2213 : i32
      %get3A_2215 = arith.index_cast %and3A_1793 : i32 to index
      %get3A_2216 = arith.index_cast %mul3A_2214 : i32 to index
      %get3A_2217 = tpu.vector_load %arg8[%get3A_2215, %get3A_2216] {strides = array<i32>} : memref<2x1024xi32, #tpu.memory_space<vmem>>, vector<16xi32>,
      %add3A_2218 = arith.addi %get3A_2217, %shift_left3A_8 : vector<16xi32>
      %mul3A_2219 = arith.constant 16 : i32
      %mul3A_2220 = arith.muli %scan3A_2212, %mul3A_2219 : i32
      %swap3A_2221 = arith.index_cast %mul3A_2220 : i32 to index
      %swap3A_2222 = tpu.vector_load %arg9[%swap3A_2221] {strides = array<i32>} : memref<1024xi32, #tpu.memory_space<vmem>>, vector<16xi32>,
      tpu.vector_store %arg9[%swap3A_2221], %add3A_2218 {strides = array<i32>} : memref<1024xi32, #tpu.memory_space<vmem>>, vector<16xi32>,
      %scan3A_2223 = arith.constant 37 : i32
      %mul3A_2224 = arith.constant 16 : i32
      %mul3A_2225 = arith.muli %scan3A_2223, %mul3A_2224 : i32
      %get3A_2226 = arith.index_cast %and3A_1793 : i32 to index
      %get3A_2227 = arith.index_cast %mul3A_2225 : i32 to index
      %get3A_2228 = tpu.vector_load %arg8[%get3A_2226, %get3A_2227] {strides = array<i32>} : memref<2x1024xi32, #tpu.memory_space<vmem>>, vector<16xi32>,
      %add3A_2229 = arith.addi %get3A_2228, %shift_left3A_8 : vector<16xi32>
      %mul3A_2230 = arith.constant 16 : i32
      %mul3A_2231 = arith.muli %scan3A_2223, %mul3A_2230 : i32
      %swap3A_2232 = arith.index_cast %mul3A_2231 : i32 to index
      %swap3A_2233 = tpu.vector_load %arg9[%swap3A_2232] {strides = array<i32>} : memref<1024xi32, #tpu.memory_space<vmem>>, vector<16xi32>,
      tpu.vector_store %arg9[%swap3A_2232], %add3A_2229 {strides = array<i32>} : memref<1024xi32, #tpu.memory_space<vmem>>, vector<16xi32>,
      %scan3A_2234 = arith.constant 38 : i32
      %mul3A_2235 = arith.constant 16 : i32
      %mul3A_2236 = arith.muli %scan3A_2234, %mul3A_2235 : i32
      %get3A_2237 = arith.index_cast %and3A_1793 : i32 to index
      %get3A_2238 = arith.index_cast %mul3A_2236 : i32 to index
      %get3A_2239 = tpu.vector_load %arg8[%get3A_2237, %get3A_2238] {strides = array<i32>} : memref<2x1024xi32, #tpu.memory_space<vmem>>, vector<16xi32>,
      %add3A_2240 = arith.addi %get3A_2239, %shift_left3A_8 : vector<16xi32>
      %mul3A_2241 = arith.constant 16 : i32
      %mul3A_2242 = arith.muli %scan3A_2234, %mul3A_2241 : i32
      %swap3A_2243 = arith.index_cast %mul3A_2242 : i32 to index
      %swap3A_2244 = tpu.vector_load %arg9[%swap3A_2243] {strides = array<i32>} : memref<1024xi32, #tpu.memory_space<vmem>>, vector<16xi32>,
      tpu.vector_store %arg9[%swap3A_2243], %add3A_2240 {strides = array<i32>} : memref<1024xi32, #tpu.memory_space<vmem>>, vector<16xi32>,
      %scan3A_2245 = arith.constant 39 : i32
      %mul3A_2246 = arith.constant 16 : i32
      %mul3A_2247 = arith.muli %scan3A_2245, %mul3A_2246 : i32
      %get3A_2248 = arith.index_cast %and3A_1793 : i32 to index
      %get3A_2249 = arith.index_cast %mul3A_2247 : i32 to index
      %get3A_2250 = tpu.vector_load %arg8[%get3A_2248, %get3A_2249] {strides = array<i32>} : memref<2x1024xi32, #tpu.memory_space<vmem>>, vector<16xi32>,
      %add3A_2251 = arith.addi %get3A_2250, %shift_left3A_8 : vector<16xi32>
      %mul3A_2252 = arith.constant 16 : i32
      %mul3A_2253 = arith.muli %scan3A_2245, %mul3A_2252 : i32
      %swap3A_2254 = arith.index_cast %mul3A_2253 : i32 to index
      %swap3A_2255 = tpu.vector_load %arg9[%swap3A_2254] {strides = array<i32>} : memref<1024xi32, #tpu.memory_space<vmem>>, vector<16xi32>,
      tpu.vector_store %arg9[%swap3A_2254], %add3A_2251 {strides = array<i32>} : memref<1024xi32, #tpu.memory_space<vmem>>, vector<16xi32>,
      %scan3A_2256 = arith.constant 40 : i32
      %mul3A_2257 = arith.constant 16 : i32
      %mul3A_2258 = arith.muli %scan3A_2256, %mul3A_2257 : i32
      %get3A_2259 = arith.index_cast %and3A_1793 : i32 to index
      %get3A_2260 = arith.index_cast %mul3A_2258 : i32 to index
      %get3A_2261 = tpu.vector_load %arg8[%get3A_2259, %get3A_2260] {strides = array<i32>} : memref<2x1024xi32, #tpu.memory_space<vmem>>, vector<16xi32>,
      %add3A_2262 = arith.addi %get3A_2261, %shift_left3A_8 : vector<16xi32>
      %mul3A_2263 = arith.constant 16 : i32
      %mul3A_2264 = arith.muli %scan3A_2256, %mul3A_2263 : i32
      %swap3A_2265 = arith.index_cast %mul3A_2264 : i32 to index
      %swap3A_2266 = tpu.vector_load %arg9[%swap3A_2265] {strides = array<i32>} : memref<1024xi32, #tpu.memory_space<vmem>>, vector<16xi32>,
      tpu.vector_store %arg9[%swap3A_2265], %add3A_2262 {strides = array<i32>} : memref<1024xi32, #tpu.memory_space<vmem>>, vector<16xi32>,
      %scan3A_2267 = arith.constant 41 : i32
      %mul3A_2268 = arith.constant 16 : i32
      %mul3A_2269 = arith.muli %scan3A_2267, %mul3A_2268 : i32
      %get3A_2270 = arith.index_cast %and3A_1793 : i32 to index
      %get3A_2271 = arith.index_cast %mul3A_2269 : i32 to index
      %get3A_2272 = tpu.vector_load %arg8[%get3A_2270, %get3A_2271] {strides = array<i32>} : memref<2x1024xi32, #tpu.memory_space<vmem>>, vector<16xi32>,
      %add3A_2273 = arith.addi %get3A_2272, %shift_left3A_8 : vector<16xi32>
      %mul3A_2274 = arith.constant 16 : i32
      %mul3A_2275 = arith.muli %scan3A_2267, %mul3A_2274 : i32
      %swap3A_2276 = arith.index_cast %mul3A_2275 : i32 to index
      %swap3A_2277 = tpu.vector_load %arg9[%swap3A_2276] {strides = array<i32>} : memref<1024xi32, #tpu.memory_space<vmem>>, vector<16xi32>,
      tpu.vector_store %arg9[%swap3A_2276], %add3A_2273 {strides = array<i32>} : memref<1024xi32, #tpu.memory_space<vmem>>, vector<16xi32>,
      %scan3A_2278 = arith.constant 42 : i32
      %mul3A_2279 = arith.constant 16 : i32
      %mul3A_2280 = arith.muli %scan3A_2278, %mul3A_2279 : i32
      %get3A_2281 = arith.index_cast %and3A_1793 : i32 to index
      %get3A_2282 = arith.index_cast %mul3A_2280 : i32 to index
      %get3A_2283 = tpu.vector_load %arg8[%get3A_2281, %get3A_2282] {strides = array<i32>} : memref<2x1024xi32, #tpu.memory_space<vmem>>, vector<16xi32>,
      %add3A_2284 = arith.addi %get3A_2283, %shift_left3A_8 : vector<16xi32>
      %mul3A_2285 = arith.constant 16 : i32
      %mul3A_2286 = arith.muli %scan3A_2278, %mul3A_2285 : i32
      %swap3A_2287 = arith.index_cast %mul3A_2286 : i32 to index
      %swap3A_2288 = tpu.vector_load %arg9[%swap3A_2287] {strides = array<i32>} : memref<1024xi32, #tpu.memory_space<vmem>>, vector<16xi32>,
      tpu.vector_store %arg9[%swap3A_2287], %add3A_2284 {strides = array<i32>} : memref<1024xi32, #tpu.memory_space<vmem>>, vector<16xi32>,
      %scan3A_2289 = arith.constant 43 : i32
      %mul3A_2290 = arith.constant 16 : i32
      %mul3A_2291 = arith.muli %scan3A_2289, %mul3A_2290 : i32
      %get3A_2292 = arith.index_cast %and3A_1793 : i32 to index
      %get3A_2293 = arith.index_cast %mul3A_2291 : i32 to index
      %get3A_2294 = tpu.vector_load %arg8[%get3A_2292, %get3A_2293] {strides = array<i32>} : memref<2x1024xi32, #tpu.memory_space<vmem>>, vector<16xi32>,
      %add3A_2295 = arith.addi %get3A_2294, %shift_left3A_8 : vector<16xi32>
      %mul3A_2296 = arith.constant 16 : i32
      %mul3A_2297 = arith.muli %scan3A_2289, %mul3A_2296 : i32
      %swap3A_2298 = arith.index_cast %mul3A_2297 : i32 to index
      %swap3A_2299 = tpu.vector_load %arg9[%swap3A_2298] {strides = array<i32>} : memref<1024xi32, #tpu.memory_space<vmem>>, vector<16xi32>,
      tpu.vector_store %arg9[%swap3A_2298], %add3A_2295 {strides = array<i32>} : memref<1024xi32, #tpu.memory_space<vmem>>, vector<16xi32>,
      %scan3A_2300 = arith.constant 44 : i32
      %mul3A_2301 = arith.constant 16 : i32
      %mul3A_2302 = arith.muli %scan3A_2300, %mul3A_2301 : i32
      %get3A_2303 = arith.index_cast %and3A_1793 : i32 to index
      %get3A_2304 = arith.index_cast %mul3A_2302 : i32 to index
      %get3A_2305 = tpu.vector_load %arg8[%get3A_2303, %get3A_2304] {strides = array<i32>} : memref<2x1024xi32, #tpu.memory_space<vmem>>, vector<16xi32>,
      %add3A_2306 = arith.addi %get3A_2305, %shift_left3A_8 : vector<16xi32>
      %mul3A_2307 = arith.constant 16 : i32
      %mul3A_2308 = arith.muli %scan3A_2300, %mul3A_2307 : i32
      %swap3A_2309 = arith.index_cast %mul3A_2308 : i32 to index
      %swap3A_2310 = tpu.vector_load %arg9[%swap3A_2309] {strides = array<i32>} : memref<1024xi32, #tpu.memory_space<vmem>>, vector<16xi32>,
      tpu.vector_store %arg9[%swap3A_2309], %add3A_2306 {strides = array<i32>} : memref<1024xi32, #tpu.memory_space<vmem>>, vector<16xi32>,
      %scan3A_2311 = arith.constant 45 : i32
      %mul3A_2312 = arith.constant 16 : i32
      %mul3A_2313 = arith.muli %scan3A_2311, %mul3A_2312 : i32
      %get3A_2314 = arith.index_cast %and3A_1793 : i32 to index
      %get3A_2315 = arith.index_cast %mul3A_2313 : i32 to index
      %get3A_2316 = tpu.vector_load %arg8[%get3A_2314, %get3A_2315] {strides = array<i32>} : memref<2x1024xi32, #tpu.memory_space<vmem>>, vector<16xi32>,
      %add3A_2317 = arith.addi %get3A_2316, %shift_left3A_8 : vector<16xi32>
      %mul3A_2318 = arith.constant 16 : i32
      %mul3A_2319 = arith.muli %scan3A_2311, %mul3A_2318 : i32
      %swap3A_2320 = arith.index_cast %mul3A_2319 : i32 to index
      %swap3A_2321 = tpu.vector_load %arg9[%swap3A_2320] {strides = array<i32>} : memref<1024xi32, #tpu.memory_space<vmem>>, vector<16xi32>,
      tpu.vector_store %arg9[%swap3A_2320], %add3A_2317 {strides = array<i32>} : memref<1024xi32, #tpu.memory_space<vmem>>, vector<16xi32>,
      %scan3A_2322 = arith.constant 46 : i32
      %mul3A_2323 = arith.constant 16 : i32
      %mul3A_2324 = arith.muli %scan3A_2322, %mul3A_2323 : i32
      %get3A_2325 = arith.index_cast %and3A_1793 : i32 to index
      %get3A_2326 = arith.index_cast %mul3A_2324 : i32 to index
      %get3A_2327 = tpu.vector_load %arg8[%get3A_2325, %get3A_2326] {strides = array<i32>} : memref<2x1024xi32, #tpu.memory_space<vmem>>, vector<16xi32>,
      %add3A_2328 = arith.addi %get3A_2327, %shift_left3A_8 : vector<16xi32>
      %mul3A_2329 = arith.constant 16 : i32
      %mul3A_2330 = arith.muli %scan3A_2322, %mul3A_2329 : i32
      %swap3A_2331 = arith.index_cast %mul3A_2330 : i32 to index
      %swap3A_2332 = tpu.vector_load %arg9[%swap3A_2331] {strides = array<i32>} : memref<1024xi32, #tpu.memory_space<vmem>>, vector<16xi32>,
      tpu.vector_store %arg9[%swap3A_2331], %add3A_2328 {strides = array<i32>} : memref<1024xi32, #tpu.memory_space<vmem>>, vector<16xi32>,
      %scan3A_2333 = arith.constant 47 : i32
      %mul3A_2334 = arith.constant 16 : i32
      %mul3A_2335 = arith.muli %scan3A_2333, %mul3A_2334 : i32
      %get3A_2336 = arith.index_cast %and3A_1793 : i32 to index
      %get3A_2337 = arith.index_cast %mul3A_2335 : i32 to index
      %get3A_2338 = tpu.vector_load %arg8[%get3A_2336, %get3A_2337] {strides = array<i32>} : memref<2x1024xi32, #tpu.memory_space<vmem>>, vector<16xi32>,
      %add3A_2339 = arith.addi %get3A_2338, %shift_left3A_8 : vector<16xi32>
      %mul3A_2340 = arith.constant 16 : i32
      %mul3A_2341 = arith.muli %scan3A_2333, %mul3A_2340 : i32
      %swap3A_2342 = arith.index_cast %mul3A_2341 : i32 to index
      %swap3A_2343 = tpu.vector_load %arg9[%swap3A_2342] {strides = array<i32>} : memref<1024xi32, #tpu.memory_space<vmem>>, vector<16xi32>,
      tpu.vector_store %arg9[%swap3A_2342], %add3A_2339 {strides = array<i32>} : memref<1024xi32, #tpu.memory_space<vmem>>, vector<16xi32>,
      %scan3A_2344 = arith.constant 48 : i32
      %mul3A_2345 = arith.constant 16 : i32
      %mul3A_2346 = arith.muli %scan3A_2344, %mul3A_2345 : i32
      %get3A_2347 = arith.index_cast %and3A_1793 : i32 to index
      %get3A_2348 = arith.index_cast %mul3A_2346 : i32 to index
      %get3A_2349 = tpu.vector_load %arg8[%get3A_2347, %get3A_2348] {strides = array<i32>} : memref<2x1024xi32, #tpu.memory_space<vmem>>, vector<16xi32>,
      %add3A_2350 = arith.addi %get3A_2349, %shift_left3A_8 : vector<16xi32>
      %mul3A_2351 = arith.constant 16 : i32
      %mul3A_2352 = arith.muli %scan3A_2344, %mul3A_2351 : i32
      %swap3A_2353 = arith.index_cast %mul3A_2352 : i32 to index
      %swap3A_2354 = tpu.vector_load %arg9[%swap3A_2353] {strides = array<i32>} : memref<1024xi32, #tpu.memory_space<vmem>>, vector<16xi32>,
      tpu.vector_store %arg9[%swap3A_2353], %add3A_2350 {strides = array<i32>} : memref<1024xi32, #tpu.memory_space<vmem>>, vector<16xi32>,
      %scan3A_2355 = arith.constant 49 : i32
      %mul3A_2356 = arith.constant 16 : i32
      %mul3A_2357 = arith.muli %scan3A_2355, %mul3A_2356 : i32
      %get3A_2358 = arith.index_cast %and3A_1793 : i32 to index
      %get3A_2359 = arith.index_cast %mul3A_2357 : i32 to index
      %get3A_2360 = tpu.vector_load %arg8[%get3A_2358, %get3A_2359] {strides = array<i32>} : memref<2x1024xi32, #tpu.memory_space<vmem>>, vector<16xi32>,
      %add3A_2361 = arith.addi %get3A_2360, %shift_left3A_8 : vector<16xi32>
      %mul3A_2362 = arith.constant 16 : i32
      %mul3A_2363 = arith.muli %scan3A_2355, %mul3A_2362 : i32
      %swap3A_2364 = arith.index_cast %mul3A_2363 : i32 to index
      %swap3A_2365 = tpu.vector_load %arg9[%swap3A_2364] {strides = array<i32>} : memref<1024xi32, #tpu.memory_space<vmem>>, vector<16xi32>,
      tpu.vector_store %arg9[%swap3A_2364], %add3A_2361 {strides = array<i32>} : memref<1024xi32, #tpu.memory_space<vmem>>, vector<16xi32>,
      %scan3A_2366 = arith.constant 50 : i32
      %mul3A_2367 = arith.constant 16 : i32
      %mul3A_2368 = arith.muli %scan3A_2366, %mul3A_2367 : i32
      %get3A_2369 = arith.index_cast %and3A_1793 : i32 to index
      %get3A_2370 = arith.index_cast %mul3A_2368 : i32 to index
      %get3A_2371 = tpu.vector_load %arg8[%get3A_2369, %get3A_2370] {strides = array<i32>} : memref<2x1024xi32, #tpu.memory_space<vmem>>, vector<16xi32>,
      %add3A_2372 = arith.addi %get3A_2371, %shift_left3A_8 : vector<16xi32>
      %mul3A_2373 = arith.constant 16 : i32
      %mul3A_2374 = arith.muli %scan3A_2366, %mul3A_2373 : i32
      %swap3A_2375 = arith.index_cast %mul3A_2374 : i32 to index
      %swap3A_2376 = tpu.vector_load %arg9[%swap3A_2375] {strides = array<i32>} : memref<1024xi32, #tpu.memory_space<vmem>>, vector<16xi32>,
      tpu.vector_store %arg9[%swap3A_2375], %add3A_2372 {strides = array<i32>} : memref<1024xi32, #tpu.memory_space<vmem>>, vector<16xi32>,
      %scan3A_2377 = arith.constant 51 : i32
      %mul3A_2378 = arith.constant 16 : i32
      %mul3A_2379 = arith.muli %scan3A_2377, %mul3A_2378 : i32
      %get3A_2380 = arith.index_cast %and3A_1793 : i32 to index
      %get3A_2381 = arith.index_cast %mul3A_2379 : i32 to index
      %get3A_2382 = tpu.vector_load %arg8[%get3A_2380, %get3A_2381] {strides = array<i32>} : memref<2x1024xi32, #tpu.memory_space<vmem>>, vector<16xi32>,
      %add3A_2383 = arith.addi %get3A_2382, %shift_left3A_8 : vector<16xi32>
      %mul3A_2384 = arith.constant 16 : i32
      %mul3A_2385 = arith.muli %scan3A_2377, %mul3A_2384 : i32
      %swap3A_2386 = arith.index_cast %mul3A_2385 : i32 to index
      %swap3A_2387 = tpu.vector_load %arg9[%swap3A_2386] {strides = array<i32>} : memref<1024xi32, #tpu.memory_space<vmem>>, vector<16xi32>,
      tpu.vector_store %arg9[%swap3A_2386], %add3A_2383 {strides = array<i32>} : memref<1024xi32, #tpu.memory_space<vmem>>, vector<16xi32>,
      %scan3A_2388 = arith.constant 52 : i32
      %mul3A_2389 = arith.constant 16 : i32
      %mul3A_2390 = arith.muli %scan3A_2388, %mul3A_2389 : i32
      %get3A_2391 = arith.index_cast %and3A_1793 : i32 to index
      %get3A_2392 = arith.index_cast %mul3A_2390 : i32 to index
      %get3A_2393 = tpu.vector_load %arg8[%get3A_2391, %get3A_2392] {strides = array<i32>} : memref<2x1024xi32, #tpu.memory_space<vmem>>, vector<16xi32>,
      %add3A_2394 = arith.addi %get3A_2393, %shift_left3A_8 : vector<16xi32>
      %mul3A_2395 = arith.constant 16 : i32
      %mul3A_2396 = arith.muli %scan3A_2388, %mul3A_2395 : i32
      %swap3A_2397 = arith.index_cast %mul3A_2396 : i32 to index
      %swap3A_2398 = tpu.vector_load %arg9[%swap3A_2397] {strides = array<i32>} : memref<1024xi32, #tpu.memory_space<vmem>>, vector<16xi32>,
      tpu.vector_store %arg9[%swap3A_2397], %add3A_2394 {strides = array<i32>} : memref<1024xi32, #tpu.memory_space<vmem>>, vector<16xi32>,
      %scan3A_2399 = arith.constant 53 : i32
      %mul3A_2400 = arith.constant 16 : i32
      %mul3A_2401 = arith.muli %scan3A_2399, %mul3A_2400 : i32
      %get3A_2402 = arith.index_cast %and3A_1793 : i32 to index
      %get3A_2403 = arith.index_cast %mul3A_2401 : i32 to index
      %get3A_2404 = tpu.vector_load %arg8[%get3A_2402, %get3A_2403] {strides = array<i32>} : memref<2x1024xi32, #tpu.memory_space<vmem>>, vector<16xi32>,
      %add3A_2405 = arith.addi %get3A_2404, %shift_left3A_8 : vector<16xi32>
      %mul3A_2406 = arith.constant 16 : i32
      %mul3A_2407 = arith.muli %scan3A_2399, %mul3A_2406 : i32
      %swap3A_2408 = arith.index_cast %mul3A_2407 : i32 to index
      %swap3A_2409 = tpu.vector_load %arg9[%swap3A_2408] {strides = array<i32>} : memref<1024xi32, #tpu.memory_space<vmem>>, vector<16xi32>,
      tpu.vector_store %arg9[%swap3A_2408], %add3A_2405 {strides = array<i32>} : memref<1024xi32, #tpu.memory_space<vmem>>, vector<16xi32>,
      %scan3A_2410 = arith.constant 54 : i32
      %mul3A_2411 = arith.constant 16 : i32
      %mul3A_2412 = arith.muli %scan3A_2410, %mul3A_2411 : i32
      %get3A_2413 = arith.index_cast %and3A_1793 : i32 to index
      %get3A_2414 = arith.index_cast %mul3A_2412 : i32 to index
      %get3A_2415 = tpu.vector_load %arg8[%get3A_2413, %get3A_2414] {strides = array<i32>} : memref<2x1024xi32, #tpu.memory_space<vmem>>, vector<16xi32>,
      %add3A_2416 = arith.addi %get3A_2415, %shift_left3A_8 : vector<16xi32>
      %mul3A_2417 = arith.constant 16 : i32
      %mul3A_2418 = arith.muli %scan3A_2410, %mul3A_2417 : i32
      %swap3A_2419 = arith.index_cast %mul3A_2418 : i32 to index
      %swap3A_2420 = tpu.vector_load %arg9[%swap3A_2419] {strides = array<i32>} : memref<1024xi32, #tpu.memory_space<vmem>>, vector<16xi32>,
      tpu.vector_store %arg9[%swap3A_2419], %add3A_2416 {strides = array<i32>} : memref<1024xi32, #tpu.memory_space<vmem>>, vector<16xi32>,
      %scan3A_2421 = arith.constant 55 : i32
      %mul3A_2422 = arith.constant 16 : i32
      %mul3A_2423 = arith.muli %scan3A_2421, %mul3A_2422 : i32
      %get3A_2424 = arith.index_cast %and3A_1793 : i32 to index
      %get3A_2425 = arith.index_cast %mul3A_2423 : i32 to index
      %get3A_2426 = tpu.vector_load %arg8[%get3A_2424, %get3A_2425] {strides = array<i32>} : memref<2x1024xi32, #tpu.memory_space<vmem>>, vector<16xi32>,
      %add3A_2427 = arith.addi %get3A_2426, %shift_left3A_8 : vector<16xi32>
      %mul3A_2428 = arith.constant 16 : i32
      %mul3A_2429 = arith.muli %scan3A_2421, %mul3A_2428 : i32
      %swap3A_2430 = arith.index_cast %mul3A_2429 : i32 to index
      %swap3A_2431 = tpu.vector_load %arg9[%swap3A_2430] {strides = array<i32>} : memref<1024xi32, #tpu.memory_space<vmem>>, vector<16xi32>,
      tpu.vector_store %arg9[%swap3A_2430], %add3A_2427 {strides = array<i32>} : memref<1024xi32, #tpu.memory_space<vmem>>, vector<16xi32>,
      %scan3A_2432 = arith.constant 56 : i32
      %mul3A_2433 = arith.constant 16 : i32
      %mul3A_2434 = arith.muli %scan3A_2432, %mul3A_2433 : i32
      %get3A_2435 = arith.index_cast %and3A_1793 : i32 to index
      %get3A_2436 = arith.index_cast %mul3A_2434 : i32 to index
      %get3A_2437 = tpu.vector_load %arg8[%get3A_2435, %get3A_2436] {strides = array<i32>} : memref<2x1024xi32, #tpu.memory_space<vmem>>, vector<16xi32>,
      %add3A_2438 = arith.addi %get3A_2437, %shift_left3A_8 : vector<16xi32>
      %mul3A_2439 = arith.constant 16 : i32
      %mul3A_2440 = arith.muli %scan3A_2432, %mul3A_2439 : i32
      %swap3A_2441 = arith.index_cast %mul3A_2440 : i32 to index
      %swap3A_2442 = tpu.vector_load %arg9[%swap3A_2441] {strides = array<i32>} : memref<1024xi32, #tpu.memory_space<vmem>>, vector<16xi32>,
      tpu.vector_store %arg9[%swap3A_2441], %add3A_2438 {strides = array<i32>} : memref<1024xi32, #tpu.memory_space<vmem>>, vector<16xi32>,
      %scan3A_2443 = arith.constant 57 : i32
      %mul3A_2444 = arith.constant 16 : i32
      %mul3A_2445 = arith.muli %scan3A_2443, %mul3A_2444 : i32
      %get3A_2446 = arith.index_cast %and3A_1793 : i32 to index
      %get3A_2447 = arith.index_cast %mul3A_2445 : i32 to index
      %get3A_2448 = tpu.vector_load %arg8[%get3A_2446, %get3A_2447] {strides = array<i32>} : memref<2x1024xi32, #tpu.memory_space<vmem>>, vector<16xi32>,
      %add3A_2449 = arith.addi %get3A_2448, %shift_left3A_8 : vector<16xi32>
      %mul3A_2450 = arith.constant 16 : i32
      %mul3A_2451 = arith.muli %scan3A_2443, %mul3A_2450 : i32
      %swap3A_2452 = arith.index_cast %mul3A_2451 : i32 to index
      %swap3A_2453 = tpu.vector_load %arg9[%swap3A_2452] {strides = array<i32>} : memref<1024xi32, #tpu.memory_space<vmem>>, vector<16xi32>,
      tpu.vector_store %arg9[%swap3A_2452], %add3A_2449 {strides = array<i32>} : memref<1024xi32, #tpu.memory_space<vmem>>, vector<16xi32>,
      %scan3A_2454 = arith.constant 58 : i32
      %mul3A_2455 = arith.constant 16 : i32
      %mul3A_2456 = arith.muli %scan3A_2454, %mul3A_2455 : i32
      %get3A_2457 = arith.index_cast %and3A_1793 : i32 to index
      %get3A_2458 = arith.index_cast %mul3A_2456 : i32 to index
      %get3A_2459 = tpu.vector_load %arg8[%get3A_2457, %get3A_2458] {strides = array<i32>} : memref<2x1024xi32, #tpu.memory_space<vmem>>, vector<16xi32>,
      %add3A_2460 = arith.addi %get3A_2459, %shift_left3A_8 : vector<16xi32>
      %mul3A_2461 = arith.constant 16 : i32
      %mul3A_2462 = arith.muli %scan3A_2454, %mul3A_2461 : i32
      %swap3A_2463 = arith.index_cast %mul3A_2462 : i32 to index
      %swap3A_2464 = tpu.vector_load %arg9[%swap3A_2463] {strides = array<i32>} : memref<1024xi32, #tpu.memory_space<vmem>>, vector<16xi32>,
      tpu.vector_store %arg9[%swap3A_2463], %add3A_2460 {strides = array<i32>} : memref<1024xi32, #tpu.memory_space<vmem>>, vector<16xi32>,
      %scan3A_2465 = arith.constant 59 : i32
      %mul3A_2466 = arith.constant 16 : i32
      %mul3A_2467 = arith.muli %scan3A_2465, %mul3A_2466 : i32
      %get3A_2468 = arith.index_cast %and3A_1793 : i32 to index
      %get3A_2469 = arith.index_cast %mul3A_2467 : i32 to index
      %get3A_2470 = tpu.vector_load %arg8[%get3A_2468, %get3A_2469] {strides = array<i32>} : memref<2x1024xi32, #tpu.memory_space<vmem>>, vector<16xi32>,
      %add3A_2471 = arith.addi %get3A_2470, %shift_left3A_8 : vector<16xi32>
      %mul3A_2472 = arith.constant 16 : i32
      %mul3A_2473 = arith.muli %scan3A_2465, %mul3A_2472 : i32
      %swap3A_2474 = arith.index_cast %mul3A_2473 : i32 to index
      %swap3A_2475 = tpu.vector_load %arg9[%swap3A_2474] {strides = array<i32>} : memref<1024xi32, #tpu.memory_space<vmem>>, vector<16xi32>,
      tpu.vector_store %arg9[%swap3A_2474], %add3A_2471 {strides = array<i32>} : memref<1024xi32, #tpu.memory_space<vmem>>, vector<16xi32>,
      %scan3A_2476 = arith.constant 60 : i32
      %mul3A_2477 = arith.constant 16 : i32
      %mul3A_2478 = arith.muli %scan3A_2476, %mul3A_2477 : i32
      %get3A_2479 = arith.index_cast %and3A_1793 : i32 to index
      %get3A_2480 = arith.index_cast %mul3A_2478 : i32 to index
      %get3A_2481 = tpu.vector_load %arg8[%get3A_2479, %get3A_2480] {strides = array<i32>} : memref<2x1024xi32, #tpu.memory_space<vmem>>, vector<16xi32>,
      %add3A_2482 = arith.addi %get3A_2481, %shift_left3A_8 : vector<16xi32>
      %mul3A_2483 = arith.constant 16 : i32
      %mul3A_2484 = arith.muli %scan3A_2476, %mul3A_2483 : i32
      %swap3A_2485 = arith.index_cast %mul3A_2484 : i32 to index
      %swap3A_2486 = tpu.vector_load %arg9[%swap3A_2485] {strides = array<i32>} : memref<1024xi32, #tpu.memory_space<vmem>>, vector<16xi32>,
      tpu.vector_store %arg9[%swap3A_2485], %add3A_2482 {strides = array<i32>} : memref<1024xi32, #tpu.memory_space<vmem>>, vector<16xi32>,
      %scan3A_2487 = arith.constant 61 : i32
      %mul3A_2488 = arith.constant 16 : i32
      %mul3A_2489 = arith.muli %scan3A_2487, %mul3A_2488 : i32
      %get3A_2490 = arith.index_cast %and3A_1793 : i32 to index
      %get3A_2491 = arith.index_cast %mul3A_2489 : i32 to index
      %get3A_2492 = tpu.vector_load %arg8[%get3A_2490, %get3A_2491] {strides = array<i32>} : memref<2x1024xi32, #tpu.memory_space<vmem>>, vector<16xi32>,
      %add3A_2493 = arith.addi %get3A_2492, %shift_left3A_8 : vector<16xi32>
      %mul3A_2494 = arith.constant 16 : i32
      %mul3A_2495 = arith.muli %scan3A_2487, %mul3A_2494 : i32
      %swap3A_2496 = arith.index_cast %mul3A_2495 : i32 to index
      %swap3A_2497 = tpu.vector_load %arg9[%swap3A_2496] {strides = array<i32>} : memref<1024xi32, #tpu.memory_space<vmem>>, vector<16xi32>,
      tpu.vector_store %arg9[%swap3A_2496], %add3A_2493 {strides = array<i32>} : memref<1024xi32, #tpu.memory_space<vmem>>, vector<16xi32>,
      %scan3A_2498 = arith.constant 62 : i32
      %mul3A_2499 = arith.constant 16 : i32
      %mul3A_2500 = arith.muli %scan3A_2498, %mul3A_2499 : i32
      %get3A_2501 = arith.index_cast %and3A_1793 : i32 to index
      %get3A_2502 = arith.index_cast %mul3A_2500 : i32 to index
      %get3A_2503 = tpu.vector_load %arg8[%get3A_2501, %get3A_2502] {strides = array<i32>} : memref<2x1024xi32, #tpu.memory_space<vmem>>, vector<16xi32>,
      %add3A_2504 = arith.addi %get3A_2503, %shift_left3A_8 : vector<16xi32>
      %mul3A_2505 = arith.constant 16 : i32
      %mul3A_2506 = arith.muli %scan3A_2498, %mul3A_2505 : i32
      %swap3A_2507 = arith.index_cast %mul3A_2506 : i32 to index
      %swap3A_2508 = tpu.vector_load %arg9[%swap3A_2507] {strides = array<i32>} : memref<1024xi32, #tpu.memory_space<vmem>>, vector<16xi32>,
      tpu.vector_store %arg9[%swap3A_2507], %add3A_2504 {strides = array<i32>} : memref<1024xi32, #tpu.memory_space<vmem>>, vector<16xi32>,
      %scan3A_2509 = arith.constant 63 : i32
      %mul3A_2510 = arith.constant 16 : i32
      %mul3A_2511 = arith.muli %scan3A_2509, %mul3A_2510 : i32
      %get3A_2512 = arith.index_cast %and3A_1793 : i32 to index
      %get3A_2513 = arith.index_cast %mul3A_2511 : i32 to index
      %get3A_2514 = tpu.vector_load %arg8[%get3A_2512, %get3A_2513] {strides = array<i32>} : memref<2x1024xi32, #tpu.memory_space<vmem>>, vector<16xi32>,
      %add3A_2515 = arith.addi %get3A_2514, %shift_left3A_8 : vector<16xi32>
      %mul3A_2516 = arith.constant 16 : i32
      %mul3A_2517 = arith.muli %scan3A_2509, %mul3A_2516 : i32
      %swap3A_2518 = arith.index_cast %mul3A_2517 : i32 to index
      %swap3A_2519 = tpu.vector_load %arg9[%swap3A_2518] {strides = array<i32>} : memref<1024xi32, #tpu.memory_space<vmem>>, vector<16xi32>,
      tpu.vector_store %arg9[%swap3A_2518], %add3A_2515 {strides = array<i32>} : memref<1024xi32, #tpu.memory_space<vmem>>, vector<16xi32>,
      %scan3A_2520 = arith.constant 64 : i32
      %dma_start3A_2521 = arith.constant 0 : i32
      %dma_start3A_2522 = arith.constant 0 : i32
      %dma_start3A_2523 = tpu.memref_slice %arg10[%and3A_1793, %dma_start3A_2521, %dma_start3A_2522] : memref<2x1024x16xf32, #tpu.memory_space<vmem>> -> memref<1x1024x16xf32, #tpu.memory_space<vmem>>
      %dma_start3A_2524 = tpu.memref_squeeze %dma_start3A_2523 : memref<1x1024x16xf32, #tpu.memory_space<vmem>> -> memref<1024x16xf32, #tpu.memory_space<vmem>>
      %dma_start3A_2525 = arith.constant 0 : i32
      %dma_start3A_2526 = arith.constant 0 : i32
      %dma_start3A_2527 = tpu.memref_slice %arg4[%dma_start3A_2525, %dma_start3A_2526] : memref<2048x16xf32, #tpu.memory_space<hbm>> -> memref<2048x16xf32, #tpu.memory_space<hbm>>
      tpu.enqueue_indirect_dma source(%dma_start3A_2527 : memref<2048x16xf32, #tpu.memory_space<hbm>>) target(%dma_start3A_2524 : memref<1024x16xf32, #tpu.memory_space<vmem>>) offsets(%arg9 : memref<1024xi32, #tpu.memory_space<vmem>>) semaphore(%arg12 : memref<!tpu.dma_semaphore, #tpu.memory_space<semaphore_mem>>)
      %dma_wait3A_2528 = arith.constant 0 : i32
      %dma_wait3A_2529 = arith.constant 0 : i32
      %dma_wait3A_2530 = tpu.memref_slice %arg10[%and3A_1793, %dma_wait3A_2528, %dma_wait3A_2529] : memref<2x1024x16xf32, #tpu.memory_space<vmem>> -> memref<1x1024x16xf32, #tpu.memory_space<vmem>>
      %dma_wait3A_2531 = tpu.memref_squeeze %dma_wait3A_2530 : memref<1x1024x16xf32, #tpu.memory_space<vmem>> -> memref<1024x16xf32, #tpu.memory_space<vmem>>
      %dma_wait3A_2532 = arith.constant 0 : i32
      %dma_wait3A_2533 = arith.constant 0 : i32
      %dma_wait3A_2534 = tpu.memref_slice %arg4[%dma_wait3A_2532, %dma_wait3A_2533] : memref<2048x16xf32, #tpu.memory_space<hbm>> -> memref<2048x16xf32, #tpu.memory_space<hbm>>
      tpu.wait_indirect_dma semaphore(%arg12 : memref<!tpu.dma_semaphore, #tpu.memory_space<semaphore_mem>>) src(%dma_wait3A_2534 : memref<2048x16xf32, #tpu.memory_space<hbm>>) dst(%dma_wait3A_2531 : memref<1024x16xf32, #tpu.memory_space<vmem>>)
      %dma_start3A_2535 = arith.constant 0 : i32
      %dma_start3A_2536 = arith.constant 0 : i32
      %dma_start3A_2537 = tpu.memref_slice %arg10[%and3A_1793, %dma_start3A_2535, %dma_start3A_2536] : memref<2x1024x16xf32, #tpu.memory_space<vmem>> -> memref<1x1024x16xf32, #tpu.memory_space<vmem>>
      %dma_start3A_2538 = tpu.memref_squeeze %dma_start3A_2537 : memref<1x1024x16xf32, #tpu.memory_space<vmem>> -> memref<1024x16xf32, #tpu.memory_space<vmem>>
      %dma_start3A_2539 = arith.constant 0 : i32
      %dma_start3A_2540 = tpu.memref_slice %arg5[%mul3A_1798, %dma_start3A_2539] : memref<1638400x16xf32, #tpu.memory_space<hbm>> -> memref<1024x16xf32, #tpu.memory_space<hbm>>
      %dma_start3A_2541 = tpu.memref_slice %arg13[%and3A_1793] : memref<2x!tpu.dma_semaphore, #tpu.memory_space<semaphore_mem>> -> memref<1x!tpu.dma_semaphore, #tpu.memory_space<semaphore_mem>>
      %dma_start3A_2542 = tpu.memref_squeeze %dma_start3A_2541 : memref<1x!tpu.dma_semaphore, #tpu.memory_space<semaphore_mem>> -> memref<!tpu.dma_semaphore, #tpu.memory_space<semaphore_mem>>
      %dma_start3A_2543 = arith.constant 0 : i32
      %dma_start3A_2544 = tpu.memref_slice %arg5[%mul3A_1798, %dma_start3A_2543] : memref<1638400x16xf32, #tpu.memory_space<hbm>> -> memref<1024x16xf32, #tpu.memory_space<hbm>>
      %dma_start3A_2545 = arith.constant 0 : i32
      %dma_start3A_2546 = arith.constant 0 : i32
      %dma_start3A_2547 = tpu.memref_slice %arg10[%and3A_1793, %dma_start3A_2545, %dma_start3A_2546] : memref<2x1024x16xf32, #tpu.memory_space<vmem>> -> memref<1x1024x16xf32, #tpu.memory_space<vmem>>
      %dma_start3A_2548 = tpu.memref_squeeze %dma_start3A_2547 : memref<1x1024x16xf32, #tpu.memory_space<vmem>> -> memref<1024x16xf32, #tpu.memory_space<vmem>>
      tpu.enqueue_dma source(%dma_start3A_2548 : memref<1024x16xf32, #tpu.memory_space<vmem>>) target(%dma_start3A_2544 : memref<1024x16xf32, #tpu.memory_space<hbm>>) target_semaphore(%dma_start3A_2542 : memref<!tpu.dma_semaphore, #tpu.memory_space<semaphore_mem>>)
    }
    %scan3A_1755 = arith.constant 50 : i32
    %dma_wait3A = arith.constant 0 : i32
    %dma_wait3A_1756 = arith.constant 0 : i32
    %dma_wait3A_1757 = arith.constant 0 : i32
    %dma_wait3A_1758 = arith.constant 0 : i32
    %dma_wait3A_1759 = tpu.memref_slice %arg10[%dma_wait3A, %dma_wait3A_1757, %dma_wait3A_1758] : memref<2x1024x16xf32, #tpu.memory_space<vmem>> -> memref<1x1024x16xf32, #tpu.memory_space<vmem>>
    %dma_wait3A_1760 = tpu.memref_squeeze %dma_wait3A_1759 : memref<1x1024x16xf32, #tpu.memory_space<vmem>> -> memref<1024x16xf32, #tpu.memory_space<vmem>>
    %dma_wait3A_1761 = arith.constant 0 : i32
    %dma_wait3A_1762 = arith.constant 0 : i32
    %dma_wait3A_1763 = tpu.memref_slice %arg5[%dma_wait3A_1761, %dma_wait3A_1762] : memref<1638400x16xf32, #tpu.memory_space<hbm>> -> memref<1024x16xf32, #tpu.memory_space<hbm>>
    %dma_wait3A_1764 = tpu.memref_slice %arg13[%dma_wait3A_1756] : memref<2x!tpu.dma_semaphore, #tpu.memory_space<semaphore_mem>> -> memref<1x!tpu.dma_semaphore, #tpu.memory_space<semaphore_mem>>
    %dma_wait3A_1765 = tpu.memref_squeeze %dma_wait3A_1764 : memref<1x!tpu.dma_semaphore, #tpu.memory_space<semaphore_mem>> -> memref<!tpu.dma_semaphore, #tpu.memory_space<semaphore_mem>>
    %dma_wait3A_1766 = arith.constant 0 : i32
    %dma_wait3A_1767 = arith.constant 0 : i32
    %dma_wait3A_1768 = tpu.memref_slice %arg5[%dma_wait3A_1766, %dma_wait3A_1767] : memref<1638400x16xf32, #tpu.memory_space<hbm>> -> memref<1024x16xf32, #tpu.memory_space<hbm>>
    %dma_wait3A_1769 = arith.constant 0 : i32
    %dma_wait3A_1770 = arith.constant 0 : i32
    %dma_wait3A_1771 = tpu.memref_slice %arg10[%dma_wait3A, %dma_wait3A_1769, %dma_wait3A_1770] : memref<2x1024x16xf32, #tpu.memory_space<vmem>> -> memref<1x1024x16xf32, #tpu.memory_space<vmem>>
    %dma_wait3A_1772 = tpu.memref_squeeze %dma_wait3A_1771 : memref<1x1024x16xf32, #tpu.memory_space<vmem>> -> memref<1024x16xf32, #tpu.memory_space<vmem>>
    tpu.wait_dma2 semaphore(%dma_wait3A_1765 : memref<!tpu.dma_semaphore, #tpu.memory_space<semaphore_mem>>) src(%dma_wait3A_1772 : memref<1024x16xf32, #tpu.memory_space<vmem>>) dst(%dma_wait3A_1768 : memref<1024x16xf32, #tpu.memory_space<hbm>>)
    %dma_wait3A_1773 = arith.constant 1 : i32
    %dma_wait3A_1774 = arith.constant 1 : i32
    %dma_wait3A_1775 = arith.constant 0 : i32
    %dma_wait3A_1776 = arith.constant 0 : i32
    %dma_wait3A_1777 = tpu.memref_slice %arg10[%dma_wait3A_1773, %dma_wait3A_1775, %dma_wait3A_1776] : memref<2x1024x16xf32, #tpu.memory_space<vmem>> -> memref<1x1024x16xf32, #tpu.memory_space<vmem>>
    %dma_wait3A_1778 = tpu.memref_squeeze %dma_wait3A_1777 : memref<1x1024x16xf32, #tpu.memory_space<vmem>> -> memref<1024x16xf32, #tpu.memory_space<vmem>>
    %dma_wait3A_1779 = arith.constant 0 : i32
    %dma_wait3A_1780 = arith.constant 0 : i32
    %dma_wait3A_1781 = tpu.memref_slice %arg5[%dma_wait3A_1779, %dma_wait3A_1780] : memref<1638400x16xf32, #tpu.memory_space<hbm>> -> memref<1024x16xf32, #tpu.memory_space<hbm>>
    %dma_wait3A_1782 = tpu.memref_slice %arg13[%dma_wait3A_1774] : memref<2x!tpu.dma_semaphore, #tpu.memory_space<semaphore_mem>> -> memref<1x!tpu.dma_semaphore, #tpu.memory_space<semaphore_mem>>
    %dma_wait3A_1783 = tpu.memref_squeeze %dma_wait3A_1782 : memref<1x!tpu.dma_semaphore, #tpu.memory_space<semaphore_mem>> -> memref<!tpu.dma_semaphore, #tpu.memory_space<semaphore_mem>>
    %dma_wait3A_1784 = arith.constant 0 : i32
    %dma_wait3A_1785 = arith.constant 0 : i32
    %dma_wait3A_1786 = tpu.memref_slice %arg5[%dma_wait3A_1784, %dma_wait3A_1785] : memref<1638400x16xf32, #tpu.memory_space<hbm>> -> memref<1024x16xf32, #tpu.memory_space<hbm>>
    %dma_wait3A_1787 = arith.constant 0 : i32
    %dma_wait3A_1788 = arith.constant 0 : i32
    %dma_wait3A_1789 = tpu.memref_slice %arg10[%dma_wait3A_1773, %dma_wait3A_1787, %dma_wait3A_1788] : memref<2x1024x16xf32, #tpu.memory_space<vmem>> -> memref<1x1024x16xf32, #tpu.memory_space<vmem>>
    %dma_wait3A_1790 = tpu.memref_squeeze %dma_wait3A_1789 : memref<1x1024x16xf32, #tpu.memory_space<vmem>> -> memref<1024x16xf32, #tpu.memory_space<vmem>>
    tpu.wait_dma2 semaphore(%dma_wait3A_1783 : memref<!tpu.dma_semaphore, #tpu.memory_space<semaphore_mem>>) src(%dma_wait3A_1790 : memref<1024x16xf32, #tpu.memory_space<vmem>>) dst(%dma_wait3A_1786 : memref<1024x16xf32, #tpu.memory_space<hbm>>)
    return
  }
}

</mosaic_0001>

<sc_bundles>
// kernel: kernel.3.cloned.1.call-start
scs
__scs_entry_jumppad:
0x0: {  	(pc) =	sbr.rel $0x88, $3  }
0x1: {  	(tag) =	ssettag $0x0;
	lr =	simm.s32 $0x1  }
0x2: {  	[smem:$0x3F9E] =	sst lr;
	_ =	strace $0xD0000000  }
0x3: {  	_ = 	snop  }
0x4: {  	_ = 	snop  }
0x5: {  	_ = 	snop  }
0x6: {  	_ = 	snop  }
0x7: {  	_ = 	snop  }
__scs_overlays_trampoline_lowered:
0x8: {  	[smem:$0x3FAD] =	sst s0  }
0x9: {  	[smem:$0x3FAE] =	sst s1  }
0xa: {  	[smem:$0x3FAF] =	sst s2  }
0xb: {  	[smem:$0x3FB0] =	sst s3  }
0xc: {  	[smem:$0x3FB1] =	sst s4  }
0xd: {  	[smem:$0x3FB2] =	sst s5  }
0xe: {  	[smem:$0x3FB3] =	sst s6  }
0xf: {  	[smem:$0x3FB4] =	sst s7  }
0x10: {  	[smem:$0x3FB5] =	sst s8  }
0x11: {  	[smem:$0x3FB6] =	sst s9;
	s0 =	simm.s32 @!p0 $0x0  }
0x12: {  	s1 =	sld [smem:$0x3F9C];
	s0 =	simm.s32 @p0 $0x1  }
0x13: {  	[smem:$0x3FB7] =	sst s0;
	s0 =	simm.s32 @!p1 $0x0  }
0x14: {  	s2 =	sld [smem:$0x3F9B];
	s0 =	simm.s32 @p1 $0x1  }
0x15: {  	[smem:$0x3FB8] =	sst s0;
	s0 =	simm.s32 @!p2 $0x0  }
0x16: {  	s3 =	sld [smem:$0x3FDB];
	s0 =	simm.s32 @p2 $0x1  }
0x17: {  	s4 =	simm.s32 $0x1BF5;
	[smem:$0x3FBA] =	sst s0  }
0x18: {  	s0 =	sld [smem:$0x3F9D];
	_ =	swait.ge [sflag:s4], $0x0  }
0x19: {  	s7 =	sld [smem:$0x3F9E]  }
0x1a: {  	s8 =	sadd.s32 $0xFFFFE003, lr  }
0x1b: {  	s9 =	sadd.s32 $0xFFFFFEF7, lr;
	s5 =	simm.s32 $0xFFFFFFFF;
	p2 =	slt.u32 s8, $0xFFFFF086  }
0x1c: {  	p1 =	slt.u32 s9, $0xF7A;
	s5 =	simm.s32 @!p2 $0x0  }
0x1d: {  	s5 =	simm.s32 @p1 $0x1;
	p0 =	seq.s32 s7, s2  }
0x1e: {  	s7 =	smul.u32 @!p0 $0xF7A, s2;
	p2 =	seq.s32 @!p0 s5, $0x0  }
0x1f: {  	s9 =	smul.u32 $0xF7A, s1;
	s8 =	simm.s32 @!p0 $0x1BF5;
	p2 =	por !p2, p0  }
0x20: {  	[sflag:s8] =	ssyncset.s32 @!p0 $0xFFFFF086;
	s6 =	sadd.s32 @!p0 s3, s7;
	s7 =	simm.s32 @!p0 $0x108  }
0x21: {  	s3 =	sadd.s32 s3, s9;
	s6 =	sadd.s32 @!p0 $0x88, s6;
	s7 =	simm.s32 @p2 $0x1082  }
0x22: {  	[simem:s7], [sflag:s8] =	dma.local @!p0 [hbm:s6], $0xF7A  }
0x23: {  	s9 =	sor.u32 $0xD0000000, s2;
	s6 =	simm.s32 $0x108;
	_ =	swait.ge @!p0 [sflag:s8], $0x0  }
0x24: {  	s3 =	sadd.s32 $0x88, s3;
	s6 =	simm.s32 @!p1 $0x1082;
	[sflag:s4] =	ssyncset.s32 $0xFFFFF086  }
0x25: {  	[simem:s6], [sflag:s4] =	dma.local [hbm:s3], $0xF7A  }
0x26: {  	[smem:$0x3F9E] =	sst s1;
	(tag) =	ssettag s2;
	_ =	strace s9  }
0x27: {  	s1 =	sld [smem:$0x3FAE]  }
0x28: {  	s2 =	sld [smem:$0x3FAF]  }
0x29: {  	s4 =	sld [smem:$0x3FB1]  }
0x2a: {  	p0 =	seq.s32 s5, $0x0;
	s5 =	sld [smem:$0x3FB2]  }
0x2b: {  	s6 =	sld [smem:$0x3FB3]  }
0x2c: {  	s7 =	sld [smem:$0x3FB4]  }
0x2d: {  	s3 =	simm.s32 $0x108;
	s8 =	sld [smem:$0x3FB5]  }
0x2e: {  	s3 =	simm.s32 @!p0 $0x1082;
	s9 =	sld [smem:$0x3FB6]  }
0x2f: {  	lr =	sadd.s32 s0, s3;
	s0 =	sld [smem:$0x3FAD]  }
0x30: {  	s3 =	sld [smem:$0x3FB0]  }
0x31: {  	[smem:$0x3FB9] =	sst s10  }
0x32: {  	s10 =	sld [smem:$0x3FB7];
	_ =	sdelay $0x3  }
0x33: {  	p0 =	seq.s32 s10, $0x1;
	s10 =	sld [smem:$0x3FB9];
	_ =	sdelay $0x3  }
0x34: {  	[smem:$0x3FB9] =	sst s10  }
0x35: {  	s10 =	sld [smem:$0x3FB8];
	_ =	sdelay $0x3  }
0x36: {  	p1 =	seq.s32 s10, $0x1;
	s10 =	sld [smem:$0x3FB9];
	_ =	sdelay $0x3  }
0x37: {  	[smem:$0x3FB9] =	sst s10  }
0x38: {  	s10 =	sld [smem:$0x3FBA]  }
0x39: {  	_ = 	snop;
	(pc) =	sbr.ind lr, $3  }
0x3a: {  	_ = 	snop  }
0x3b: {  	_ = 	snop  }
0x3c: {  	p2 =	seq.s32 s10, $0x1;
	s10 =	sld [smem:$0x3FB9]  }
0x3d: {  	_ =	shalt  }
0x3e: {  	_ =	shalt  }
0x3f: {  	_ =	shalt  }
0x40: {  	_ =	shalt  }
0x41: {  	_ =	shalt  }
0x42: {  	_ =	shalt  }
0x43: {  	_ =	shalt  }
0x44: {  	_ =	shalt  }
0x45: {  	_ =	shalt  }
0x46: {  	_ =	shalt  }
0x47: {  	_ =	shalt  }
0x48: {  	_ =	shalt  }
0x49: {  	_ =	shalt  }
0x4a: {  	_ =	shalt  }
0x4b: {  	_ =	shalt  }
0x4c: {  	_ =	shalt  }
0x4d: {  	_ =	shalt  }
0x4e: {  	_ =	shalt  }
0x4f: {  	_ =	shalt  }
0x50: {  	_ =	shalt  }
0x51: {  	_ =	shalt  }
0x52: {  	_ =	shalt  }
0x53: {  	_ =	shalt  }
0x54: {  	_ =	shalt  }
0x55: {  	_ =	shalt  }
0x56: {  	_ =	shalt  }
0x57: {  	_ =	shalt  }
0x58: {  	_ =	shalt  }
0x59: {  	_ =	shalt  }
0x5a: {  	_ =	shalt  }
0x5b: {  	_ =	shalt  }
0x5c: {  	_ =	shalt  }
0x5d: {  	_ =	shalt  }
0x5e: {  	_ =	shalt  }
0x5f: {  	_ =	shalt  }
0x60: {  	_ =	shalt  }
0x61: {  	_ =	shalt  }
0x62: {  	_ =	shalt  }
0x63: {  	_ =	shalt  }
0x64: {  	_ =	shalt  }
0x65: {  	_ =	shalt  }
0x66: {  	_ =	shalt  }
0x67: {  	_ =	shalt  }
0x68: {  	_ =	shalt  }
0x69: {  	_ =	shalt  }
0x6a: {  	_ =	shalt  }
0x6b: {  	_ =	shalt  }
0x6c: {  	_ =	shalt  }
0x6d: {  	_ =	shalt  }
0x6e: {  	_ =	shalt  }
0x6f: {  	_ =	shalt  }
0x70: {  	_ =	shalt  }
0x71: {  	_ =	shalt  }
0x72: {  	_ =	shalt  }
0x73: {  	_ =	shalt  }
0x74: {  	_ =	shalt  }
0x75: {  	_ =	shalt  }
0x76: {  	_ =	shalt  }
0x77: {  	_ =	shalt  }
0x78: {  	_ =	shalt  }
0x79: {  	_ =	shalt  }
0x7a: {  	_ =	shalt  }
0x7b: {  	_ =	shalt  }
0x7c: {  	_ =	shalt  }
0x7d: {  	_ =	shalt  }
0x7e: {  	_ =	shalt  }
0x7f: {  	_ =	shalt  }
0x80: {  	_ =	shalt  }
0x81: {  	_ =	shalt  }
0x82: {  	_ =	shalt  }
0x83: {  	_ =	shalt  }
0x84: {  	_ =	shalt  }
0x85: {  	_ =	shalt  }
0x86: {  	_ =	shalt  }
0x87: {  	_ =	shalt  }
.Lfunc_end0:
.L_simem_size_0:
called_computation_lowered:
.L_overlay_start_0:
0x88: {  	s2 =	sld [smem:$0x3FD9]  }
0x89: {  	s3 =	sld [smem:$0x3FFE];
	_ =	sdelay $0x1  }
0x8a: {  	s1 =	srdreg.scid  }
0x8b: {  	s0 =	sand.u32 $0x1, s1  }
0x8c: {  	s17 =	sshll.u32 s0, $0xA;
	s2 =	sadd.s32 s3, s2  }
0x8d: {  	s2 =	sadd.s32 s2, s17  }
0x8e: {  	[smem:$0x3FC5] =	sst s2  }
0x8f: {  	_ = 	snop  }
0x90: {  	s2 =	sld [smem:$0x3FD0];
	(tm) =	ssettm $0x1  }
0x91: {  	s18 =	sld [smem:$0x3FFB];
	_ =	sdelay $0x3  }
0x92: {  	_ =	strace s18  }
0x93: {  	s3 =	sld [smem:$0x3FFC];
	_ =	sdelay $0x3  }
0x94: {  	_ =	strace s3  }
0x95: {  	s3 =	sld [smem:$0x3FFD];
	_ =	sdelay $0x3  }
0x96: {  	_ =	strace s3  }
0x97: {  	_ =	strace $0x8FFFFFFF  }
0x98: {  	s19 =	sld [smem:$0x3FDB];
	_ =	sdelay $0x1  }
0x99: {  	s4 =	simm.s32 $_scs_section_size  }
0x9a: {  	s5 =	simm.s32 $_size__tile_overlayer_lowered;
	s6 =	simm.s32 $_tile_overlayer_lowered  }
0x9b: {  	s22 =	simm.s32 $0x1BFF;
	s21 =	sshll.u32 s6, $0x1;
	s3 =	sadd.s32 s4, s19  }
0x9c: {  	s7 =	simm.s32 $0x0;
	s20 =	sshll.u32 s5, $0x1;
	s5 =	sadd.s32 s21, s3  }
0x9d: {  	[timem:s7], [sflag:s22] =	dma.local [hbm:s5], s20  }
0x9e: {  	_ =	swait.ge [sflag:s22], s20  }
0x9f: {  	s4 =	ssub.s32 $0x0, s20;
	[sflag:s22] =	ssyncset.done $0x0  }
0xa0: {  	[sflag:s22] =	ssyncadd.s32 s4;
	_ =	sdelay $0x1  }
0xa1: {  	s23 =	simm.s32 $0x1B8B  }
0xa2: {  	_ =	swait.ge [sflag:s23], $0x1  }
0xa3: {  	[sflag:s23] =	ssyncset.done $0x0  }
0xa4: {  	s25 =	simm.s32 $0x1B8E;
	s24 =	sld [smem:$0x3FFE];
	[sflag:s23] =	ssyncadd.s32 $0xFFFFFFFF  }
0xa5: {  	s26 =	simm.s32 $execute0_lowered;
	[smem:$0x3FD2] =	sst s25  }
0xa6: {  	s5 =	sshll.u32 s26, $0x1;
	_ =	strace $0x80000046;
	[dreg:$0x1] =	wrdreg $0xFFFFFFFF  }
0xa7: {  	s28 =	simm.s32 $_size_execute0_lowered;
	s3 =	sadd.s32 s3, s5;
	[dreg:$0x0] =	wrdreg $0x0  }
0xa8: {  	s5 =	sshll.u32 s28, $0x1;
	[dreg:$0x2] =	wrdreg s3  }
0xa9: {  	[dreg:$0x3] =	wrdreg s5  }
0xaa: {  	[dreg:$0x4] =	wrdreg $0xC0  }
0xab: {  	_ =	task [dreg:s7], $0x5FFFF  }
0xac: {  	[dreg:$0x1] =	wrdreg $0xFFFFFFFF  }
0xad: {  	[dreg:$0x0] =	wrdreg $0x60  }
0xae: {  	[dreg:$0x2] =	wrdreg s24  }
0xaf: {  	[dreg:$0x3] =	wrdreg s2  }
0xb0: {  	[dreg:$0x4] =	wrdreg $0x9  }
0xb1: {  	_ =	task.clear_ibuf [dreg:s7], $0x5FFFF;
	_ =	strace $0x90000046  }
0xb2: {  	s29 =	simm.s32 $0x9;
	_ =	strace $0x80000048  }
0xb3: {  	_ =	swait.ge [sflag:s29], $0x1  }
0xb4: {  	[sflag:s29] =	ssyncadd.s32 $0xFFFFFFFF  }
0xb5: {  	_ =	strace $0x90000048  }
0xb6: {  	_ =	sfence  }
0xb7: {  	s30 =	sld [smem:$0x0];
	_ =	sdelay $0x2  }
0xb8: {  	s31 =	sshll.u32 s1, $0xD;
	s1 =	sshrl.u32 s1, $0x2  }
0xb9: {  	s3 =	sand.u32 $0x4000, s31;
	s1 =	sadd.s32 s1, s30  }
0xba: {  	s0 =	sor.u32 s3, s0;
	s1 =	sshll.u32 s1, $0x11  }
0xbb: {  	s0 =	sor.u32 s1, s0  }
0xbc: {  	s0 =	sadd.s32 $0x8F2B, s0  }
0xbd: {  	[sflag:s0] =	ssyncadd.remote.s32 $0x1  }
0xbe: {  	_ =	sfence.sel $0xFFFF  }
0xbf: {  	[dreg:$0x0] =	wrdreg $0xFFFFFFFF;
	(pc) =	sbr.abs _section_cstart, $3  }
0xc0: {  	[dreg:$0x1] =	wrdreg $0xFFFFFFFF  }
0xc1: {  	_ =	task.clear_ibuf [dreg:s7], $0x2FFFF;
	_ =	strace $0x9FFFFFFF  }
0xc2: {  	(tm) =	ssettm $0x7FFFFFFF  }
0xc3: {  	_ =	shalt  }
tec
execute0_lowered:
.L_overlay_start_1:
0x0: {  	(tag) =	ssettag $0x1  }
0x1: {  	v1 =	vlaneseq.u32  }
0x2: {  	v0 =	vshrl.u32 v1, $0x3;
	v1 =	vand.u32 $0x7, v1  }
0x3: {  	v2 =	vmul.u32 $0x80, v1;
	v3 =	vor.u32 $0x2, v0  }
0x4: {  	v8 =	vor.u32 $0xC, v0;
	v9 =	vor.u32 $0xE, v0;
	v10 =	vor.u32 $0x10, v0  }
0x5: {  	v11 =	vor.u32 $0x12, v0;
	v12 =	vor.u32 $0x14, v0;
	v13 =	vor.u32 $0x16, v0  }
0x6: {  	v14 =	vor.u32 $0x18, v0;
	v15 =	vor.u32 $0x1A, v0;
	v16 =	vor.u32 $0x1C, v0  }
0x7: {  	v17 =	vor.u32 $0x1E, v0;
	v18 =	vor.u32 $0x20, v0;
	v19 =	vor.u32 $0x22, v0  }
0x8: {  	v20 =	vor.u32 $0x24, v0;
	v21 =	vor.u32 $0x26, v0;
	v22 =	vor.u32 $0x28, v0  }
0x9: {  	s4 =	rddreg [dreg:$0x0];
	v23 =	vor.u32 $0x2A, v0;
	v24 =	vor.u32 $0x2C, v0;
	v25 =	vor.u32 $0x2E, v0  }
0xa: {  	s1 =	srdreg.scid;
	s0 =	stileid.u32;
	v26 =	vor.u32 $0x30, v0;
	v27 =	vor.u32 $0x32, v0;
	v28 =	vor.u32 $0x34, v0  }
0xb: {  	s7 =	rddreg [dreg:$0x1];
	s2 =	simm.s32 $0x0;
	s15 =	simm.s32 $0x2;
	v29 =	vor.u32 $0x36, v0;
	v30 =	vor.u32 $0x38, v0;
	v31 =	vor.u32 $0x3A, v0  }
0xc: {  	s16 =	simm.s32 $0x3;
	s17 =	simm.s32 $0x4;
	s8 =	smul.u32 $0x190000, s0;
	v32 =	vor.u32 $0x3C, v0;
	v33 =	vor.u32 $0x3E, v0;
	v34 =	vor.u32 $0x40, v0  }
0xd: {  	s18 =	simm.s32 $0x0;
	s5 =	sand.u32 $0x1, s1;
	s10 =	smul.u32 $0x3200, s0;
	v35 =	vor.u32 $0x42, v0;
	v36 =	vor.u32 $0x44, v0;
	v37 =	vor.u32 $0x46, v0  }
0xe: {  	s3 =	sshll.u32 s0, $0x1;
	s1 =	rddreg [dreg:$0x2];
	s12 =	smul.u32 $0x1900, s5;
	v38 =	vor.u32 $0x48, v0;
	v39 =	vor.u32 $0x4A, v0;
	v40 =	vor.u32 $0x4C, v0  }
0xf: {  	[smem:$0x7FF] =	sst s2;
	s3 =	sor.u32 s5, s3;
	s14 =	smul.u32 $0xC8000, s5;
	v41 =	vor.u32 $0x4E, v0;
	v42 =	vor.u32 $0x50, v0;
	v43 =	vor.u32 $0x52, v0  }
0x10: {  	s9 =	sadd.s32 $0x400, s4;
	s11 =	ssub.s32 $0x2, s5;
	v44 =	vor.u32 $0x54, v0;
	v45 =	vor.u32 $0x56, v0;
	v46 =	vor.u32 $0x58, v0;
	s6 =	smul.u32 $0x1900, s3  }
0x11: {  	v47 =	vor.u32 $0x5A, v0;
	v48 =	vor.u32 $0x5C, v0;
	v49 =	vor.u32 $0x5E, v0;
	s3 =	sadd.s32 $0x7800, s4;
	s4 =	sadd.s32 $0x6800, s4;
	s13 =	sshrl.u32 s11, $0x1  }
0x12: {  	v50 =	vor.u32 $0x60, v0;
	v51 =	vor.u32 $0x62, v0;
	[tilespmem:$0x1FFB0] =	vst v3;
	v3 =	vor.u32 $0x4, v0;
	s11 =	ssub.s32 s11, s13;
	s31 =	sadd.s32 s12, s10;
	s8 =	sadd.s32 s14, s8  }
0x13: {  	v52 =	vor.u32 $0x64, v0;
	v53 =	vor.u32 $0x66, v0;
	[tilespmem:$0x1FFC0] =	vst v3;
	v3 =	vor.u32 $0x6, v0;
	s12 =	simm.s32 $0x900;
	s13 =	simm.s32 $0x1;
	s14 =	simm.s32 $0x1100  }
0x14: {  	v54 =	vor.u32 $0x68, v0;
	v55 =	vor.u32 $0x6A, v0;
	[tilespmem:$0x1FFD0] =	vst v3;
	v3 =	vor.u32 $0x8, v0;
	s30 =	sshrl.u32 s6, $0x3;
	s10 =	sor.u32 $0x80, s31;
	s6 =	smax.u32 s11, $0x1  }
0x15: {  	v56 =	vor.u32 $0x6C, v0;
	v57 =	vor.u32 $0x6E, v0;
	s8 =	sshrl.u32 s8, $0x3;
	s11 =	simm.s32 $0x100;
	[tilespmem:$0x1FFE0] =	vst v3;
	v3 =	vor.u32 $0xA, v0;
	s10 =	sshrl.u32 s10, $0x3  }
0x16: {  	v58 =	vor.u32 $0x70, v0;
	v59 =	vor.u32 $0x72, v0;
	v60 =	vor.u32 $0x74, v0;
	s5 =	sadd.s32 s9, s30;
	s7 =	sadd.s32 s8, s7;
	[tilespmem:$0x1FFF0] =	vst v3;
	s8 =	sadd.s32 s10, s9  }
0x17: {  	v61 =	vor.u32 $0x76, v0;
	v62 =	vor.u32 $0x78, v0;
	v63 =	vor.u32 $0x7A, v0;
	s9 =	simm.s32 $0x5;
	s10 =	simm.s32 $0x400;
	_ =	strace $0x80000047  }
.LBB2_1:
0x18: {  	[tilespmem:s2], [sflag:$0x5] =	stream.linear.gather [hbm4b:s5+s2], $0x80, $0x38;
	[tilespmem:$0x9500] =	vst v63  }
0x19: {  	_ =	swait.ge [sflag:s9], $0x80  }
0x1a: {  	[sflag:s9] =	ssyncset.done $0x0  }
0x1b: {  	[sflag:s9] =	ssyncadd.s32 $0xFFFFFF80  }
0x1c: {  	v3 =	vld.idx.msk [tilespmem:v0+s2+$0x0], $0xffff;
	_ =	sdelay $0x4  }
0x1d: {  	v4 =	vshll.u32 v3, $0x3  }
0x1e: {  	v3 =	vand.u32 $0x7F, v3;
	v4 =	vand.u32 $0xFFFFFC00, v4  }
0x1f: {  	v3 =	vor.u32 v4, v3  }
0x20: {  	v3 =	vor.u32 v2, v3  }
0x21: {  	[tilespmem:$0x100] =	vst v3;
	v3 =	vld [tilespmem:$0x1FFB0];
	_ =	sdelay $0x7  }
0x22: {  	v3 =	vld.idx.msk [tilespmem:v3+s2+$0x0], $0xffff;
	_ =	sdelay $0x4  }
0x23: {  	v4 =	vshll.u32 v3, $0x3  }
0x24: {  	v3 =	vand.u32 $0x7F, v3;
	v4 =	vand.u32 $0xFFFFFC00, v4  }
0x25: {  	v3 =	vor.u32 v4, v3  }
0x26: {  	v3 =	vor.u32 v2, v3  }
0x27: {  	[tilespmem:$0x110] =	vst v3;
	v3 =	vld [tilespmem:$0x1FFC0];
	_ =	sdelay $0x7  }
0x28: {  	v3 =	vld.idx.msk [tilespmem:v3+s2+$0x0], $0xffff;
	_ =	sdelay $0x4  }
0x29: {  	v4 =	vshll.u32 v3, $0x3  }
0x2a: {  	v3 =	vand.u32 $0x7F, v3;
	v4 =	vand.u32 $0xFFFFFC00, v4  }
0x2b: {  	v3 =	vor.u32 v4, v3  }
0x2c: {  	v3 =	vor.u32 v2, v3  }
0x2d: {  	[tilespmem:$0x120] =	vst v3;
	v3 =	vld [tilespmem:$0x1FFD0];
	_ =	sdelay $0x7  }
0x2e: {  	v3 =	vld.idx.msk [tilespmem:v3+s2+$0x0], $0xffff;
	_ =	sdelay $0x4  }
0x2f: {  	v4 =	vshll.u32 v3, $0x3  }
0x30: {  	v3 =	vand.u32 $0x7F, v3;
	v4 =	vand.u32 $0xFFFFFC00, v4  }
0x31: {  	v3 =	vor.u32 v4, v3  }
0x32: {  	v3 =	vor.u32 v2, v3  }
0x33: {  	[tilespmem:$0x130] =	vst v3;
	v3 =	vld [tilespmem:$0x1FFE0];
	_ =	sdelay $0x7  }
0x34: {  	v3 =	vld.idx.msk [tilespmem:v3+s2+$0x0], $0xffff;
	_ =	sdelay $0x4  }
0x35: {  	v4 =	vshll.u32 v3, $0x3  }
0x36: {  	v3 =	vand.u32 $0x7F, v3;
	v4 =	vand.u32 $0xFFFFFC00, v4  }
0x37: {  	v3 =	vor.u32 v4, v3  }
0x38: {  	v3 =	vor.u32 v2, v3  }
0x39: {  	[tilespmem:$0x140] =	vst v3;
	v3 =	vld [tilespmem:$0x1FFF0];
	_ =	sdelay $0x7  }
0x3a: {  	v3 =	vld.idx.msk [tilespmem:v3+s2+$0x0], $0xffff;
	_ =	sdelay $0x4  }
0x3b: {  	v4 =	vshll.u32 v3, $0x3  }
0x3c: {  	v3 =	vand.u32 $0x7F, v3;
	v4 =	vand.u32 $0xFFFFFC00, v4  }
0x3d: {  	v3 =	vor.u32 v4, v3  }
0x3e: {  	v3 =	vor.u32 v2, v3  }
0x3f: {  	[tilespmem:$0x150] =	vst v3  }
0x40: {  	v3 =	vld.idx.msk [tilespmem:v8+s2+$0x0], $0xffff;
	_ =	sdelay $0x4  }
0x41: {  	v4 =	vshll.u32 v3, $0x3  }
0x42: {  	v3 =	vand.u32 $0x7F, v3;
	v4 =	vand.u32 $0xFFFFFC00, v4  }
0x43: {  	v3 =	vor.u32 v4, v3  }
0x44: {  	v3 =	vor.u32 v2, v3  }
0x45: {  	[tilespmem:$0x160] =	vst v3  }
0x46: {  	v3 =	vld.idx.msk [tilespmem:v9+s2+$0x0], $0xffff;
	_ =	sdelay $0x4  }
0x47: {  	v4 =	vshll.u32 v3, $0x3  }
0x48: {  	v3 =	vand.u32 $0x7F, v3;
	v4 =	vand.u32 $0xFFFFFC00, v4  }
0x49: {  	v3 =	vor.u32 v4, v3  }
0x4a: {  	v3 =	vor.u32 v2, v3  }
0x4b: {  	[tilespmem:$0x170] =	vst v3  }
0x4c: {  	v3 =	vld.idx.msk [tilespmem:v10+s2+$0x0], $0xffff;
	_ =	sdelay $0x4  }
0x4d: {  	v4 =	vshll.u32 v3, $0x3  }
0x4e: {  	v3 =	vand.u32 $0x7F, v3;
	v4 =	vand.u32 $0xFFFFFC00, v4  }
0x4f: {  	v3 =	vor.u32 v4, v3  }
0x50: {  	v3 =	vor.u32 v2, v3  }
0x51: {  	[tilespmem:$0x180] =	vst v3  }
0x52: {  	v3 =	vld.idx.msk [tilespmem:v11+s2+$0x0], $0xffff;
	_ =	sdelay $0x4  }
0x53: {  	v4 =	vshll.u32 v3, $0x3  }
0x54: {  	v3 =	vand.u32 $0x7F, v3;
	v4 =	vand.u32 $0xFFFFFC00, v4  }
0x55: {  	v3 =	vor.u32 v4, v3  }
0x56: {  	v3 =	vor.u32 v2, v3  }
0x57: {  	[tilespmem:$0x190] =	vst v3  }
0x58: {  	v3 =	vld.idx.msk [tilespmem:v12+s2+$0x0], $0xffff;
	_ =	sdelay $0x4  }
0x59: {  	v4 =	vshll.u32 v3, $0x3  }
0x5a: {  	v3 =	vand.u32 $0x7F, v3;
	v4 =	vand.u32 $0xFFFFFC00, v4  }
0x5b: {  	v3 =	vor.u32 v4, v3  }
0x5c: {  	v3 =	vor.u32 v2, v3  }
0x5d: {  	[tilespmem:$0x1A0] =	vst v3  }
0x5e: {  	v3 =	vld.idx.msk [tilespmem:v13+s2+$0x0], $0xffff;
	_ =	sdelay $0x4  }
0x5f: {  	v4 =	vshll.u32 v3, $0x3  }
0x60: {  	v3 =	vand.u32 $0x7F, v3;
	v4 =	vand.u32 $0xFFFFFC00, v4  }
0x61: {  	v3 =	vor.u32 v4, v3  }
0x62: {  	v3 =	vor.u32 v2, v3  }
0x63: {  	[tilespmem:$0x1B0] =	vst v3  }
0x64: {  	v3 =	vld.idx.msk [tilespmem:v14+s2+$0x0], $0xffff;
	_ =	sdelay $0x4  }
0x65: {  	v4 =	vshll.u32 v3, $0x3  }
0x66: {  	v3 =	vand.u32 $0x7F, v3;
	v4 =	vand.u32 $0xFFFFFC00, v4  }
0x67: {  	v3 =	vor.u32 v4, v3  }
0x68: {  	v3 =	vor.u32 v2, v3  }
0x69: {  	[tilespmem:$0x1C0] =	vst v3  }
0x6a: {  	v3 =	vld.idx.msk [tilespmem:v15+s2+$0x0], $0xffff;
	_ =	sdelay $0x4  }
0x6b: {  	v4 =	vshll.u32 v3, $0x3  }
0x6c: {  	v3 =	vand.u32 $0x7F, v3;
	v4 =	vand.u32 $0xFFFFFC00, v4  }
0x6d: {  	v3 =	vor.u32 v4, v3  }
0x6e: {  	v3 =	vor.u32 v2, v3  }
0x6f: {  	[tilespmem:$0x1D0] =	vst v3  }
0x70: {  	v3 =	vld.idx.msk [tilespmem:v16+s2+$0x0], $0xffff;
	_ =	sdelay $0x4  }
0x71: {  	v4 =	vshll.u32 v3, $0x3  }
0x72: {  	v3 =	vand.u32 $0x7F, v3;
	v4 =	vand.u32 $0xFFFFFC00, v4  }
0x73: {  	v3 =	vor.u32 v4, v3  }
0x74: {  	v3 =	vor.u32 v2, v3  }
0x75: {  	[tilespmem:$0x1E0] =	vst v3  }
0x76: {  	v3 =	vld.idx.msk [tilespmem:v17+s2+$0x0], $0xffff;
	_ =	sdelay $0x4  }
0x77: {  	v4 =	vshll.u32 v3, $0x3  }
0x78: {  	v3 =	vand.u32 $0x7F, v3;
	v4 =	vand.u32 $0xFFFFFC00, v4  }
0x79: {  	v3 =	vor.u32 v4, v3  }
0x7a: {  	v3 =	vor.u32 v2, v3  }
0x7b: {  	[tilespmem:$0x1F0] =	vst v3  }
0x7c: {  	v3 =	vld.idx.msk [tilespmem:v18+s2+$0x0], $0xffff;
	_ =	sdelay $0x4  }
0x7d: {  	v4 =	vshll.u32 v3, $0x3  }
0x7e: {  	v3 =	vand.u32 $0x7F, v3;
	v4 =	vand.u32 $0xFFFFFC00, v4  }
0x7f: {  	v3 =	vor.u32 v4, v3  }
0x80: {  	v3 =	vor.u32 v2, v3  }
0x81: {  	[tilespmem:$0x200] =	vst v3  }
0x82: {  	v3 =	vld.idx.msk [tilespmem:v19+s2+$0x0], $0xffff;
	_ =	sdelay $0x4  }
0x83: {  	v4 =	vshll.u32 v3, $0x3  }
0x84: {  	v3 =	vand.u32 $0x7F, v3;
	v4 =	vand.u32 $0xFFFFFC00, v4  }
0x85: {  	v3 =	vor.u32 v4, v3  }
0x86: {  	v3 =	vor.u32 v2, v3  }
0x87: {  	[tilespmem:$0x210] =	vst v3  }
0x88: {  	v3 =	vld.idx.msk [tilespmem:v20+s2+$0x0], $0xffff;
	_ =	sdelay $0x4  }
0x89: {  	v4 =	vshll.u32 v3, $0x3  }
0x8a: {  	v3 =	vand.u32 $0x7F, v3;
	v4 =	vand.u32 $0xFFFFFC00, v4  }
0x8b: {  	v3 =	vor.u32 v4, v3  }
0x8c: {  	v3 =	vor.u32 v2, v3  }
0x8d: {  	[tilespmem:$0x220] =	vst v3  }
0x8e: {  	v3 =	vld.idx.msk [tilespmem:v21+s2+$0x0], $0xffff;
	_ =	sdelay $0x4  }
0x8f: {  	v4 =	vshll.u32 v3, $0x3  }
0x90: {  	v3 =	vand.u32 $0x7F, v3;
	v4 =	vand.u32 $0xFFFFFC00, v4  }
0x91: {  	v3 =	vor.u32 v4, v3  }
0x92: {  	v3 =	vor.u32 v2, v3  }
0x93: {  	[tilespmem:$0x230] =	vst v3  }
0x94: {  	v3 =	vld.idx.msk [tilespmem:v22+s2+$0x0], $0xffff;
	_ =	sdelay $0x4  }
0x95: {  	v4 =	vshll.u32 v3, $0x3  }
0x96: {  	v3 =	vand.u32 $0x7F, v3;
	v4 =	vand.u32 $0xFFFFFC00, v4  }
0x97: {  	v3 =	vor.u32 v4, v3  }
0x98: {  	v3 =	vor.u32 v2, v3  }
0x99: {  	[tilespmem:$0x240] =	vst v3  }
0x9a: {  	v3 =	vld.idx.msk [tilespmem:v23+s2+$0x0], $0xffff;
	_ =	sdelay $0x4  }
0x9b: {  	v4 =	vshll.u32 v3, $0x3  }
0x9c: {  	v3 =	vand.u32 $0x7F, v3;
	v4 =	vand.u32 $0xFFFFFC00, v4  }
0x9d: {  	v3 =	vor.u32 v4, v3  }
0x9e: {  	v3 =	vor.u32 v2, v3  }
0x9f: {  	[tilespmem:$0x250] =	vst v3  }
0xa0: {  	v3 =	vld.idx.msk [tilespmem:v24+s2+$0x0], $0xffff;
	_ =	sdelay $0x4  }
0xa1: {  	v4 =	vshll.u32 v3, $0x3  }
0xa2: {  	v3 =	vand.u32 $0x7F, v3;
	v4 =	vand.u32 $0xFFFFFC00, v4  }
0xa3: {  	v3 =	vor.u32 v4, v3  }
0xa4: {  	v3 =	vor.u32 v2, v3  }
0xa5: {  	[tilespmem:$0x260] =	vst v3  }
0xa6: {  	v3 =	vld.idx.msk [tilespmem:v25+s2+$0x0], $0xffff;
	_ =	sdelay $0x4  }
0xa7: {  	v4 =	vshll.u32 v3, $0x3  }
0xa8: {  	v3 =	vand.u32 $0x7F, v3;
	v4 =	vand.u32 $0xFFFFFC00, v4  }
0xa9: {  	v3 =	vor.u32 v4, v3  }
0xaa: {  	v3 =	vor.u32 v2, v3  }
0xab: {  	[tilespmem:$0x270] =	vst v3  }
0xac: {  	v3 =	vld.idx.msk [tilespmem:v26+s2+$0x0], $0xffff;
	_ =	sdelay $0x4  }
0xad: {  	v4 =	vshll.u32 v3, $0x3  }
0xae: {  	v3 =	vand.u32 $0x7F, v3;
	v4 =	vand.u32 $0xFFFFFC00, v4  }
0xaf: {  	v3 =	vor.u32 v4, v3  }
0xb0: {  	v3 =	vor.u32 v2, v3  }
0xb1: {  	[tilespmem:$0x280] =	vst v3  }
0xb2: {  	v3 =	vld.idx.msk [tilespmem:v27+s2+$0x0], $0xffff;
	_ =	sdelay $0x4  }
0xb3: {  	v4 =	vshll.u32 v3, $0x3  }
0xb4: {  	v3 =	vand.u32 $0x7F, v3;
	v4 =	vand.u32 $0xFFFFFC00, v4  }
0xb5: {  	v3 =	vor.u32 v4, v3  }
0xb6: {  	v3 =	vor.u32 v2, v3  }
0xb7: {  	[tilespmem:$0x290] =	vst v3  }
0xb8: {  	v3 =	vld.idx.msk [tilespmem:v28+s2+$0x0], $0xffff;
	_ =	sdelay $0x4  }
0xb9: {  	v4 =	vshll.u32 v3, $0x3  }
0xba: {  	v3 =	vand.u32 $0x7F, v3;
	v4 =	vand.u32 $0xFFFFFC00, v4  }
0xbb: {  	v3 =	vor.u32 v4, v3  }
0xbc: {  	v3 =	vor.u32 v2, v3  }
0xbd: {  	[tilespmem:$0x2A0] =	vst v3  }
0xbe: {  	v3 =	vld.idx.msk [tilespmem:v29+s2+$0x0], $0xffff;
	_ =	sdelay $0x4  }
0xbf: {  	v4 =	vshll.u32 v3, $0x3  }
0xc0: {  	v3 =	vand.u32 $0x7F, v3;
	v4 =	vand.u32 $0xFFFFFC00, v4  }
0xc1: {  	v3 =	vor.u32 v4, v3  }
0xc2: {  	v3 =	vor.u32 v2, v3  }
0xc3: {  	[tilespmem:$0x2B0] =	vst v3  }
0xc4: {  	v3 =	vld.idx.msk [tilespmem:v30+s2+$0x0], $0xffff;
	_ =	sdelay $0x4  }
0xc5: {  	v4 =	vshll.u32 v3, $0x3  }
0xc6: {  	v3 =	vand.u32 $0x7F, v3;
	v4 =	vand.u32 $0xFFFFFC00, v4  }
0xc7: {  	v3 =	vor.u32 v4, v3  }
0xc8: {  	v3 =	vor.u32 v2, v3  }
0xc9: {  	[tilespmem:$0x2C0] =	vst v3  }
0xca: {  	v3 =	vld.idx.msk [tilespmem:v31+s2+$0x0], $0xffff;
	_ =	sdelay $0x4  }
0xcb: {  	v4 =	vshll.u32 v3, $0x3  }
0xcc: {  	v3 =	vand.u32 $0x7F, v3;
	v4 =	vand.u32 $0xFFFFFC00, v4  }
0xcd: {  	v3 =	vor.u32 v4, v3  }
0xce: {  	v3 =	vor.u32 v2, v3  }
0xcf: {  	[tilespmem:$0x2D0] =	vst v3  }
0xd0: {  	v3 =	vld.idx.msk [tilespmem:v32+s2+$0x0], $0xffff;
	_ =	sdelay $0x4  }
0xd1: {  	v4 =	vshll.u32 v3, $0x3  }
0xd2: {  	v3 =	vand.u32 $0x7F, v3;
	v4 =	vand.u32 $0xFFFFFC00, v4  }
0xd3: {  	v3 =	vor.u32 v4, v3  }
0xd4: {  	v3 =	vor.u32 v2, v3  }
0xd5: {  	[tilespmem:$0x2E0] =	vst v3  }
0xd6: {  	v3 =	vld.idx.msk [tilespmem:v33+s2+$0x0], $0xffff;
	_ =	sdelay $0x4  }
0xd7: {  	v4 =	vshll.u32 v3, $0x3  }
0xd8: {  	v3 =	vand.u32 $0x7F, v3;
	v4 =	vand.u32 $0xFFFFFC00, v4  }
0xd9: {  	v3 =	vor.u32 v4, v3  }
0xda: {  	v3 =	vor.u32 v2, v3  }
0xdb: {  	[tilespmem:$0x2F0] =	vst v3  }
0xdc: {  	v3 =	vld.idx.msk [tilespmem:v34+s2+$0x0], $0xffff;
	_ =	sdelay $0x4  }
0xdd: {  	v4 =	vshll.u32 v3, $0x3  }
0xde: {  	v3 =	vand.u32 $0x7F, v3;
	v4 =	vand.u32 $0xFFFFFC00, v4  }
0xdf: {  	v3 =	vor.u32 v4, v3  }
0xe0: {  	v3 =	vor.u32 v2, v3  }
0xe1: {  	[tilespmem:$0x300] =	vst v3  }
0xe2: {  	v3 =	vld.idx.msk [tilespmem:v35+s2+$0x0], $0xffff;
	_ =	sdelay $0x4  }
0xe3: {  	v4 =	vshll.u32 v3, $0x3  }
0xe4: {  	v3 =	vand.u32 $0x7F, v3;
	v4 =	vand.u32 $0xFFFFFC00, v4  }
0xe5: {  	v3 =	vor.u32 v4, v3  }
0xe6: {  	v3 =	vor.u32 v2, v3  }
0xe7: {  	[tilespmem:$0x310] =	vst v3  }
0xe8: {  	v3 =	vld.idx.msk [tilespmem:v36+s2+$0x0], $0xffff;
	_ =	sdelay $0x4  }
0xe9: {  	v4 =	vshll.u32 v3, $0x3  }
0xea: {  	v3 =	vand.u32 $0x7F, v3;
	v4 =	vand.u32 $0xFFFFFC00, v4  }
0xeb: {  	v3 =	vor.u32 v4, v3  }
0xec: {  	v3 =	vor.u32 v2, v3  }
0xed: {  	[tilespmem:$0x320] =	vst v3  }
0xee: {  	v3 =	vld.idx.msk [tilespmem:v37+s2+$0x0], $0xffff;
	_ =	sdelay $0x4  }
0xef: {  	v4 =	vshll.u32 v3, $0x3  }
0xf0: {  	v3 =	vand.u32 $0x7F, v3;
	v4 =	vand.u32 $0xFFFFFC00, v4  }
0xf1: {  	v3 =	vor.u32 v4, v3  }
0xf2: {  	v3 =	vor.u32 v2, v3  }
0xf3: {  	[tilespmem:$0x330] =	vst v3  }
0xf4: {  	v3 =	vld.idx.msk [tilespmem:v38+s2+$0x0], $0xffff;
	_ =	sdelay $0x4  }
0xf5: {  	v4 =	vshll.u32 v3, $0x3  }
0xf6: {  	v3 =	vand.u32 $0x7F, v3;
	v4 =	vand.u32 $0xFFFFFC00, v4  }
0xf7: {  	v3 =	vor.u32 v4, v3  }
0xf8: {  	v3 =	vor.u32 v2, v3  }
0xf9: {  	[tilespmem:$0x340] =	vst v3  }
0xfa: {  	v3 =	vld.idx.msk [tilespmem:v39+s2+$0x0], $0xffff;
	_ =	sdelay $0x4  }
0xfb: {  	v4 =	vshll.u32 v3, $0x3  }
0xfc: {  	v3 =	vand.u32 $0x7F, v3;
	v4 =	vand.u32 $0xFFFFFC00, v4  }
0xfd: {  	v3 =	vor.u32 v4, v3  }
0xfe: {  	v3 =	vor.u32 v2, v3  }
0xff: {  	[tilespmem:$0x350] =	vst v3  }
0x100: {  	v3 =	vld.idx.msk [tilespmem:v40+s2+$0x0], $0xffff;
	_ =	sdelay $0x4  }
0x101: {  	v4 =	vshll.u32 v3, $0x3  }
0x102: {  	v3 =	vand.u32 $0x7F, v3;
	v4 =	vand.u32 $0xFFFFFC00, v4  }
0x103: {  	v3 =	vor.u32 v4, v3  }
0x104: {  	v3 =	vor.u32 v2, v3  }
0x105: {  	[tilespmem:$0x360] =	vst v3  }
0x106: {  	v3 =	vld.idx.msk [tilespmem:v41+s2+$0x0], $0xffff;
	_ =	sdelay $0x4  }
0x107: {  	v4 =	vshll.u32 v3, $0x3  }
0x108: {  	v3 =	vand.u32 $0x7F, v3;
	v4 =	vand.u32 $0xFFFFFC00, v4  }
0x109: {  	v3 =	vor.u32 v4, v3  }
0x10a: {  	v3 =	vor.u32 v2, v3  }
0x10b: {  	[tilespmem:$0x370] =	vst v3  }
0x10c: {  	v3 =	vld.idx.msk [tilespmem:v42+s2+$0x0], $0xffff;
	_ =	sdelay $0x4  }
0x10d: {  	v4 =	vshll.u32 v3, $0x3  }
0x10e: {  	v3 =	vand.u32 $0x7F, v3;
	v4 =	vand.u32 $0xFFFFFC00, v4  }
0x10f: {  	v3 =	vor.u32 v4, v3  }
0x110: {  	v3 =	vor.u32 v2, v3  }
0x111: {  	[tilespmem:$0x380] =	vst v3  }
0x112: {  	v3 =	vld.idx.msk [tilespmem:v43+s2+$0x0], $0xffff;
	_ =	sdelay $0x4  }
0x113: {  	v4 =	vshll.u32 v3, $0x3  }
0x114: {  	v3 =	vand.u32 $0x7F, v3;
	v4 =	vand.u32 $0xFFFFFC00, v4  }
0x115: {  	v3 =	vor.u32 v4, v3  }
0x116: {  	v3 =	vor.u32 v2, v3  }
0x117: {  	[tilespmem:$0x390] =	vst v3  }
0x118: {  	v3 =	vld.idx.msk [tilespmem:v44+s2+$0x0], $0xffff;
	_ =	sdelay $0x4  }
0x119: {  	v4 =	vshll.u32 v3, $0x3  }
0x11a: {  	v3 =	vand.u32 $0x7F, v3;
	v4 =	vand.u32 $0xFFFFFC00, v4  }
0x11b: {  	v3 =	vor.u32 v4, v3  }
0x11c: {  	v3 =	vor.u32 v2, v3  }
0x11d: {  	[tilespmem:$0x3A0] =	vst v3  }
0x11e: {  	v3 =	vld.idx.msk [tilespmem:v45+s2+$0x0], $0xffff;
	_ =	sdelay $0x4  }
0x11f: {  	v4 =	vshll.u32 v3, $0x3  }
0x120: {  	v3 =	vand.u32 $0x7F, v3;
	v4 =	vand.u32 $0xFFFFFC00, v4  }
0x121: {  	v3 =	vor.u32 v4, v3  }
0x122: {  	v3 =	vor.u32 v2, v3  }
0x123: {  	[tilespmem:$0x3B0] =	vst v3  }
0x124: {  	v3 =	vld.idx.msk [tilespmem:v46+s2+$0x0], $0xffff;
	_ =	sdelay $0x4  }
0x125: {  	v4 =	vshll.u32 v3, $0x3  }
0x126: {  	v3 =	vand.u32 $0x7F, v3;
	v4 =	vand.u32 $0xFFFFFC00, v4  }
0x127: {  	v3 =	vor.u32 v4, v3  }
0x128: {  	v3 =	vor.u32 v2, v3  }
0x129: {  	[tilespmem:$0x3C0] =	vst v3  }
0x12a: {  	v3 =	vld.idx.msk [tilespmem:v47+s2+$0x0], $0xffff;
	_ =	sdelay $0x4  }
0x12b: {  	v4 =	vshll.u32 v3, $0x3  }
0x12c: {  	v3 =	vand.u32 $0x7F, v3;
	v4 =	vand.u32 $0xFFFFFC00, v4  }
0x12d: {  	v3 =	vor.u32 v4, v3  }
0x12e: {  	v3 =	vor.u32 v2, v3  }
0x12f: {  	[tilespmem:$0x3D0] =	vst v3  }
0x130: {  	v3 =	vld.idx.msk [tilespmem:v48+s2+$0x0], $0xffff;
	_ =	sdelay $0x4  }
0x131: {  	v4 =	vshll.u32 v3, $0x3  }
0x132: {  	v3 =	vand.u32 $0x7F, v3;
	v4 =	vand.u32 $0xFFFFFC00, v4  }
0x133: {  	v3 =	vor.u32 v4, v3  }
0x134: {  	v3 =	vor.u32 v2, v3  }
0x135: {  	[tilespmem:$0x3E0] =	vst v3  }
0x136: {  	v3 =	vld.idx.msk [tilespmem:v49+s2+$0x0], $0xffff;
	_ =	sdelay $0x4  }
0x137: {  	v4 =	vshll.u32 v3, $0x3  }
0x138: {  	v3 =	vand.u32 $0x7F, v3;
	v4 =	vand.u32 $0xFFFFFC00, v4  }
0x139: {  	v3 =	vor.u32 v4, v3  }
0x13a: {  	v3 =	vor.u32 v2, v3  }
0x13b: {  	[tilespmem:$0x3F0] =	vst v3  }
0x13c: {  	v3 =	vld.idx.msk [tilespmem:v50+s2+$0x0], $0xffff;
	_ =	sdelay $0x4  }
0x13d: {  	v4 =	vshll.u32 v3, $0x3  }
0x13e: {  	v3 =	vand.u32 $0x7F, v3;
	v4 =	vand.u32 $0xFFFFFC00, v4  }
0x13f: {  	v3 =	vor.u32 v4, v3  }
0x140: {  	v3 =	vor.u32 v2, v3  }
0x141: {  	[tilespmem:$0x400] =	vst v3  }
0x142: {  	v3 =	vld.idx.msk [tilespmem:v51+s2+$0x0], $0xffff;
	_ =	sdelay $0x4  }
0x143: {  	v4 =	vshll.u32 v3, $0x3  }
0x144: {  	v3 =	vand.u32 $0x7F, v3;
	v4 =	vand.u32 $0xFFFFFC00, v4  }
0x145: {  	v3 =	vor.u32 v4, v3  }
0x146: {  	v3 =	vor.u32 v2, v3  }
0x147: {  	[tilespmem:$0x410] =	vst v3  }
0x148: {  	v3 =	vld.idx.msk [tilespmem:v52+s2+$0x0], $0xffff;
	_ =	sdelay $0x4  }
0x149: {  	v4 =	vshll.u32 v3, $0x3  }
0x14a: {  	v3 =	vand.u32 $0x7F, v3;
	v4 =	vand.u32 $0xFFFFFC00, v4  }
0x14b: {  	v3 =	vor.u32 v4, v3  }
0x14c: {  	v3 =	vor.u32 v2, v3  }
0x14d: {  	[tilespmem:$0x420] =	vst v3  }
0x14e: {  	v3 =	vld.idx.msk [tilespmem:v53+s2+$0x0], $0xffff;
	_ =	sdelay $0x4  }
0x14f: {  	v4 =	vshll.u32 v3, $0x3  }
0x150: {  	v3 =	vand.u32 $0x7F, v3;
	v4 =	vand.u32 $0xFFFFFC00, v4  }
0x151: {  	v3 =	vor.u32 v4, v3  }
0x152: {  	v3 =	vor.u32 v2, v3  }
0x153: {  	[tilespmem:$0x430] =	vst v3  }
0x154: {  	v3 =	vld.idx.msk [tilespmem:v54+s2+$0x0], $0xffff;
	_ =	sdelay $0x4  }
0x155: {  	v4 =	vshll.u32 v3, $0x3  }
0x156: {  	v3 =	vand.u32 $0x7F, v3;
	v4 =	vand.u32 $0xFFFFFC00, v4  }
0x157: {  	v3 =	vor.u32 v4, v3  }
0x158: {  	v3 =	vor.u32 v2, v3  }
0x159: {  	[tilespmem:$0x440] =	vst v3  }
0x15a: {  	v3 =	vld.idx.msk [tilespmem:v55+s2+$0x0], $0xffff;
	_ =	sdelay $0x4  }
0x15b: {  	v4 =	vshll.u32 v3, $0x3  }
0x15c: {  	v3 =	vand.u32 $0x7F, v3;
	v4 =	vand.u32 $0xFFFFFC00, v4  }
0x15d: {  	v3 =	vor.u32 v4, v3  }
0x15e: {  	v3 =	vor.u32 v2, v3  }
0x15f: {  	[tilespmem:$0x450] =	vst v3  }
0x160: {  	v3 =	vld.idx.msk [tilespmem:v56+s2+$0x0], $0xffff;
	_ =	sdelay $0x4  }
0x161: {  	v4 =	vshll.u32 v3, $0x3  }
0x162: {  	v3 =	vand.u32 $0x7F, v3;
	v4 =	vand.u32 $0xFFFFFC00, v4  }
0x163: {  	v3 =	vor.u32 v4, v3  }
0x164: {  	v3 =	vor.u32 v2, v3  }
0x165: {  	[tilespmem:$0x460] =	vst v3  }
0x166: {  	v3 =	vld.idx.msk [tilespmem:v57+s2+$0x0], $0xffff;
	_ =	sdelay $0x4  }
0x167: {  	v4 =	vshll.u32 v3, $0x3  }
0x168: {  	v3 =	vand.u32 $0x7F, v3;
	v4 =	vand.u32 $0xFFFFFC00, v4  }
0x169: {  	v3 =	vor.u32 v4, v3  }
0x16a: {  	v3 =	vor.u32 v2, v3  }
0x16b: {  	[tilespmem:$0x470] =	vst v3  }
0x16c: {  	v3 =	vld.idx.msk [tilespmem:v58+s2+$0x0], $0xffff;
	_ =	sdelay $0x4  }
0x16d: {  	v4 =	vshll.u32 v3, $0x3  }
0x16e: {  	v3 =	vand.u32 $0x7F, v3;
	v4 =	vand.u32 $0xFFFFFC00, v4  }
0x16f: {  	v3 =	vor.u32 v4, v3  }
0x170: {  	v3 =	vor.u32 v2, v3  }
0x171: {  	[tilespmem:$0x480] =	vst v3  }
0x172: {  	v3 =	vld.idx.msk [tilespmem:v59+s2+$0x0], $0xffff;
	_ =	sdelay $0x4  }
0x173: {  	v4 =	vshll.u32 v3, $0x3  }
0x174: {  	v3 =	vand.u32 $0x7F, v3;
	v4 =	vand.u32 $0xFFFFFC00, v4  }
0x175: {  	v3 =	vor.u32 v4, v3  }
0x176: {  	v3 =	vor.u32 v2, v3  }
0x177: {  	[tilespmem:$0x490] =	vst v3  }
0x178: {  	v3 =	vld.idx.msk [tilespmem:v60+s2+$0x0], $0xffff;
	_ =	sdelay $0x4  }
0x179: {  	v4 =	vshll.u32 v3, $0x3  }
0x17a: {  	v3 =	vand.u32 $0x7F, v3;
	v4 =	vand.u32 $0xFFFFFC00, v4  }
0x17b: {  	v3 =	vor.u32 v4, v3  }
0x17c: {  	v3 =	vor.u32 v2, v3  }
0x17d: {  	[tilespmem:$0x4A0] =	vst v3  }
0x17e: {  	v3 =	vld.idx.msk [tilespmem:v61+s2+$0x0], $0xffff;
	_ =	sdelay $0x4  }
0x17f: {  	v4 =	vshll.u32 v3, $0x3  }
0x180: {  	v3 =	vand.u32 $0x7F, v3;
	v4 =	vand.u32 $0xFFFFFC00, v4  }
0x181: {  	v3 =	vor.u32 v4, v3  }
0x182: {  	v3 =	vor.u32 v2, v3  }
0x183: {  	[tilespmem:$0x4B0] =	vst v3  }
0x184: {  	v3 =	vld.idx.msk [tilespmem:v62+s2+$0x0], $0xffff;
	_ =	sdelay $0x4  }
0x185: {  	v4 =	vshll.u32 v3, $0x3  }
0x186: {  	v3 =	vand.u32 $0x7F, v3;
	v4 =	vand.u32 $0xFFFFFC00, v4  }
0x187: {  	v3 =	vor.u32 v4, v3  }
0x188: {  	v3 =	vor.u32 v2, v3  }
0x189: {  	[tilespmem:$0x4C0] =	vst v3  }
0x18a: {  	v3 =	vld.idx.msk [tilespmem:v63+s2+$0x0], $0xffff;
	_ =	sdelay $0x4  }
0x18b: {  	v5 =	vor.u32 $0x7C, v0;
	v4 =	vshll.u32 v3, $0x3  }
0x18c: {  	v3 =	vand.u32 $0x7F, v3;
	v4 =	vand.u32 $0xFFFFFC00, v4  }
0x18d: {  	v3 =	vor.u32 v4, v3  }
0x18e: {  	v3 =	vor.u32 v2, v3  }
0x18f: {  	[tilespmem:$0x4D0] =	vst v3  }
0x190: {  	v3 =	vld.idx.msk [tilespmem:v5+s2+$0x0], $0xffff;
	_ =	sdelay $0x4  }
0x191: {  	v5 =	vor.u32 $0x7E, v0;
	v4 =	vshll.u32 v3, $0x3  }
0x192: {  	v3 =	vand.u32 $0x7F, v3;
	v4 =	vand.u32 $0xFFFFFC00, v4  }
0x193: {  	v3 =	vor.u32 v4, v3  }
0x194: {  	v3 =	vor.u32 v2, v3  }
0x195: {  	[tilespmem:$0x4E0] =	vst v3  }
0x196: {  	v3 =	vld.idx.msk [tilespmem:v5+s2+$0x0], $0xffff;
	_ =	sdelay $0x4  }
0x197: {  	v4 =	vshll.u32 v3, $0x3  }
0x198: {  	v3 =	vand.u32 $0x7F, v3;
	v4 =	vand.u32 $0xFFFFFC00, v4  }
0x199: {  	v3 =	vor.u32 v4, v3  }
0x19a: {  	v3 =	vor.u32 v2, v3  }
0x19b: {  	s19 =	smov.u32 s8;
	s20 =	smov.u32 s7;
	s21 =	simm.s32 $0x0;
	[tilespmem:$0x4F0] =	vst v3  }
0x19c: {  	[tilespmem:s12], [sflag:$0x1] =	stream.indirect.gather [hbm4b:s3+s10], $0x1, s11, s10, $0xb8;
	[tilespmem:$0x9500] =	vst v63  }
.LBB2_2:
0x19d: {  	s22 =	sand.u32 $0x1, s21;
	_ =	swait.ge [sflag:s13], $0x400;
	p0 =	seq.s32 s21, $0x31  }
0x19e: {  	[sflag:s13] =	ssyncset.done $0x0;
	s24 =	sxor.u32 @!p0 $0x1, s22  }
0x19f: {  	s25 =	simm.s32 @!p0 $0x0;
	v4 =	vlaneseq.u32 @!p0;
	[sflag:s13] =	ssyncadd.s32 $0xFFFFFC00;
	s23 =	sshll.u32 @!p0 s24, $0x7  }
0x1a0: {  	v3 =	vshrl.u32 @!p0 v4, $0x3;
	[tilespmem:s23], [sflag:$0x5] =	stream.linear.gather @!p0 [hbm4b:s19+s25], $0x80, $0x38;
	[tilespmem:$0x9500] =	vst v63  }
0x1a1: {  	s25 =	simm.s32 @!p0 $0x5  }
0x1a2: {  	_ =	swait.ge @!p0 [sflag:s25], $0x80  }
0x1a3: {  	[sflag:s25] =	ssyncset.done @!p0 $0x0  }
0x1a4: {  	[sflag:s25] =	ssyncadd.s32 @!p0 $0xFFFFFF80  }
0x1a5: {  	v5 =	vld.idx.msk @!p0 [tilespmem:v3+s23+$0x0], $0xffff;
	_ =	sdelay $0x4  }
0x1a6: {  	v4 =	vand.u32 @!p0 $0x7, v4;
	v7 =	vor.u32 @!p0 $0x2, v3;
	v6 =	vshll.u32 @!p0 v5, $0x3  }
0x1a7: {  	v4 =	vmul.u32 @!p0 $0x80, v4;
	v5 =	vand.u32 @!p0 $0x7F, v5;
	v6 =	vand.u32 @!p0 $0xFFFFFC00, v6  }
0x1a8: {  	v5 =	vor.u32 @!p0 v6, v5  }
0x1a9: {  	s24 =	sshll.u32 @!p0 s24, $0xA;
	v5 =	vor.u32 @!p0 v4, v5  }
0x1aa: {  	[tilespmem:s24+$0x100] =	vst @!p0 v5  }
0x1ab: {  	v5 =	vld.idx.msk @!p0 [tilespmem:v7+s23+$0x0], $0xffff;
	_ =	sdelay $0x4  }
0x1ac: {  	v7 =	vor.u32 @!p0 $0x4, v3;
	v6 =	vshll.u32 @!p0 v5, $0x3  }
0x1ad: {  	v5 =	vand.u32 @!p0 $0x7F, v5;
	v6 =	vand.u32 @!p0 $0xFFFFFC00, v6  }
0x1ae: {  	v5 =	vor.u32 @!p0 v6, v5  }
0x1af: {  	v5 =	vor.u32 @!p0 v4, v5  }
0x1b0: {  	[tilespmem:s24+$0x110] =	vst @!p0 v5  }
0x1b1: {  	v5 =	vld.idx.msk @!p0 [tilespmem:v7+s23+$0x0], $0xffff;
	_ =	sdelay $0x4  }
0x1b2: {  	v7 =	vor.u32 @!p0 $0x6, v3;
	v6 =	vshll.u32 @!p0 v5, $0x3  }
0x1b3: {  	v5 =	vand.u32 @!p0 $0x7F, v5;
	v6 =	vand.u32 @!p0 $0xFFFFFC00, v6  }
0x1b4: {  	v5 =	vor.u32 @!p0 v6, v5  }
0x1b5: {  	v5 =	vor.u32 @!p0 v4, v5  }
0x1b6: {  	[tilespmem:s24+$0x120] =	vst @!p0 v5  }
0x1b7: {  	v5 =	vld.idx.msk @!p0 [tilespmem:v7+s23+$0x0], $0xffff;
	_ =	sdelay $0x4  }
0x1b8: {  	v7 =	vor.u32 @!p0 $0x8, v3;
	v6 =	vshll.u32 @!p0 v5, $0x3  }
0x1b9: {  	v5 =	vand.u32 @!p0 $0x7F, v5;
	v6 =	vand.u32 @!p0 $0xFFFFFC00, v6  }
0x1ba: {  	v5 =	vor.u32 @!p0 v6, v5  }
0x1bb: {  	v5 =	vor.u32 @!p0 v4, v5  }
0x1bc: {  	[tilespmem:s24+$0x130] =	vst @!p0 v5  }
0x1bd: {  	v5 =	vld.idx.msk @!p0 [tilespmem:v7+s23+$0x0], $0xffff;
	_ =	sdelay $0x4  }
0x1be: {  	v7 =	vor.u32 @!p0 $0xA, v3;
	v6 =	vshll.u32 @!p0 v5, $0x3  }
0x1bf: {  	v5 =	vand.u32 @!p0 $0x7F, v5;
	v6 =	vand.u32 @!p0 $0xFFFFFC00, v6  }
0x1c0: {  	v5 =	vor.u32 @!p0 v6, v5  }
0x1c1: {  	v5 =	vor.u32 @!p0 v4, v5  }
0x1c2: {  	[tilespmem:s24+$0x140] =	vst @!p0 v5  }
0x1c3: {  	v5 =	vld.idx.msk @!p0 [tilespmem:v7+s23+$0x0], $0xffff;
	_ =	sdelay $0x4  }
0x1c4: {  	v7 =	vor.u32 @!p0 $0xC, v3;
	v6 =	vshll.u32 @!p0 v5, $0x3  }
0x1c5: {  	v5 =	vand.u32 @!p0 $0x7F, v5;
	v6 =	vand.u32 @!p0 $0xFFFFFC00, v6  }
0x1c6: {  	v5 =	vor.u32 @!p0 v6, v5  }
0x1c7: {  	v5 =	vor.u32 @!p0 v4, v5  }
0x1c8: {  	[tilespmem:s24+$0x150] =	vst @!p0 v5  }
0x1c9: {  	v5 =	vld.idx.msk @!p0 [tilespmem:v7+s23+$0x0], $0xffff;
	_ =	sdelay $0x4  }
0x1ca: {  	v7 =	vor.u32 @!p0 $0xE, v3;
	v6 =	vshll.u32 @!p0 v5, $0x3  }
0x1cb: {  	v5 =	vand.u32 @!p0 $0x7F, v5;
	v6 =	vand.u32 @!p0 $0xFFFFFC00, v6  }
0x1cc: {  	v5 =	vor.u32 @!p0 v6, v5  }
0x1cd: {  	v5 =	vor.u32 @!p0 v4, v5  }
0x1ce: {  	[tilespmem:s24+$0x160] =	vst @!p0 v5  }
0x1cf: {  	v5 =	vld.idx.msk @!p0 [tilespmem:v7+s23+$0x0], $0xffff;
	_ =	sdelay $0x4  }
0x1d0: {  	v7 =	vor.u32 @!p0 $0x10, v3;
	v6 =	vshll.u32 @!p0 v5, $0x3  }
0x1d1: {  	v5 =	vand.u32 @!p0 $0x7F, v5;
	v6 =	vand.u32 @!p0 $0xFFFFFC00, v6  }
0x1d2: {  	v5 =	vor.u32 @!p0 v6, v5  }
0x1d3: {  	v5 =	vor.u32 @!p0 v4, v5  }
0x1d4: {  	[tilespmem:s24+$0x170] =	vst @!p0 v5  }
0x1d5: {  	v5 =	vld.idx.msk @!p0 [tilespmem:v7+s23+$0x0], $0xffff;
	_ =	sdelay $0x4  }
0x1d6: {  	v7 =	vor.u32 @!p0 $0x12, v3;
	v6 =	vshll.u32 @!p0 v5, $0x3  }
0x1d7: {  	v5 =	vand.u32 @!p0 $0x7F, v5;
	v6 =	vand.u32 @!p0 $0xFFFFFC00, v6  }
0x1d8: {  	v5 =	vor.u32 @!p0 v6, v5  }
0x1d9: {  	v5 =	vor.u32 @!p0 v4, v5  }
0x1da: {  	[tilespmem:s24+$0x180] =	vst @!p0 v5  }
0x1db: {  	v5 =	vld.idx.msk @!p0 [tilespmem:v7+s23+$0x0], $0xffff;
	_ =	sdelay $0x4  }
0x1dc: {  	v7 =	vor.u32 @!p0 $0x14, v3;
	v6 =	vshll.u32 @!p0 v5, $0x3  }
0x1dd: {  	v5 =	vand.u32 @!p0 $0x7F, v5;
	v6 =	vand.u32 @!p0 $0xFFFFFC00, v6  }
0x1de: {  	v5 =	vor.u32 @!p0 v6, v5  }
0x1df: {  	v5 =	vor.u32 @!p0 v4, v5  }
0x1e0: {  	[tilespmem:s24+$0x190] =	vst @!p0 v5  }
0x1e1: {  	v5 =	vld.idx.msk @!p0 [tilespmem:v7+s23+$0x0], $0xffff;
	_ =	sdelay $0x4  }
0x1e2: {  	v7 =	vor.u32 @!p0 $0x16, v3;
	v6 =	vshll.u32 @!p0 v5, $0x3  }
0x1e3: {  	v5 =	vand.u32 @!p0 $0x7F, v5;
	v6 =	vand.u32 @!p0 $0xFFFFFC00, v6  }
0x1e4: {  	v5 =	vor.u32 @!p0 v6, v5  }
0x1e5: {  	v5 =	vor.u32 @!p0 v4, v5  }
0x1e6: {  	[tilespmem:s24+$0x1A0] =	vst @!p0 v5  }
0x1e7: {  	v5 =	vld.idx.msk @!p0 [tilespmem:v7+s23+$0x0], $0xffff;
	_ =	sdelay $0x4  }
0x1e8: {  	v7 =	vor.u32 @!p0 $0x18, v3;
	v6 =	vshll.u32 @!p0 v5, $0x3  }
0x1e9: {  	v5 =	vand.u32 @!p0 $0x7F, v5;
	v6 =	vand.u32 @!p0 $0xFFFFFC00, v6  }
0x1ea: {  	v5 =	vor.u32 @!p0 v6, v5  }
0x1eb: {  	v5 =	vor.u32 @!p0 v4, v5  }
0x1ec: {  	[tilespmem:s24+$0x1B0] =	vst @!p0 v5  }
0x1ed: {  	v5 =	vld.idx.msk @!p0 [tilespmem:v7+s23+$0x0], $0xffff;
	_ =	sdelay $0x4  }
0x1ee: {  	v7 =	vor.u32 @!p0 $0x1A, v3;
	v6 =	vshll.u32 @!p0 v5, $0x3  }
0x1ef: {  	v5 =	vand.u32 @!p0 $0x7F, v5;
	v6 =	vand.u32 @!p0 $0xFFFFFC00, v6  }
0x1f0: {  	v5 =	vor.u32 @!p0 v6, v5  }
0x1f1: {  	v5 =	vor.u32 @!p0 v4, v5  }
0x1f2: {  	[tilespmem:s24+$0x1C0] =	vst @!p0 v5  }
0x1f3: {  	v5 =	vld.idx.msk @!p0 [tilespmem:v7+s23+$0x0], $0xffff;
	_ =	sdelay $0x4  }
0x1f4: {  	v7 =	vor.u32 @!p0 $0x1C, v3;
	v6 =	vshll.u32 @!p0 v5, $0x3  }
0x1f5: {  	v5 =	vand.u32 @!p0 $0x7F, v5;
	v6 =	vand.u32 @!p0 $0xFFFFFC00, v6  }
0x1f6: {  	v5 =	vor.u32 @!p0 v6, v5  }
0x1f7: {  	v5 =	vor.u32 @!p0 v4, v5  }
0x1f8: {  	[tilespmem:s24+$0x1D0] =	vst @!p0 v5  }
0x1f9: {  	v5 =	vld.idx.msk @!p0 [tilespmem:v7+s23+$0x0], $0xffff;
	_ =	sdelay $0x4  }
0x1fa: {  	v7 =	vor.u32 @!p0 $0x1E, v3;
	v6 =	vshll.u32 @!p0 v5, $0x3  }
0x1fb: {  	v5 =	vand.u32 @!p0 $0x7F, v5;
	v6 =	vand.u32 @!p0 $0xFFFFFC00, v6  }
0x1fc: {  	v5 =	vor.u32 @!p0 v6, v5  }
0x1fd: {  	v5 =	vor.u32 @!p0 v4, v5  }
0x1fe: {  	[tilespmem:s24+$0x1E0] =	vst @!p0 v5  }
0x1ff: {  	v5 =	vld.idx.msk @!p0 [tilespmem:v7+s23+$0x0], $0xffff;
	_ =	sdelay $0x4  }
0x200: {  	v7 =	vor.u32 @!p0 $0x20, v3;
	v6 =	vshll.u32 @!p0 v5, $0x3  }
0x201: {  	v5 =	vand.u32 @!p0 $0x7F, v5;
	v6 =	vand.u32 @!p0 $0xFFFFFC00, v6  }
0x202: {  	v5 =	vor.u32 @!p0 v6, v5  }
0x203: {  	v5 =	vor.u32 @!p0 v4, v5  }
0x204: {  	[tilespmem:s24+$0x1F0] =	vst @!p0 v5  }
0x205: {  	v5 =	vld.idx.msk @!p0 [tilespmem:v7+s23+$0x0], $0xffff;
	_ =	sdelay $0x4  }
0x206: {  	v7 =	vor.u32 @!p0 $0x22, v3;
	v6 =	vshll.u32 @!p0 v5, $0x3  }
0x207: {  	v5 =	vand.u32 @!p0 $0x7F, v5;
	v6 =	vand.u32 @!p0 $0xFFFFFC00, v6  }
0x208: {  	v5 =	vor.u32 @!p0 v6, v5  }
0x209: {  	v5 =	vor.u32 @!p0 v4, v5  }
0x20a: {  	[tilespmem:s24+$0x200] =	vst @!p0 v5  }
0x20b: {  	v5 =	vld.idx.msk @!p0 [tilespmem:v7+s23+$0x0], $0xffff;
	_ =	sdelay $0x4  }
0x20c: {  	v7 =	vor.u32 @!p0 $0x24, v3;
	v6 =	vshll.u32 @!p0 v5, $0x3  }
0x20d: {  	v5 =	vand.u32 @!p0 $0x7F, v5;
	v6 =	vand.u32 @!p0 $0xFFFFFC00, v6  }
0x20e: {  	v5 =	vor.u32 @!p0 v6, v5  }
0x20f: {  	v5 =	vor.u32 @!p0 v4, v5  }
0x210: {  	[tilespmem:s24+$0x210] =	vst @!p0 v5  }
0x211: {  	v5 =	vld.idx.msk @!p0 [tilespmem:v7+s23+$0x0], $0xffff;
	_ =	sdelay $0x4  }
0x212: {  	v7 =	vor.u32 @!p0 $0x26, v3;
	v6 =	vshll.u32 @!p0 v5, $0x3  }
0x213: {  	v5 =	vand.u32 @!p0 $0x7F, v5;
	v6 =	vand.u32 @!p0 $0xFFFFFC00, v6  }
0x214: {  	v5 =	vor.u32 @!p0 v6, v5  }
0x215: {  	v5 =	vor.u32 @!p0 v4, v5  }
0x216: {  	[tilespmem:s24+$0x220] =	vst @!p0 v5  }
0x217: {  	v5 =	vld.idx.msk @!p0 [tilespmem:v7+s23+$0x0], $0xffff;
	_ =	sdelay $0x4  }
0x218: {  	v7 =	vor.u32 @!p0 $0x28, v3;
	v6 =	vshll.u32 @!p0 v5, $0x3  }
0x219: {  	v5 =	vand.u32 @!p0 $0x7F, v5;
	v6 =	vand.u32 @!p0 $0xFFFFFC00, v6  }
0x21a: {  	v5 =	vor.u32 @!p0 v6, v5  }
0x21b: {  	v5 =	vor.u32 @!p0 v4, v5  }
0x21c: {  	[tilespmem:s24+$0x230] =	vst @!p0 v5  }
0x21d: {  	v5 =	vld.idx.msk @!p0 [tilespmem:v7+s23+$0x0], $0xffff;
	_ =	sdelay $0x4  }
0x21e: {  	v7 =	vor.u32 @!p0 $0x2A, v3;
	v6 =	vshll.u32 @!p0 v5, $0x3  }
0x21f: {  	v5 =	vand.u32 @!p0 $0x7F, v5;
	v6 =	vand.u32 @!p0 $0xFFFFFC00, v6  }
0x220: {  	v5 =	vor.u32 @!p0 v6, v5  }
0x221: {  	v5 =	vor.u32 @!p0 v4, v5  }
0x222: {  	[tilespmem:s24+$0x240] =	vst @!p0 v5  }
0x223: {  	v5 =	vld.idx.msk @!p0 [tilespmem:v7+s23+$0x0], $0xffff;
	_ =	sdelay $0x4  }
0x224: {  	v7 =	vor.u32 @!p0 $0x2C, v3;
	v6 =	vshll.u32 @!p0 v5, $0x3  }
0x225: {  	v5 =	vand.u32 @!p0 $0x7F, v5;
	v6 =	vand.u32 @!p0 $0xFFFFFC00, v6  }
0x226: {  	v5 =	vor.u32 @!p0 v6, v5  }
0x227: {  	v5 =	vor.u32 @!p0 v4, v5  }
0x228: {  	[tilespmem:s24+$0x250] =	vst @!p0 v5  }
0x229: {  	v5 =	vld.idx.msk @!p0 [tilespmem:v7+s23+$0x0], $0xffff;
	_ =	sdelay $0x4  }
0x22a: {  	v7 =	vor.u32 @!p0 $0x2E, v3;
	v6 =	vshll.u32 @!p0 v5, $0x3  }
0x22b: {  	v5 =	vand.u32 @!p0 $0x7F, v5;
	v6 =	vand.u32 @!p0 $0xFFFFFC00, v6  }
0x22c: {  	v5 =	vor.u32 @!p0 v6, v5  }
0x22d: {  	v5 =	vor.u32 @!p0 v4, v5  }
0x22e: {  	[tilespmem:s24+$0x260] =	vst @!p0 v5  }
0x22f: {  	v5 =	vld.idx.msk @!p0 [tilespmem:v7+s23+$0x0], $0xffff;
	_ =	sdelay $0x4  }
0x230: {  	v7 =	vor.u32 @!p0 $0x30, v3;
	v6 =	vshll.u32 @!p0 v5, $0x3  }
0x231: {  	v5 =	vand.u32 @!p0 $0x7F, v5;
	v6 =	vand.u32 @!p0 $0xFFFFFC00, v6  }
0x232: {  	v5 =	vor.u32 @!p0 v6, v5  }
0x233: {  	v5 =	vor.u32 @!p0 v4, v5  }
0x234: {  	[tilespmem:s24+$0x270] =	vst @!p0 v5  }
0x235: {  	v5 =	vld.idx.msk @!p0 [tilespmem:v7+s23+$0x0], $0xffff;
	_ =	sdelay $0x4  }
0x236: {  	v7 =	vor.u32 @!p0 $0x32, v3;
	v6 =	vshll.u32 @!p0 v5, $0x3  }
0x237: {  	v5 =	vand.u32 @!p0 $0x7F, v5;
	v6 =	vand.u32 @!p0 $0xFFFFFC00, v6  }
0x238: {  	v5 =	vor.u32 @!p0 v6, v5  }
0x239: {  	v5 =	vor.u32 @!p0 v4, v5  }
0x23a: {  	[tilespmem:s24+$0x280] =	vst @!p0 v5  }
0x23b: {  	v5 =	vld.idx.msk @!p0 [tilespmem:v7+s23+$0x0], $0xffff;
	_ =	sdelay $0x4  }
0x23c: {  	v7 =	vor.u32 @!p0 $0x34, v3;
	v6 =	vshll.u32 @!p0 v5, $0x3  }
0x23d: {  	v5 =	vand.u32 @!p0 $0x7F, v5;
	v6 =	vand.u32 @!p0 $0xFFFFFC00, v6  }
0x23e: {  	v5 =	vor.u32 @!p0 v6, v5  }
0x23f: {  	v5 =	vor.u32 @!p0 v4, v5  }
0x240: {  	[tilespmem:s24+$0x290] =	vst @!p0 v5  }
0x241: {  	v5 =	vld.idx.msk @!p0 [tilespmem:v7+s23+$0x0], $0xffff;
	_ =	sdelay $0x4  }
0x242: {  	v7 =	vor.u32 @!p0 $0x36, v3;
	v6 =	vshll.u32 @!p0 v5, $0x3  }
0x243: {  	v5 =	vand.u32 @!p0 $0x7F, v5;
	v6 =	vand.u32 @!p0 $0xFFFFFC00, v6  }
0x244: {  	v5 =	vor.u32 @!p0 v6, v5  }
0x245: {  	v5 =	vor.u32 @!p0 v4, v5  }
0x246: {  	[tilespmem:s24+$0x2A0] =	vst @!p0 v5  }
0x247: {  	v5 =	vld.idx.msk @!p0 [tilespmem:v7+s23+$0x0], $0xffff;
	_ =	sdelay $0x4  }
0x248: {  	v7 =	vor.u32 @!p0 $0x38, v3;
	v6 =	vshll.u32 @!p0 v5, $0x3  }
0x249: {  	v5 =	vand.u32 @!p0 $0x7F, v5;
	v6 =	vand.u32 @!p0 $0xFFFFFC00, v6  }
0x24a: {  	v5 =	vor.u32 @!p0 v6, v5  }
0x24b: {  	v5 =	vor.u32 @!p0 v4, v5  }
0x24c: {  	[tilespmem:s24+$0x2B0] =	vst @!p0 v5  }
0x24d: {  	v5 =	vld.idx.msk @!p0 [tilespmem:v7+s23+$0x0], $0xffff;
	_ =	sdelay $0x4  }
0x24e: {  	v7 =	vor.u32 @!p0 $0x3A, v3;
	v6 =	vshll.u32 @!p0 v5, $0x3  }
0x24f: {  	v5 =	vand.u32 @!p0 $0x7F, v5;
	v6 =	vand.u32 @!p0 $0xFFFFFC00, v6  }
0x250: {  	v5 =	vor.u32 @!p0 v6, v5  }
0x251: {  	v5 =	vor.u32 @!p0 v4, v5  }
0x252: {  	[tilespmem:s24+$0x2C0] =	vst @!p0 v5  }
0x253: {  	v5 =	vld.idx.msk @!p0 [tilespmem:v7+s23+$0x0], $0xffff;
	_ =	sdelay $0x4  }
0x254: {  	v7 =	vor.u32 @!p0 $0x3C, v3;
	v6 =	vshll.u32 @!p0 v5, $0x3  }
0x255: {  	v5 =	vand.u32 @!p0 $0x7F, v5;
	v6 =	vand.u32 @!p0 $0xFFFFFC00, v6  }
0x256: {  	v5 =	vor.u32 @!p0 v6, v5  }
0x257: {  	v5 =	vor.u32 @!p0 v4, v5  }
0x258: {  	[tilespmem:s24+$0x2D0] =	vst @!p0 v5  }
0x259: {  	v5 =	vld.idx.msk @!p0 [tilespmem:v7+s23+$0x0], $0xffff;
	_ =	sdelay $0x4  }
0x25a: {  	v7 =	vor.u32 @!p0 $0x3E, v3;
	v6 =	vshll.u32 @!p0 v5, $0x3  }
0x25b: {  	v5 =	vand.u32 @!p0 $0x7F, v5;
	v6 =	vand.u32 @!p0 $0xFFFFFC00, v6  }
0x25c: {  	v5 =	vor.u32 @!p0 v6, v5  }
0x25d: {  	v5 =	vor.u32 @!p0 v4, v5  }
0x25e: {  	[tilespmem:s24+$0x2E0] =	vst @!p0 v5  }
0x25f: {  	v5 =	vld.idx.msk @!p0 [tilespmem:v7+s23+$0x0], $0xffff;
	_ =	sdelay $0x4  }
0x260: {  	v7 =	vor.u32 @!p0 $0x40, v3;
	v6 =	vshll.u32 @!p0 v5, $0x3  }
0x261: {  	v5 =	vand.u32 @!p0 $0x7F, v5;
	v6 =	vand.u32 @!p0 $0xFFFFFC00, v6  }
0x262: {  	v5 =	vor.u32 @!p0 v6, v5  }
0x263: {  	v5 =	vor.u32 @!p0 v4, v5  }
0x264: {  	[tilespmem:s24+$0x2F0] =	vst @!p0 v5  }
0x265: {  	v5 =	vld.idx.msk @!p0 [tilespmem:v7+s23+$0x0], $0xffff;
	_ =	sdelay $0x4  }
0x266: {  	v7 =	vor.u32 @!p0 $0x42, v3;
	v6 =	vshll.u32 @!p0 v5, $0x3  }
0x267: {  	v5 =	vand.u32 @!p0 $0x7F, v5;
	v6 =	vand.u32 @!p0 $0xFFFFFC00, v6  }
0x268: {  	v5 =	vor.u32 @!p0 v6, v5  }
0x269: {  	v5 =	vor.u32 @!p0 v4, v5  }
0x26a: {  	[tilespmem:s24+$0x300] =	vst @!p0 v5  }
0x26b: {  	v5 =	vld.idx.msk @!p0 [tilespmem:v7+s23+$0x0], $0xffff;
	_ =	sdelay $0x4  }
0x26c: {  	v7 =	vor.u32 @!p0 $0x44, v3;
	v6 =	vshll.u32 @!p0 v5, $0x3  }
0x26d: {  	v5 =	vand.u32 @!p0 $0x7F, v5;
	v6 =	vand.u32 @!p0 $0xFFFFFC00, v6  }
0x26e: {  	v5 =	vor.u32 @!p0 v6, v5  }
0x26f: {  	v5 =	vor.u32 @!p0 v4, v5  }
0x270: {  	[tilespmem:s24+$0x310] =	vst @!p0 v5  }
0x271: {  	v5 =	vld.idx.msk @!p0 [tilespmem:v7+s23+$0x0], $0xffff;
	_ =	sdelay $0x4  }
0x272: {  	v7 =	vor.u32 @!p0 $0x46, v3;
	v6 =	vshll.u32 @!p0 v5, $0x3  }
0x273: {  	v5 =	vand.u32 @!p0 $0x7F, v5;
	v6 =	vand.u32 @!p0 $0xFFFFFC00, v6  }
0x274: {  	v5 =	vor.u32 @!p0 v6, v5  }
0x275: {  	v5 =	vor.u32 @!p0 v4, v5  }
0x276: {  	[tilespmem:s24+$0x320] =	vst @!p0 v5  }
0x277: {  	v5 =	vld.idx.msk @!p0 [tilespmem:v7+s23+$0x0], $0xffff;
	_ =	sdelay $0x4  }
0x278: {  	v7 =	vor.u32 @!p0 $0x48, v3;
	v6 =	vshll.u32 @!p0 v5, $0x3  }
0x279: {  	v5 =	vand.u32 @!p0 $0x7F, v5;
	v6 =	vand.u32 @!p0 $0xFFFFFC00, v6  }
0x27a: {  	v5 =	vor.u32 @!p0 v6, v5  }
0x27b: {  	v5 =	vor.u32 @!p0 v4, v5  }
0x27c: {  	[tilespmem:s24+$0x330] =	vst @!p0 v5  }
0x27d: {  	v5 =	vld.idx.msk @!p0 [tilespmem:v7+s23+$0x0], $0xffff;
	_ =	sdelay $0x4  }
0x27e: {  	v7 =	vor.u32 @!p0 $0x4A, v3;
	v6 =	vshll.u32 @!p0 v5, $0x3  }
0x27f: {  	v5 =	vand.u32 @!p0 $0x7F, v5;
	v6 =	vand.u32 @!p0 $0xFFFFFC00, v6  }
0x280: {  	v5 =	vor.u32 @!p0 v6, v5  }
0x281: {  	v5 =	vor.u32 @!p0 v4, v5  }
0x282: {  	[tilespmem:s24+$0x340] =	vst @!p0 v5  }
0x283: {  	v5 =	vld.idx.msk @!p0 [tilespmem:v7+s23+$0x0], $0xffff;
	_ =	sdelay $0x4  }
0x284: {  	v7 =	vor.u32 @!p0 $0x4C, v3;
	v6 =	vshll.u32 @!p0 v5, $0x3  }
0x285: {  	v5 =	vand.u32 @!p0 $0x7F, v5;
	v6 =	vand.u32 @!p0 $0xFFFFFC00, v6  }
0x286: {  	v5 =	vor.u32 @!p0 v6, v5  }
0x287: {  	v5 =	vor.u32 @!p0 v4, v5  }
0x288: {  	[tilespmem:s24+$0x350] =	vst @!p0 v5  }
0x289: {  	v5 =	vld.idx.msk @!p0 [tilespmem:v7+s23+$0x0], $0xffff;
	_ =	sdelay $0x4  }
0x28a: {  	v7 =	vor.u32 @!p0 $0x4E, v3;
	v6 =	vshll.u32 @!p0 v5, $0x3  }
0x28b: {  	v5 =	vand.u32 @!p0 $0x7F, v5;
	v6 =	vand.u32 @!p0 $0xFFFFFC00, v6  }
0x28c: {  	v5 =	vor.u32 @!p0 v6, v5  }
0x28d: {  	v5 =	vor.u32 @!p0 v4, v5  }
0x28e: {  	[tilespmem:s24+$0x360] =	vst @!p0 v5  }
0x28f: {  	v5 =	vld.idx.msk @!p0 [tilespmem:v7+s23+$0x0], $0xffff;
	_ =	sdelay $0x4  }
0x290: {  	v7 =	vor.u32 @!p0 $0x50, v3;
	v6 =	vshll.u32 @!p0 v5, $0x3  }
0x291: {  	v5 =	vand.u32 @!p0 $0x7F, v5;
	v6 =	vand.u32 @!p0 $0xFFFFFC00, v6  }
0x292: {  	v5 =	vor.u32 @!p0 v6, v5  }
0x293: {  	v5 =	vor.u32 @!p0 v4, v5  }
0x294: {  	[tilespmem:s24+$0x370] =	vst @!p0 v5  }
0x295: {  	v5 =	vld.idx.msk @!p0 [tilespmem:v7+s23+$0x0], $0xffff;
	_ =	sdelay $0x4  }
0x296: {  	v7 =	vor.u32 @!p0 $0x52, v3;
	v6 =	vshll.u32 @!p0 v5, $0x3  }
0x297: {  	v5 =	vand.u32 @!p0 $0x7F, v5;
	v6 =	vand.u32 @!p0 $0xFFFFFC00, v6  }
0x298: {  	v5 =	vor.u32 @!p0 v6, v5  }
0x299: {  	v5 =	vor.u32 @!p0 v4, v5  }
0x29a: {  	[tilespmem:s24+$0x380] =	vst @!p0 v5  }
0x29b: {  	v5 =	vld.idx.msk @!p0 [tilespmem:v7+s23+$0x0], $0xffff;
	_ =	sdelay $0x4  }
0x29c: {  	v7 =	vor.u32 @!p0 $0x54, v3;
	v6 =	vshll.u32 @!p0 v5, $0x3  }
0x29d: {  	v5 =	vand.u32 @!p0 $0x7F, v5;
	v6 =	vand.u32 @!p0 $0xFFFFFC00, v6  }
0x29e: {  	v5 =	vor.u32 @!p0 v6, v5  }
0x29f: {  	v5 =	vor.u32 @!p0 v4, v5  }
0x2a0: {  	[tilespmem:s24+$0x390] =	vst @!p0 v5  }
0x2a1: {  	v5 =	vld.idx.msk @!p0 [tilespmem:v7+s23+$0x0], $0xffff;
	_ =	sdelay $0x4  }
0x2a2: {  	v7 =	vor.u32 @!p0 $0x56, v3;
	v6 =	vshll.u32 @!p0 v5, $0x3  }
0x2a3: {  	v5 =	vand.u32 @!p0 $0x7F, v5;
	v6 =	vand.u32 @!p0 $0xFFFFFC00, v6  }
0x2a4: {  	v5 =	vor.u32 @!p0 v6, v5  }
0x2a5: {  	v5 =	vor.u32 @!p0 v4, v5  }
0x2a6: {  	[tilespmem:s24+$0x3A0] =	vst @!p0 v5  }
0x2a7: {  	v5 =	vld.idx.msk @!p0 [tilespmem:v7+s23+$0x0], $0xffff;
	_ =	sdelay $0x4  }
0x2a8: {  	v7 =	vor.u32 @!p0 $0x58, v3;
	v6 =	vshll.u32 @!p0 v5, $0x3  }
0x2a9: {  	v5 =	vand.u32 @!p0 $0x7F, v5;
	v6 =	vand.u32 @!p0 $0xFFFFFC00, v6  }
0x2aa: {  	v5 =	vor.u32 @!p0 v6, v5  }
0x2ab: {  	v5 =	vor.u32 @!p0 v4, v5  }
0x2ac: {  	[tilespmem:s24+$0x3B0] =	vst @!p0 v5  }
0x2ad: {  	v5 =	vld.idx.msk @!p0 [tilespmem:v7+s23+$0x0], $0xffff;
	_ =	sdelay $0x4  }
0x2ae: {  	v7 =	vor.u32 @!p0 $0x5A, v3;
	v6 =	vshll.u32 @!p0 v5, $0x3  }
0x2af: {  	v5 =	vand.u32 @!p0 $0x7F, v5;
	v6 =	vand.u32 @!p0 $0xFFFFFC00, v6  }
0x2b0: {  	v5 =	vor.u32 @!p0 v6, v5  }
0x2b1: {  	v5 =	vor.u32 @!p0 v4, v5  }
0x2b2: {  	[tilespmem:s24+$0x3C0] =	vst @!p0 v5  }
0x2b3: {  	v5 =	vld.idx.msk @!p0 [tilespmem:v7+s23+$0x0], $0xffff;
	_ =	sdelay $0x4  }
0x2b4: {  	v7 =	vor.u32 @!p0 $0x5C, v3;
	v6 =	vshll.u32 @!p0 v5, $0x3  }
0x2b5: {  	v5 =	vand.u32 @!p0 $0x7F, v5;
	v6 =	vand.u32 @!p0 $0xFFFFFC00, v6  }
0x2b6: {  	v5 =	vor.u32 @!p0 v6, v5  }
0x2b7: {  	v5 =	vor.u32 @!p0 v4, v5  }
0x2b8: {  	[tilespmem:s24+$0x3D0] =	vst @!p0 v5  }
0x2b9: {  	v5 =	vld.idx.msk @!p0 [tilespmem:v7+s23+$0x0], $0xffff;
	_ =	sdelay $0x4  }
0x2ba: {  	v7 =	vor.u32 @!p0 $0x5E, v3;
	v6 =	vshll.u32 @!p0 v5, $0x3  }
0x2bb: {  	v5 =	vand.u32 @!p0 $0x7F, v5;
	v6 =	vand.u32 @!p0 $0xFFFFFC00, v6  }
0x2bc: {  	v5 =	vor.u32 @!p0 v6, v5  }
0x2bd: {  	v5 =	vor.u32 @!p0 v4, v5  }
0x2be: {  	[tilespmem:s24+$0x3E0] =	vst @!p0 v5  }
0x2bf: {  	v5 =	vld.idx.msk @!p0 [tilespmem:v7+s23+$0x0], $0xffff;
	_ =	sdelay $0x4  }
0x2c0: {  	v7 =	vor.u32 @!p0 $0x60, v3;
	v6 =	vshll.u32 @!p0 v5, $0x3  }
0x2c1: {  	v5 =	vand.u32 @!p0 $0x7F, v5;
	v6 =	vand.u32 @!p0 $0xFFFFFC00, v6  }
0x2c2: {  	v5 =	vor.u32 @!p0 v6, v5  }
0x2c3: {  	v5 =	vor.u32 @!p0 v4, v5  }
0x2c4: {  	[tilespmem:s24+$0x3F0] =	vst @!p0 v5  }
0x2c5: {  	v5 =	vld.idx.msk @!p0 [tilespmem:v7+s23+$0x0], $0xffff;
	_ =	sdelay $0x4  }
0x2c6: {  	v7 =	vor.u32 @!p0 $0x62, v3;
	v6 =	vshll.u32 @!p0 v5, $0x3  }
0x2c7: {  	v5 =	vand.u32 @!p0 $0x7F, v5;
	v6 =	vand.u32 @!p0 $0xFFFFFC00, v6  }
0x2c8: {  	v5 =	vor.u32 @!p0 v6, v5  }
0x2c9: {  	v5 =	vor.u32 @!p0 v4, v5  }
0x2ca: {  	[tilespmem:s24+$0x400] =	vst @!p0 v5  }
0x2cb: {  	v5 =	vld.idx.msk @!p0 [tilespmem:v7+s23+$0x0], $0xffff;
	_ =	sdelay $0x4  }
0x2cc: {  	v7 =	vor.u32 @!p0 $0x64, v3;
	v6 =	vshll.u32 @!p0 v5, $0x3  }
0x2cd: {  	v5 =	vand.u32 @!p0 $0x7F, v5;
	v6 =	vand.u32 @!p0 $0xFFFFFC00, v6  }
0x2ce: {  	v5 =	vor.u32 @!p0 v6, v5  }
0x2cf: {  	v5 =	vor.u32 @!p0 v4, v5  }
0x2d0: {  	[tilespmem:s24+$0x410] =	vst @!p0 v5  }
0x2d1: {  	v5 =	vld.idx.msk @!p0 [tilespmem:v7+s23+$0x0], $0xffff;
	_ =	sdelay $0x4  }
0x2d2: {  	v7 =	vor.u32 @!p0 $0x66, v3;
	v6 =	vshll.u32 @!p0 v5, $0x3  }
0x2d3: {  	v5 =	vand.u32 @!p0 $0x7F, v5;
	v6 =	vand.u32 @!p0 $0xFFFFFC00, v6  }
0x2d4: {  	v5 =	vor.u32 @!p0 v6, v5  }
0x2d5: {  	v5 =	vor.u32 @!p0 v4, v5  }
0x2d6: {  	[tilespmem:s24+$0x420] =	vst @!p0 v5  }
0x2d7: {  	v5 =	vld.idx.msk @!p0 [tilespmem:v7+s23+$0x0], $0xffff;
	_ =	sdelay $0x4  }
0x2d8: {  	v7 =	vor.u32 @!p0 $0x68, v3;
	v6 =	vshll.u32 @!p0 v5, $0x3  }
0x2d9: {  	v5 =	vand.u32 @!p0 $0x7F, v5;
	v6 =	vand.u32 @!p0 $0xFFFFFC00, v6  }
0x2da: {  	v5 =	vor.u32 @!p0 v6, v5  }
0x2db: {  	v5 =	vor.u32 @!p0 v4, v5  }
0x2dc: {  	[tilespmem:s24+$0x430] =	vst @!p0 v5  }
0x2dd: {  	v5 =	vld.idx.msk @!p0 [tilespmem:v7+s23+$0x0], $0xffff;
	_ =	sdelay $0x4  }
0x2de: {  	v7 =	vor.u32 @!p0 $0x6A, v3;
	v6 =	vshll.u32 @!p0 v5, $0x3  }
0x2df: {  	v5 =	vand.u32 @!p0 $0x7F, v5;
	v6 =	vand.u32 @!p0 $0xFFFFFC00, v6  }
0x2e0: {  	v5 =	vor.u32 @!p0 v6, v5  }
0x2e1: {  	v5 =	vor.u32 @!p0 v4, v5  }
0x2e2: {  	[tilespmem:s24+$0x440] =	vst @!p0 v5  }
0x2e3: {  	v5 =	vld.idx.msk @!p0 [tilespmem:v7+s23+$0x0], $0xffff;
	_ =	sdelay $0x4  }
0x2e4: {  	v7 =	vor.u32 @!p0 $0x6C, v3;
	v6 =	vshll.u32 @!p0 v5, $0x3  }
0x2e5: {  	v5 =	vand.u32 @!p0 $0x7F, v5;
	v6 =	vand.u32 @!p0 $0xFFFFFC00, v6  }
0x2e6: {  	v5 =	vor.u32 @!p0 v6, v5  }
0x2e7: {  	v5 =	vor.u32 @!p0 v4, v5  }
0x2e8: {  	[tilespmem:s24+$0x450] =	vst @!p0 v5  }
0x2e9: {  	v5 =	vld.idx.msk @!p0 [tilespmem:v7+s23+$0x0], $0xffff;
	_ =	sdelay $0x4  }
0x2ea: {  	v7 =	vor.u32 @!p0 $0x6E, v3;
	v6 =	vshll.u32 @!p0 v5, $0x3  }
0x2eb: {  	v5 =	vand.u32 @!p0 $0x7F, v5;
	v6 =	vand.u32 @!p0 $0xFFFFFC00, v6  }
0x2ec: {  	v5 =	vor.u32 @!p0 v6, v5  }
0x2ed: {  	v5 =	vor.u32 @!p0 v4, v5  }
0x2ee: {  	[tilespmem:s24+$0x460] =	vst @!p0 v5  }
0x2ef: {  	v5 =	vld.idx.msk @!p0 [tilespmem:v7+s23+$0x0], $0xffff;
	_ =	sdelay $0x4  }
0x2f0: {  	v7 =	vor.u32 @!p0 $0x70, v3;
	v6 =	vshll.u32 @!p0 v5, $0x3  }
0x2f1: {  	v5 =	vand.u32 @!p0 $0x7F, v5;
	v6 =	vand.u32 @!p0 $0xFFFFFC00, v6  }
0x2f2: {  	v5 =	vor.u32 @!p0 v6, v5  }
0x2f3: {  	v5 =	vor.u32 @!p0 v4, v5  }
0x2f4: {  	[tilespmem:s24+$0x470] =	vst @!p0 v5  }
0x2f5: {  	v5 =	vld.idx.msk @!p0 [tilespmem:v7+s23+$0x0], $0xffff;
	_ =	sdelay $0x4  }
0x2f6: {  	v7 =	vor.u32 @!p0 $0x72, v3;
	v6 =	vshll.u32 @!p0 v5, $0x3  }
0x2f7: {  	v5 =	vand.u32 @!p0 $0x7F, v5;
	v6 =	vand.u32 @!p0 $0xFFFFFC00, v6  }
0x2f8: {  	v5 =	vor.u32 @!p0 v6, v5  }
0x2f9: {  	v5 =	vor.u32 @!p0 v4, v5  }
0x2fa: {  	[tilespmem:s24+$0x480] =	vst @!p0 v5  }
0x2fb: {  	v5 =	vld.idx.msk @!p0 [tilespmem:v7+s23+$0x0], $0xffff;
	_ =	sdelay $0x4  }
0x2fc: {  	v7 =	vor.u32 @!p0 $0x74, v3;
	v6 =	vshll.u32 @!p0 v5, $0x3  }
0x2fd: {  	v5 =	vand.u32 @!p0 $0x7F, v5;
	v6 =	vand.u32 @!p0 $0xFFFFFC00, v6  }
0x2fe: {  	v5 =	vor.u32 @!p0 v6, v5  }
0x2ff: {  	v5 =	vor.u32 @!p0 v4, v5  }
0x300: {  	[tilespmem:s24+$0x490] =	vst @!p0 v5  }
0x301: {  	v5 =	vld.idx.msk @!p0 [tilespmem:v7+s23+$0x0], $0xffff;
	_ =	sdelay $0x4  }
0x302: {  	v7 =	vor.u32 @!p0 $0x76, v3;
	v6 =	vshll.u32 @!p0 v5, $0x3  }
0x303: {  	v5 =	vand.u32 @!p0 $0x7F, v5;
	v6 =	vand.u32 @!p0 $0xFFFFFC00, v6  }
0x304: {  	v5 =	vor.u32 @!p0 v6, v5  }
0x305: {  	v5 =	vor.u32 @!p0 v4, v5  }
0x306: {  	[tilespmem:s24+$0x4A0] =	vst @!p0 v5  }
0x307: {  	v5 =	vld.idx.msk @!p0 [tilespmem:v7+s23+$0x0], $0xffff;
	_ =	sdelay $0x4  }
0x308: {  	v7 =	vor.u32 @!p0 $0x78, v3;
	v6 =	vshll.u32 @!p0 v5, $0x3  }
0x309: {  	v5 =	vand.u32 @!p0 $0x7F, v5;
	v6 =	vand.u32 @!p0 $0xFFFFFC00, v6  }
0x30a: {  	v5 =	vor.u32 @!p0 v6, v5  }
0x30b: {  	v5 =	vor.u32 @!p0 v4, v5  }
0x30c: {  	[tilespmem:s24+$0x4B0] =	vst @!p0 v5  }
0x30d: {  	v5 =	vld.idx.msk @!p0 [tilespmem:v7+s23+$0x0], $0xffff;
	_ =	sdelay $0x4  }
0x30e: {  	v7 =	vor.u32 @!p0 $0x7A, v3;
	v6 =	vshll.u32 @!p0 v5, $0x3  }
0x30f: {  	v5 =	vand.u32 @!p0 $0x7F, v5;
	v6 =	vand.u32 @!p0 $0xFFFFFC00, v6  }
0x310: {  	v5 =	vor.u32 @!p0 v6, v5  }
0x311: {  	v5 =	vor.u32 @!p0 v4, v5  }
0x312: {  	[tilespmem:s24+$0x4C0] =	vst @!p0 v5  }
0x313: {  	v5 =	vld.idx.msk @!p0 [tilespmem:v7+s23+$0x0], $0xffff;
	_ =	sdelay $0x4  }
0x314: {  	v7 =	vor.u32 @!p0 $0x7C, v3;
	v6 =	vshll.u32 @!p0 v5, $0x3  }
0x315: {  	v5 =	vand.u32 @!p0 $0x7F, v5;
	v6 =	vand.u32 @!p0 $0xFFFFFC00, v6  }
0x316: {  	v5 =	vor.u32 @!p0 v6, v5  }
0x317: {  	v5 =	vor.u32 @!p0 v4, v5  }
0x318: {  	[tilespmem:s24+$0x4D0] =	vst @!p0 v5  }
0x319: {  	v5 =	vld.idx.msk @!p0 [tilespmem:v7+s23+$0x0], $0xffff;
	_ =	sdelay $0x4  }
0x31a: {  	v3 =	vor.u32 @!p0 $0x7E, v3;
	v6 =	vshll.u32 @!p0 v5, $0x3  }
0x31b: {  	v5 =	vand.u32 @!p0 $0x7F, v5;
	v6 =	vand.u32 @!p0 $0xFFFFFC00, v6  }
0x31c: {  	v5 =	vor.u32 @!p0 v6, v5  }
0x31d: {  	v5 =	vor.u32 @!p0 v4, v5  }
0x31e: {  	[tilespmem:s24+$0x4E0] =	vst @!p0 v5  }
0x31f: {  	v3 =	vld.idx.msk @!p0 [tilespmem:v3+s23+$0x0], $0xffff;
	_ =	sdelay $0x4  }
0x320: {  	v5 =	vshll.u32 @!p0 v3, $0x3  }
0x321: {  	v3 =	vand.u32 @!p0 $0x7F, v3;
	v5 =	vand.u32 @!p0 $0xFFFFFC00, v5  }
0x322: {  	v3 =	vor.u32 @!p0 v5, v3  }
0x323: {  	p1 =	slt.u32 @!p0 s21, $0x2;
	v3 =	vor.u32 @!p0 v4, v3  }
0x324: {  	s25 =	simm.s32 @!p0 $0x400;
	s23 =	sor.u32 @!p0 $0x100, s24;
	[tilespmem:s24+$0x4F0] =	vst @!p0 v3;
	s24 =	sor.u32 @!p0 $0x900, s24  }
0x325: {  	[tilespmem:s24], [sflag:$0x1] =	stream.indirect.gather @!p0 [hbm4b:s3+s25], $0x1, s23, s25, $0xb8;
	[tilespmem:$0x9500] =	vst v63  }
0x326: {  	p0 =	por p0, !p1;
	s23 =	sadd.s32 $0x3, s22  }
0x327: {  	_ =	swait.ge @p0 [sflag:s23], $0x4000  }
0x328: {  	[sflag:s23] =	ssyncset.done @p0 $0x0  }
0x329: {  	s31 =	sshll.u32 s22, $0xA;
	[sflag:s23] =	ssyncadd.s32 @p0 $0xFFFFC000  }
0x32a: {  	v4 =	vld [tilespmem:s31+$0x900];
	_ =	sdelay $0x2  }
0x32b: {  	v3 =	vmul.u32 $0x100, v1;
	_ =	sdelay $0x1  }
0x32c: {  	v4 =	vadd.s32 v3, v4  }
0x32d: {  	[tilespmem:$0x1100] =	vst v4  }
0x32e: {  	v4 =	vld [tilespmem:s31+$0x910];
	_ =	sdelay $0x4  }
0x32f: {  	v4 =	vadd.s32 v3, v4  }
0x330: {  	[tilespmem:$0x1110] =	vst v4  }
0x331: {  	v4 =	vld [tilespmem:s31+$0x920];
	_ =	sdelay $0x4  }
0x332: {  	v4 =	vadd.s32 v3, v4  }
0x333: {  	[tilespmem:$0x1120] =	vst v4  }
0x334: {  	v4 =	vld [tilespmem:s31+$0x930];
	_ =	sdelay $0x4  }
0x335: {  	v4 =	vadd.s32 v3, v4  }
0x336: {  	[tilespmem:$0x1130] =	vst v4  }
0x337: {  	v4 =	vld [tilespmem:s31+$0x940];
	_ =	sdelay $0x4  }
0x338: {  	v4 =	vadd.s32 v3, v4  }
0x339: {  	[tilespmem:$0x1140] =	vst v4  }
0x33a: {  	v4 =	vld [tilespmem:s31+$0x950];
	_ =	sdelay $0x4  }
0x33b: {  	v4 =	vadd.s32 v3, v4  }
0x33c: {  	[tilespmem:$0x1150] =	vst v4  }
0x33d: {  	v4 =	vld [tilespmem:s31+$0x960];
	_ =	sdelay $0x4  }
0x33e: {  	v4 =	vadd.s32 v3, v4  }
0x33f: {  	[tilespmem:$0x1160] =	vst v4  }
0x340: {  	v4 =	vld [tilespmem:s31+$0x970];
	_ =	sdelay $0x4  }
0x341: {  	v4 =	vadd.s32 v3, v4  }
0x342: {  	[tilespmem:$0x1170] =	vst v4  }
0x343: {  	v4 =	vld [tilespmem:s31+$0x980];
	_ =	sdelay $0x4  }
0x344: {  	v4 =	vadd.s32 v3, v4  }
0x345: {  	[tilespmem:$0x1180] =	vst v4  }
0x346: {  	v4 =	vld [tilespmem:s31+$0x990];
	_ =	sdelay $0x4  }
0x347: {  	v4 =	vadd.s32 v3, v4  }
0x348: {  	[tilespmem:$0x1190] =	vst v4  }
0x349: {  	v4 =	vld [tilespmem:s31+$0x9A0];
	_ =	sdelay $0x4  }
0x34a: {  	v4 =	vadd.s32 v3, v4  }
0x34b: {  	[tilespmem:$0x11A0] =	vst v4  }
0x34c: {  	v4 =	vld [tilespmem:s31+$0x9B0];
	_ =	sdelay $0x4  }
0x34d: {  	v4 =	vadd.s32 v3, v4  }
0x34e: {  	[tilespmem:$0x11B0] =	vst v4  }
0x34f: {  	v4 =	vld [tilespmem:s31+$0x9C0];
	_ =	sdelay $0x4  }
0x350: {  	v4 =	vadd.s32 v3, v4  }
0x351: {  	[tilespmem:$0x11C0] =	vst v4  }
0x352: {  	v4 =	vld [tilespmem:s31+$0x9D0];
	_ =	sdelay $0x4  }
0x353: {  	v4 =	vadd.s32 v3, v4  }
0x354: {  	[tilespmem:$0x11D0] =	vst v4  }
0x355: {  	v4 =	vld [tilespmem:s31+$0x9E0];
	_ =	sdelay $0x4  }
0x356: {  	v4 =	vadd.s32 v3, v4  }
0x357: {  	[tilespmem:$0x11E0] =	vst v4  }
0x358: {  	v4 =	vld [tilespmem:s31+$0x9F0];
	_ =	sdelay $0x4  }
0x359: {  	v4 =	vadd.s32 v3, v4  }
0x35a: {  	[tilespmem:$0x11F0] =	vst v4  }
0x35b: {  	v4 =	vld [tilespmem:s31+$0xA00];
	_ =	sdelay $0x4  }
0x35c: {  	v4 =	vadd.s32 v3, v4  }
0x35d: {  	[tilespmem:$0x1200] =	vst v4  }
0x35e: {  	v4 =	vld [tilespmem:s31+$0xA10];
	_ =	sdelay $0x4  }
0x35f: {  	v4 =	vadd.s32 v3, v4  }
0x360: {  	[tilespmem:$0x1210] =	vst v4  }
0x361: {  	v4 =	vld [tilespmem:s31+$0xA20];
	_ =	sdelay $0x4  }
0x362: {  	v4 =	vadd.s32 v3, v4  }
0x363: {  	[tilespmem:$0x1220] =	vst v4  }
0x364: {  	v4 =	vld [tilespmem:s31+$0xA30];
	_ =	sdelay $0x4  }
0x365: {  	v4 =	vadd.s32 v3, v4  }
0x366: {  	[tilespmem:$0x1230] =	vst v4  }
0x367: {  	v4 =	vld [tilespmem:s31+$0xA40];
	_ =	sdelay $0x4  }
0x368: {  	v4 =	vadd.s32 v3, v4  }
0x369: {  	[tilespmem:$0x1240] =	vst v4  }
0x36a: {  	v4 =	vld [tilespmem:s31+$0xA50];
	_ =	sdelay $0x4  }
0x36b: {  	v4 =	vadd.s32 v3, v4  }
0x36c: {  	[tilespmem:$0x1250] =	vst v4  }
0x36d: {  	v4 =	vld [tilespmem:s31+$0xA60];
	_ =	sdelay $0x4  }
0x36e: {  	v4 =	vadd.s32 v3, v4  }
0x36f: {  	[tilespmem:$0x1260] =	vst v4  }
0x370: {  	v4 =	vld [tilespmem:s31+$0xA70];
	_ =	sdelay $0x4  }
0x371: {  	v4 =	vadd.s32 v3, v4  }
0x372: {  	[tilespmem:$0x1270] =	vst v4  }
0x373: {  	v4 =	vld [tilespmem:s31+$0xA80];
	_ =	sdelay $0x4  }
0x374: {  	v4 =	vadd.s32 v3, v4  }
0x375: {  	[tilespmem:$0x1280] =	vst v4  }
0x376: {  	v4 =	vld [tilespmem:s31+$0xA90];
	_ =	sdelay $0x4  }
0x377: {  	v4 =	vadd.s32 v3, v4  }
0x378: {  	[tilespmem:$0x1290] =	vst v4  }
0x379: {  	v4 =	vld [tilespmem:s31+$0xAA0];
	_ =	sdelay $0x4  }
0x37a: {  	v4 =	vadd.s32 v3, v4  }
0x37b: {  	[tilespmem:$0x12A0] =	vst v4  }
0x37c: {  	v4 =	vld [tilespmem:s31+$0xAB0];
	_ =	sdelay $0x4  }
0x37d: {  	v4 =	vadd.s32 v3, v4  }
0x37e: {  	[tilespmem:$0x12B0] =	vst v4  }
0x37f: {  	v4 =	vld [tilespmem:s31+$0xAC0];
	_ =	sdelay $0x4  }
0x380: {  	v4 =	vadd.s32 v3, v4  }
0x381: {  	[tilespmem:$0x12C0] =	vst v4  }
0x382: {  	v4 =	vld [tilespmem:s31+$0xAD0];
	_ =	sdelay $0x4  }
0x383: {  	v4 =	vadd.s32 v3, v4  }
0x384: {  	[tilespmem:$0x12D0] =	vst v4  }
0x385: {  	v4 =	vld [tilespmem:s31+$0xAE0];
	_ =	sdelay $0x4  }
0x386: {  	v4 =	vadd.s32 v3, v4  }
0x387: {  	[tilespmem:$0x12E0] =	vst v4  }
0x388: {  	v4 =	vld [tilespmem:s31+$0xAF0];
	_ =	sdelay $0x4  }
0x389: {  	v4 =	vadd.s32 v3, v4  }
0x38a: {  	[tilespmem:$0x12F0] =	vst v4  }
0x38b: {  	v4 =	vld [tilespmem:s31+$0xB00];
	_ =	sdelay $0x4  }
0x38c: {  	v4 =	vadd.s32 v3, v4  }
0x38d: {  	[tilespmem:$0x1300] =	vst v4  }
0x38e: {  	v4 =	vld [tilespmem:s31+$0xB10];
	_ =	sdelay $0x4  }
0x38f: {  	v4 =	vadd.s32 v3, v4  }
0x390: {  	[tilespmem:$0x1310] =	vst v4  }
0x391: {  	v4 =	vld [tilespmem:s31+$0xB20];
	_ =	sdelay $0x4  }
0x392: {  	v4 =	vadd.s32 v3, v4  }
0x393: {  	[tilespmem:$0x1320] =	vst v4  }
0x394: {  	v4 =	vld [tilespmem:s31+$0xB30];
	_ =	sdelay $0x4  }
0x395: {  	v4 =	vadd.s32 v3, v4  }
0x396: {  	[tilespmem:$0x1330] =	vst v4  }
0x397: {  	v4 =	vld [tilespmem:s31+$0xB40];
	_ =	sdelay $0x4  }
0x398: {  	v4 =	vadd.s32 v3, v4  }
0x399: {  	[tilespmem:$0x1340] =	vst v4  }
0x39a: {  	v4 =	vld [tilespmem:s31+$0xB50];
	_ =	sdelay $0x4  }
0x39b: {  	v4 =	vadd.s32 v3, v4  }
0x39c: {  	[tilespmem:$0x1350] =	vst v4  }
0x39d: {  	v4 =	vld [tilespmem:s31+$0xB60];
	_ =	sdelay $0x4  }
0x39e: {  	v4 =	vadd.s32 v3, v4  }
0x39f: {  	[tilespmem:$0x1360] =	vst v4  }
0x3a0: {  	v4 =	vld [tilespmem:s31+$0xB70];
	_ =	sdelay $0x4  }
0x3a1: {  	v4 =	vadd.s32 v3, v4  }
0x3a2: {  	[tilespmem:$0x1370] =	vst v4  }
0x3a3: {  	v4 =	vld [tilespmem:s31+$0xB80];
	_ =	sdelay $0x4  }
0x3a4: {  	v4 =	vadd.s32 v3, v4  }
0x3a5: {  	[tilespmem:$0x1380] =	vst v4  }
0x3a6: {  	v4 =	vld [tilespmem:s31+$0xB90];
	_ =	sdelay $0x4  }
0x3a7: {  	v4 =	vadd.s32 v3, v4  }
0x3a8: {  	[tilespmem:$0x1390] =	vst v4  }
0x3a9: {  	v4 =	vld [tilespmem:s31+$0xBA0];
	_ =	sdelay $0x4  }
0x3aa: {  	v4 =	vadd.s32 v3, v4  }
0x3ab: {  	[tilespmem:$0x13A0] =	vst v4  }
0x3ac: {  	v4 =	vld [tilespmem:s31+$0xBB0];
	_ =	sdelay $0x4  }
0x3ad: {  	v4 =	vadd.s32 v3, v4  }
0x3ae: {  	[tilespmem:$0x13B0] =	vst v4  }
0x3af: {  	v4 =	vld [tilespmem:s31+$0xBC0];
	_ =	sdelay $0x4  }
0x3b0: {  	v4 =	vadd.s32 v3, v4  }
0x3b1: {  	[tilespmem:$0x13C0] =	vst v4  }
0x3b2: {  	v4 =	vld [tilespmem:s31+$0xBD0];
	_ =	sdelay $0x4  }
0x3b3: {  	v4 =	vadd.s32 v3, v4  }
0x3b4: {  	[tilespmem:$0x13D0] =	vst v4  }
0x3b5: {  	v4 =	vld [tilespmem:s31+$0xBE0];
	_ =	sdelay $0x4  }
0x3b6: {  	v4 =	vadd.s32 v3, v4  }
0x3b7: {  	[tilespmem:$0x13E0] =	vst v4  }
0x3b8: {  	v4 =	vld [tilespmem:s31+$0xBF0];
	_ =	sdelay $0x4  }
0x3b9: {  	v4 =	vadd.s32 v3, v4  }
0x3ba: {  	[tilespmem:$0x13F0] =	vst v4  }
0x3bb: {  	v4 =	vld [tilespmem:s31+$0xC00];
	_ =	sdelay $0x4  }
0x3bc: {  	v4 =	vadd.s32 v3, v4  }
0x3bd: {  	[tilespmem:$0x1400] =	vst v4  }
0x3be: {  	v4 =	vld [tilespmem:s31+$0xC10];
	_ =	sdelay $0x4  }
0x3bf: {  	v4 =	vadd.s32 v3, v4  }
0x3c0: {  	[tilespmem:$0x1410] =	vst v4  }
0x3c1: {  	v4 =	vld [tilespmem:s31+$0xC20];
	_ =	sdelay $0x4  }
0x3c2: {  	v4 =	vadd.s32 v3, v4  }
0x3c3: {  	[tilespmem:$0x1420] =	vst v4  }
0x3c4: {  	v4 =	vld [tilespmem:s31+$0xC30];
	_ =	sdelay $0x4  }
0x3c5: {  	v4 =	vadd.s32 v3, v4  }
0x3c6: {  	[tilespmem:$0x1430] =	vst v4  }
0x3c7: {  	v4 =	vld [tilespmem:s31+$0xC40];
	_ =	sdelay $0x4  }
0x3c8: {  	v4 =	vadd.s32 v3, v4  }
0x3c9: {  	[tilespmem:$0x1440] =	vst v4  }
0x3ca: {  	v4 =	vld [tilespmem:s31+$0xC50];
	_ =	sdelay $0x4  }
0x3cb: {  	v4 =	vadd.s32 v3, v4  }
0x3cc: {  	[tilespmem:$0x1450] =	vst v4  }
0x3cd: {  	v4 =	vld [tilespmem:s31+$0xC60];
	_ =	sdelay $0x4  }
0x3ce: {  	v4 =	vadd.s32 v3, v4  }
0x3cf: {  	[tilespmem:$0x1460] =	vst v4  }
0x3d0: {  	v4 =	vld [tilespmem:s31+$0xC70];
	_ =	sdelay $0x4  }
0x3d1: {  	v4 =	vadd.s32 v3, v4  }
0x3d2: {  	[tilespmem:$0x1470] =	vst v4  }
0x3d3: {  	v4 =	vld [tilespmem:s31+$0xC80];
	_ =	sdelay $0x4  }
0x3d4: {  	v4 =	vadd.s32 v3, v4  }
0x3d5: {  	[tilespmem:$0x1480] =	vst v4  }
0x3d6: {  	v4 =	vld [tilespmem:s31+$0xC90];
	_ =	sdelay $0x4  }
0x3d7: {  	v4 =	vadd.s32 v3, v4  }
0x3d8: {  	[tilespmem:$0x1490] =	vst v4  }
0x3d9: {  	v4 =	vld [tilespmem:s31+$0xCA0];
	_ =	sdelay $0x4  }
0x3da: {  	v4 =	vadd.s32 v3, v4  }
0x3db: {  	[tilespmem:$0x14A0] =	vst v4  }
0x3dc: {  	v4 =	vld [tilespmem:s31+$0xCB0];
	_ =	sdelay $0x4  }
0x3dd: {  	v4 =	vadd.s32 v3, v4  }
0x3de: {  	[tilespmem:$0x14B0] =	vst v4  }
0x3df: {  	v4 =	vld [tilespmem:s31+$0xCC0];
	_ =	sdelay $0x4  }
0x3e0: {  	v4 =	vadd.s32 v3, v4  }
0x3e1: {  	[tilespmem:$0x14C0] =	vst v4  }
0x3e2: {  	v4 =	vld [tilespmem:s31+$0xCD0];
	_ =	sdelay $0x4  }
0x3e3: {  	v4 =	vadd.s32 v3, v4  }
0x3e4: {  	[tilespmem:$0x14D0] =	vst v4  }
0x3e5: {  	v4 =	vld [tilespmem:s31+$0xCE0];
	_ =	sdelay $0x4  }
0x3e6: {  	v4 =	vadd.s32 v3, v4  }
0x3e7: {  	[tilespmem:$0x14E0] =	vst v4  }
0x3e8: {  	v4 =	vld [tilespmem:s31+$0xCF0];
	_ =	sdelay $0x4  }
0x3e9: {  	s21 =	sadd.s32 $0x1, s21;
	s22 =	sshll.u32 s22, $0xE;
	v3 =	vadd.s32 v3, v4  }
0x3ea: {  	s22 =	sor.u32 $0x1500, s22;
	p0 =	sne.s32 s21, $0x32;
	[tilespmem:$0x14F0] =	vst v3  }
0x3eb: {  	[tilespmem:s22], [sflag:$0x2] =	stream.indirect.gather [hbm4b:s4+s10], $0x10, s14, s10, $0xb8;
	[tilespmem:$0x9500] =	vst v63  }
.Ltmp0:
0x3ec: {  	_ =	swait.ge [sflag:s15], $0x4000;
	(pc) =	sbr.rel @p0 .LBB2_2-.Ltmp0, $4  }
0x3ed: {  	[sflag:s15] =	ssyncset.done $0x0  }
0x3ee: {  	[sflag:s15] =	ssyncadd.s32 $0xFFFFC000  }
0x3ef: {  	[hbm4b:s20+s2] =	stream.linear.scatter [tilespmem:s22], [sflag:s23], $0x4000, $0x38;
	[tilespmem:$0x9500] =	vst v63  }
0x3f0: {  	s19 =	sadd.s32 $0x10, s19;
	s20 =	sadd.s32 $0x800, s20  }
0x3f1: {  	s18 =	sadd.s32 $0x1, s18  }
0x3f2: {  	_ =	swait.ge [sflag:s16], $0x4000;
	p0 =	sne.s32 s18, s6  }
.Ltmp1:
0x3f3: {  	[sflag:s16] =	ssyncset.done $0x0;
	(pc) =	sbr.rel @p0 .LBB2_1-.Ltmp1, $4  }
0x3f4: {  	[sflag:s16] =	ssyncadd.s32 $0xFFFFC000  }
0x3f5: {  	_ =	swait.ge [sflag:s17], $0x4000  }
0x3f6: {  	[sflag:s17] =	ssyncset.done $0x0  }
0x3f7: {  	[sflag:s17] =	ssyncadd.s32 $0xFFFFC000  }
0x3f8: {  	_ =	sfence.sel $0x180000  }
0x3f9: {  	[bflag:$0x0] =	sbarrier.arrive $0xFFFF  }
0x3fa: {  	p0 =	sne.s32 s0, $0x0;
	_ =	strace $0x90000047  }
0x3fb: {  	s0 =	sadd.s32 @!p0 $0x100000, s1;
	[bflag:$0x2] =	sbarrier.arrive $0xFFFF  }
0x3fc: {  	[sflag:s0] =	ssyncadd.tile.s32 @!p0 $0x1;
	_ =	shalt  }
.Lfunc_end2:
_tile_overlayer_lowered:
.L_overlay_start_2:
0x3fd: {  	(tag) =	ssettag $0x2  }
0x3fe: {  	s0 =	rddreg [dreg:$0x0];
	s2 =	stileid.u32  }
0x3ff: {  	s1 =	rddreg [dreg:$0x1];
	p0 =	sne.s32 s2, $0x0  }
0x400: {  	s3 =	rddreg [dreg:$0x2];
	[bflag:$0x3] =	sbarrier.arrive $0xFFFF;
	s2 =	simm.s32 @!p0 $0x1C05  }
0x401: {  	[timem:s3], [sflag:s2] =	dma.local @!p0 [hbm:s0], s1  }
0x402: {  	s0 =	simm.s32 @!p0 $0x5  }
0x403: {  	_ =	swait.ge @!p0 [sflag:s0], s1  }
0x404: {  	s1 =	ssub.s32 @!p0 $0x0, s1;
	[sflag:s0] =	ssyncset.done @!p0 $0x0  }
0x405: {  	[sflag:s0] =	ssyncadd.s32 @!p0 s1  }
0x406: {  	[bflag:$0x3] =	sbarrier.arrive $0xFFFF  }
0x407: {  	_ =	shalt  }

</sc_bundles>
